<compile_context>
chip_gen: v7x
topology: tpu7x:2x2x1
jax: 0.10.2.dev20260603
libtpu: 0.0.44.dev20260713+nightly
codegen_flags: <defaults>
</compile_context>

<pallas_src>
import functools

import jax
import jax.numpy as jnp
from jax import lax
from jax.experimental import pallas as pl
from jax.experimental.pallas import tpu as pltpu
from jax.experimental.pallas import tpu_sc as plsc


def _sc_ctx_sum(xflat, ctx, batch, emb_table, base, n, n_workers=32,
                num_cores=2):
    _, d = emb_table.shape
    nb = n // n_workers

    mesh = plsc.VectorSubcoreMesh(core_axis_name="c", subcore_axis_name="s")

    @functools.partial(
        pl.kernel,
        out_type=jax.ShapeDtypeStruct((n, d), jnp.float32),
        mesh=mesh,
        scratch_types=[
            pltpu.VMEM((ctx, nb), jnp.int32),
            pltpu.VMEM((nb, d), jnp.float32),
            pltpu.SemaphoreType.DMA,
        ],
    )
    def sc_sum(xflat_hbm, table_hbm, out_hbm, idx_v, acc_v, sem):
        wid = lax.axis_index("s") * num_cores + lax.axis_index("c")
        off = wid * nb
        idx_cps = [
            pltpu.async_copy(
                xflat_hbm.at[pl.ds(c * batch + base + off, nb)],
                idx_v.at[c], sem)
            for c in range(ctx)
        ]
        for cp in idx_cps:
            cp.wait()
        pltpu.async_copy(table_hbm.at[idx_v.at[0]], acc_v, sem).wait()
        adds = [
            pltpu.async_copy(table_hbm.at[idx_v.at[c]], acc_v, sem, add=True)
            for c in range(1, ctx)
        ]
        for cp in adds:
            cp.wait()
        pltpu.sync_copy(acc_v, out_hbm.at[pl.ds(off, nb)])

    return sc_sum(xflat, emb_table)


def _tc_project_t(sums_t_bf16, W, brow, ctx, vocab, batch, col, out_alias=None,
                  vt=1024):
    d, n = sums_t_bf16.shape
    inv_ctx = 1.0 / ctx

    def body(*refs):
        s_ref, w_ref, b_ref, o_ref = refs[-4:]
        w = (w_ref[...] * inv_ctx).astype(jnp.bfloat16)
        o_ref[...] = lax.dot_general(
            w, s_ref[...], (((1,), (0,)), ((), ())),
            preferred_element_type=jnp.float32,
        ) + b_ref[...].T

    in_specs = [
        pl.BlockSpec((d, n), lambda j: (0, 0)),
        pl.BlockSpec((vt, d), lambda j: (j, 0)),
        pl.BlockSpec((1, vt), lambda j: (0, j)),
    ]
    operands = [sums_t_bf16, W, brow]
    aliases = {}
    if out_alias is not None:
        in_specs = [pl.BlockSpec(memory_space=pltpu.HBM)] + in_specs
        operands = [out_alias] + operands
        aliases = {0: 0}

    return pl.pallas_call(
        body,
        grid=(pl.cdiv(vocab, vt),),
        in_specs=in_specs,
        out_specs=pl.BlockSpec((vt, n), lambda j: (j, col)),
        out_shape=jax.ShapeDtypeStruct((vocab, batch), jnp.float32),
        input_output_aliases=aliases,
    )(*operands)


def kernel(x, emb_table, W, b):
    batch, ctx = x.shape
    vocab = W.shape[0]
    na = 512
    nb_ = batch - na
    xflat = x.T.reshape(-1)
    brow = b.reshape(1, -1)

    sums_a = _sc_ctx_sum(xflat, ctx, batch, emb_table, nb_, na)
    sums_b = _sc_ctx_sum(xflat, ctx, batch, emb_table, 0, nb_)
    out = _tc_project_t(sums_a.T.astype(jnp.bfloat16), W, brow, ctx,
                        vocab, batch, col=nb_ // na)
    out = _tc_project_t(sums_b.T.astype(jnp.bfloat16), W, brow, ctx,
                        vocab, batch, col=0, out_alias=out)
    return out.T

# --- scband reference (transcript-rebuilt; emitter-appended) ---
"""Pipeline reference for scband-cbow-46462956208431 (READ-ONLY COPY).

The authoritative reference and input builder live on the scoring server;
editing this copy changes nothing except your own understanding.
"""

import jax, jax.numpy as jnp
import numpy as np

VOCAB = 100000
EMBED = 128
BATCH = 4096
CTX = 20

def setup_inputs(seed: int = 0) -> dict:
    key = jax.random.key(seed)
    k1, k2, k3, k4 = jax.random.split(key, 4)
    x = jax.random.randint(k1, (BATCH, CTX), 0, VOCAB, dtype=jnp.int64 if jax.config.jax_enable_x64 else jnp.int32).astype(jnp.int32)
    emb_table = jax.random.normal(k2, (VOCAB, EMBED), dtype=jnp.float32)
    W = jax.random.normal(k3, (VOCAB, EMBED), dtype=jnp.float32) * (1.0 / np.sqrt(EMBED))
    b = jax.random.normal(k4, (VOCAB,), dtype=jnp.float32) * 0.01
    return {"x": x, "emb_table": emb_table, "W": W, "b": b}

def reference(x, emb_table, W, b):
    # embeds = self.emb(x)  -> gather rows from embedding table
    embeds = jnp.take(emb_table, x, axis=0)           # [B, CTX, EMBED]
    # mean = embeds.mean(dim=1)
    mean = jnp.mean(embeds, axis=1)                    # [B, EMBED]
    # return self.linear(mean)  -> torch Linear: mean @ W.T + b, W: [vocab, embed]
    logits = mean @ W.T + b                            # [B, VOCAB]
    return logits

if __name__ == "__main__":
    import jax
    _d = setup_inputs()
    print(jax.jit(kernel)(*tuple(_d.values())))

</pallas_src>

<mosaic_0001>
#map = affine_map<(d0, d1) -> (0)>
#map1 = affine_map<(d0, d1) -> (0, 0)>
module attributes {stable_mosaic.version = 14 : i64} {
  func.func @sc_sum(%arg0: i32, %arg1: i32, %arg2: memref<81920xi32, #tpu.memory_space<hbm>>, %arg3: memref<100000x128xf32, #tpu.memory_space<hbm>>, %arg4: memref<3584x128xf32, #tpu.memory_space<hbm>>, %arg5: memref<20x112xi32, #tpu.memory_space<vmem>>, %arg6: memref<112x128xf32, #tpu.memory_space<vmem>>, %arg7: memref<!tpu.dma_semaphore, #tpu.memory_space<semaphore_mem>>) attributes {dimension_semantics = [#tpu.dimension_semantics<core_parallel>, #tpu.dimension_semantics<subcore_parallel>], iteration_bounds = array<i64: 2, 16>, scalar_prefetch = 0 : i64, scratch_operands = 3 : i64, tpu.core_type = #tpu.core_type<sc_vector_subcore>, window_params = [{transform_indices = #map}, {transform_indices = #map1}, {transform_indices = #map1}]} {
    %mul3A = arith.constant 2 : i32
    %mul3A_0 = arith.muli %arg1, %mul3A : i32
    %add3A = arith.addi %mul3A_0, %arg0 : i32
    %mul3A_1 = arith.constant 112 : i32
    %mul3A_2 = arith.muli %add3A, %mul3A_1 : i32
    %add3A_3 = arith.constant 0 : i32
    %add3A_4 = arith.addi %add3A_3, %mul3A_2 : i32
    %dma_start3A = arith.constant 0 : i32
    %dma_start3A_5 = arith.constant 0 : i32
    %dma_start3A_6 = tpu.memref_slice %arg5[%dma_start3A, %dma_start3A_5] : memref<20x112xi32, #tpu.memory_space<vmem>> -> memref<1x112xi32, #tpu.memory_space<vmem>>
    %dma_start3A_7 = tpu.memref_squeeze %dma_start3A_6 : memref<1x112xi32, #tpu.memory_space<vmem>> -> memref<112xi32, #tpu.memory_space<vmem>>
    %dma_start3A_8 = tpu.memref_slice %arg2[%add3A_4] : memref<81920xi32, #tpu.memory_space<hbm>> -> memref<112xi32, #tpu.memory_space<hbm>>
    %dma_start3A_9 = arith.constant 0 : i32
    %dma_start3A_10 = tpu.memref_slice %arg5[%dma_start3A, %dma_start3A_9] : memref<20x112xi32, #tpu.memory_space<vmem>> -> memref<1x112xi32, #tpu.memory_space<vmem>>
    %dma_start3A_11 = tpu.memref_squeeze %dma_start3A_10 : memref<1x112xi32, #tpu.memory_space<vmem>> -> memref<112xi32, #tpu.memory_space<vmem>>
    %dma_start3A_12 = tpu.memref_slice %arg2[%add3A_4] : memref<81920xi32, #tpu.memory_space<hbm>> -> memref<112xi32, #tpu.memory_space<hbm>>
    tpu.enqueue_dma source(%dma_start3A_12 : memref<112xi32, #tpu.memory_space<hbm>>) target(%dma_start3A_11 : memref<112xi32, #tpu.memory_space<vmem>>) target_semaphore(%arg7 : memref<!tpu.dma_semaphore, #tpu.memory_space<semaphore_mem>>)
    %add3A_13 = arith.constant 4096 : i32
    %add3A_14 = arith.addi %add3A_13, %mul3A_2 : i32
    %dma_start3A_15 = arith.constant 1 : i32
    %dma_start3A_16 = arith.constant 0 : i32
    %dma_start3A_17 = tpu.memref_slice %arg5[%dma_start3A_15, %dma_start3A_16] : memref<20x112xi32, #tpu.memory_space<vmem>> -> memref<1x112xi32, #tpu.memory_space<vmem>>
    %dma_start3A_18 = tpu.memref_squeeze %dma_start3A_17 : memref<1x112xi32, #tpu.memory_space<vmem>> -> memref<112xi32, #tpu.memory_space<vmem>>
    %dma_start3A_19 = tpu.memref_slice %arg2[%add3A_14] : memref<81920xi32, #tpu.memory_space<hbm>> -> memref<112xi32, #tpu.memory_space<hbm>>
    %dma_start3A_20 = arith.constant 0 : i32
    %dma_start3A_21 = tpu.memref_slice %arg5[%dma_start3A_15, %dma_start3A_20] : memref<20x112xi32, #tpu.memory_space<vmem>> -> memref<1x112xi32, #tpu.memory_space<vmem>>
    %dma_start3A_22 = tpu.memref_squeeze %dma_start3A_21 : memref<1x112xi32, #tpu.memory_space<vmem>> -> memref<112xi32, #tpu.memory_space<vmem>>
    %dma_start3A_23 = tpu.memref_slice %arg2[%add3A_14] : memref<81920xi32, #tpu.memory_space<hbm>> -> memref<112xi32, #tpu.memory_space<hbm>>
    tpu.enqueue_dma source(%dma_start3A_23 : memref<112xi32, #tpu.memory_space<hbm>>) target(%dma_start3A_22 : memref<112xi32, #tpu.memory_space<vmem>>) target_semaphore(%arg7 : memref<!tpu.dma_semaphore, #tpu.memory_space<semaphore_mem>>)
    %add3A_24 = arith.constant 8192 : i32
    %add3A_25 = arith.addi %add3A_24, %mul3A_2 : i32
    %dma_start3A_26 = arith.constant 2 : i32
    %dma_start3A_27 = arith.constant 0 : i32
    %dma_start3A_28 = tpu.memref_slice %arg5[%dma_start3A_26, %dma_start3A_27] : memref<20x112xi32, #tpu.memory_space<vmem>> -> memref<1x112xi32, #tpu.memory_space<vmem>>
    %dma_start3A_29 = tpu.memref_squeeze %dma_start3A_28 : memref<1x112xi32, #tpu.memory_space<vmem>> -> memref<112xi32, #tpu.memory_space<vmem>>
    %dma_start3A_30 = tpu.memref_slice %arg2[%add3A_25] : memref<81920xi32, #tpu.memory_space<hbm>> -> memref<112xi32, #tpu.memory_space<hbm>>
    %dma_start3A_31 = arith.constant 0 : i32
    %dma_start3A_32 = tpu.memref_slice %arg5[%dma_start3A_26, %dma_start3A_31] : memref<20x112xi32, #tpu.memory_space<vmem>> -> memref<1x112xi32, #tpu.memory_space<vmem>>
    %dma_start3A_33 = tpu.memref_squeeze %dma_start3A_32 : memref<1x112xi32, #tpu.memory_space<vmem>> -> memref<112xi32, #tpu.memory_space<vmem>>
    %dma_start3A_34 = tpu.memref_slice %arg2[%add3A_25] : memref<81920xi32, #tpu.memory_space<hbm>> -> memref<112xi32, #tpu.memory_space<hbm>>
    tpu.enqueue_dma source(%dma_start3A_34 : memref<112xi32, #tpu.memory_space<hbm>>) target(%dma_start3A_33 : memref<112xi32, #tpu.memory_space<vmem>>) target_semaphore(%arg7 : memref<!tpu.dma_semaphore, #tpu.memory_space<semaphore_mem>>)
    %add3A_35 = arith.constant 12288 : i32
    %add3A_36 = arith.addi %add3A_35, %mul3A_2 : i32
    %dma_start3A_37 = arith.constant 3 : i32
    %dma_start3A_38 = arith.constant 0 : i32
    %dma_start3A_39 = tpu.memref_slice %arg5[%dma_start3A_37, %dma_start3A_38] : memref<20x112xi32, #tpu.memory_space<vmem>> -> memref<1x112xi32, #tpu.memory_space<vmem>>
    %dma_start3A_40 = tpu.memref_squeeze %dma_start3A_39 : memref<1x112xi32, #tpu.memory_space<vmem>> -> memref<112xi32, #tpu.memory_space<vmem>>
    %dma_start3A_41 = tpu.memref_slice %arg2[%add3A_36] : memref<81920xi32, #tpu.memory_space<hbm>> -> memref<112xi32, #tpu.memory_space<hbm>>
    %dma_start3A_42 = arith.constant 0 : i32
    %dma_start3A_43 = tpu.memref_slice %arg5[%dma_start3A_37, %dma_start3A_42] : memref<20x112xi32, #tpu.memory_space<vmem>> -> memref<1x112xi32, #tpu.memory_space<vmem>>
    %dma_start3A_44 = tpu.memref_squeeze %dma_start3A_43 : memref<1x112xi32, #tpu.memory_space<vmem>> -> memref<112xi32, #tpu.memory_space<vmem>>
    %dma_start3A_45 = tpu.memref_slice %arg2[%add3A_36] : memref<81920xi32, #tpu.memory_space<hbm>> -> memref<112xi32, #tpu.memory_space<hbm>>
    tpu.enqueue_dma source(%dma_start3A_45 : memref<112xi32, #tpu.memory_space<hbm>>) target(%dma_start3A_44 : memref<112xi32, #tpu.memory_space<vmem>>) target_semaphore(%arg7 : memref<!tpu.dma_semaphore, #tpu.memory_space<semaphore_mem>>)
    %add3A_46 = arith.constant 16384 : i32
    %add3A_47 = arith.addi %add3A_46, %mul3A_2 : i32
    %dma_start3A_48 = arith.constant 4 : i32
    %dma_start3A_49 = arith.constant 0 : i32
    %dma_start3A_50 = tpu.memref_slice %arg5[%dma_start3A_48, %dma_start3A_49] : memref<20x112xi32, #tpu.memory_space<vmem>> -> memref<1x112xi32, #tpu.memory_space<vmem>>
    %dma_start3A_51 = tpu.memref_squeeze %dma_start3A_50 : memref<1x112xi32, #tpu.memory_space<vmem>> -> memref<112xi32, #tpu.memory_space<vmem>>
    %dma_start3A_52 = tpu.memref_slice %arg2[%add3A_47] : memref<81920xi32, #tpu.memory_space<hbm>> -> memref<112xi32, #tpu.memory_space<hbm>>
    %dma_start3A_53 = arith.constant 0 : i32
    %dma_start3A_54 = tpu.memref_slice %arg5[%dma_start3A_48, %dma_start3A_53] : memref<20x112xi32, #tpu.memory_space<vmem>> -> memref<1x112xi32, #tpu.memory_space<vmem>>
    %dma_start3A_55 = tpu.memref_squeeze %dma_start3A_54 : memref<1x112xi32, #tpu.memory_space<vmem>> -> memref<112xi32, #tpu.memory_space<vmem>>
    %dma_start3A_56 = tpu.memref_slice %arg2[%add3A_47] : memref<81920xi32, #tpu.memory_space<hbm>> -> memref<112xi32, #tpu.memory_space<hbm>>
    tpu.enqueue_dma source(%dma_start3A_56 : memref<112xi32, #tpu.memory_space<hbm>>) target(%dma_start3A_55 : memref<112xi32, #tpu.memory_space<vmem>>) target_semaphore(%arg7 : memref<!tpu.dma_semaphore, #tpu.memory_space<semaphore_mem>>)
    %add3A_57 = arith.constant 20480 : i32
    %add3A_58 = arith.addi %add3A_57, %mul3A_2 : i32
    %dma_start3A_59 = arith.constant 5 : i32
    %dma_start3A_60 = arith.constant 0 : i32
    %dma_start3A_61 = tpu.memref_slice %arg5[%dma_start3A_59, %dma_start3A_60] : memref<20x112xi32, #tpu.memory_space<vmem>> -> memref<1x112xi32, #tpu.memory_space<vmem>>
    %dma_start3A_62 = tpu.memref_squeeze %dma_start3A_61 : memref<1x112xi32, #tpu.memory_space<vmem>> -> memref<112xi32, #tpu.memory_space<vmem>>
    %dma_start3A_63 = tpu.memref_slice %arg2[%add3A_58] : memref<81920xi32, #tpu.memory_space<hbm>> -> memref<112xi32, #tpu.memory_space<hbm>>
    %dma_start3A_64 = arith.constant 0 : i32
    %dma_start3A_65 = tpu.memref_slice %arg5[%dma_start3A_59, %dma_start3A_64] : memref<20x112xi32, #tpu.memory_space<vmem>> -> memref<1x112xi32, #tpu.memory_space<vmem>>
    %dma_start3A_66 = tpu.memref_squeeze %dma_start3A_65 : memref<1x112xi32, #tpu.memory_space<vmem>> -> memref<112xi32, #tpu.memory_space<vmem>>
    %dma_start3A_67 = tpu.memref_slice %arg2[%add3A_58] : memref<81920xi32, #tpu.memory_space<hbm>> -> memref<112xi32, #tpu.memory_space<hbm>>
    tpu.enqueue_dma source(%dma_start3A_67 : memref<112xi32, #tpu.memory_space<hbm>>) target(%dma_start3A_66 : memref<112xi32, #tpu.memory_space<vmem>>) target_semaphore(%arg7 : memref<!tpu.dma_semaphore, #tpu.memory_space<semaphore_mem>>)
    %add3A_68 = arith.constant 24576 : i32
    %add3A_69 = arith.addi %add3A_68, %mul3A_2 : i32
    %dma_start3A_70 = arith.constant 6 : i32
    %dma_start3A_71 = arith.constant 0 : i32
    %dma_start3A_72 = tpu.memref_slice %arg5[%dma_start3A_70, %dma_start3A_71] : memref<20x112xi32, #tpu.memory_space<vmem>> -> memref<1x112xi32, #tpu.memory_space<vmem>>
    %dma_start3A_73 = tpu.memref_squeeze %dma_start3A_72 : memref<1x112xi32, #tpu.memory_space<vmem>> -> memref<112xi32, #tpu.memory_space<vmem>>
    %dma_start3A_74 = tpu.memref_slice %arg2[%add3A_69] : memref<81920xi32, #tpu.memory_space<hbm>> -> memref<112xi32, #tpu.memory_space<hbm>>
    %dma_start3A_75 = arith.constant 0 : i32
    %dma_start3A_76 = tpu.memref_slice %arg5[%dma_start3A_70, %dma_start3A_75] : memref<20x112xi32, #tpu.memory_space<vmem>> -> memref<1x112xi32, #tpu.memory_space<vmem>>
    %dma_start3A_77 = tpu.memref_squeeze %dma_start3A_76 : memref<1x112xi32, #tpu.memory_space<vmem>> -> memref<112xi32, #tpu.memory_space<vmem>>
    %dma_start3A_78 = tpu.memref_slice %arg2[%add3A_69] : memref<81920xi32, #tpu.memory_space<hbm>> -> memref<112xi32, #tpu.memory_space<hbm>>
    tpu.enqueue_dma source(%dma_start3A_78 : memref<112xi32, #tpu.memory_space<hbm>>) target(%dma_start3A_77 : memref<112xi32, #tpu.memory_space<vmem>>) target_semaphore(%arg7 : memref<!tpu.dma_semaphore, #tpu.memory_space<semaphore_mem>>)
    %add3A_79 = arith.constant 28672 : i32
    %add3A_80 = arith.addi %add3A_79, %mul3A_2 : i32
    %dma_start3A_81 = arith.constant 7 : i32
    %dma_start3A_82 = arith.constant 0 : i32
    %dma_start3A_83 = tpu.memref_slice %arg5[%dma_start3A_81, %dma_start3A_82] : memref<20x112xi32, #tpu.memory_space<vmem>> -> memref<1x112xi32, #tpu.memory_space<vmem>>
    %dma_start3A_84 = tpu.memref_squeeze %dma_start3A_83 : memref<1x112xi32, #tpu.memory_space<vmem>> -> memref<112xi32, #tpu.memory_space<vmem>>
    %dma_start3A_85 = tpu.memref_slice %arg2[%add3A_80] : memref<81920xi32, #tpu.memory_space<hbm>> -> memref<112xi32, #tpu.memory_space<hbm>>
    %dma_start3A_86 = arith.constant 0 : i32
    %dma_start3A_87 = tpu.memref_slice %arg5[%dma_start3A_81, %dma_start3A_86] : memref<20x112xi32, #tpu.memory_space<vmem>> -> memref<1x112xi32, #tpu.memory_space<vmem>>
    %dma_start3A_88 = tpu.memref_squeeze %dma_start3A_87 : memref<1x112xi32, #tpu.memory_space<vmem>> -> memref<112xi32, #tpu.memory_space<vmem>>
    %dma_start3A_89 = tpu.memref_slice %arg2[%add3A_80] : memref<81920xi32, #tpu.memory_space<hbm>> -> memref<112xi32, #tpu.memory_space<hbm>>
    tpu.enqueue_dma source(%dma_start3A_89 : memref<112xi32, #tpu.memory_space<hbm>>) target(%dma_start3A_88 : memref<112xi32, #tpu.memory_space<vmem>>) target_semaphore(%arg7 : memref<!tpu.dma_semaphore, #tpu.memory_space<semaphore_mem>>)
    %add3A_90 = arith.constant 32768 : i32
    %add3A_91 = arith.addi %add3A_90, %mul3A_2 : i32
    %dma_start3A_92 = arith.constant 8 : i32
    %dma_start3A_93 = arith.constant 0 : i32
    %dma_start3A_94 = tpu.memref_slice %arg5[%dma_start3A_92, %dma_start3A_93] : memref<20x112xi32, #tpu.memory_space<vmem>> -> memref<1x112xi32, #tpu.memory_space<vmem>>
    %dma_start3A_95 = tpu.memref_squeeze %dma_start3A_94 : memref<1x112xi32, #tpu.memory_space<vmem>> -> memref<112xi32, #tpu.memory_space<vmem>>
    %dma_start3A_96 = tpu.memref_slice %arg2[%add3A_91] : memref<81920xi32, #tpu.memory_space<hbm>> -> memref<112xi32, #tpu.memory_space<hbm>>
    %dma_start3A_97 = arith.constant 0 : i32
    %dma_start3A_98 = tpu.memref_slice %arg5[%dma_start3A_92, %dma_start3A_97] : memref<20x112xi32, #tpu.memory_space<vmem>> -> memref<1x112xi32, #tpu.memory_space<vmem>>
    %dma_start3A_99 = tpu.memref_squeeze %dma_start3A_98 : memref<1x112xi32, #tpu.memory_space<vmem>> -> memref<112xi32, #tpu.memory_space<vmem>>
    %dma_start3A_100 = tpu.memref_slice %arg2[%add3A_91] : memref<81920xi32, #tpu.memory_space<hbm>> -> memref<112xi32, #tpu.memory_space<hbm>>
    tpu.enqueue_dma source(%dma_start3A_100 : memref<112xi32, #tpu.memory_space<hbm>>) target(%dma_start3A_99 : memref<112xi32, #tpu.memory_space<vmem>>) target_semaphore(%arg7 : memref<!tpu.dma_semaphore, #tpu.memory_space<semaphore_mem>>)
    %add3A_101 = arith.constant 36864 : i32
    %add3A_102 = arith.addi %add3A_101, %mul3A_2 : i32
    %dma_start3A_103 = arith.constant 9 : i32
    %dma_start3A_104 = arith.constant 0 : i32
    %dma_start3A_105 = tpu.memref_slice %arg5[%dma_start3A_103, %dma_start3A_104] : memref<20x112xi32, #tpu.memory_space<vmem>> -> memref<1x112xi32, #tpu.memory_space<vmem>>
    %dma_start3A_106 = tpu.memref_squeeze %dma_start3A_105 : memref<1x112xi32, #tpu.memory_space<vmem>> -> memref<112xi32, #tpu.memory_space<vmem>>
    %dma_start3A_107 = tpu.memref_slice %arg2[%add3A_102] : memref<81920xi32, #tpu.memory_space<hbm>> -> memref<112xi32, #tpu.memory_space<hbm>>
    %dma_start3A_108 = arith.constant 0 : i32
    %dma_start3A_109 = tpu.memref_slice %arg5[%dma_start3A_103, %dma_start3A_108] : memref<20x112xi32, #tpu.memory_space<vmem>> -> memref<1x112xi32, #tpu.memory_space<vmem>>
    %dma_start3A_110 = tpu.memref_squeeze %dma_start3A_109 : memref<1x112xi32, #tpu.memory_space<vmem>> -> memref<112xi32, #tpu.memory_space<vmem>>
    %dma_start3A_111 = tpu.memref_slice %arg2[%add3A_102] : memref<81920xi32, #tpu.memory_space<hbm>> -> memref<112xi32, #tpu.memory_space<hbm>>
    tpu.enqueue_dma source(%dma_start3A_111 : memref<112xi32, #tpu.memory_space<hbm>>) target(%dma_start3A_110 : memref<112xi32, #tpu.memory_space<vmem>>) target_semaphore(%arg7 : memref<!tpu.dma_semaphore, #tpu.memory_space<semaphore_mem>>)
    %add3A_112 = arith.constant 40960 : i32
    %add3A_113 = arith.addi %add3A_112, %mul3A_2 : i32
    %dma_start3A_114 = arith.constant 10 : i32
    %dma_start3A_115 = arith.constant 0 : i32
    %dma_start3A_116 = tpu.memref_slice %arg5[%dma_start3A_114, %dma_start3A_115] : memref<20x112xi32, #tpu.memory_space<vmem>> -> memref<1x112xi32, #tpu.memory_space<vmem>>
    %dma_start3A_117 = tpu.memref_squeeze %dma_start3A_116 : memref<1x112xi32, #tpu.memory_space<vmem>> -> memref<112xi32, #tpu.memory_space<vmem>>
    %dma_start3A_118 = tpu.memref_slice %arg2[%add3A_113] : memref<81920xi32, #tpu.memory_space<hbm>> -> memref<112xi32, #tpu.memory_space<hbm>>
    %dma_start3A_119 = arith.constant 0 : i32
    %dma_start3A_120 = tpu.memref_slice %arg5[%dma_start3A_114, %dma_start3A_119] : memref<20x112xi32, #tpu.memory_space<vmem>> -> memref<1x112xi32, #tpu.memory_space<vmem>>
    %dma_start3A_121 = tpu.memref_squeeze %dma_start3A_120 : memref<1x112xi32, #tpu.memory_space<vmem>> -> memref<112xi32, #tpu.memory_space<vmem>>
    %dma_start3A_122 = tpu.memref_slice %arg2[%add3A_113] : memref<81920xi32, #tpu.memory_space<hbm>> -> memref<112xi32, #tpu.memory_space<hbm>>
    tpu.enqueue_dma source(%dma_start3A_122 : memref<112xi32, #tpu.memory_space<hbm>>) target(%dma_start3A_121 : memref<112xi32, #tpu.memory_space<vmem>>) target_semaphore(%arg7 : memref<!tpu.dma_semaphore, #tpu.memory_space<semaphore_mem>>)
    %add3A_123 = arith.constant 45056 : i32
    %add3A_124 = arith.addi %add3A_123, %mul3A_2 : i32
    %dma_start3A_125 = arith.constant 11 : i32
    %dma_start3A_126 = arith.constant 0 : i32
    %dma_start3A_127 = tpu.memref_slice %arg5[%dma_start3A_125, %dma_start3A_126] : memref<20x112xi32, #tpu.memory_space<vmem>> -> memref<1x112xi32, #tpu.memory_space<vmem>>
    %dma_start3A_128 = tpu.memref_squeeze %dma_start3A_127 : memref<1x112xi32, #tpu.memory_space<vmem>> -> memref<112xi32, #tpu.memory_space<vmem>>
    %dma_start3A_129 = tpu.memref_slice %arg2[%add3A_124] : memref<81920xi32, #tpu.memory_space<hbm>> -> memref<112xi32, #tpu.memory_space<hbm>>
    %dma_start3A_130 = arith.constant 0 : i32
    %dma_start3A_131 = tpu.memref_slice %arg5[%dma_start3A_125, %dma_start3A_130] : memref<20x112xi32, #tpu.memory_space<vmem>> -> memref<1x112xi32, #tpu.memory_space<vmem>>
    %dma_start3A_132 = tpu.memref_squeeze %dma_start3A_131 : memref<1x112xi32, #tpu.memory_space<vmem>> -> memref<112xi32, #tpu.memory_space<vmem>>
    %dma_start3A_133 = tpu.memref_slice %arg2[%add3A_124] : memref<81920xi32, #tpu.memory_space<hbm>> -> memref<112xi32, #tpu.memory_space<hbm>>
    tpu.enqueue_dma source(%dma_start3A_133 : memref<112xi32, #tpu.memory_space<hbm>>) target(%dma_start3A_132 : memref<112xi32, #tpu.memory_space<vmem>>) target_semaphore(%arg7 : memref<!tpu.dma_semaphore, #tpu.memory_space<semaphore_mem>>)
    %add3A_134 = arith.constant 49152 : i32
    %add3A_135 = arith.addi %add3A_134, %mul3A_2 : i32
    %dma_start3A_136 = arith.constant 12 : i32
    %dma_start3A_137 = arith.constant 0 : i32
    %dma_start3A_138 = tpu.memref_slice %arg5[%dma_start3A_136, %dma_start3A_137] : memref<20x112xi32, #tpu.memory_space<vmem>> -> memref<1x112xi32, #tpu.memory_space<vmem>>
    %dma_start3A_139 = tpu.memref_squeeze %dma_start3A_138 : memref<1x112xi32, #tpu.memory_space<vmem>> -> memref<112xi32, #tpu.memory_space<vmem>>
    %dma_start3A_140 = tpu.memref_slice %arg2[%add3A_135] : memref<81920xi32, #tpu.memory_space<hbm>> -> memref<112xi32, #tpu.memory_space<hbm>>
    %dma_start3A_141 = arith.constant 0 : i32
    %dma_start3A_142 = tpu.memref_slice %arg5[%dma_start3A_136, %dma_start3A_141] : memref<20x112xi32, #tpu.memory_space<vmem>> -> memref<1x112xi32, #tpu.memory_space<vmem>>
    %dma_start3A_143 = tpu.memref_squeeze %dma_start3A_142 : memref<1x112xi32, #tpu.memory_space<vmem>> -> memref<112xi32, #tpu.memory_space<vmem>>
    %dma_start3A_144 = tpu.memref_slice %arg2[%add3A_135] : memref<81920xi32, #tpu.memory_space<hbm>> -> memref<112xi32, #tpu.memory_space<hbm>>
    tpu.enqueue_dma source(%dma_start3A_144 : memref<112xi32, #tpu.memory_space<hbm>>) target(%dma_start3A_143 : memref<112xi32, #tpu.memory_space<vmem>>) target_semaphore(%arg7 : memref<!tpu.dma_semaphore, #tpu.memory_space<semaphore_mem>>)
    %add3A_145 = arith.constant 53248 : i32
    %add3A_146 = arith.addi %add3A_145, %mul3A_2 : i32
    %dma_start3A_147 = arith.constant 13 : i32
    %dma_start3A_148 = arith.constant 0 : i32
    %dma_start3A_149 = tpu.memref_slice %arg5[%dma_start3A_147, %dma_start3A_148] : memref<20x112xi32, #tpu.memory_space<vmem>> -> memref<1x112xi32, #tpu.memory_space<vmem>>
    %dma_start3A_150 = tpu.memref_squeeze %dma_start3A_149 : memref<1x112xi32, #tpu.memory_space<vmem>> -> memref<112xi32, #tpu.memory_space<vmem>>
    %dma_start3A_151 = tpu.memref_slice %arg2[%add3A_146] : memref<81920xi32, #tpu.memory_space<hbm>> -> memref<112xi32, #tpu.memory_space<hbm>>
    %dma_start3A_152 = arith.constant 0 : i32
    %dma_start3A_153 = tpu.memref_slice %arg5[%dma_start3A_147, %dma_start3A_152] : memref<20x112xi32, #tpu.memory_space<vmem>> -> memref<1x112xi32, #tpu.memory_space<vmem>>
    %dma_start3A_154 = tpu.memref_squeeze %dma_start3A_153 : memref<1x112xi32, #tpu.memory_space<vmem>> -> memref<112xi32, #tpu.memory_space<vmem>>
    %dma_start3A_155 = tpu.memref_slice %arg2[%add3A_146] : memref<81920xi32, #tpu.memory_space<hbm>> -> memref<112xi32, #tpu.memory_space<hbm>>
    tpu.enqueue_dma source(%dma_start3A_155 : memref<112xi32, #tpu.memory_space<hbm>>) target(%dma_start3A_154 : memref<112xi32, #tpu.memory_space<vmem>>) target_semaphore(%arg7 : memref<!tpu.dma_semaphore, #tpu.memory_space<semaphore_mem>>)
    %add3A_156 = arith.constant 57344 : i32
    %add3A_157 = arith.addi %add3A_156, %mul3A_2 : i32
    %dma_start3A_158 = arith.constant 14 : i32
    %dma_start3A_159 = arith.constant 0 : i32
    %dma_start3A_160 = tpu.memref_slice %arg5[%dma_start3A_158, %dma_start3A_159] : memref<20x112xi32, #tpu.memory_space<vmem>> -> memref<1x112xi32, #tpu.memory_space<vmem>>
    %dma_start3A_161 = tpu.memref_squeeze %dma_start3A_160 : memref<1x112xi32, #tpu.memory_space<vmem>> -> memref<112xi32, #tpu.memory_space<vmem>>
    %dma_start3A_162 = tpu.memref_slice %arg2[%add3A_157] : memref<81920xi32, #tpu.memory_space<hbm>> -> memref<112xi32, #tpu.memory_space<hbm>>
    %dma_start3A_163 = arith.constant 0 : i32
    %dma_start3A_164 = tpu.memref_slice %arg5[%dma_start3A_158, %dma_start3A_163] : memref<20x112xi32, #tpu.memory_space<vmem>> -> memref<1x112xi32, #tpu.memory_space<vmem>>
    %dma_start3A_165 = tpu.memref_squeeze %dma_start3A_164 : memref<1x112xi32, #tpu.memory_space<vmem>> -> memref<112xi32, #tpu.memory_space<vmem>>
    %dma_start3A_166 = tpu.memref_slice %arg2[%add3A_157] : memref<81920xi32, #tpu.memory_space<hbm>> -> memref<112xi32, #tpu.memory_space<hbm>>
    tpu.enqueue_dma source(%dma_start3A_166 : memref<112xi32, #tpu.memory_space<hbm>>) target(%dma_start3A_165 : memref<112xi32, #tpu.memory_space<vmem>>) target_semaphore(%arg7 : memref<!tpu.dma_semaphore, #tpu.memory_space<semaphore_mem>>)
    %add3A_167 = arith.constant 61440 : i32
    %add3A_168 = arith.addi %add3A_167, %mul3A_2 : i32
    %dma_start3A_169 = arith.constant 15 : i32
    %dma_start3A_170 = arith.constant 0 : i32
    %dma_start3A_171 = tpu.memref_slice %arg5[%dma_start3A_169, %dma_start3A_170] : memref<20x112xi32, #tpu.memory_space<vmem>> -> memref<1x112xi32, #tpu.memory_space<vmem>>
    %dma_start3A_172 = tpu.memref_squeeze %dma_start3A_171 : memref<1x112xi32, #tpu.memory_space<vmem>> -> memref<112xi32, #tpu.memory_space<vmem>>
    %dma_start3A_173 = tpu.memref_slice %arg2[%add3A_168] : memref<81920xi32, #tpu.memory_space<hbm>> -> memref<112xi32, #tpu.memory_space<hbm>>
    %dma_start3A_174 = arith.constant 0 : i32
    %dma_start3A_175 = tpu.memref_slice %arg5[%dma_start3A_169, %dma_start3A_174] : memref<20x112xi32, #tpu.memory_space<vmem>> -> memref<1x112xi32, #tpu.memory_space<vmem>>
    %dma_start3A_176 = tpu.memref_squeeze %dma_start3A_175 : memref<1x112xi32, #tpu.memory_space<vmem>> -> memref<112xi32, #tpu.memory_space<vmem>>
    %dma_start3A_177 = tpu.memref_slice %arg2[%add3A_168] : memref<81920xi32, #tpu.memory_space<hbm>> -> memref<112xi32, #tpu.memory_space<hbm>>
    tpu.enqueue_dma source(%dma_start3A_177 : memref<112xi32, #tpu.memory_space<hbm>>) target(%dma_start3A_176 : memref<112xi32, #tpu.memory_space<vmem>>) target_semaphore(%arg7 : memref<!tpu.dma_semaphore, #tpu.memory_space<semaphore_mem>>)
    %add3A_178 = arith.constant 65536 : i32
    %add3A_179 = arith.addi %add3A_178, %mul3A_2 : i32
    %dma_start3A_180 = arith.constant 16 : i32
    %dma_start3A_181 = arith.constant 0 : i32
    %dma_start3A_182 = tpu.memref_slice %arg5[%dma_start3A_180, %dma_start3A_181] : memref<20x112xi32, #tpu.memory_space<vmem>> -> memref<1x112xi32, #tpu.memory_space<vmem>>
    %dma_start3A_183 = tpu.memref_squeeze %dma_start3A_182 : memref<1x112xi32, #tpu.memory_space<vmem>> -> memref<112xi32, #tpu.memory_space<vmem>>
    %dma_start3A_184 = tpu.memref_slice %arg2[%add3A_179] : memref<81920xi32, #tpu.memory_space<hbm>> -> memref<112xi32, #tpu.memory_space<hbm>>
    %dma_start3A_185 = arith.constant 0 : i32
    %dma_start3A_186 = tpu.memref_slice %arg5[%dma_start3A_180, %dma_start3A_185] : memref<20x112xi32, #tpu.memory_space<vmem>> -> memref<1x112xi32, #tpu.memory_space<vmem>>
    %dma_start3A_187 = tpu.memref_squeeze %dma_start3A_186 : memref<1x112xi32, #tpu.memory_space<vmem>> -> memref<112xi32, #tpu.memory_space<vmem>>
    %dma_start3A_188 = tpu.memref_slice %arg2[%add3A_179] : memref<81920xi32, #tpu.memory_space<hbm>> -> memref<112xi32, #tpu.memory_space<hbm>>
    tpu.enqueue_dma source(%dma_start3A_188 : memref<112xi32, #tpu.memory_space<hbm>>) target(%dma_start3A_187 : memref<112xi32, #tpu.memory_space<vmem>>) target_semaphore(%arg7 : memref<!tpu.dma_semaphore, #tpu.memory_space<semaphore_mem>>)
    %add3A_189 = arith.constant 69632 : i32
    %add3A_190 = arith.addi %add3A_189, %mul3A_2 : i32
    %dma_start3A_191 = arith.constant 17 : i32
    %dma_start3A_192 = arith.constant 0 : i32
    %dma_start3A_193 = tpu.memref_slice %arg5[%dma_start3A_191, %dma_start3A_192] : memref<20x112xi32, #tpu.memory_space<vmem>> -> memref<1x112xi32, #tpu.memory_space<vmem>>
    %dma_start3A_194 = tpu.memref_squeeze %dma_start3A_193 : memref<1x112xi32, #tpu.memory_space<vmem>> -> memref<112xi32, #tpu.memory_space<vmem>>
    %dma_start3A_195 = tpu.memref_slice %arg2[%add3A_190] : memref<81920xi32, #tpu.memory_space<hbm>> -> memref<112xi32, #tpu.memory_space<hbm>>
    %dma_start3A_196 = arith.constant 0 : i32
    %dma_start3A_197 = tpu.memref_slice %arg5[%dma_start3A_191, %dma_start3A_196] : memref<20x112xi32, #tpu.memory_space<vmem>> -> memref<1x112xi32, #tpu.memory_space<vmem>>
    %dma_start3A_198 = tpu.memref_squeeze %dma_start3A_197 : memref<1x112xi32, #tpu.memory_space<vmem>> -> memref<112xi32, #tpu.memory_space<vmem>>
    %dma_start3A_199 = tpu.memref_slice %arg2[%add3A_190] : memref<81920xi32, #tpu.memory_space<hbm>> -> memref<112xi32, #tpu.memory_space<hbm>>
    tpu.enqueue_dma source(%dma_start3A_199 : memref<112xi32, #tpu.memory_space<hbm>>) target(%dma_start3A_198 : memref<112xi32, #tpu.memory_space<vmem>>) target_semaphore(%arg7 : memref<!tpu.dma_semaphore, #tpu.memory_space<semaphore_mem>>)
    %add3A_200 = arith.constant 73728 : i32
    %add3A_201 = arith.addi %add3A_200, %mul3A_2 : i32
    %dma_start3A_202 = arith.constant 18 : i32
    %dma_start3A_203 = arith.constant 0 : i32
    %dma_start3A_204 = tpu.memref_slice %arg5[%dma_start3A_202, %dma_start3A_203] : memref<20x112xi32, #tpu.memory_space<vmem>> -> memref<1x112xi32, #tpu.memory_space<vmem>>
    %dma_start3A_205 = tpu.memref_squeeze %dma_start3A_204 : memref<1x112xi32, #tpu.memory_space<vmem>> -> memref<112xi32, #tpu.memory_space<vmem>>
    %dma_start3A_206 = tpu.memref_slice %arg2[%add3A_201] : memref<81920xi32, #tpu.memory_space<hbm>> -> memref<112xi32, #tpu.memory_space<hbm>>
    %dma_start3A_207 = arith.constant 0 : i32
    %dma_start3A_208 = tpu.memref_slice %arg5[%dma_start3A_202, %dma_start3A_207] : memref<20x112xi32, #tpu.memory_space<vmem>> -> memref<1x112xi32, #tpu.memory_space<vmem>>
    %dma_start3A_209 = tpu.memref_squeeze %dma_start3A_208 : memref<1x112xi32, #tpu.memory_space<vmem>> -> memref<112xi32, #tpu.memory_space<vmem>>
    %dma_start3A_210 = tpu.memref_slice %arg2[%add3A_201] : memref<81920xi32, #tpu.memory_space<hbm>> -> memref<112xi32, #tpu.memory_space<hbm>>
    tpu.enqueue_dma source(%dma_start3A_210 : memref<112xi32, #tpu.memory_space<hbm>>) target(%dma_start3A_209 : memref<112xi32, #tpu.memory_space<vmem>>) target_semaphore(%arg7 : memref<!tpu.dma_semaphore, #tpu.memory_space<semaphore_mem>>)
    %add3A_211 = arith.constant 77824 : i32
    %add3A_212 = arith.addi %add3A_211, %mul3A_2 : i32
    %dma_start3A_213 = arith.constant 19 : i32
    %dma_start3A_214 = arith.constant 0 : i32
    %dma_start3A_215 = tpu.memref_slice %arg5[%dma_start3A_213, %dma_start3A_214] : memref<20x112xi32, #tpu.memory_space<vmem>> -> memref<1x112xi32, #tpu.memory_space<vmem>>
    %dma_start3A_216 = tpu.memref_squeeze %dma_start3A_215 : memref<1x112xi32, #tpu.memory_space<vmem>> -> memref<112xi32, #tpu.memory_space<vmem>>
    %dma_start3A_217 = tpu.memref_slice %arg2[%add3A_212] : memref<81920xi32, #tpu.memory_space<hbm>> -> memref<112xi32, #tpu.memory_space<hbm>>
    %dma_start3A_218 = arith.constant 0 : i32
    %dma_start3A_219 = tpu.memref_slice %arg5[%dma_start3A_213, %dma_start3A_218] : memref<20x112xi32, #tpu.memory_space<vmem>> -> memref<1x112xi32, #tpu.memory_space<vmem>>
    %dma_start3A_220 = tpu.memref_squeeze %dma_start3A_219 : memref<1x112xi32, #tpu.memory_space<vmem>> -> memref<112xi32, #tpu.memory_space<vmem>>
    %dma_start3A_221 = tpu.memref_slice %arg2[%add3A_212] : memref<81920xi32, #tpu.memory_space<hbm>> -> memref<112xi32, #tpu.memory_space<hbm>>
    tpu.enqueue_dma source(%dma_start3A_221 : memref<112xi32, #tpu.memory_space<hbm>>) target(%dma_start3A_220 : memref<112xi32, #tpu.memory_space<vmem>>) target_semaphore(%arg7 : memref<!tpu.dma_semaphore, #tpu.memory_space<semaphore_mem>>)
    %dma_wait3A = arith.constant 0 : i32
    %dma_wait3A_222 = arith.constant 0 : i32
    %dma_wait3A_223 = tpu.memref_slice %arg5[%dma_wait3A, %dma_wait3A_222] : memref<20x112xi32, #tpu.memory_space<vmem>> -> memref<1x112xi32, #tpu.memory_space<vmem>>
    %dma_wait3A_224 = tpu.memref_squeeze %dma_wait3A_223 : memref<1x112xi32, #tpu.memory_space<vmem>> -> memref<112xi32, #tpu.memory_space<vmem>>
    %dma_wait3A_225 = tpu.memref_slice %arg2[%add3A_4] : memref<81920xi32, #tpu.memory_space<hbm>> -> memref<112xi32, #tpu.memory_space<hbm>>
    %dma_wait3A_226 = arith.constant 0 : i32
    %dma_wait3A_227 = tpu.memref_slice %arg5[%dma_wait3A, %dma_wait3A_226] : memref<20x112xi32, #tpu.memory_space<vmem>> -> memref<1x112xi32, #tpu.memory_space<vmem>>
    %dma_wait3A_228 = tpu.memref_squeeze %dma_wait3A_227 : memref<1x112xi32, #tpu.memory_space<vmem>> -> memref<112xi32, #tpu.memory_space<vmem>>
    %dma_wait3A_229 = tpu.memref_slice %arg2[%add3A_4] : memref<81920xi32, #tpu.memory_space<hbm>> -> memref<112xi32, #tpu.memory_space<hbm>>
    tpu.wait_dma2 semaphore(%arg7 : memref<!tpu.dma_semaphore, #tpu.memory_space<semaphore_mem>>) src(%dma_wait3A_229 : memref<112xi32, #tpu.memory_space<hbm>>) dst(%dma_wait3A_228 : memref<112xi32, #tpu.memory_space<vmem>>)
    %dma_wait3A_230 = arith.constant 1 : i32
    %dma_wait3A_231 = arith.constant 0 : i32
    %dma_wait3A_232 = tpu.memref_slice %arg5[%dma_wait3A_230, %dma_wait3A_231] : memref<20x112xi32, #tpu.memory_space<vmem>> -> memref<1x112xi32, #tpu.memory_space<vmem>>
    %dma_wait3A_233 = tpu.memref_squeeze %dma_wait3A_232 : memref<1x112xi32, #tpu.memory_space<vmem>> -> memref<112xi32, #tpu.memory_space<vmem>>
    %dma_wait3A_234 = tpu.memref_slice %arg2[%add3A_14] : memref<81920xi32, #tpu.memory_space<hbm>> -> memref<112xi32, #tpu.memory_space<hbm>>
    %dma_wait3A_235 = arith.constant 0 : i32
    %dma_wait3A_236 = tpu.memref_slice %arg5[%dma_wait3A_230, %dma_wait3A_235] : memref<20x112xi32, #tpu.memory_space<vmem>> -> memref<1x112xi32, #tpu.memory_space<vmem>>
    %dma_wait3A_237 = tpu.memref_squeeze %dma_wait3A_236 : memref<1x112xi32, #tpu.memory_space<vmem>> -> memref<112xi32, #tpu.memory_space<vmem>>
    %dma_wait3A_238 = tpu.memref_slice %arg2[%add3A_14] : memref<81920xi32, #tpu.memory_space<hbm>> -> memref<112xi32, #tpu.memory_space<hbm>>
    tpu.wait_dma2 semaphore(%arg7 : memref<!tpu.dma_semaphore, #tpu.memory_space<semaphore_mem>>) src(%dma_wait3A_238 : memref<112xi32, #tpu.memory_space<hbm>>) dst(%dma_wait3A_237 : memref<112xi32, #tpu.memory_space<vmem>>)
    %dma_wait3A_239 = arith.constant 2 : i32
    %dma_wait3A_240 = arith.constant 0 : i32
    %dma_wait3A_241 = tpu.memref_slice %arg5[%dma_wait3A_239, %dma_wait3A_240] : memref<20x112xi32, #tpu.memory_space<vmem>> -> memref<1x112xi32, #tpu.memory_space<vmem>>
    %dma_wait3A_242 = tpu.memref_squeeze %dma_wait3A_241 : memref<1x112xi32, #tpu.memory_space<vmem>> -> memref<112xi32, #tpu.memory_space<vmem>>
    %dma_wait3A_243 = tpu.memref_slice %arg2[%add3A_25] : memref<81920xi32, #tpu.memory_space<hbm>> -> memref<112xi32, #tpu.memory_space<hbm>>
    %dma_wait3A_244 = arith.constant 0 : i32
    %dma_wait3A_245 = tpu.memref_slice %arg5[%dma_wait3A_239, %dma_wait3A_244] : memref<20x112xi32, #tpu.memory_space<vmem>> -> memref<1x112xi32, #tpu.memory_space<vmem>>
    %dma_wait3A_246 = tpu.memref_squeeze %dma_wait3A_245 : memref<1x112xi32, #tpu.memory_space<vmem>> -> memref<112xi32, #tpu.memory_space<vmem>>
    %dma_wait3A_247 = tpu.memref_slice %arg2[%add3A_25] : memref<81920xi32, #tpu.memory_space<hbm>> -> memref<112xi32, #tpu.memory_space<hbm>>
    tpu.wait_dma2 semaphore(%arg7 : memref<!tpu.dma_semaphore, #tpu.memory_space<semaphore_mem>>) src(%dma_wait3A_247 : memref<112xi32, #tpu.memory_space<hbm>>) dst(%dma_wait3A_246 : memref<112xi32, #tpu.memory_space<vmem>>)
    %dma_wait3A_248 = arith.constant 3 : i32
    %dma_wait3A_249 = arith.constant 0 : i32
    %dma_wait3A_250 = tpu.memref_slice %arg5[%dma_wait3A_248, %dma_wait3A_249] : memref<20x112xi32, #tpu.memory_space<vmem>> -> memref<1x112xi32, #tpu.memory_space<vmem>>
    %dma_wait3A_251 = tpu.memref_squeeze %dma_wait3A_250 : memref<1x112xi32, #tpu.memory_space<vmem>> -> memref<112xi32, #tpu.memory_space<vmem>>
    %dma_wait3A_252 = tpu.memref_slice %arg2[%add3A_36] : memref<81920xi32, #tpu.memory_space<hbm>> -> memref<112xi32, #tpu.memory_space<hbm>>
    %dma_wait3A_253 = arith.constant 0 : i32
    %dma_wait3A_254 = tpu.memref_slice %arg5[%dma_wait3A_248, %dma_wait3A_253] : memref<20x112xi32, #tpu.memory_space<vmem>> -> memref<1x112xi32, #tpu.memory_space<vmem>>
    %dma_wait3A_255 = tpu.memref_squeeze %dma_wait3A_254 : memref<1x112xi32, #tpu.memory_space<vmem>> -> memref<112xi32, #tpu.memory_space<vmem>>
    %dma_wait3A_256 = tpu.memref_slice %arg2[%add3A_36] : memref<81920xi32, #tpu.memory_space<hbm>> -> memref<112xi32, #tpu.memory_space<hbm>>
    tpu.wait_dma2 semaphore(%arg7 : memref<!tpu.dma_semaphore, #tpu.memory_space<semaphore_mem>>) src(%dma_wait3A_256 : memref<112xi32, #tpu.memory_space<hbm>>) dst(%dma_wait3A_255 : memref<112xi32, #tpu.memory_space<vmem>>)
    %dma_wait3A_257 = arith.constant 4 : i32
    %dma_wait3A_258 = arith.constant 0 : i32
    %dma_wait3A_259 = tpu.memref_slice %arg5[%dma_wait3A_257, %dma_wait3A_258] : memref<20x112xi32, #tpu.memory_space<vmem>> -> memref<1x112xi32, #tpu.memory_space<vmem>>
    %dma_wait3A_260 = tpu.memref_squeeze %dma_wait3A_259 : memref<1x112xi32, #tpu.memory_space<vmem>> -> memref<112xi32, #tpu.memory_space<vmem>>
    %dma_wait3A_261 = tpu.memref_slice %arg2[%add3A_47] : memref<81920xi32, #tpu.memory_space<hbm>> -> memref<112xi32, #tpu.memory_space<hbm>>
    %dma_wait3A_262 = arith.constant 0 : i32
    %dma_wait3A_263 = tpu.memref_slice %arg5[%dma_wait3A_257, %dma_wait3A_262] : memref<20x112xi32, #tpu.memory_space<vmem>> -> memref<1x112xi32, #tpu.memory_space<vmem>>
    %dma_wait3A_264 = tpu.memref_squeeze %dma_wait3A_263 : memref<1x112xi32, #tpu.memory_space<vmem>> -> memref<112xi32, #tpu.memory_space<vmem>>
    %dma_wait3A_265 = tpu.memref_slice %arg2[%add3A_47] : memref<81920xi32, #tpu.memory_space<hbm>> -> memref<112xi32, #tpu.memory_space<hbm>>
    tpu.wait_dma2 semaphore(%arg7 : memref<!tpu.dma_semaphore, #tpu.memory_space<semaphore_mem>>) src(%dma_wait3A_265 : memref<112xi32, #tpu.memory_space<hbm>>) dst(%dma_wait3A_264 : memref<112xi32, #tpu.memory_space<vmem>>)
    %dma_wait3A_266 = arith.constant 5 : i32
    %dma_wait3A_267 = arith.constant 0 : i32
    %dma_wait3A_268 = tpu.memref_slice %arg5[%dma_wait3A_266, %dma_wait3A_267] : memref<20x112xi32, #tpu.memory_space<vmem>> -> memref<1x112xi32, #tpu.memory_space<vmem>>
    %dma_wait3A_269 = tpu.memref_squeeze %dma_wait3A_268 : memref<1x112xi32, #tpu.memory_space<vmem>> -> memref<112xi32, #tpu.memory_space<vmem>>
    %dma_wait3A_270 = tpu.memref_slice %arg2[%add3A_58] : memref<81920xi32, #tpu.memory_space<hbm>> -> memref<112xi32, #tpu.memory_space<hbm>>
    %dma_wait3A_271 = arith.constant 0 : i32
    %dma_wait3A_272 = tpu.memref_slice %arg5[%dma_wait3A_266, %dma_wait3A_271] : memref<20x112xi32, #tpu.memory_space<vmem>> -> memref<1x112xi32, #tpu.memory_space<vmem>>
    %dma_wait3A_273 = tpu.memref_squeeze %dma_wait3A_272 : memref<1x112xi32, #tpu.memory_space<vmem>> -> memref<112xi32, #tpu.memory_space<vmem>>
    %dma_wait3A_274 = tpu.memref_slice %arg2[%add3A_58] : memref<81920xi32, #tpu.memory_space<hbm>> -> memref<112xi32, #tpu.memory_space<hbm>>
    tpu.wait_dma2 semaphore(%arg7 : memref<!tpu.dma_semaphore, #tpu.memory_space<semaphore_mem>>) src(%dma_wait3A_274 : memref<112xi32, #tpu.memory_space<hbm>>) dst(%dma_wait3A_273 : memref<112xi32, #tpu.memory_space<vmem>>)
    %dma_wait3A_275 = arith.constant 6 : i32
    %dma_wait3A_276 = arith.constant 0 : i32
    %dma_wait3A_277 = tpu.memref_slice %arg5[%dma_wait3A_275, %dma_wait3A_276] : memref<20x112xi32, #tpu.memory_space<vmem>> -> memref<1x112xi32, #tpu.memory_space<vmem>>
    %dma_wait3A_278 = tpu.memref_squeeze %dma_wait3A_277 : memref<1x112xi32, #tpu.memory_space<vmem>> -> memref<112xi32, #tpu.memory_space<vmem>>
    %dma_wait3A_279 = tpu.memref_slice %arg2[%add3A_69] : memref<81920xi32, #tpu.memory_space<hbm>> -> memref<112xi32, #tpu.memory_space<hbm>>
    %dma_wait3A_280 = arith.constant 0 : i32
    %dma_wait3A_281 = tpu.memref_slice %arg5[%dma_wait3A_275, %dma_wait3A_280] : memref<20x112xi32, #tpu.memory_space<vmem>> -> memref<1x112xi32, #tpu.memory_space<vmem>>
    %dma_wait3A_282 = tpu.memref_squeeze %dma_wait3A_281 : memref<1x112xi32, #tpu.memory_space<vmem>> -> memref<112xi32, #tpu.memory_space<vmem>>
    %dma_wait3A_283 = tpu.memref_slice %arg2[%add3A_69] : memref<81920xi32, #tpu.memory_space<hbm>> -> memref<112xi32, #tpu.memory_space<hbm>>
    tpu.wait_dma2 semaphore(%arg7 : memref<!tpu.dma_semaphore, #tpu.memory_space<semaphore_mem>>) src(%dma_wait3A_283 : memref<112xi32, #tpu.memory_space<hbm>>) dst(%dma_wait3A_282 : memref<112xi32, #tpu.memory_space<vmem>>)
    %dma_wait3A_284 = arith.constant 7 : i32
    %dma_wait3A_285 = arith.constant 0 : i32
    %dma_wait3A_286 = tpu.memref_slice %arg5[%dma_wait3A_284, %dma_wait3A_285] : memref<20x112xi32, #tpu.memory_space<vmem>> -> memref<1x112xi32, #tpu.memory_space<vmem>>
    %dma_wait3A_287 = tpu.memref_squeeze %dma_wait3A_286 : memref<1x112xi32, #tpu.memory_space<vmem>> -> memref<112xi32, #tpu.memory_space<vmem>>
    %dma_wait3A_288 = tpu.memref_slice %arg2[%add3A_80] : memref<81920xi32, #tpu.memory_space<hbm>> -> memref<112xi32, #tpu.memory_space<hbm>>
    %dma_wait3A_289 = arith.constant 0 : i32
    %dma_wait3A_290 = tpu.memref_slice %arg5[%dma_wait3A_284, %dma_wait3A_289] : memref<20x112xi32, #tpu.memory_space<vmem>> -> memref<1x112xi32, #tpu.memory_space<vmem>>
    %dma_wait3A_291 = tpu.memref_squeeze %dma_wait3A_290 : memref<1x112xi32, #tpu.memory_space<vmem>> -> memref<112xi32, #tpu.memory_space<vmem>>
    %dma_wait3A_292 = tpu.memref_slice %arg2[%add3A_80] : memref<81920xi32, #tpu.memory_space<hbm>> -> memref<112xi32, #tpu.memory_space<hbm>>
    tpu.wait_dma2 semaphore(%arg7 : memref<!tpu.dma_semaphore, #tpu.memory_space<semaphore_mem>>) src(%dma_wait3A_292 : memref<112xi32, #tpu.memory_space<hbm>>) dst(%dma_wait3A_291 : memref<112xi32, #tpu.memory_space<vmem>>)
    %dma_wait3A_293 = arith.constant 8 : i32
    %dma_wait3A_294 = arith.constant 0 : i32
    %dma_wait3A_295 = tpu.memref_slice %arg5[%dma_wait3A_293, %dma_wait3A_294] : memref<20x112xi32, #tpu.memory_space<vmem>> -> memref<1x112xi32, #tpu.memory_space<vmem>>
    %dma_wait3A_296 = tpu.memref_squeeze %dma_wait3A_295 : memref<1x112xi32, #tpu.memory_space<vmem>> -> memref<112xi32, #tpu.memory_space<vmem>>
    %dma_wait3A_297 = tpu.memref_slice %arg2[%add3A_91] : memref<81920xi32, #tpu.memory_space<hbm>> -> memref<112xi32, #tpu.memory_space<hbm>>
    %dma_wait3A_298 = arith.constant 0 : i32
    %dma_wait3A_299 = tpu.memref_slice %arg5[%dma_wait3A_293, %dma_wait3A_298] : memref<20x112xi32, #tpu.memory_space<vmem>> -> memref<1x112xi32, #tpu.memory_space<vmem>>
    %dma_wait3A_300 = tpu.memref_squeeze %dma_wait3A_299 : memref<1x112xi32, #tpu.memory_space<vmem>> -> memref<112xi32, #tpu.memory_space<vmem>>
    %dma_wait3A_301 = tpu.memref_slice %arg2[%add3A_91] : memref<81920xi32, #tpu.memory_space<hbm>> -> memref<112xi32, #tpu.memory_space<hbm>>
    tpu.wait_dma2 semaphore(%arg7 : memref<!tpu.dma_semaphore, #tpu.memory_space<semaphore_mem>>) src(%dma_wait3A_301 : memref<112xi32, #tpu.memory_space<hbm>>) dst(%dma_wait3A_300 : memref<112xi32, #tpu.memory_space<vmem>>)
    %dma_wait3A_302 = arith.constant 9 : i32
    %dma_wait3A_303 = arith.constant 0 : i32
    %dma_wait3A_304 = tpu.memref_slice %arg5[%dma_wait3A_302, %dma_wait3A_303] : memref<20x112xi32, #tpu.memory_space<vmem>> -> memref<1x112xi32, #tpu.memory_space<vmem>>
    %dma_wait3A_305 = tpu.memref_squeeze %dma_wait3A_304 : memref<1x112xi32, #tpu.memory_space<vmem>> -> memref<112xi32, #tpu.memory_space<vmem>>
    %dma_wait3A_306 = tpu.memref_slice %arg2[%add3A_102] : memref<81920xi32, #tpu.memory_space<hbm>> -> memref<112xi32, #tpu.memory_space<hbm>>
    %dma_wait3A_307 = arith.constant 0 : i32
    %dma_wait3A_308 = tpu.memref_slice %arg5[%dma_wait3A_302, %dma_wait3A_307] : memref<20x112xi32, #tpu.memory_space<vmem>> -> memref<1x112xi32, #tpu.memory_space<vmem>>
    %dma_wait3A_309 = tpu.memref_squeeze %dma_wait3A_308 : memref<1x112xi32, #tpu.memory_space<vmem>> -> memref<112xi32, #tpu.memory_space<vmem>>
    %dma_wait3A_310 = tpu.memref_slice %arg2[%add3A_102] : memref<81920xi32, #tpu.memory_space<hbm>> -> memref<112xi32, #tpu.memory_space<hbm>>
    tpu.wait_dma2 semaphore(%arg7 : memref<!tpu.dma_semaphore, #tpu.memory_space<semaphore_mem>>) src(%dma_wait3A_310 : memref<112xi32, #tpu.memory_space<hbm>>) dst(%dma_wait3A_309 : memref<112xi32, #tpu.memory_space<vmem>>)
    %dma_wait3A_311 = arith.constant 10 : i32
    %dma_wait3A_312 = arith.constant 0 : i32
    %dma_wait3A_313 = tpu.memref_slice %arg5[%dma_wait3A_311, %dma_wait3A_312] : memref<20x112xi32, #tpu.memory_space<vmem>> -> memref<1x112xi32, #tpu.memory_space<vmem>>
    %dma_wait3A_314 = tpu.memref_squeeze %dma_wait3A_313 : memref<1x112xi32, #tpu.memory_space<vmem>> -> memref<112xi32, #tpu.memory_space<vmem>>
    %dma_wait3A_315 = tpu.memref_slice %arg2[%add3A_113] : memref<81920xi32, #tpu.memory_space<hbm>> -> memref<112xi32, #tpu.memory_space<hbm>>
    %dma_wait3A_316 = arith.constant 0 : i32
    %dma_wait3A_317 = tpu.memref_slice %arg5[%dma_wait3A_311, %dma_wait3A_316] : memref<20x112xi32, #tpu.memory_space<vmem>> -> memref<1x112xi32, #tpu.memory_space<vmem>>
    %dma_wait3A_318 = tpu.memref_squeeze %dma_wait3A_317 : memref<1x112xi32, #tpu.memory_space<vmem>> -> memref<112xi32, #tpu.memory_space<vmem>>
    %dma_wait3A_319 = tpu.memref_slice %arg2[%add3A_113] : memref<81920xi32, #tpu.memory_space<hbm>> -> memref<112xi32, #tpu.memory_space<hbm>>
    tpu.wait_dma2 semaphore(%arg7 : memref<!tpu.dma_semaphore, #tpu.memory_space<semaphore_mem>>) src(%dma_wait3A_319 : memref<112xi32, #tpu.memory_space<hbm>>) dst(%dma_wait3A_318 : memref<112xi32, #tpu.memory_space<vmem>>)
    %dma_wait3A_320 = arith.constant 11 : i32
    %dma_wait3A_321 = arith.constant 0 : i32
    %dma_wait3A_322 = tpu.memref_slice %arg5[%dma_wait3A_320, %dma_wait3A_321] : memref<20x112xi32, #tpu.memory_space<vmem>> -> memref<1x112xi32, #tpu.memory_space<vmem>>
    %dma_wait3A_323 = tpu.memref_squeeze %dma_wait3A_322 : memref<1x112xi32, #tpu.memory_space<vmem>> -> memref<112xi32, #tpu.memory_space<vmem>>
    %dma_wait3A_324 = tpu.memref_slice %arg2[%add3A_124] : memref<81920xi32, #tpu.memory_space<hbm>> -> memref<112xi32, #tpu.memory_space<hbm>>
    %dma_wait3A_325 = arith.constant 0 : i32
    %dma_wait3A_326 = tpu.memref_slice %arg5[%dma_wait3A_320, %dma_wait3A_325] : memref<20x112xi32, #tpu.memory_space<vmem>> -> memref<1x112xi32, #tpu.memory_space<vmem>>
    %dma_wait3A_327 = tpu.memref_squeeze %dma_wait3A_326 : memref<1x112xi32, #tpu.memory_space<vmem>> -> memref<112xi32, #tpu.memory_space<vmem>>
    %dma_wait3A_328 = tpu.memref_slice %arg2[%add3A_124] : memref<81920xi32, #tpu.memory_space<hbm>> -> memref<112xi32, #tpu.memory_space<hbm>>
    tpu.wait_dma2 semaphore(%arg7 : memref<!tpu.dma_semaphore, #tpu.memory_space<semaphore_mem>>) src(%dma_wait3A_328 : memref<112xi32, #tpu.memory_space<hbm>>) dst(%dma_wait3A_327 : memref<112xi32, #tpu.memory_space<vmem>>)
    %dma_wait3A_329 = arith.constant 12 : i32
    %dma_wait3A_330 = arith.constant 0 : i32
    %dma_wait3A_331 = tpu.memref_slice %arg5[%dma_wait3A_329, %dma_wait3A_330] : memref<20x112xi32, #tpu.memory_space<vmem>> -> memref<1x112xi32, #tpu.memory_space<vmem>>
    %dma_wait3A_332 = tpu.memref_squeeze %dma_wait3A_331 : memref<1x112xi32, #tpu.memory_space<vmem>> -> memref<112xi32, #tpu.memory_space<vmem>>
    %dma_wait3A_333 = tpu.memref_slice %arg2[%add3A_135] : memref<81920xi32, #tpu.memory_space<hbm>> -> memref<112xi32, #tpu.memory_space<hbm>>
    %dma_wait3A_334 = arith.constant 0 : i32
    %dma_wait3A_335 = tpu.memref_slice %arg5[%dma_wait3A_329, %dma_wait3A_334] : memref<20x112xi32, #tpu.memory_space<vmem>> -> memref<1x112xi32, #tpu.memory_space<vmem>>
    %dma_wait3A_336 = tpu.memref_squeeze %dma_wait3A_335 : memref<1x112xi32, #tpu.memory_space<vmem>> -> memref<112xi32, #tpu.memory_space<vmem>>
    %dma_wait3A_337 = tpu.memref_slice %arg2[%add3A_135] : memref<81920xi32, #tpu.memory_space<hbm>> -> memref<112xi32, #tpu.memory_space<hbm>>
    tpu.wait_dma2 semaphore(%arg7 : memref<!tpu.dma_semaphore, #tpu.memory_space<semaphore_mem>>) src(%dma_wait3A_337 : memref<112xi32, #tpu.memory_space<hbm>>) dst(%dma_wait3A_336 : memref<112xi32, #tpu.memory_space<vmem>>)
    %dma_wait3A_338 = arith.constant 13 : i32
    %dma_wait3A_339 = arith.constant 0 : i32
    %dma_wait3A_340 = tpu.memref_slice %arg5[%dma_wait3A_338, %dma_wait3A_339] : memref<20x112xi32, #tpu.memory_space<vmem>> -> memref<1x112xi32, #tpu.memory_space<vmem>>
    %dma_wait3A_341 = tpu.memref_squeeze %dma_wait3A_340 : memref<1x112xi32, #tpu.memory_space<vmem>> -> memref<112xi32, #tpu.memory_space<vmem>>
    %dma_wait3A_342 = tpu.memref_slice %arg2[%add3A_146] : memref<81920xi32, #tpu.memory_space<hbm>> -> memref<112xi32, #tpu.memory_space<hbm>>
    %dma_wait3A_343 = arith.constant 0 : i32
    %dma_wait3A_344 = tpu.memref_slice %arg5[%dma_wait3A_338, %dma_wait3A_343] : memref<20x112xi32, #tpu.memory_space<vmem>> -> memref<1x112xi32, #tpu.memory_space<vmem>>
    %dma_wait3A_345 = tpu.memref_squeeze %dma_wait3A_344 : memref<1x112xi32, #tpu.memory_space<vmem>> -> memref<112xi32, #tpu.memory_space<vmem>>
    %dma_wait3A_346 = tpu.memref_slice %arg2[%add3A_146] : memref<81920xi32, #tpu.memory_space<hbm>> -> memref<112xi32, #tpu.memory_space<hbm>>
    tpu.wait_dma2 semaphore(%arg7 : memref<!tpu.dma_semaphore, #tpu.memory_space<semaphore_mem>>) src(%dma_wait3A_346 : memref<112xi32, #tpu.memory_space<hbm>>) dst(%dma_wait3A_345 : memref<112xi32, #tpu.memory_space<vmem>>)
    %dma_wait3A_347 = arith.constant 14 : i32
    %dma_wait3A_348 = arith.constant 0 : i32
    %dma_wait3A_349 = tpu.memref_slice %arg5[%dma_wait3A_347, %dma_wait3A_348] : memref<20x112xi32, #tpu.memory_space<vmem>> -> memref<1x112xi32, #tpu.memory_space<vmem>>
    %dma_wait3A_350 = tpu.memref_squeeze %dma_wait3A_349 : memref<1x112xi32, #tpu.memory_space<vmem>> -> memref<112xi32, #tpu.memory_space<vmem>>
    %dma_wait3A_351 = tpu.memref_slice %arg2[%add3A_157] : memref<81920xi32, #tpu.memory_space<hbm>> -> memref<112xi32, #tpu.memory_space<hbm>>
    %dma_wait3A_352 = arith.constant 0 : i32
    %dma_wait3A_353 = tpu.memref_slice %arg5[%dma_wait3A_347, %dma_wait3A_352] : memref<20x112xi32, #tpu.memory_space<vmem>> -> memref<1x112xi32, #tpu.memory_space<vmem>>
    %dma_wait3A_354 = tpu.memref_squeeze %dma_wait3A_353 : memref<1x112xi32, #tpu.memory_space<vmem>> -> memref<112xi32, #tpu.memory_space<vmem>>
    %dma_wait3A_355 = tpu.memref_slice %arg2[%add3A_157] : memref<81920xi32, #tpu.memory_space<hbm>> -> memref<112xi32, #tpu.memory_space<hbm>>
    tpu.wait_dma2 semaphore(%arg7 : memref<!tpu.dma_semaphore, #tpu.memory_space<semaphore_mem>>) src(%dma_wait3A_355 : memref<112xi32, #tpu.memory_space<hbm>>) dst(%dma_wait3A_354 : memref<112xi32, #tpu.memory_space<vmem>>)
    %dma_wait3A_356 = arith.constant 15 : i32
    %dma_wait3A_357 = arith.constant 0 : i32
    %dma_wait3A_358 = tpu.memref_slice %arg5[%dma_wait3A_356, %dma_wait3A_357] : memref<20x112xi32, #tpu.memory_space<vmem>> -> memref<1x112xi32, #tpu.memory_space<vmem>>
    %dma_wait3A_359 = tpu.memref_squeeze %dma_wait3A_358 : memref<1x112xi32, #tpu.memory_space<vmem>> -> memref<112xi32, #tpu.memory_space<vmem>>
    %dma_wait3A_360 = tpu.memref_slice %arg2[%add3A_168] : memref<81920xi32, #tpu.memory_space<hbm>> -> memref<112xi32, #tpu.memory_space<hbm>>
    %dma_wait3A_361 = arith.constant 0 : i32
    %dma_wait3A_362 = tpu.memref_slice %arg5[%dma_wait3A_356, %dma_wait3A_361] : memref<20x112xi32, #tpu.memory_space<vmem>> -> memref<1x112xi32, #tpu.memory_space<vmem>>
    %dma_wait3A_363 = tpu.memref_squeeze %dma_wait3A_362 : memref<1x112xi32, #tpu.memory_space<vmem>> -> memref<112xi32, #tpu.memory_space<vmem>>
    %dma_wait3A_364 = tpu.memref_slice %arg2[%add3A_168] : memref<81920xi32, #tpu.memory_space<hbm>> -> memref<112xi32, #tpu.memory_space<hbm>>
    tpu.wait_dma2 semaphore(%arg7 : memref<!tpu.dma_semaphore, #tpu.memory_space<semaphore_mem>>) src(%dma_wait3A_364 : memref<112xi32, #tpu.memory_space<hbm>>) dst(%dma_wait3A_363 : memref<112xi32, #tpu.memory_space<vmem>>)
    %dma_wait3A_365 = arith.constant 16 : i32
    %dma_wait3A_366 = arith.constant 0 : i32
    %dma_wait3A_367 = tpu.memref_slice %arg5[%dma_wait3A_365, %dma_wait3A_366] : memref<20x112xi32, #tpu.memory_space<vmem>> -> memref<1x112xi32, #tpu.memory_space<vmem>>
    %dma_wait3A_368 = tpu.memref_squeeze %dma_wait3A_367 : memref<1x112xi32, #tpu.memory_space<vmem>> -> memref<112xi32, #tpu.memory_space<vmem>>
    %dma_wait3A_369 = tpu.memref_slice %arg2[%add3A_179] : memref<81920xi32, #tpu.memory_space<hbm>> -> memref<112xi32, #tpu.memory_space<hbm>>
    %dma_wait3A_370 = arith.constant 0 : i32
    %dma_wait3A_371 = tpu.memref_slice %arg5[%dma_wait3A_365, %dma_wait3A_370] : memref<20x112xi32, #tpu.memory_space<vmem>> -> memref<1x112xi32, #tpu.memory_space<vmem>>
    %dma_wait3A_372 = tpu.memref_squeeze %dma_wait3A_371 : memref<1x112xi32, #tpu.memory_space<vmem>> -> memref<112xi32, #tpu.memory_space<vmem>>
    %dma_wait3A_373 = tpu.memref_slice %arg2[%add3A_179] : memref<81920xi32, #tpu.memory_space<hbm>> -> memref<112xi32, #tpu.memory_space<hbm>>
    tpu.wait_dma2 semaphore(%arg7 : memref<!tpu.dma_semaphore, #tpu.memory_space<semaphore_mem>>) src(%dma_wait3A_373 : memref<112xi32, #tpu.memory_space<hbm>>) dst(%dma_wait3A_372 : memref<112xi32, #tpu.memory_space<vmem>>)
    %dma_wait3A_374 = arith.constant 17 : i32
    %dma_wait3A_375 = arith.constant 0 : i32
    %dma_wait3A_376 = tpu.memref_slice %arg5[%dma_wait3A_374, %dma_wait3A_375] : memref<20x112xi32, #tpu.memory_space<vmem>> -> memref<1x112xi32, #tpu.memory_space<vmem>>
    %dma_wait3A_377 = tpu.memref_squeeze %dma_wait3A_376 : memref<1x112xi32, #tpu.memory_space<vmem>> -> memref<112xi32, #tpu.memory_space<vmem>>
    %dma_wait3A_378 = tpu.memref_slice %arg2[%add3A_190] : memref<81920xi32, #tpu.memory_space<hbm>> -> memref<112xi32, #tpu.memory_space<hbm>>
    %dma_wait3A_379 = arith.constant 0 : i32
    %dma_wait3A_380 = tpu.memref_slice %arg5[%dma_wait3A_374, %dma_wait3A_379] : memref<20x112xi32, #tpu.memory_space<vmem>> -> memref<1x112xi32, #tpu.memory_space<vmem>>
    %dma_wait3A_381 = tpu.memref_squeeze %dma_wait3A_380 : memref<1x112xi32, #tpu.memory_space<vmem>> -> memref<112xi32, #tpu.memory_space<vmem>>
    %dma_wait3A_382 = tpu.memref_slice %arg2[%add3A_190] : memref<81920xi32, #tpu.memory_space<hbm>> -> memref<112xi32, #tpu.memory_space<hbm>>
    tpu.wait_dma2 semaphore(%arg7 : memref<!tpu.dma_semaphore, #tpu.memory_space<semaphore_mem>>) src(%dma_wait3A_382 : memref<112xi32, #tpu.memory_space<hbm>>) dst(%dma_wait3A_381 : memref<112xi32, #tpu.memory_space<vmem>>)
    %dma_wait3A_383 = arith.constant 18 : i32
    %dma_wait3A_384 = arith.constant 0 : i32
    %dma_wait3A_385 = tpu.memref_slice %arg5[%dma_wait3A_383, %dma_wait3A_384] : memref<20x112xi32, #tpu.memory_space<vmem>> -> memref<1x112xi32, #tpu.memory_space<vmem>>
    %dma_wait3A_386 = tpu.memref_squeeze %dma_wait3A_385 : memref<1x112xi32, #tpu.memory_space<vmem>> -> memref<112xi32, #tpu.memory_space<vmem>>
    %dma_wait3A_387 = tpu.memref_slice %arg2[%add3A_201] : memref<81920xi32, #tpu.memory_space<hbm>> -> memref<112xi32, #tpu.memory_space<hbm>>
    %dma_wait3A_388 = arith.constant 0 : i32
    %dma_wait3A_389 = tpu.memref_slice %arg5[%dma_wait3A_383, %dma_wait3A_388] : memref<20x112xi32, #tpu.memory_space<vmem>> -> memref<1x112xi32, #tpu.memory_space<vmem>>
    %dma_wait3A_390 = tpu.memref_squeeze %dma_wait3A_389 : memref<1x112xi32, #tpu.memory_space<vmem>> -> memref<112xi32, #tpu.memory_space<vmem>>
    %dma_wait3A_391 = tpu.memref_slice %arg2[%add3A_201] : memref<81920xi32, #tpu.memory_space<hbm>> -> memref<112xi32, #tpu.memory_space<hbm>>
    tpu.wait_dma2 semaphore(%arg7 : memref<!tpu.dma_semaphore, #tpu.memory_space<semaphore_mem>>) src(%dma_wait3A_391 : memref<112xi32, #tpu.memory_space<hbm>>) dst(%dma_wait3A_390 : memref<112xi32, #tpu.memory_space<vmem>>)
    %dma_wait3A_392 = arith.constant 19 : i32
    %dma_wait3A_393 = arith.constant 0 : i32
    %dma_wait3A_394 = tpu.memref_slice %arg5[%dma_wait3A_392, %dma_wait3A_393] : memref<20x112xi32, #tpu.memory_space<vmem>> -> memref<1x112xi32, #tpu.memory_space<vmem>>
    %dma_wait3A_395 = tpu.memref_squeeze %dma_wait3A_394 : memref<1x112xi32, #tpu.memory_space<vmem>> -> memref<112xi32, #tpu.memory_space<vmem>>
    %dma_wait3A_396 = tpu.memref_slice %arg2[%add3A_212] : memref<81920xi32, #tpu.memory_space<hbm>> -> memref<112xi32, #tpu.memory_space<hbm>>
    %dma_wait3A_397 = arith.constant 0 : i32
    %dma_wait3A_398 = tpu.memref_slice %arg5[%dma_wait3A_392, %dma_wait3A_397] : memref<20x112xi32, #tpu.memory_space<vmem>> -> memref<1x112xi32, #tpu.memory_space<vmem>>
    %dma_wait3A_399 = tpu.memref_squeeze %dma_wait3A_398 : memref<1x112xi32, #tpu.memory_space<vmem>> -> memref<112xi32, #tpu.memory_space<vmem>>
    %dma_wait3A_400 = tpu.memref_slice %arg2[%add3A_212] : memref<81920xi32, #tpu.memory_space<hbm>> -> memref<112xi32, #tpu.memory_space<hbm>>
    tpu.wait_dma2 semaphore(%arg7 : memref<!tpu.dma_semaphore, #tpu.memory_space<semaphore_mem>>) src(%dma_wait3A_400 : memref<112xi32, #tpu.memory_space<hbm>>) dst(%dma_wait3A_399 : memref<112xi32, #tpu.memory_space<vmem>>)
    %dma_start3A_401 = arith.constant 0 : i32
    %dma_start3A_402 = arith.constant 0 : i32
    %dma_start3A_403 = tpu.memref_slice %arg5[%dma_start3A_401, %dma_start3A_402] : memref<20x112xi32, #tpu.memory_space<vmem>> -> memref<1x112xi32, #tpu.memory_space<vmem>>
    %dma_start3A_404 = tpu.memref_squeeze %dma_start3A_403 : memref<1x112xi32, #tpu.memory_space<vmem>> -> memref<112xi32, #tpu.memory_space<vmem>>
    %dma_start3A_405 = arith.constant 0 : i32
    %dma_start3A_406 = arith.constant 0 : i32
    %dma_start3A_407 = tpu.memref_slice %arg3[%dma_start3A_405, %dma_start3A_406] : memref<100000x128xf32, #tpu.memory_space<hbm>> -> memref<100000x128xf32, #tpu.memory_space<hbm>>
    tpu.enqueue_indirect_dma source(%dma_start3A_407 : memref<100000x128xf32, #tpu.memory_space<hbm>>) target(%arg6 : memref<112x128xf32, #tpu.memory_space<vmem>>) offsets(%dma_start3A_404 : memref<112xi32, #tpu.memory_space<vmem>>) semaphore(%arg7 : memref<!tpu.dma_semaphore, #tpu.memory_space<semaphore_mem>>)
    %dma_wait3A_408 = arith.constant 0 : i32
    %dma_wait3A_409 = arith.constant 0 : i32
    %dma_wait3A_410 = tpu.memref_slice %arg5[%dma_wait3A_408, %dma_wait3A_409] : memref<20x112xi32, #tpu.memory_space<vmem>> -> memref<1x112xi32, #tpu.memory_space<vmem>>
    %dma_wait3A_411 = tpu.memref_squeeze %dma_wait3A_410 : memref<1x112xi32, #tpu.memory_space<vmem>> -> memref<112xi32, #tpu.memory_space<vmem>>
    %dma_wait3A_412 = arith.constant 0 : i32
    %dma_wait3A_413 = arith.constant 0 : i32
    %dma_wait3A_414 = tpu.memref_slice %arg3[%dma_wait3A_412, %dma_wait3A_413] : memref<100000x128xf32, #tpu.memory_space<hbm>> -> memref<100000x128xf32, #tpu.memory_space<hbm>>
    tpu.wait_indirect_dma semaphore(%arg7 : memref<!tpu.dma_semaphore, #tpu.memory_space<semaphore_mem>>) src(%dma_wait3A_414 : memref<100000x128xf32, #tpu.memory_space<hbm>>) dst(%arg6 : memref<112x128xf32, #tpu.memory_space<vmem>>)
    %dma_start3A_415 = arith.constant 1 : i32
    %dma_start3A_416 = arith.constant 0 : i32
    %dma_start3A_417 = tpu.memref_slice %arg5[%dma_start3A_415, %dma_start3A_416] : memref<20x112xi32, #tpu.memory_space<vmem>> -> memref<1x112xi32, #tpu.memory_space<vmem>>
    %dma_start3A_418 = tpu.memref_squeeze %dma_start3A_417 : memref<1x112xi32, #tpu.memory_space<vmem>> -> memref<112xi32, #tpu.memory_space<vmem>>
    %dma_start3A_419 = arith.constant 0 : i32
    %dma_start3A_420 = arith.constant 0 : i32
    %dma_start3A_421 = tpu.memref_slice %arg3[%dma_start3A_419, %dma_start3A_420] : memref<100000x128xf32, #tpu.memory_space<hbm>> -> memref<100000x128xf32, #tpu.memory_space<hbm>>
    tpu.enqueue_indirect_dma source(%dma_start3A_421 : memref<100000x128xf32, #tpu.memory_space<hbm>>) target(%arg6 : memref<112x128xf32, #tpu.memory_space<vmem>>) offsets(%dma_start3A_418 : memref<112xi32, #tpu.memory_space<vmem>>) semaphore(%arg7 : memref<!tpu.dma_semaphore, #tpu.memory_space<semaphore_mem>>) {add = true}
    %dma_start3A_422 = arith.constant 2 : i32
    %dma_start3A_423 = arith.constant 0 : i32
    %dma_start3A_424 = tpu.memref_slice %arg5[%dma_start3A_422, %dma_start3A_423] : memref<20x112xi32, #tpu.memory_space<vmem>> -> memref<1x112xi32, #tpu.memory_space<vmem>>
    %dma_start3A_425 = tpu.memref_squeeze %dma_start3A_424 : memref<1x112xi32, #tpu.memory_space<vmem>> -> memref<112xi32, #tpu.memory_space<vmem>>
    %dma_start3A_426 = arith.constant 0 : i32
    %dma_start3A_427 = arith.constant 0 : i32
    %dma_start3A_428 = tpu.memref_slice %arg3[%dma_start3A_426, %dma_start3A_427] : memref<100000x128xf32, #tpu.memory_space<hbm>> -> memref<100000x128xf32, #tpu.memory_space<hbm>>
    tpu.enqueue_indirect_dma source(%dma_start3A_428 : memref<100000x128xf32, #tpu.memory_space<hbm>>) target(%arg6 : memref<112x128xf32, #tpu.memory_space<vmem>>) offsets(%dma_start3A_425 : memref<112xi32, #tpu.memory_space<vmem>>) semaphore(%arg7 : memref<!tpu.dma_semaphore, #tpu.memory_space<semaphore_mem>>) {add = true}
    %dma_start3A_429 = arith.constant 3 : i32
    %dma_start3A_430 = arith.constant 0 : i32
    %dma_start3A_431 = tpu.memref_slice %arg5[%dma_start3A_429, %dma_start3A_430] : memref<20x112xi32, #tpu.memory_space<vmem>> -> memref<1x112xi32, #tpu.memory_space<vmem>>
    %dma_start3A_432 = tpu.memref_squeeze %dma_start3A_431 : memref<1x112xi32, #tpu.memory_space<vmem>> -> memref<112xi32, #tpu.memory_space<vmem>>
    %dma_start3A_433 = arith.constant 0 : i32
    %dma_start3A_434 = arith.constant 0 : i32
    %dma_start3A_435 = tpu.memref_slice %arg3[%dma_start3A_433, %dma_start3A_434] : memref<100000x128xf32, #tpu.memory_space<hbm>> -> memref<100000x128xf32, #tpu.memory_space<hbm>>
    tpu.enqueue_indirect_dma source(%dma_start3A_435 : memref<100000x128xf32, #tpu.memory_space<hbm>>) target(%arg6 : memref<112x128xf32, #tpu.memory_space<vmem>>) offsets(%dma_start3A_432 : memref<112xi32, #tpu.memory_space<vmem>>) semaphore(%arg7 : memref<!tpu.dma_semaphore, #tpu.memory_space<semaphore_mem>>) {add = true}
    %dma_start3A_436 = arith.constant 4 : i32
    %dma_start3A_437 = arith.constant 0 : i32
    %dma_start3A_438 = tpu.memref_slice %arg5[%dma_start3A_436, %dma_start3A_437] : memref<20x112xi32, #tpu.memory_space<vmem>> -> memref<1x112xi32, #tpu.memory_space<vmem>>
    %dma_start3A_439 = tpu.memref_squeeze %dma_start3A_438 : memref<1x112xi32, #tpu.memory_space<vmem>> -> memref<112xi32, #tpu.memory_space<vmem>>
    %dma_start3A_440 = arith.constant 0 : i32
    %dma_start3A_441 = arith.constant 0 : i32
    %dma_start3A_442 = tpu.memref_slice %arg3[%dma_start3A_440, %dma_start3A_441] : memref<100000x128xf32, #tpu.memory_space<hbm>> -> memref<100000x128xf32, #tpu.memory_space<hbm>>
    tpu.enqueue_indirect_dma source(%dma_start3A_442 : memref<100000x128xf32, #tpu.memory_space<hbm>>) target(%arg6 : memref<112x128xf32, #tpu.memory_space<vmem>>) offsets(%dma_start3A_439 : memref<112xi32, #tpu.memory_space<vmem>>) semaphore(%arg7 : memref<!tpu.dma_semaphore, #tpu.memory_space<semaphore_mem>>) {add = true}
    %dma_start3A_443 = arith.constant 5 : i32
    %dma_start3A_444 = arith.constant 0 : i32
    %dma_start3A_445 = tpu.memref_slice %arg5[%dma_start3A_443, %dma_start3A_444] : memref<20x112xi32, #tpu.memory_space<vmem>> -> memref<1x112xi32, #tpu.memory_space<vmem>>
    %dma_start3A_446 = tpu.memref_squeeze %dma_start3A_445 : memref<1x112xi32, #tpu.memory_space<vmem>> -> memref<112xi32, #tpu.memory_space<vmem>>
    %dma_start3A_447 = arith.constant 0 : i32
    %dma_start3A_448 = arith.constant 0 : i32
    %dma_start3A_449 = tpu.memref_slice %arg3[%dma_start3A_447, %dma_start3A_448] : memref<100000x128xf32, #tpu.memory_space<hbm>> -> memref<100000x128xf32, #tpu.memory_space<hbm>>
    tpu.enqueue_indirect_dma source(%dma_start3A_449 : memref<100000x128xf32, #tpu.memory_space<hbm>>) target(%arg6 : memref<112x128xf32, #tpu.memory_space<vmem>>) offsets(%dma_start3A_446 : memref<112xi32, #tpu.memory_space<vmem>>) semaphore(%arg7 : memref<!tpu.dma_semaphore, #tpu.memory_space<semaphore_mem>>) {add = true}
    %dma_start3A_450 = arith.constant 6 : i32
    %dma_start3A_451 = arith.constant 0 : i32
    %dma_start3A_452 = tpu.memref_slice %arg5[%dma_start3A_450, %dma_start3A_451] : memref<20x112xi32, #tpu.memory_space<vmem>> -> memref<1x112xi32, #tpu.memory_space<vmem>>
    %dma_start3A_453 = tpu.memref_squeeze %dma_start3A_452 : memref<1x112xi32, #tpu.memory_space<vmem>> -> memref<112xi32, #tpu.memory_space<vmem>>
    %dma_start3A_454 = arith.constant 0 : i32
    %dma_start3A_455 = arith.constant 0 : i32
    %dma_start3A_456 = tpu.memref_slice %arg3[%dma_start3A_454, %dma_start3A_455] : memref<100000x128xf32, #tpu.memory_space<hbm>> -> memref<100000x128xf32, #tpu.memory_space<hbm>>
    tpu.enqueue_indirect_dma source(%dma_start3A_456 : memref<100000x128xf32, #tpu.memory_space<hbm>>) target(%arg6 : memref<112x128xf32, #tpu.memory_space<vmem>>) offsets(%dma_start3A_453 : memref<112xi32, #tpu.memory_space<vmem>>) semaphore(%arg7 : memref<!tpu.dma_semaphore, #tpu.memory_space<semaphore_mem>>) {add = true}
    %dma_start3A_457 = arith.constant 7 : i32
    %dma_start3A_458 = arith.constant 0 : i32
    %dma_start3A_459 = tpu.memref_slice %arg5[%dma_start3A_457, %dma_start3A_458] : memref<20x112xi32, #tpu.memory_space<vmem>> -> memref<1x112xi32, #tpu.memory_space<vmem>>
    %dma_start3A_460 = tpu.memref_squeeze %dma_start3A_459 : memref<1x112xi32, #tpu.memory_space<vmem>> -> memref<112xi32, #tpu.memory_space<vmem>>
    %dma_start3A_461 = arith.constant 0 : i32
    %dma_start3A_462 = arith.constant 0 : i32
    %dma_start3A_463 = tpu.memref_slice %arg3[%dma_start3A_461, %dma_start3A_462] : memref<100000x128xf32, #tpu.memory_space<hbm>> -> memref<100000x128xf32, #tpu.memory_space<hbm>>
    tpu.enqueue_indirect_dma source(%dma_start3A_463 : memref<100000x128xf32, #tpu.memory_space<hbm>>) target(%arg6 : memref<112x128xf32, #tpu.memory_space<vmem>>) offsets(%dma_start3A_460 : memref<112xi32, #tpu.memory_space<vmem>>) semaphore(%arg7 : memref<!tpu.dma_semaphore, #tpu.memory_space<semaphore_mem>>) {add = true}
    %dma_start3A_464 = arith.constant 8 : i32
    %dma_start3A_465 = arith.constant 0 : i32
    %dma_start3A_466 = tpu.memref_slice %arg5[%dma_start3A_464, %dma_start3A_465] : memref<20x112xi32, #tpu.memory_space<vmem>> -> memref<1x112xi32, #tpu.memory_space<vmem>>
    %dma_start3A_467 = tpu.memref_squeeze %dma_start3A_466 : memref<1x112xi32, #tpu.memory_space<vmem>> -> memref<112xi32, #tpu.memory_space<vmem>>
    %dma_start3A_468 = arith.constant 0 : i32
    %dma_start3A_469 = arith.constant 0 : i32
    %dma_start3A_470 = tpu.memref_slice %arg3[%dma_start3A_468, %dma_start3A_469] : memref<100000x128xf32, #tpu.memory_space<hbm>> -> memref<100000x128xf32, #tpu.memory_space<hbm>>
    tpu.enqueue_indirect_dma source(%dma_start3A_470 : memref<100000x128xf32, #tpu.memory_space<hbm>>) target(%arg6 : memref<112x128xf32, #tpu.memory_space<vmem>>) offsets(%dma_start3A_467 : memref<112xi32, #tpu.memory_space<vmem>>) semaphore(%arg7 : memref<!tpu.dma_semaphore, #tpu.memory_space<semaphore_mem>>) {add = true}
    %dma_start3A_471 = arith.constant 9 : i32
    %dma_start3A_472 = arith.constant 0 : i32
    %dma_start3A_473 = tpu.memref_slice %arg5[%dma_start3A_471, %dma_start3A_472] : memref<20x112xi32, #tpu.memory_space<vmem>> -> memref<1x112xi32, #tpu.memory_space<vmem>>
    %dma_start3A_474 = tpu.memref_squeeze %dma_start3A_473 : memref<1x112xi32, #tpu.memory_space<vmem>> -> memref<112xi32, #tpu.memory_space<vmem>>
    %dma_start3A_475 = arith.constant 0 : i32
    %dma_start3A_476 = arith.constant 0 : i32
    %dma_start3A_477 = tpu.memref_slice %arg3[%dma_start3A_475, %dma_start3A_476] : memref<100000x128xf32, #tpu.memory_space<hbm>> -> memref<100000x128xf32, #tpu.memory_space<hbm>>
    tpu.enqueue_indirect_dma source(%dma_start3A_477 : memref<100000x128xf32, #tpu.memory_space<hbm>>) target(%arg6 : memref<112x128xf32, #tpu.memory_space<vmem>>) offsets(%dma_start3A_474 : memref<112xi32, #tpu.memory_space<vmem>>) semaphore(%arg7 : memref<!tpu.dma_semaphore, #tpu.memory_space<semaphore_mem>>) {add = true}
    %dma_start3A_478 = arith.constant 10 : i32
    %dma_start3A_479 = arith.constant 0 : i32
    %dma_start3A_480 = tpu.memref_slice %arg5[%dma_start3A_478, %dma_start3A_479] : memref<20x112xi32, #tpu.memory_space<vmem>> -> memref<1x112xi32, #tpu.memory_space<vmem>>
    %dma_start3A_481 = tpu.memref_squeeze %dma_start3A_480 : memref<1x112xi32, #tpu.memory_space<vmem>> -> memref<112xi32, #tpu.memory_space<vmem>>
    %dma_start3A_482 = arith.constant 0 : i32
    %dma_start3A_483 = arith.constant 0 : i32
    %dma_start3A_484 = tpu.memref_slice %arg3[%dma_start3A_482, %dma_start3A_483] : memref<100000x128xf32, #tpu.memory_space<hbm>> -> memref<100000x128xf32, #tpu.memory_space<hbm>>
    tpu.enqueue_indirect_dma source(%dma_start3A_484 : memref<100000x128xf32, #tpu.memory_space<hbm>>) target(%arg6 : memref<112x128xf32, #tpu.memory_space<vmem>>) offsets(%dma_start3A_481 : memref<112xi32, #tpu.memory_space<vmem>>) semaphore(%arg7 : memref<!tpu.dma_semaphore, #tpu.memory_space<semaphore_mem>>) {add = true}
    %dma_start3A_485 = arith.constant 11 : i32
    %dma_start3A_486 = arith.constant 0 : i32
    %dma_start3A_487 = tpu.memref_slice %arg5[%dma_start3A_485, %dma_start3A_486] : memref<20x112xi32, #tpu.memory_space<vmem>> -> memref<1x112xi32, #tpu.memory_space<vmem>>
    %dma_start3A_488 = tpu.memref_squeeze %dma_start3A_487 : memref<1x112xi32, #tpu.memory_space<vmem>> -> memref<112xi32, #tpu.memory_space<vmem>>
    %dma_start3A_489 = arith.constant 0 : i32
    %dma_start3A_490 = arith.constant 0 : i32
    %dma_start3A_491 = tpu.memref_slice %arg3[%dma_start3A_489, %dma_start3A_490] : memref<100000x128xf32, #tpu.memory_space<hbm>> -> memref<100000x128xf32, #tpu.memory_space<hbm>>
    tpu.enqueue_indirect_dma source(%dma_start3A_491 : memref<100000x128xf32, #tpu.memory_space<hbm>>) target(%arg6 : memref<112x128xf32, #tpu.memory_space<vmem>>) offsets(%dma_start3A_488 : memref<112xi32, #tpu.memory_space<vmem>>) semaphore(%arg7 : memref<!tpu.dma_semaphore, #tpu.memory_space<semaphore_mem>>) {add = true}
    %dma_start3A_492 = arith.constant 12 : i32
    %dma_start3A_493 = arith.constant 0 : i32
    %dma_start3A_494 = tpu.memref_slice %arg5[%dma_start3A_492, %dma_start3A_493] : memref<20x112xi32, #tpu.memory_space<vmem>> -> memref<1x112xi32, #tpu.memory_space<vmem>>
    %dma_start3A_495 = tpu.memref_squeeze %dma_start3A_494 : memref<1x112xi32, #tpu.memory_space<vmem>> -> memref<112xi32, #tpu.memory_space<vmem>>
    %dma_start3A_496 = arith.constant 0 : i32
    %dma_start3A_497 = arith.constant 0 : i32
    %dma_start3A_498 = tpu.memref_slice %arg3[%dma_start3A_496, %dma_start3A_497] : memref<100000x128xf32, #tpu.memory_space<hbm>> -> memref<100000x128xf32, #tpu.memory_space<hbm>>
    tpu.enqueue_indirect_dma source(%dma_start3A_498 : memref<100000x128xf32, #tpu.memory_space<hbm>>) target(%arg6 : memref<112x128xf32, #tpu.memory_space<vmem>>) offsets(%dma_start3A_495 : memref<112xi32, #tpu.memory_space<vmem>>) semaphore(%arg7 : memref<!tpu.dma_semaphore, #tpu.memory_space<semaphore_mem>>) {add = true}
    %dma_start3A_499 = arith.constant 13 : i32
    %dma_start3A_500 = arith.constant 0 : i32
    %dma_start3A_501 = tpu.memref_slice %arg5[%dma_start3A_499, %dma_start3A_500] : memref<20x112xi32, #tpu.memory_space<vmem>> -> memref<1x112xi32, #tpu.memory_space<vmem>>
    %dma_start3A_502 = tpu.memref_squeeze %dma_start3A_501 : memref<1x112xi32, #tpu.memory_space<vmem>> -> memref<112xi32, #tpu.memory_space<vmem>>
    %dma_start3A_503 = arith.constant 0 : i32
    %dma_start3A_504 = arith.constant 0 : i32
    %dma_start3A_505 = tpu.memref_slice %arg3[%dma_start3A_503, %dma_start3A_504] : memref<100000x128xf32, #tpu.memory_space<hbm>> -> memref<100000x128xf32, #tpu.memory_space<hbm>>
    tpu.enqueue_indirect_dma source(%dma_start3A_505 : memref<100000x128xf32, #tpu.memory_space<hbm>>) target(%arg6 : memref<112x128xf32, #tpu.memory_space<vmem>>) offsets(%dma_start3A_502 : memref<112xi32, #tpu.memory_space<vmem>>) semaphore(%arg7 : memref<!tpu.dma_semaphore, #tpu.memory_space<semaphore_mem>>) {add = true}
    %dma_start3A_506 = arith.constant 14 : i32
    %dma_start3A_507 = arith.constant 0 : i32
    %dma_start3A_508 = tpu.memref_slice %arg5[%dma_start3A_506, %dma_start3A_507] : memref<20x112xi32, #tpu.memory_space<vmem>> -> memref<1x112xi32, #tpu.memory_space<vmem>>
    %dma_start3A_509 = tpu.memref_squeeze %dma_start3A_508 : memref<1x112xi32, #tpu.memory_space<vmem>> -> memref<112xi32, #tpu.memory_space<vmem>>
    %dma_start3A_510 = arith.constant 0 : i32
    %dma_start3A_511 = arith.constant 0 : i32
    %dma_start3A_512 = tpu.memref_slice %arg3[%dma_start3A_510, %dma_start3A_511] : memref<100000x128xf32, #tpu.memory_space<hbm>> -> memref<100000x128xf32, #tpu.memory_space<hbm>>
    tpu.enqueue_indirect_dma source(%dma_start3A_512 : memref<100000x128xf32, #tpu.memory_space<hbm>>) target(%arg6 : memref<112x128xf32, #tpu.memory_space<vmem>>) offsets(%dma_start3A_509 : memref<112xi32, #tpu.memory_space<vmem>>) semaphore(%arg7 : memref<!tpu.dma_semaphore, #tpu.memory_space<semaphore_mem>>) {add = true}
    %dma_start3A_513 = arith.constant 15 : i32
    %dma_start3A_514 = arith.constant 0 : i32
    %dma_start3A_515 = tpu.memref_slice %arg5[%dma_start3A_513, %dma_start3A_514] : memref<20x112xi32, #tpu.memory_space<vmem>> -> memref<1x112xi32, #tpu.memory_space<vmem>>
    %dma_start3A_516 = tpu.memref_squeeze %dma_start3A_515 : memref<1x112xi32, #tpu.memory_space<vmem>> -> memref<112xi32, #tpu.memory_space<vmem>>
    %dma_start3A_517 = arith.constant 0 : i32
    %dma_start3A_518 = arith.constant 0 : i32
    %dma_start3A_519 = tpu.memref_slice %arg3[%dma_start3A_517, %dma_start3A_518] : memref<100000x128xf32, #tpu.memory_space<hbm>> -> memref<100000x128xf32, #tpu.memory_space<hbm>>
    tpu.enqueue_indirect_dma source(%dma_start3A_519 : memref<100000x128xf32, #tpu.memory_space<hbm>>) target(%arg6 : memref<112x128xf32, #tpu.memory_space<vmem>>) offsets(%dma_start3A_516 : memref<112xi32, #tpu.memory_space<vmem>>) semaphore(%arg7 : memref<!tpu.dma_semaphore, #tpu.memory_space<semaphore_mem>>) {add = true}
    %dma_start3A_520 = arith.constant 16 : i32
    %dma_start3A_521 = arith.constant 0 : i32
    %dma_start3A_522 = tpu.memref_slice %arg5[%dma_start3A_520, %dma_start3A_521] : memref<20x112xi32, #tpu.memory_space<vmem>> -> memref<1x112xi32, #tpu.memory_space<vmem>>
    %dma_start3A_523 = tpu.memref_squeeze %dma_start3A_522 : memref<1x112xi32, #tpu.memory_space<vmem>> -> memref<112xi32, #tpu.memory_space<vmem>>
    %dma_start3A_524 = arith.constant 0 : i32
    %dma_start3A_525 = arith.constant 0 : i32
    %dma_start3A_526 = tpu.memref_slice %arg3[%dma_start3A_524, %dma_start3A_525] : memref<100000x128xf32, #tpu.memory_space<hbm>> -> memref<100000x128xf32, #tpu.memory_space<hbm>>
    tpu.enqueue_indirect_dma source(%dma_start3A_526 : memref<100000x128xf32, #tpu.memory_space<hbm>>) target(%arg6 : memref<112x128xf32, #tpu.memory_space<vmem>>) offsets(%dma_start3A_523 : memref<112xi32, #tpu.memory_space<vmem>>) semaphore(%arg7 : memref<!tpu.dma_semaphore, #tpu.memory_space<semaphore_mem>>) {add = true}
    %dma_start3A_527 = arith.constant 17 : i32
    %dma_start3A_528 = arith.constant 0 : i32
    %dma_start3A_529 = tpu.memref_slice %arg5[%dma_start3A_527, %dma_start3A_528] : memref<20x112xi32, #tpu.memory_space<vmem>> -> memref<1x112xi32, #tpu.memory_space<vmem>>
    %dma_start3A_530 = tpu.memref_squeeze %dma_start3A_529 : memref<1x112xi32, #tpu.memory_space<vmem>> -> memref<112xi32, #tpu.memory_space<vmem>>
    %dma_start3A_531 = arith.constant 0 : i32
    %dma_start3A_532 = arith.constant 0 : i32
    %dma_start3A_533 = tpu.memref_slice %arg3[%dma_start3A_531, %dma_start3A_532] : memref<100000x128xf32, #tpu.memory_space<hbm>> -> memref<100000x128xf32, #tpu.memory_space<hbm>>
    tpu.enqueue_indirect_dma source(%dma_start3A_533 : memref<100000x128xf32, #tpu.memory_space<hbm>>) target(%arg6 : memref<112x128xf32, #tpu.memory_space<vmem>>) offsets(%dma_start3A_530 : memref<112xi32, #tpu.memory_space<vmem>>) semaphore(%arg7 : memref<!tpu.dma_semaphore, #tpu.memory_space<semaphore_mem>>) {add = true}
    %dma_start3A_534 = arith.constant 18 : i32
    %dma_start3A_535 = arith.constant 0 : i32
    %dma_start3A_536 = tpu.memref_slice %arg5[%dma_start3A_534, %dma_start3A_535] : memref<20x112xi32, #tpu.memory_space<vmem>> -> memref<1x112xi32, #tpu.memory_space<vmem>>
    %dma_start3A_537 = tpu.memref_squeeze %dma_start3A_536 : memref<1x112xi32, #tpu.memory_space<vmem>> -> memref<112xi32, #tpu.memory_space<vmem>>
    %dma_start3A_538 = arith.constant 0 : i32
    %dma_start3A_539 = arith.constant 0 : i32
    %dma_start3A_540 = tpu.memref_slice %arg3[%dma_start3A_538, %dma_start3A_539] : memref<100000x128xf32, #tpu.memory_space<hbm>> -> memref<100000x128xf32, #tpu.memory_space<hbm>>
    tpu.enqueue_indirect_dma source(%dma_start3A_540 : memref<100000x128xf32, #tpu.memory_space<hbm>>) target(%arg6 : memref<112x128xf32, #tpu.memory_space<vmem>>) offsets(%dma_start3A_537 : memref<112xi32, #tpu.memory_space<vmem>>) semaphore(%arg7 : memref<!tpu.dma_semaphore, #tpu.memory_space<semaphore_mem>>) {add = true}
    %dma_start3A_541 = arith.constant 19 : i32
    %dma_start3A_542 = arith.constant 0 : i32
    %dma_start3A_543 = tpu.memref_slice %arg5[%dma_start3A_541, %dma_start3A_542] : memref<20x112xi32, #tpu.memory_space<vmem>> -> memref<1x112xi32, #tpu.memory_space<vmem>>
    %dma_start3A_544 = tpu.memref_squeeze %dma_start3A_543 : memref<1x112xi32, #tpu.memory_space<vmem>> -> memref<112xi32, #tpu.memory_space<vmem>>
    %dma_start3A_545 = arith.constant 0 : i32
    %dma_start3A_546 = arith.constant 0 : i32
    %dma_start3A_547 = tpu.memref_slice %arg3[%dma_start3A_545, %dma_start3A_546] : memref<100000x128xf32, #tpu.memory_space<hbm>> -> memref<100000x128xf32, #tpu.memory_space<hbm>>
    tpu.enqueue_indirect_dma source(%dma_start3A_547 : memref<100000x128xf32, #tpu.memory_space<hbm>>) target(%arg6 : memref<112x128xf32, #tpu.memory_space<vmem>>) offsets(%dma_start3A_544 : memref<112xi32, #tpu.memory_space<vmem>>) semaphore(%arg7 : memref<!tpu.dma_semaphore, #tpu.memory_space<semaphore_mem>>) {add = true}
    %dma_wait3A_548 = arith.constant 1 : i32
    %dma_wait3A_549 = arith.constant 0 : i32
    %dma_wait3A_550 = tpu.memref_slice %arg5[%dma_wait3A_548, %dma_wait3A_549] : memref<20x112xi32, #tpu.memory_space<vmem>> -> memref<1x112xi32, #tpu.memory_space<vmem>>
    %dma_wait3A_551 = tpu.memref_squeeze %dma_wait3A_550 : memref<1x112xi32, #tpu.memory_space<vmem>> -> memref<112xi32, #tpu.memory_space<vmem>>
    %dma_wait3A_552 = arith.constant 0 : i32
    %dma_wait3A_553 = arith.constant 0 : i32
    %dma_wait3A_554 = tpu.memref_slice %arg3[%dma_wait3A_552, %dma_wait3A_553] : memref<100000x128xf32, #tpu.memory_space<hbm>> -> memref<100000x128xf32, #tpu.memory_space<hbm>>
    tpu.wait_indirect_dma semaphore(%arg7 : memref<!tpu.dma_semaphore, #tpu.memory_space<semaphore_mem>>) src(%dma_wait3A_554 : memref<100000x128xf32, #tpu.memory_space<hbm>>) dst(%arg6 : memref<112x128xf32, #tpu.memory_space<vmem>>)
    %dma_wait3A_555 = arith.constant 2 : i32
    %dma_wait3A_556 = arith.constant 0 : i32
    %dma_wait3A_557 = tpu.memref_slice %arg5[%dma_wait3A_555, %dma_wait3A_556] : memref<20x112xi32, #tpu.memory_space<vmem>> -> memref<1x112xi32, #tpu.memory_space<vmem>>
    %dma_wait3A_558 = tpu.memref_squeeze %dma_wait3A_557 : memref<1x112xi32, #tpu.memory_space<vmem>> -> memref<112xi32, #tpu.memory_space<vmem>>
    %dma_wait3A_559 = arith.constant 0 : i32
    %dma_wait3A_560 = arith.constant 0 : i32
    %dma_wait3A_561 = tpu.memref_slice %arg3[%dma_wait3A_559, %dma_wait3A_560] : memref<100000x128xf32, #tpu.memory_space<hbm>> -> memref<100000x128xf32, #tpu.memory_space<hbm>>
    tpu.wait_indirect_dma semaphore(%arg7 : memref<!tpu.dma_semaphore, #tpu.memory_space<semaphore_mem>>) src(%dma_wait3A_561 : memref<100000x128xf32, #tpu.memory_space<hbm>>) dst(%arg6 : memref<112x128xf32, #tpu.memory_space<vmem>>)
    %dma_wait3A_562 = arith.constant 3 : i32
    %dma_wait3A_563 = arith.constant 0 : i32
    %dma_wait3A_564 = tpu.memref_slice %arg5[%dma_wait3A_562, %dma_wait3A_563] : memref<20x112xi32, #tpu.memory_space<vmem>> -> memref<1x112xi32, #tpu.memory_space<vmem>>
    %dma_wait3A_565 = tpu.memref_squeeze %dma_wait3A_564 : memref<1x112xi32, #tpu.memory_space<vmem>> -> memref<112xi32, #tpu.memory_space<vmem>>
    %dma_wait3A_566 = arith.constant 0 : i32
    %dma_wait3A_567 = arith.constant 0 : i32
    %dma_wait3A_568 = tpu.memref_slice %arg3[%dma_wait3A_566, %dma_wait3A_567] : memref<100000x128xf32, #tpu.memory_space<hbm>> -> memref<100000x128xf32, #tpu.memory_space<hbm>>
    tpu.wait_indirect_dma semaphore(%arg7 : memref<!tpu.dma_semaphore, #tpu.memory_space<semaphore_mem>>) src(%dma_wait3A_568 : memref<100000x128xf32, #tpu.memory_space<hbm>>) dst(%arg6 : memref<112x128xf32, #tpu.memory_space<vmem>>)
    %dma_wait3A_569 = arith.constant 4 : i32
    %dma_wait3A_570 = arith.constant 0 : i32
    %dma_wait3A_571 = tpu.memref_slice %arg5[%dma_wait3A_569, %dma_wait3A_570] : memref<20x112xi32, #tpu.memory_space<vmem>> -> memref<1x112xi32, #tpu.memory_space<vmem>>
    %dma_wait3A_572 = tpu.memref_squeeze %dma_wait3A_571 : memref<1x112xi32, #tpu.memory_space<vmem>> -> memref<112xi32, #tpu.memory_space<vmem>>
    %dma_wait3A_573 = arith.constant 0 : i32
    %dma_wait3A_574 = arith.constant 0 : i32
    %dma_wait3A_575 = tpu.memref_slice %arg3[%dma_wait3A_573, %dma_wait3A_574] : memref<100000x128xf32, #tpu.memory_space<hbm>> -> memref<100000x128xf32, #tpu.memory_space<hbm>>
    tpu.wait_indirect_dma semaphore(%arg7 : memref<!tpu.dma_semaphore, #tpu.memory_space<semaphore_mem>>) src(%dma_wait3A_575 : memref<100000x128xf32, #tpu.memory_space<hbm>>) dst(%arg6 : memref<112x128xf32, #tpu.memory_space<vmem>>)
    %dma_wait3A_576 = arith.constant 5 : i32
    %dma_wait3A_577 = arith.constant 0 : i32
    %dma_wait3A_578 = tpu.memref_slice %arg5[%dma_wait3A_576, %dma_wait3A_577] : memref<20x112xi32, #tpu.memory_space<vmem>> -> memref<1x112xi32, #tpu.memory_space<vmem>>
    %dma_wait3A_579 = tpu.memref_squeeze %dma_wait3A_578 : memref<1x112xi32, #tpu.memory_space<vmem>> -> memref<112xi32, #tpu.memory_space<vmem>>
    %dma_wait3A_580 = arith.constant 0 : i32
    %dma_wait3A_581 = arith.constant 0 : i32
    %dma_wait3A_582 = tpu.memref_slice %arg3[%dma_wait3A_580, %dma_wait3A_581] : memref<100000x128xf32, #tpu.memory_space<hbm>> -> memref<100000x128xf32, #tpu.memory_space<hbm>>
    tpu.wait_indirect_dma semaphore(%arg7 : memref<!tpu.dma_semaphore, #tpu.memory_space<semaphore_mem>>) src(%dma_wait3A_582 : memref<100000x128xf32, #tpu.memory_space<hbm>>) dst(%arg6 : memref<112x128xf32, #tpu.memory_space<vmem>>)
    %dma_wait3A_583 = arith.constant 6 : i32
    %dma_wait3A_584 = arith.constant 0 : i32
    %dma_wait3A_585 = tpu.memref_slice %arg5[%dma_wait3A_583, %dma_wait3A_584] : memref<20x112xi32, #tpu.memory_space<vmem>> -> memref<1x112xi32, #tpu.memory_space<vmem>>
    %dma_wait3A_586 = tpu.memref_squeeze %dma_wait3A_585 : memref<1x112xi32, #tpu.memory_space<vmem>> -> memref<112xi32, #tpu.memory_space<vmem>>
    %dma_wait3A_587 = arith.constant 0 : i32
    %dma_wait3A_588 = arith.constant 0 : i32
    %dma_wait3A_589 = tpu.memref_slice %arg3[%dma_wait3A_587, %dma_wait3A_588] : memref<100000x128xf32, #tpu.memory_space<hbm>> -> memref<100000x128xf32, #tpu.memory_space<hbm>>
    tpu.wait_indirect_dma semaphore(%arg7 : memref<!tpu.dma_semaphore, #tpu.memory_space<semaphore_mem>>) src(%dma_wait3A_589 : memref<100000x128xf32, #tpu.memory_space<hbm>>) dst(%arg6 : memref<112x128xf32, #tpu.memory_space<vmem>>)
    %dma_wait3A_590 = arith.constant 7 : i32
    %dma_wait3A_591 = arith.constant 0 : i32
    %dma_wait3A_592 = tpu.memref_slice %arg5[%dma_wait3A_590, %dma_wait3A_591] : memref<20x112xi32, #tpu.memory_space<vmem>> -> memref<1x112xi32, #tpu.memory_space<vmem>>
    %dma_wait3A_593 = tpu.memref_squeeze %dma_wait3A_592 : memref<1x112xi32, #tpu.memory_space<vmem>> -> memref<112xi32, #tpu.memory_space<vmem>>
    %dma_wait3A_594 = arith.constant 0 : i32
    %dma_wait3A_595 = arith.constant 0 : i32
    %dma_wait3A_596 = tpu.memref_slice %arg3[%dma_wait3A_594, %dma_wait3A_595] : memref<100000x128xf32, #tpu.memory_space<hbm>> -> memref<100000x128xf32, #tpu.memory_space<hbm>>
    tpu.wait_indirect_dma semaphore(%arg7 : memref<!tpu.dma_semaphore, #tpu.memory_space<semaphore_mem>>) src(%dma_wait3A_596 : memref<100000x128xf32, #tpu.memory_space<hbm>>) dst(%arg6 : memref<112x128xf32, #tpu.memory_space<vmem>>)
    %dma_wait3A_597 = arith.constant 8 : i32
    %dma_wait3A_598 = arith.constant 0 : i32
    %dma_wait3A_599 = tpu.memref_slice %arg5[%dma_wait3A_597, %dma_wait3A_598] : memref<20x112xi32, #tpu.memory_space<vmem>> -> memref<1x112xi32, #tpu.memory_space<vmem>>
    %dma_wait3A_600 = tpu.memref_squeeze %dma_wait3A_599 : memref<1x112xi32, #tpu.memory_space<vmem>> -> memref<112xi32, #tpu.memory_space<vmem>>
    %dma_wait3A_601 = arith.constant 0 : i32
    %dma_wait3A_602 = arith.constant 0 : i32
    %dma_wait3A_603 = tpu.memref_slice %arg3[%dma_wait3A_601, %dma_wait3A_602] : memref<100000x128xf32, #tpu.memory_space<hbm>> -> memref<100000x128xf32, #tpu.memory_space<hbm>>
    tpu.wait_indirect_dma semaphore(%arg7 : memref<!tpu.dma_semaphore, #tpu.memory_space<semaphore_mem>>) src(%dma_wait3A_603 : memref<100000x128xf32, #tpu.memory_space<hbm>>) dst(%arg6 : memref<112x128xf32, #tpu.memory_space<vmem>>)
    %dma_wait3A_604 = arith.constant 9 : i32
    %dma_wait3A_605 = arith.constant 0 : i32
    %dma_wait3A_606 = tpu.memref_slice %arg5[%dma_wait3A_604, %dma_wait3A_605] : memref<20x112xi32, #tpu.memory_space<vmem>> -> memref<1x112xi32, #tpu.memory_space<vmem>>
    %dma_wait3A_607 = tpu.memref_squeeze %dma_wait3A_606 : memref<1x112xi32, #tpu.memory_space<vmem>> -> memref<112xi32, #tpu.memory_space<vmem>>
    %dma_wait3A_608 = arith.constant 0 : i32
    %dma_wait3A_609 = arith.constant 0 : i32
    %dma_wait3A_610 = tpu.memref_slice %arg3[%dma_wait3A_608, %dma_wait3A_609] : memref<100000x128xf32, #tpu.memory_space<hbm>> -> memref<100000x128xf32, #tpu.memory_space<hbm>>
    tpu.wait_indirect_dma semaphore(%arg7 : memref<!tpu.dma_semaphore, #tpu.memory_space<semaphore_mem>>) src(%dma_wait3A_610 : memref<100000x128xf32, #tpu.memory_space<hbm>>) dst(%arg6 : memref<112x128xf32, #tpu.memory_space<vmem>>)
    %dma_wait3A_611 = arith.constant 10 : i32
    %dma_wait3A_612 = arith.constant 0 : i32
    %dma_wait3A_613 = tpu.memref_slice %arg5[%dma_wait3A_611, %dma_wait3A_612] : memref<20x112xi32, #tpu.memory_space<vmem>> -> memref<1x112xi32, #tpu.memory_space<vmem>>
    %dma_wait3A_614 = tpu.memref_squeeze %dma_wait3A_613 : memref<1x112xi32, #tpu.memory_space<vmem>> -> memref<112xi32, #tpu.memory_space<vmem>>
    %dma_wait3A_615 = arith.constant 0 : i32
    %dma_wait3A_616 = arith.constant 0 : i32
    %dma_wait3A_617 = tpu.memref_slice %arg3[%dma_wait3A_615, %dma_wait3A_616] : memref<100000x128xf32, #tpu.memory_space<hbm>> -> memref<100000x128xf32, #tpu.memory_space<hbm>>
    tpu.wait_indirect_dma semaphore(%arg7 : memref<!tpu.dma_semaphore, #tpu.memory_space<semaphore_mem>>) src(%dma_wait3A_617 : memref<100000x128xf32, #tpu.memory_space<hbm>>) dst(%arg6 : memref<112x128xf32, #tpu.memory_space<vmem>>)
    %dma_wait3A_618 = arith.constant 11 : i32
    %dma_wait3A_619 = arith.constant 0 : i32
    %dma_wait3A_620 = tpu.memref_slice %arg5[%dma_wait3A_618, %dma_wait3A_619] : memref<20x112xi32, #tpu.memory_space<vmem>> -> memref<1x112xi32, #tpu.memory_space<vmem>>
    %dma_wait3A_621 = tpu.memref_squeeze %dma_wait3A_620 : memref<1x112xi32, #tpu.memory_space<vmem>> -> memref<112xi32, #tpu.memory_space<vmem>>
    %dma_wait3A_622 = arith.constant 0 : i32
    %dma_wait3A_623 = arith.constant 0 : i32
    %dma_wait3A_624 = tpu.memref_slice %arg3[%dma_wait3A_622, %dma_wait3A_623] : memref<100000x128xf32, #tpu.memory_space<hbm>> -> memref<100000x128xf32, #tpu.memory_space<hbm>>
    tpu.wait_indirect_dma semaphore(%arg7 : memref<!tpu.dma_semaphore, #tpu.memory_space<semaphore_mem>>) src(%dma_wait3A_624 : memref<100000x128xf32, #tpu.memory_space<hbm>>) dst(%arg6 : memref<112x128xf32, #tpu.memory_space<vmem>>)
    %dma_wait3A_625 = arith.constant 12 : i32
    %dma_wait3A_626 = arith.constant 0 : i32
    %dma_wait3A_627 = tpu.memref_slice %arg5[%dma_wait3A_625, %dma_wait3A_626] : memref<20x112xi32, #tpu.memory_space<vmem>> -> memref<1x112xi32, #tpu.memory_space<vmem>>
    %dma_wait3A_628 = tpu.memref_squeeze %dma_wait3A_627 : memref<1x112xi32, #tpu.memory_space<vmem>> -> memref<112xi32, #tpu.memory_space<vmem>>
    %dma_wait3A_629 = arith.constant 0 : i32
    %dma_wait3A_630 = arith.constant 0 : i32
    %dma_wait3A_631 = tpu.memref_slice %arg3[%dma_wait3A_629, %dma_wait3A_630] : memref<100000x128xf32, #tpu.memory_space<hbm>> -> memref<100000x128xf32, #tpu.memory_space<hbm>>
    tpu.wait_indirect_dma semaphore(%arg7 : memref<!tpu.dma_semaphore, #tpu.memory_space<semaphore_mem>>) src(%dma_wait3A_631 : memref<100000x128xf32, #tpu.memory_space<hbm>>) dst(%arg6 : memref<112x128xf32, #tpu.memory_space<vmem>>)
    %dma_wait3A_632 = arith.constant 13 : i32
    %dma_wait3A_633 = arith.constant 0 : i32
    %dma_wait3A_634 = tpu.memref_slice %arg5[%dma_wait3A_632, %dma_wait3A_633] : memref<20x112xi32, #tpu.memory_space<vmem>> -> memref<1x112xi32, #tpu.memory_space<vmem>>
    %dma_wait3A_635 = tpu.memref_squeeze %dma_wait3A_634 : memref<1x112xi32, #tpu.memory_space<vmem>> -> memref<112xi32, #tpu.memory_space<vmem>>
    %dma_wait3A_636 = arith.constant 0 : i32
    %dma_wait3A_637 = arith.constant 0 : i32
    %dma_wait3A_638 = tpu.memref_slice %arg3[%dma_wait3A_636, %dma_wait3A_637] : memref<100000x128xf32, #tpu.memory_space<hbm>> -> memref<100000x128xf32, #tpu.memory_space<hbm>>
    tpu.wait_indirect_dma semaphore(%arg7 : memref<!tpu.dma_semaphore, #tpu.memory_space<semaphore_mem>>) src(%dma_wait3A_638 : memref<100000x128xf32, #tpu.memory_space<hbm>>) dst(%arg6 : memref<112x128xf32, #tpu.memory_space<vmem>>)
    %dma_wait3A_639 = arith.constant 14 : i32
    %dma_wait3A_640 = arith.constant 0 : i32
    %dma_wait3A_641 = tpu.memref_slice %arg5[%dma_wait3A_639, %dma_wait3A_640] : memref<20x112xi32, #tpu.memory_space<vmem>> -> memref<1x112xi32, #tpu.memory_space<vmem>>
    %dma_wait3A_642 = tpu.memref_squeeze %dma_wait3A_641 : memref<1x112xi32, #tpu.memory_space<vmem>> -> memref<112xi32, #tpu.memory_space<vmem>>
    %dma_wait3A_643 = arith.constant 0 : i32
    %dma_wait3A_644 = arith.constant 0 : i32
    %dma_wait3A_645 = tpu.memref_slice %arg3[%dma_wait3A_643, %dma_wait3A_644] : memref<100000x128xf32, #tpu.memory_space<hbm>> -> memref<100000x128xf32, #tpu.memory_space<hbm>>
    tpu.wait_indirect_dma semaphore(%arg7 : memref<!tpu.dma_semaphore, #tpu.memory_space<semaphore_mem>>) src(%dma_wait3A_645 : memref<100000x128xf32, #tpu.memory_space<hbm>>) dst(%arg6 : memref<112x128xf32, #tpu.memory_space<vmem>>)
    %dma_wait3A_646 = arith.constant 15 : i32
    %dma_wait3A_647 = arith.constant 0 : i32
    %dma_wait3A_648 = tpu.memref_slice %arg5[%dma_wait3A_646, %dma_wait3A_647] : memref<20x112xi32, #tpu.memory_space<vmem>> -> memref<1x112xi32, #tpu.memory_space<vmem>>
    %dma_wait3A_649 = tpu.memref_squeeze %dma_wait3A_648 : memref<1x112xi32, #tpu.memory_space<vmem>> -> memref<112xi32, #tpu.memory_space<vmem>>
    %dma_wait3A_650 = arith.constant 0 : i32
    %dma_wait3A_651 = arith.constant 0 : i32
    %dma_wait3A_652 = tpu.memref_slice %arg3[%dma_wait3A_650, %dma_wait3A_651] : memref<100000x128xf32, #tpu.memory_space<hbm>> -> memref<100000x128xf32, #tpu.memory_space<hbm>>
    tpu.wait_indirect_dma semaphore(%arg7 : memref<!tpu.dma_semaphore, #tpu.memory_space<semaphore_mem>>) src(%dma_wait3A_652 : memref<100000x128xf32, #tpu.memory_space<hbm>>) dst(%arg6 : memref<112x128xf32, #tpu.memory_space<vmem>>)
    %dma_wait3A_653 = arith.constant 16 : i32
    %dma_wait3A_654 = arith.constant 0 : i32
    %dma_wait3A_655 = tpu.memref_slice %arg5[%dma_wait3A_653, %dma_wait3A_654] : memref<20x112xi32, #tpu.memory_space<vmem>> -> memref<1x112xi32, #tpu.memory_space<vmem>>
    %dma_wait3A_656 = tpu.memref_squeeze %dma_wait3A_655 : memref<1x112xi32, #tpu.memory_space<vmem>> -> memref<112xi32, #tpu.memory_space<vmem>>
    %dma_wait3A_657 = arith.constant 0 : i32
    %dma_wait3A_658 = arith.constant 0 : i32
    %dma_wait3A_659 = tpu.memref_slice %arg3[%dma_wait3A_657, %dma_wait3A_658] : memref<100000x128xf32, #tpu.memory_space<hbm>> -> memref<100000x128xf32, #tpu.memory_space<hbm>>
    tpu.wait_indirect_dma semaphore(%arg7 : memref<!tpu.dma_semaphore, #tpu.memory_space<semaphore_mem>>) src(%dma_wait3A_659 : memref<100000x128xf32, #tpu.memory_space<hbm>>) dst(%arg6 : memref<112x128xf32, #tpu.memory_space<vmem>>)
    %dma_wait3A_660 = arith.constant 17 : i32
    %dma_wait3A_661 = arith.constant 0 : i32
    %dma_wait3A_662 = tpu.memref_slice %arg5[%dma_wait3A_660, %dma_wait3A_661] : memref<20x112xi32, #tpu.memory_space<vmem>> -> memref<1x112xi32, #tpu.memory_space<vmem>>
    %dma_wait3A_663 = tpu.memref_squeeze %dma_wait3A_662 : memref<1x112xi32, #tpu.memory_space<vmem>> -> memref<112xi32, #tpu.memory_space<vmem>>
    %dma_wait3A_664 = arith.constant 0 : i32
    %dma_wait3A_665 = arith.constant 0 : i32
    %dma_wait3A_666 = tpu.memref_slice %arg3[%dma_wait3A_664, %dma_wait3A_665] : memref<100000x128xf32, #tpu.memory_space<hbm>> -> memref<100000x128xf32, #tpu.memory_space<hbm>>
    tpu.wait_indirect_dma semaphore(%arg7 : memref<!tpu.dma_semaphore, #tpu.memory_space<semaphore_mem>>) src(%dma_wait3A_666 : memref<100000x128xf32, #tpu.memory_space<hbm>>) dst(%arg6 : memref<112x128xf32, #tpu.memory_space<vmem>>)
    %dma_wait3A_667 = arith.constant 18 : i32
    %dma_wait3A_668 = arith.constant 0 : i32
    %dma_wait3A_669 = tpu.memref_slice %arg5[%dma_wait3A_667, %dma_wait3A_668] : memref<20x112xi32, #tpu.memory_space<vmem>> -> memref<1x112xi32, #tpu.memory_space<vmem>>
    %dma_wait3A_670 = tpu.memref_squeeze %dma_wait3A_669 : memref<1x112xi32, #tpu.memory_space<vmem>> -> memref<112xi32, #tpu.memory_space<vmem>>
    %dma_wait3A_671 = arith.constant 0 : i32
    %dma_wait3A_672 = arith.constant 0 : i32
    %dma_wait3A_673 = tpu.memref_slice %arg3[%dma_wait3A_671, %dma_wait3A_672] : memref<100000x128xf32, #tpu.memory_space<hbm>> -> memref<100000x128xf32, #tpu.memory_space<hbm>>
    tpu.wait_indirect_dma semaphore(%arg7 : memref<!tpu.dma_semaphore, #tpu.memory_space<semaphore_mem>>) src(%dma_wait3A_673 : memref<100000x128xf32, #tpu.memory_space<hbm>>) dst(%arg6 : memref<112x128xf32, #tpu.memory_space<vmem>>)
    %dma_wait3A_674 = arith.constant 19 : i32
    %dma_wait3A_675 = arith.constant 0 : i32
    %dma_wait3A_676 = tpu.memref_slice %arg5[%dma_wait3A_674, %dma_wait3A_675] : memref<20x112xi32, #tpu.memory_space<vmem>> -> memref<1x112xi32, #tpu.memory_space<vmem>>
    %dma_wait3A_677 = tpu.memref_squeeze %dma_wait3A_676 : memref<1x112xi32, #tpu.memory_space<vmem>> -> memref<112xi32, #tpu.memory_space<vmem>>
    %dma_wait3A_678 = arith.constant 0 : i32
    %dma_wait3A_679 = arith.constant 0 : i32
    %dma_wait3A_680 = tpu.memref_slice %arg3[%dma_wait3A_678, %dma_wait3A_679] : memref<100000x128xf32, #tpu.memory_space<hbm>> -> memref<100000x128xf32, #tpu.memory_space<hbm>>
    tpu.wait_indirect_dma semaphore(%arg7 : memref<!tpu.dma_semaphore, #tpu.memory_space<semaphore_mem>>) src(%dma_wait3A_680 : memref<100000x128xf32, #tpu.memory_space<hbm>>) dst(%arg6 : memref<112x128xf32, #tpu.memory_space<vmem>>)
    "tpu.region"() ({
      %run_scoped3A = tpu.sem_alloc : memref<!tpu.dma_semaphore, #tpu.memory_space<semaphore_mem>>
      %dma_start3A_681 = arith.constant 0 : i32
      %dma_start3A_682 = tpu.memref_slice %arg4[%mul3A_2, %dma_start3A_681] : memref<3584x128xf32, #tpu.memory_space<hbm>> -> memref<112x128xf32, #tpu.memory_space<hbm>>
      %dma_start3A_683 = arith.constant 0 : i32
      %dma_start3A_684 = tpu.memref_slice %arg4[%mul3A_2, %dma_start3A_683] : memref<3584x128xf32, #tpu.memory_space<hbm>> -> memref<112x128xf32, #tpu.memory_space<hbm>>
      tpu.enqueue_dma source(%arg6 : memref<112x128xf32, #tpu.memory_space<vmem>>) target(%dma_start3A_684 : memref<112x128xf32, #tpu.memory_space<hbm>>) target_semaphore(%run_scoped3A : memref<!tpu.dma_semaphore, #tpu.memory_space<semaphore_mem>>)
      %dma_wait3A_685 = arith.constant 0 : i32
      %dma_wait3A_686 = tpu.memref_slice %arg4[%mul3A_2, %dma_wait3A_685] : memref<3584x128xf32, #tpu.memory_space<hbm>> -> memref<112x128xf32, #tpu.memory_space<hbm>>
      %dma_wait3A_687 = arith.constant 0 : i32
      %dma_wait3A_688 = tpu.memref_slice %arg4[%mul3A_2, %dma_wait3A_687] : memref<3584x128xf32, #tpu.memory_space<hbm>> -> memref<112x128xf32, #tpu.memory_space<hbm>>
      tpu.wait_dma2 semaphore(%run_scoped3A : memref<!tpu.dma_semaphore, #tpu.memory_space<semaphore_mem>>) src(%arg6 : memref<112x128xf32, #tpu.memory_space<vmem>>) dst(%dma_wait3A_688 : memref<112x128xf32, #tpu.memory_space<hbm>>)
      tpu.yield
    }) : () -> ()
    return
  }
}

#map = affine_map<(d0, d1) -> (0)>
#map1 = affine_map<(d0, d1) -> (0, 0)>
module attributes {stable_mosaic.version = 14 : i64} {
  func.func @sc_sum(%arg0: i32, %arg1: i32, %arg2: memref<81920xi32, #tpu.memory_space<hbm>>, %arg3: memref<100000x128xf32, #tpu.memory_space<hbm>>, %arg4: memref<512x128xf32, #tpu.memory_space<hbm>>, %arg5: memref<20x16xi32, #tpu.memory_space<vmem>>, %arg6: memref<16x128xf32, #tpu.memory_space<vmem>>, %arg7: memref<!tpu.dma_semaphore, #tpu.memory_space<semaphore_mem>>) attributes {dimension_semantics = [#tpu.dimension_semantics<core_parallel>, #tpu.dimension_semantics<subcore_parallel>], iteration_bounds = array<i64: 2, 16>, scalar_prefetch = 0 : i64, scratch_operands = 3 : i64, tpu.core_type = #tpu.core_type<sc_vector_subcore>, window_params = [{transform_indices = #map}, {transform_indices = #map1}, {transform_indices = #map1}]} {
    %mul3A = arith.constant 2 : i32
    %mul3A_0 = arith.muli %arg1, %mul3A : i32
    %add3A = arith.addi %mul3A_0, %arg0 : i32
    %mul3A_1 = arith.constant 16 : i32
    %mul3A_2 = arith.muli %add3A, %mul3A_1 : i32
    %add3A_3 = arith.constant 3584 : i32
    %add3A_4 = arith.addi %add3A_3, %mul3A_2 : i32
    %dma_start3A = arith.constant 0 : i32
    %dma_start3A_5 = arith.constant 0 : i32
    %dma_start3A_6 = tpu.memref_slice %arg5[%dma_start3A, %dma_start3A_5] : memref<20x16xi32, #tpu.memory_space<vmem>> -> memref<1x16xi32, #tpu.memory_space<vmem>>
    %dma_start3A_7 = tpu.memref_squeeze %dma_start3A_6 : memref<1x16xi32, #tpu.memory_space<vmem>> -> memref<16xi32, #tpu.memory_space<vmem>>
    %dma_start3A_8 = tpu.memref_slice %arg2[%add3A_4] : memref<81920xi32, #tpu.memory_space<hbm>> -> memref<16xi32, #tpu.memory_space<hbm>>
    %dma_start3A_9 = arith.constant 0 : i32
    %dma_start3A_10 = tpu.memref_slice %arg5[%dma_start3A, %dma_start3A_9] : memref<20x16xi32, #tpu.memory_space<vmem>> -> memref<1x16xi32, #tpu.memory_space<vmem>>
    %dma_start3A_11 = tpu.memref_squeeze %dma_start3A_10 : memref<1x16xi32, #tpu.memory_space<vmem>> -> memref<16xi32, #tpu.memory_space<vmem>>
    %dma_start3A_12 = tpu.memref_slice %arg2[%add3A_4] : memref<81920xi32, #tpu.memory_space<hbm>> -> memref<16xi32, #tpu.memory_space<hbm>>
    tpu.enqueue_dma source(%dma_start3A_12 : memref<16xi32, #tpu.memory_space<hbm>>) target(%dma_start3A_11 : memref<16xi32, #tpu.memory_space<vmem>>) target_semaphore(%arg7 : memref<!tpu.dma_semaphore, #tpu.memory_space<semaphore_mem>>)
    %add3A_13 = arith.constant 7680 : i32
    %add3A_14 = arith.addi %add3A_13, %mul3A_2 : i32
    %dma_start3A_15 = arith.constant 1 : i32
    %dma_start3A_16 = arith.constant 0 : i32
    %dma_start3A_17 = tpu.memref_slice %arg5[%dma_start3A_15, %dma_start3A_16] : memref<20x16xi32, #tpu.memory_space<vmem>> -> memref<1x16xi32, #tpu.memory_space<vmem>>
    %dma_start3A_18 = tpu.memref_squeeze %dma_start3A_17 : memref<1x16xi32, #tpu.memory_space<vmem>> -> memref<16xi32, #tpu.memory_space<vmem>>
    %dma_start3A_19 = tpu.memref_slice %arg2[%add3A_14] : memref<81920xi32, #tpu.memory_space<hbm>> -> memref<16xi32, #tpu.memory_space<hbm>>
    %dma_start3A_20 = arith.constant 0 : i32
    %dma_start3A_21 = tpu.memref_slice %arg5[%dma_start3A_15, %dma_start3A_20] : memref<20x16xi32, #tpu.memory_space<vmem>> -> memref<1x16xi32, #tpu.memory_space<vmem>>
    %dma_start3A_22 = tpu.memref_squeeze %dma_start3A_21 : memref<1x16xi32, #tpu.memory_space<vmem>> -> memref<16xi32, #tpu.memory_space<vmem>>
    %dma_start3A_23 = tpu.memref_slice %arg2[%add3A_14] : memref<81920xi32, #tpu.memory_space<hbm>> -> memref<16xi32, #tpu.memory_space<hbm>>
    tpu.enqueue_dma source(%dma_start3A_23 : memref<16xi32, #tpu.memory_space<hbm>>) target(%dma_start3A_22 : memref<16xi32, #tpu.memory_space<vmem>>) target_semaphore(%arg7 : memref<!tpu.dma_semaphore, #tpu.memory_space<semaphore_mem>>)
    %add3A_24 = arith.constant 11776 : i32
    %add3A_25 = arith.addi %add3A_24, %mul3A_2 : i32
    %dma_start3A_26 = arith.constant 2 : i32
    %dma_start3A_27 = arith.constant 0 : i32
    %dma_start3A_28 = tpu.memref_slice %arg5[%dma_start3A_26, %dma_start3A_27] : memref<20x16xi32, #tpu.memory_space<vmem>> -> memref<1x16xi32, #tpu.memory_space<vmem>>
    %dma_start3A_29 = tpu.memref_squeeze %dma_start3A_28 : memref<1x16xi32, #tpu.memory_space<vmem>> -> memref<16xi32, #tpu.memory_space<vmem>>
    %dma_start3A_30 = tpu.memref_slice %arg2[%add3A_25] : memref<81920xi32, #tpu.memory_space<hbm>> -> memref<16xi32, #tpu.memory_space<hbm>>
    %dma_start3A_31 = arith.constant 0 : i32
    %dma_start3A_32 = tpu.memref_slice %arg5[%dma_start3A_26, %dma_start3A_31] : memref<20x16xi32, #tpu.memory_space<vmem>> -> memref<1x16xi32, #tpu.memory_space<vmem>>
    %dma_start3A_33 = tpu.memref_squeeze %dma_start3A_32 : memref<1x16xi32, #tpu.memory_space<vmem>> -> memref<16xi32, #tpu.memory_space<vmem>>
    %dma_start3A_34 = tpu.memref_slice %arg2[%add3A_25] : memref<81920xi32, #tpu.memory_space<hbm>> -> memref<16xi32, #tpu.memory_space<hbm>>
    tpu.enqueue_dma source(%dma_start3A_34 : memref<16xi32, #tpu.memory_space<hbm>>) target(%dma_start3A_33 : memref<16xi32, #tpu.memory_space<vmem>>) target_semaphore(%arg7 : memref<!tpu.dma_semaphore, #tpu.memory_space<semaphore_mem>>)
    %add3A_35 = arith.constant 15872 : i32
    %add3A_36 = arith.addi %add3A_35, %mul3A_2 : i32
    %dma_start3A_37 = arith.constant 3 : i32
    %dma_start3A_38 = arith.constant 0 : i32
    %dma_start3A_39 = tpu.memref_slice %arg5[%dma_start3A_37, %dma_start3A_38] : memref<20x16xi32, #tpu.memory_space<vmem>> -> memref<1x16xi32, #tpu.memory_space<vmem>>
    %dma_start3A_40 = tpu.memref_squeeze %dma_start3A_39 : memref<1x16xi32, #tpu.memory_space<vmem>> -> memref<16xi32, #tpu.memory_space<vmem>>
    %dma_start3A_41 = tpu.memref_slice %arg2[%add3A_36] : memref<81920xi32, #tpu.memory_space<hbm>> -> memref<16xi32, #tpu.memory_space<hbm>>
    %dma_start3A_42 = arith.constant 0 : i32
    %dma_start3A_43 = tpu.memref_slice %arg5[%dma_start3A_37, %dma_start3A_42] : memref<20x16xi32, #tpu.memory_space<vmem>> -> memref<1x16xi32, #tpu.memory_space<vmem>>
    %dma_start3A_44 = tpu.memref_squeeze %dma_start3A_43 : memref<1x16xi32, #tpu.memory_space<vmem>> -> memref<16xi32, #tpu.memory_space<vmem>>
    %dma_start3A_45 = tpu.memref_slice %arg2[%add3A_36] : memref<81920xi32, #tpu.memory_space<hbm>> -> memref<16xi32, #tpu.memory_space<hbm>>
    tpu.enqueue_dma source(%dma_start3A_45 : memref<16xi32, #tpu.memory_space<hbm>>) target(%dma_start3A_44 : memref<16xi32, #tpu.memory_space<vmem>>) target_semaphore(%arg7 : memref<!tpu.dma_semaphore, #tpu.memory_space<semaphore_mem>>)
    %add3A_46 = arith.constant 19968 : i32
    %add3A_47 = arith.addi %add3A_46, %mul3A_2 : i32
    %dma_start3A_48 = arith.constant 4 : i32
    %dma_start3A_49 = arith.constant 0 : i32
    %dma_start3A_50 = tpu.memref_slice %arg5[%dma_start3A_48, %dma_start3A_49] : memref<20x16xi32, #tpu.memory_space<vmem>> -> memref<1x16xi32, #tpu.memory_space<vmem>>
    %dma_start3A_51 = tpu.memref_squeeze %dma_start3A_50 : memref<1x16xi32, #tpu.memory_space<vmem>> -> memref<16xi32, #tpu.memory_space<vmem>>
    %dma_start3A_52 = tpu.memref_slice %arg2[%add3A_47] : memref<81920xi32, #tpu.memory_space<hbm>> -> memref<16xi32, #tpu.memory_space<hbm>>
    %dma_start3A_53 = arith.constant 0 : i32
    %dma_start3A_54 = tpu.memref_slice %arg5[%dma_start3A_48, %dma_start3A_53] : memref<20x16xi32, #tpu.memory_space<vmem>> -> memref<1x16xi32, #tpu.memory_space<vmem>>
    %dma_start3A_55 = tpu.memref_squeeze %dma_start3A_54 : memref<1x16xi32, #tpu.memory_space<vmem>> -> memref<16xi32, #tpu.memory_space<vmem>>
    %dma_start3A_56 = tpu.memref_slice %arg2[%add3A_47] : memref<81920xi32, #tpu.memory_space<hbm>> -> memref<16xi32, #tpu.memory_space<hbm>>
    tpu.enqueue_dma source(%dma_start3A_56 : memref<16xi32, #tpu.memory_space<hbm>>) target(%dma_start3A_55 : memref<16xi32, #tpu.memory_space<vmem>>) target_semaphore(%arg7 : memref<!tpu.dma_semaphore, #tpu.memory_space<semaphore_mem>>)
    %add3A_57 = arith.constant 24064 : i32
    %add3A_58 = arith.addi %add3A_57, %mul3A_2 : i32
    %dma_start3A_59 = arith.constant 5 : i32
    %dma_start3A_60 = arith.constant 0 : i32
    %dma_start3A_61 = tpu.memref_slice %arg5[%dma_start3A_59, %dma_start3A_60] : memref<20x16xi32, #tpu.memory_space<vmem>> -> memref<1x16xi32, #tpu.memory_space<vmem>>
    %dma_start3A_62 = tpu.memref_squeeze %dma_start3A_61 : memref<1x16xi32, #tpu.memory_space<vmem>> -> memref<16xi32, #tpu.memory_space<vmem>>
    %dma_start3A_63 = tpu.memref_slice %arg2[%add3A_58] : memref<81920xi32, #tpu.memory_space<hbm>> -> memref<16xi32, #tpu.memory_space<hbm>>
    %dma_start3A_64 = arith.constant 0 : i32
    %dma_start3A_65 = tpu.memref_slice %arg5[%dma_start3A_59, %dma_start3A_64] : memref<20x16xi32, #tpu.memory_space<vmem>> -> memref<1x16xi32, #tpu.memory_space<vmem>>
    %dma_start3A_66 = tpu.memref_squeeze %dma_start3A_65 : memref<1x16xi32, #tpu.memory_space<vmem>> -> memref<16xi32, #tpu.memory_space<vmem>>
    %dma_start3A_67 = tpu.memref_slice %arg2[%add3A_58] : memref<81920xi32, #tpu.memory_space<hbm>> -> memref<16xi32, #tpu.memory_space<hbm>>
    tpu.enqueue_dma source(%dma_start3A_67 : memref<16xi32, #tpu.memory_space<hbm>>) target(%dma_start3A_66 : memref<16xi32, #tpu.memory_space<vmem>>) target_semaphore(%arg7 : memref<!tpu.dma_semaphore, #tpu.memory_space<semaphore_mem>>)
    %add3A_68 = arith.constant 28160 : i32
    %add3A_69 = arith.addi %add3A_68, %mul3A_2 : i32
    %dma_start3A_70 = arith.constant 6 : i32
    %dma_start3A_71 = arith.constant 0 : i32
    %dma_start3A_72 = tpu.memref_slice %arg5[%dma_start3A_70, %dma_start3A_71] : memref<20x16xi32, #tpu.memory_space<vmem>> -> memref<1x16xi32, #tpu.memory_space<vmem>>
    %dma_start3A_73 = tpu.memref_squeeze %dma_start3A_72 : memref<1x16xi32, #tpu.memory_space<vmem>> -> memref<16xi32, #tpu.memory_space<vmem>>
    %dma_start3A_74 = tpu.memref_slice %arg2[%add3A_69] : memref<81920xi32, #tpu.memory_space<hbm>> -> memref<16xi32, #tpu.memory_space<hbm>>
    %dma_start3A_75 = arith.constant 0 : i32
    %dma_start3A_76 = tpu.memref_slice %arg5[%dma_start3A_70, %dma_start3A_75] : memref<20x16xi32, #tpu.memory_space<vmem>> -> memref<1x16xi32, #tpu.memory_space<vmem>>
    %dma_start3A_77 = tpu.memref_squeeze %dma_start3A_76 : memref<1x16xi32, #tpu.memory_space<vmem>> -> memref<16xi32, #tpu.memory_space<vmem>>
    %dma_start3A_78 = tpu.memref_slice %arg2[%add3A_69] : memref<81920xi32, #tpu.memory_space<hbm>> -> memref<16xi32, #tpu.memory_space<hbm>>
    tpu.enqueue_dma source(%dma_start3A_78 : memref<16xi32, #tpu.memory_space<hbm>>) target(%dma_start3A_77 : memref<16xi32, #tpu.memory_space<vmem>>) target_semaphore(%arg7 : memref<!tpu.dma_semaphore, #tpu.memory_space<semaphore_mem>>)
    %add3A_79 = arith.constant 32256 : i32
    %add3A_80 = arith.addi %add3A_79, %mul3A_2 : i32
    %dma_start3A_81 = arith.constant 7 : i32
    %dma_start3A_82 = arith.constant 0 : i32
    %dma_start3A_83 = tpu.memref_slice %arg5[%dma_start3A_81, %dma_start3A_82] : memref<20x16xi32, #tpu.memory_space<vmem>> -> memref<1x16xi32, #tpu.memory_space<vmem>>
    %dma_start3A_84 = tpu.memref_squeeze %dma_start3A_83 : memref<1x16xi32, #tpu.memory_space<vmem>> -> memref<16xi32, #tpu.memory_space<vmem>>
    %dma_start3A_85 = tpu.memref_slice %arg2[%add3A_80] : memref<81920xi32, #tpu.memory_space<hbm>> -> memref<16xi32, #tpu.memory_space<hbm>>
    %dma_start3A_86 = arith.constant 0 : i32
    %dma_start3A_87 = tpu.memref_slice %arg5[%dma_start3A_81, %dma_start3A_86] : memref<20x16xi32, #tpu.memory_space<vmem>> -> memref<1x16xi32, #tpu.memory_space<vmem>>
    %dma_start3A_88 = tpu.memref_squeeze %dma_start3A_87 : memref<1x16xi32, #tpu.memory_space<vmem>> -> memref<16xi32, #tpu.memory_space<vmem>>
    %dma_start3A_89 = tpu.memref_slice %arg2[%add3A_80] : memref<81920xi32, #tpu.memory_space<hbm>> -> memref<16xi32, #tpu.memory_space<hbm>>
    tpu.enqueue_dma source(%dma_start3A_89 : memref<16xi32, #tpu.memory_space<hbm>>) target(%dma_start3A_88 : memref<16xi32, #tpu.memory_space<vmem>>) target_semaphore(%arg7 : memref<!tpu.dma_semaphore, #tpu.memory_space<semaphore_mem>>)
    %add3A_90 = arith.constant 36352 : i32
    %add3A_91 = arith.addi %add3A_90, %mul3A_2 : i32
    %dma_start3A_92 = arith.constant 8 : i32
    %dma_start3A_93 = arith.constant 0 : i32
    %dma_start3A_94 = tpu.memref_slice %arg5[%dma_start3A_92, %dma_start3A_93] : memref<20x16xi32, #tpu.memory_space<vmem>> -> memref<1x16xi32, #tpu.memory_space<vmem>>
    %dma_start3A_95 = tpu.memref_squeeze %dma_start3A_94 : memref<1x16xi32, #tpu.memory_space<vmem>> -> memref<16xi32, #tpu.memory_space<vmem>>
    %dma_start3A_96 = tpu.memref_slice %arg2[%add3A_91] : memref<81920xi32, #tpu.memory_space<hbm>> -> memref<16xi32, #tpu.memory_space<hbm>>
    %dma_start3A_97 = arith.constant 0 : i32
    %dma_start3A_98 = tpu.memref_slice %arg5[%dma_start3A_92, %dma_start3A_97] : memref<20x16xi32, #tpu.memory_space<vmem>> -> memref<1x16xi32, #tpu.memory_space<vmem>>
    %dma_start3A_99 = tpu.memref_squeeze %dma_start3A_98 : memref<1x16xi32, #tpu.memory_space<vmem>> -> memref<16xi32, #tpu.memory_space<vmem>>
    %dma_start3A_100 = tpu.memref_slice %arg2[%add3A_91] : memref<81920xi32, #tpu.memory_space<hbm>> -> memref<16xi32, #tpu.memory_space<hbm>>
    tpu.enqueue_dma source(%dma_start3A_100 : memref<16xi32, #tpu.memory_space<hbm>>) target(%dma_start3A_99 : memref<16xi32, #tpu.memory_space<vmem>>) target_semaphore(%arg7 : memref<!tpu.dma_semaphore, #tpu.memory_space<semaphore_mem>>)
    %add3A_101 = arith.constant 40448 : i32
    %add3A_102 = arith.addi %add3A_101, %mul3A_2 : i32
    %dma_start3A_103 = arith.constant 9 : i32
    %dma_start3A_104 = arith.constant 0 : i32
    %dma_start3A_105 = tpu.memref_slice %arg5[%dma_start3A_103, %dma_start3A_104] : memref<20x16xi32, #tpu.memory_space<vmem>> -> memref<1x16xi32, #tpu.memory_space<vmem>>
    %dma_start3A_106 = tpu.memref_squeeze %dma_start3A_105 : memref<1x16xi32, #tpu.memory_space<vmem>> -> memref<16xi32, #tpu.memory_space<vmem>>
    %dma_start3A_107 = tpu.memref_slice %arg2[%add3A_102] : memref<81920xi32, #tpu.memory_space<hbm>> -> memref<16xi32, #tpu.memory_space<hbm>>
    %dma_start3A_108 = arith.constant 0 : i32
    %dma_start3A_109 = tpu.memref_slice %arg5[%dma_start3A_103, %dma_start3A_108] : memref<20x16xi32, #tpu.memory_space<vmem>> -> memref<1x16xi32, #tpu.memory_space<vmem>>
    %dma_start3A_110 = tpu.memref_squeeze %dma_start3A_109 : memref<1x16xi32, #tpu.memory_space<vmem>> -> memref<16xi32, #tpu.memory_space<vmem>>
    %dma_start3A_111 = tpu.memref_slice %arg2[%add3A_102] : memref<81920xi32, #tpu.memory_space<hbm>> -> memref<16xi32, #tpu.memory_space<hbm>>
    tpu.enqueue_dma source(%dma_start3A_111 : memref<16xi32, #tpu.memory_space<hbm>>) target(%dma_start3A_110 : memref<16xi32, #tpu.memory_space<vmem>>) target_semaphore(%arg7 : memref<!tpu.dma_semaphore, #tpu.memory_space<semaphore_mem>>)
    %add3A_112 = arith.constant 44544 : i32
    %add3A_113 = arith.addi %add3A_112, %mul3A_2 : i32
    %dma_start3A_114 = arith.constant 10 : i32
    %dma_start3A_115 = arith.constant 0 : i32
    %dma_start3A_116 = tpu.memref_slice %arg5[%dma_start3A_114, %dma_start3A_115] : memref<20x16xi32, #tpu.memory_space<vmem>> -> memref<1x16xi32, #tpu.memory_space<vmem>>
    %dma_start3A_117 = tpu.memref_squeeze %dma_start3A_116 : memref<1x16xi32, #tpu.memory_space<vmem>> -> memref<16xi32, #tpu.memory_space<vmem>>
    %dma_start3A_118 = tpu.memref_slice %arg2[%add3A_113] : memref<81920xi32, #tpu.memory_space<hbm>> -> memref<16xi32, #tpu.memory_space<hbm>>
    %dma_start3A_119 = arith.constant 0 : i32
    %dma_start3A_120 = tpu.memref_slice %arg5[%dma_start3A_114, %dma_start3A_119] : memref<20x16xi32, #tpu.memory_space<vmem>> -> memref<1x16xi32, #tpu.memory_space<vmem>>
    %dma_start3A_121 = tpu.memref_squeeze %dma_start3A_120 : memref<1x16xi32, #tpu.memory_space<vmem>> -> memref<16xi32, #tpu.memory_space<vmem>>
    %dma_start3A_122 = tpu.memref_slice %arg2[%add3A_113] : memref<81920xi32, #tpu.memory_space<hbm>> -> memref<16xi32, #tpu.memory_space<hbm>>
    tpu.enqueue_dma source(%dma_start3A_122 : memref<16xi32, #tpu.memory_space<hbm>>) target(%dma_start3A_121 : memref<16xi32, #tpu.memory_space<vmem>>) target_semaphore(%arg7 : memref<!tpu.dma_semaphore, #tpu.memory_space<semaphore_mem>>)
    %add3A_123 = arith.constant 48640 : i32
    %add3A_124 = arith.addi %add3A_123, %mul3A_2 : i32
    %dma_start3A_125 = arith.constant 11 : i32
    %dma_start3A_126 = arith.constant 0 : i32
    %dma_start3A_127 = tpu.memref_slice %arg5[%dma_start3A_125, %dma_start3A_126] : memref<20x16xi32, #tpu.memory_space<vmem>> -> memref<1x16xi32, #tpu.memory_space<vmem>>
    %dma_start3A_128 = tpu.memref_squeeze %dma_start3A_127 : memref<1x16xi32, #tpu.memory_space<vmem>> -> memref<16xi32, #tpu.memory_space<vmem>>
    %dma_start3A_129 = tpu.memref_slice %arg2[%add3A_124] : memref<81920xi32, #tpu.memory_space<hbm>> -> memref<16xi32, #tpu.memory_space<hbm>>
    %dma_start3A_130 = arith.constant 0 : i32
    %dma_start3A_131 = tpu.memref_slice %arg5[%dma_start3A_125, %dma_start3A_130] : memref<20x16xi32, #tpu.memory_space<vmem>> -> memref<1x16xi32, #tpu.memory_space<vmem>>
    %dma_start3A_132 = tpu.memref_squeeze %dma_start3A_131 : memref<1x16xi32, #tpu.memory_space<vmem>> -> memref<16xi32, #tpu.memory_space<vmem>>
    %dma_start3A_133 = tpu.memref_slice %arg2[%add3A_124] : memref<81920xi32, #tpu.memory_space<hbm>> -> memref<16xi32, #tpu.memory_space<hbm>>
    tpu.enqueue_dma source(%dma_start3A_133 : memref<16xi32, #tpu.memory_space<hbm>>) target(%dma_start3A_132 : memref<16xi32, #tpu.memory_space<vmem>>) target_semaphore(%arg7 : memref<!tpu.dma_semaphore, #tpu.memory_space<semaphore_mem>>)
    %add3A_134 = arith.constant 52736 : i32
    %add3A_135 = arith.addi %add3A_134, %mul3A_2 : i32
    %dma_start3A_136 = arith.constant 12 : i32
    %dma_start3A_137 = arith.constant 0 : i32
    %dma_start3A_138 = tpu.memref_slice %arg5[%dma_start3A_136, %dma_start3A_137] : memref<20x16xi32, #tpu.memory_space<vmem>> -> memref<1x16xi32, #tpu.memory_space<vmem>>
    %dma_start3A_139 = tpu.memref_squeeze %dma_start3A_138 : memref<1x16xi32, #tpu.memory_space<vmem>> -> memref<16xi32, #tpu.memory_space<vmem>>
    %dma_start3A_140 = tpu.memref_slice %arg2[%add3A_135] : memref<81920xi32, #tpu.memory_space<hbm>> -> memref<16xi32, #tpu.memory_space<hbm>>
    %dma_start3A_141 = arith.constant 0 : i32
    %dma_start3A_142 = tpu.memref_slice %arg5[%dma_start3A_136, %dma_start3A_141] : memref<20x16xi32, #tpu.memory_space<vmem>> -> memref<1x16xi32, #tpu.memory_space<vmem>>
    %dma_start3A_143 = tpu.memref_squeeze %dma_start3A_142 : memref<1x16xi32, #tpu.memory_space<vmem>> -> memref<16xi32, #tpu.memory_space<vmem>>
    %dma_start3A_144 = tpu.memref_slice %arg2[%add3A_135] : memref<81920xi32, #tpu.memory_space<hbm>> -> memref<16xi32, #tpu.memory_space<hbm>>
    tpu.enqueue_dma source(%dma_start3A_144 : memref<16xi32, #tpu.memory_space<hbm>>) target(%dma_start3A_143 : memref<16xi32, #tpu.memory_space<vmem>>) target_semaphore(%arg7 : memref<!tpu.dma_semaphore, #tpu.memory_space<semaphore_mem>>)
    %add3A_145 = arith.constant 56832 : i32
    %add3A_146 = arith.addi %add3A_145, %mul3A_2 : i32
    %dma_start3A_147 = arith.constant 13 : i32
    %dma_start3A_148 = arith.constant 0 : i32
    %dma_start3A_149 = tpu.memref_slice %arg5[%dma_start3A_147, %dma_start3A_148] : memref<20x16xi32, #tpu.memory_space<vmem>> -> memref<1x16xi32, #tpu.memory_space<vmem>>
    %dma_start3A_150 = tpu.memref_squeeze %dma_start3A_149 : memref<1x16xi32, #tpu.memory_space<vmem>> -> memref<16xi32, #tpu.memory_space<vmem>>
    %dma_start3A_151 = tpu.memref_slice %arg2[%add3A_146] : memref<81920xi32, #tpu.memory_space<hbm>> -> memref<16xi32, #tpu.memory_space<hbm>>
    %dma_start3A_152 = arith.constant 0 : i32
    %dma_start3A_153 = tpu.memref_slice %arg5[%dma_start3A_147, %dma_start3A_152] : memref<20x16xi32, #tpu.memory_space<vmem>> -> memref<1x16xi32, #tpu.memory_space<vmem>>
    %dma_start3A_154 = tpu.memref_squeeze %dma_start3A_153 : memref<1x16xi32, #tpu.memory_space<vmem>> -> memref<16xi32, #tpu.memory_space<vmem>>
    %dma_start3A_155 = tpu.memref_slice %arg2[%add3A_146] : memref<81920xi32, #tpu.memory_space<hbm>> -> memref<16xi32, #tpu.memory_space<hbm>>
    tpu.enqueue_dma source(%dma_start3A_155 : memref<16xi32, #tpu.memory_space<hbm>>) target(%dma_start3A_154 : memref<16xi32, #tpu.memory_space<vmem>>) target_semaphore(%arg7 : memref<!tpu.dma_semaphore, #tpu.memory_space<semaphore_mem>>)
    %add3A_156 = arith.constant 60928 : i32
    %add3A_157 = arith.addi %add3A_156, %mul3A_2 : i32
    %dma_start3A_158 = arith.constant 14 : i32
    %dma_start3A_159 = arith.constant 0 : i32
    %dma_start3A_160 = tpu.memref_slice %arg5[%dma_start3A_158, %dma_start3A_159] : memref<20x16xi32, #tpu.memory_space<vmem>> -> memref<1x16xi32, #tpu.memory_space<vmem>>
    %dma_start3A_161 = tpu.memref_squeeze %dma_start3A_160 : memref<1x16xi32, #tpu.memory_space<vmem>> -> memref<16xi32, #tpu.memory_space<vmem>>
    %dma_start3A_162 = tpu.memref_slice %arg2[%add3A_157] : memref<81920xi32, #tpu.memory_space<hbm>> -> memref<16xi32, #tpu.memory_space<hbm>>
    %dma_start3A_163 = arith.constant 0 : i32
    %dma_start3A_164 = tpu.memref_slice %arg5[%dma_start3A_158, %dma_start3A_163] : memref<20x16xi32, #tpu.memory_space<vmem>> -> memref<1x16xi32, #tpu.memory_space<vmem>>
    %dma_start3A_165 = tpu.memref_squeeze %dma_start3A_164 : memref<1x16xi32, #tpu.memory_space<vmem>> -> memref<16xi32, #tpu.memory_space<vmem>>
    %dma_start3A_166 = tpu.memref_slice %arg2[%add3A_157] : memref<81920xi32, #tpu.memory_space<hbm>> -> memref<16xi32, #tpu.memory_space<hbm>>
    tpu.enqueue_dma source(%dma_start3A_166 : memref<16xi32, #tpu.memory_space<hbm>>) target(%dma_start3A_165 : memref<16xi32, #tpu.memory_space<vmem>>) target_semaphore(%arg7 : memref<!tpu.dma_semaphore, #tpu.memory_space<semaphore_mem>>)
    %add3A_167 = arith.constant 65024 : i32
    %add3A_168 = arith.addi %add3A_167, %mul3A_2 : i32
    %dma_start3A_169 = arith.constant 15 : i32
    %dma_start3A_170 = arith.constant 0 : i32
    %dma_start3A_171 = tpu.memref_slice %arg5[%dma_start3A_169, %dma_start3A_170] : memref<20x16xi32, #tpu.memory_space<vmem>> -> memref<1x16xi32, #tpu.memory_space<vmem>>
    %dma_start3A_172 = tpu.memref_squeeze %dma_start3A_171 : memref<1x16xi32, #tpu.memory_space<vmem>> -> memref<16xi32, #tpu.memory_space<vmem>>
    %dma_start3A_173 = tpu.memref_slice %arg2[%add3A_168] : memref<81920xi32, #tpu.memory_space<hbm>> -> memref<16xi32, #tpu.memory_space<hbm>>
    %dma_start3A_174 = arith.constant 0 : i32
    %dma_start3A_175 = tpu.memref_slice %arg5[%dma_start3A_169, %dma_start3A_174] : memref<20x16xi32, #tpu.memory_space<vmem>> -> memref<1x16xi32, #tpu.memory_space<vmem>>
    %dma_start3A_176 = tpu.memref_squeeze %dma_start3A_175 : memref<1x16xi32, #tpu.memory_space<vmem>> -> memref<16xi32, #tpu.memory_space<vmem>>
    %dma_start3A_177 = tpu.memref_slice %arg2[%add3A_168] : memref<81920xi32, #tpu.memory_space<hbm>> -> memref<16xi32, #tpu.memory_space<hbm>>
    tpu.enqueue_dma source(%dma_start3A_177 : memref<16xi32, #tpu.memory_space<hbm>>) target(%dma_start3A_176 : memref<16xi32, #tpu.memory_space<vmem>>) target_semaphore(%arg7 : memref<!tpu.dma_semaphore, #tpu.memory_space<semaphore_mem>>)
    %add3A_178 = arith.constant 69120 : i32
    %add3A_179 = arith.addi %add3A_178, %mul3A_2 : i32
    %dma_start3A_180 = arith.constant 16 : i32
    %dma_start3A_181 = arith.constant 0 : i32
    %dma_start3A_182 = tpu.memref_slice %arg5[%dma_start3A_180, %dma_start3A_181] : memref<20x16xi32, #tpu.memory_space<vmem>> -> memref<1x16xi32, #tpu.memory_space<vmem>>
    %dma_start3A_183 = tpu.memref_squeeze %dma_start3A_182 : memref<1x16xi32, #tpu.memory_space<vmem>> -> memref<16xi32, #tpu.memory_space<vmem>>
    %dma_start3A_184 = tpu.memref_slice %arg2[%add3A_179] : memref<81920xi32, #tpu.memory_space<hbm>> -> memref<16xi32, #tpu.memory_space<hbm>>
    %dma_start3A_185 = arith.constant 0 : i32
    %dma_start3A_186 = tpu.memref_slice %arg5[%dma_start3A_180, %dma_start3A_185] : memref<20x16xi32, #tpu.memory_space<vmem>> -> memref<1x16xi32, #tpu.memory_space<vmem>>
    %dma_start3A_187 = tpu.memref_squeeze %dma_start3A_186 : memref<1x16xi32, #tpu.memory_space<vmem>> -> memref<16xi32, #tpu.memory_space<vmem>>
    %dma_start3A_188 = tpu.memref_slice %arg2[%add3A_179] : memref<81920xi32, #tpu.memory_space<hbm>> -> memref<16xi32, #tpu.memory_space<hbm>>
    tpu.enqueue_dma source(%dma_start3A_188 : memref<16xi32, #tpu.memory_space<hbm>>) target(%dma_start3A_187 : memref<16xi32, #tpu.memory_space<vmem>>) target_semaphore(%arg7 : memref<!tpu.dma_semaphore, #tpu.memory_space<semaphore_mem>>)
    %add3A_189 = arith.constant 73216 : i32
    %add3A_190 = arith.addi %add3A_189, %mul3A_2 : i32
    %dma_start3A_191 = arith.constant 17 : i32
    %dma_start3A_192 = arith.constant 0 : i32
    %dma_start3A_193 = tpu.memref_slice %arg5[%dma_start3A_191, %dma_start3A_192] : memref<20x16xi32, #tpu.memory_space<vmem>> -> memref<1x16xi32, #tpu.memory_space<vmem>>
    %dma_start3A_194 = tpu.memref_squeeze %dma_start3A_193 : memref<1x16xi32, #tpu.memory_space<vmem>> -> memref<16xi32, #tpu.memory_space<vmem>>
    %dma_start3A_195 = tpu.memref_slice %arg2[%add3A_190] : memref<81920xi32, #tpu.memory_space<hbm>> -> memref<16xi32, #tpu.memory_space<hbm>>
    %dma_start3A_196 = arith.constant 0 : i32
    %dma_start3A_197 = tpu.memref_slice %arg5[%dma_start3A_191, %dma_start3A_196] : memref<20x16xi32, #tpu.memory_space<vmem>> -> memref<1x16xi32, #tpu.memory_space<vmem>>
    %dma_start3A_198 = tpu.memref_squeeze %dma_start3A_197 : memref<1x16xi32, #tpu.memory_space<vmem>> -> memref<16xi32, #tpu.memory_space<vmem>>
    %dma_start3A_199 = tpu.memref_slice %arg2[%add3A_190] : memref<81920xi32, #tpu.memory_space<hbm>> -> memref<16xi32, #tpu.memory_space<hbm>>
    tpu.enqueue_dma source(%dma_start3A_199 : memref<16xi32, #tpu.memory_space<hbm>>) target(%dma_start3A_198 : memref<16xi32, #tpu.memory_space<vmem>>) target_semaphore(%arg7 : memref<!tpu.dma_semaphore, #tpu.memory_space<semaphore_mem>>)
    %add3A_200 = arith.constant 77312 : i32
    %add3A_201 = arith.addi %add3A_200, %mul3A_2 : i32
    %dma_start3A_202 = arith.constant 18 : i32
    %dma_start3A_203 = arith.constant 0 : i32
    %dma_start3A_204 = tpu.memref_slice %arg5[%dma_start3A_202, %dma_start3A_203] : memref<20x16xi32, #tpu.memory_space<vmem>> -> memref<1x16xi32, #tpu.memory_space<vmem>>
    %dma_start3A_205 = tpu.memref_squeeze %dma_start3A_204 : memref<1x16xi32, #tpu.memory_space<vmem>> -> memref<16xi32, #tpu.memory_space<vmem>>
    %dma_start3A_206 = tpu.memref_slice %arg2[%add3A_201] : memref<81920xi32, #tpu.memory_space<hbm>> -> memref<16xi32, #tpu.memory_space<hbm>>
    %dma_start3A_207 = arith.constant 0 : i32
    %dma_start3A_208 = tpu.memref_slice %arg5[%dma_start3A_202, %dma_start3A_207] : memref<20x16xi32, #tpu.memory_space<vmem>> -> memref<1x16xi32, #tpu.memory_space<vmem>>
    %dma_start3A_209 = tpu.memref_squeeze %dma_start3A_208 : memref<1x16xi32, #tpu.memory_space<vmem>> -> memref<16xi32, #tpu.memory_space<vmem>>
    %dma_start3A_210 = tpu.memref_slice %arg2[%add3A_201] : memref<81920xi32, #tpu.memory_space<hbm>> -> memref<16xi32, #tpu.memory_space<hbm>>
    tpu.enqueue_dma source(%dma_start3A_210 : memref<16xi32, #tpu.memory_space<hbm>>) target(%dma_start3A_209 : memref<16xi32, #tpu.memory_space<vmem>>) target_semaphore(%arg7 : memref<!tpu.dma_semaphore, #tpu.memory_space<semaphore_mem>>)
    %add3A_211 = arith.constant 81408 : i32
    %add3A_212 = arith.addi %add3A_211, %mul3A_2 : i32
    %dma_start3A_213 = arith.constant 19 : i32
    %dma_start3A_214 = arith.constant 0 : i32
    %dma_start3A_215 = tpu.memref_slice %arg5[%dma_start3A_213, %dma_start3A_214] : memref<20x16xi32, #tpu.memory_space<vmem>> -> memref<1x16xi32, #tpu.memory_space<vmem>>
    %dma_start3A_216 = tpu.memref_squeeze %dma_start3A_215 : memref<1x16xi32, #tpu.memory_space<vmem>> -> memref<16xi32, #tpu.memory_space<vmem>>
    %dma_start3A_217 = tpu.memref_slice %arg2[%add3A_212] : memref<81920xi32, #tpu.memory_space<hbm>> -> memref<16xi32, #tpu.memory_space<hbm>>
    %dma_start3A_218 = arith.constant 0 : i32
    %dma_start3A_219 = tpu.memref_slice %arg5[%dma_start3A_213, %dma_start3A_218] : memref<20x16xi32, #tpu.memory_space<vmem>> -> memref<1x16xi32, #tpu.memory_space<vmem>>
    %dma_start3A_220 = tpu.memref_squeeze %dma_start3A_219 : memref<1x16xi32, #tpu.memory_space<vmem>> -> memref<16xi32, #tpu.memory_space<vmem>>
    %dma_start3A_221 = tpu.memref_slice %arg2[%add3A_212] : memref<81920xi32, #tpu.memory_space<hbm>> -> memref<16xi32, #tpu.memory_space<hbm>>
    tpu.enqueue_dma source(%dma_start3A_221 : memref<16xi32, #tpu.memory_space<hbm>>) target(%dma_start3A_220 : memref<16xi32, #tpu.memory_space<vmem>>) target_semaphore(%arg7 : memref<!tpu.dma_semaphore, #tpu.memory_space<semaphore_mem>>)
    %dma_wait3A = arith.constant 0 : i32
    %dma_wait3A_222 = arith.constant 0 : i32
    %dma_wait3A_223 = tpu.memref_slice %arg5[%dma_wait3A, %dma_wait3A_222] : memref<20x16xi32, #tpu.memory_space<vmem>> -> memref<1x16xi32, #tpu.memory_space<vmem>>
    %dma_wait3A_224 = tpu.memref_squeeze %dma_wait3A_223 : memref<1x16xi32, #tpu.memory_space<vmem>> -> memref<16xi32, #tpu.memory_space<vmem>>
    %dma_wait3A_225 = tpu.memref_slice %arg2[%add3A_4] : memref<81920xi32, #tpu.memory_space<hbm>> -> memref<16xi32, #tpu.memory_space<hbm>>
    %dma_wait3A_226 = arith.constant 0 : i32
    %dma_wait3A_227 = tpu.memref_slice %arg5[%dma_wait3A, %dma_wait3A_226] : memref<20x16xi32, #tpu.memory_space<vmem>> -> memref<1x16xi32, #tpu.memory_space<vmem>>
    %dma_wait3A_228 = tpu.memref_squeeze %dma_wait3A_227 : memref<1x16xi32, #tpu.memory_space<vmem>> -> memref<16xi32, #tpu.memory_space<vmem>>
    %dma_wait3A_229 = tpu.memref_slice %arg2[%add3A_4] : memref<81920xi32, #tpu.memory_space<hbm>> -> memref<16xi32, #tpu.memory_space<hbm>>
    tpu.wait_dma2 semaphore(%arg7 : memref<!tpu.dma_semaphore, #tpu.memory_space<semaphore_mem>>) src(%dma_wait3A_229 : memref<16xi32, #tpu.memory_space<hbm>>) dst(%dma_wait3A_228 : memref<16xi32, #tpu.memory_space<vmem>>)
    %dma_wait3A_230 = arith.constant 1 : i32
    %dma_wait3A_231 = arith.constant 0 : i32
    %dma_wait3A_232 = tpu.memref_slice %arg5[%dma_wait3A_230, %dma_wait3A_231] : memref<20x16xi32, #tpu.memory_space<vmem>> -> memref<1x16xi32, #tpu.memory_space<vmem>>
    %dma_wait3A_233 = tpu.memref_squeeze %dma_wait3A_232 : memref<1x16xi32, #tpu.memory_space<vmem>> -> memref<16xi32, #tpu.memory_space<vmem>>
    %dma_wait3A_234 = tpu.memref_slice %arg2[%add3A_14] : memref<81920xi32, #tpu.memory_space<hbm>> -> memref<16xi32, #tpu.memory_space<hbm>>
    %dma_wait3A_235 = arith.constant 0 : i32
    %dma_wait3A_236 = tpu.memref_slice %arg5[%dma_wait3A_230, %dma_wait3A_235] : memref<20x16xi32, #tpu.memory_space<vmem>> -> memref<1x16xi32, #tpu.memory_space<vmem>>
    %dma_wait3A_237 = tpu.memref_squeeze %dma_wait3A_236 : memref<1x16xi32, #tpu.memory_space<vmem>> -> memref<16xi32, #tpu.memory_space<vmem>>
    %dma_wait3A_238 = tpu.memref_slice %arg2[%add3A_14] : memref<81920xi32, #tpu.memory_space<hbm>> -> memref<16xi32, #tpu.memory_space<hbm>>
    tpu.wait_dma2 semaphore(%arg7 : memref<!tpu.dma_semaphore, #tpu.memory_space<semaphore_mem>>) src(%dma_wait3A_238 : memref<16xi32, #tpu.memory_space<hbm>>) dst(%dma_wait3A_237 : memref<16xi32, #tpu.memory_space<vmem>>)
    %dma_wait3A_239 = arith.constant 2 : i32
    %dma_wait3A_240 = arith.constant 0 : i32
    %dma_wait3A_241 = tpu.memref_slice %arg5[%dma_wait3A_239, %dma_wait3A_240] : memref<20x16xi32, #tpu.memory_space<vmem>> -> memref<1x16xi32, #tpu.memory_space<vmem>>
    %dma_wait3A_242 = tpu.memref_squeeze %dma_wait3A_241 : memref<1x16xi32, #tpu.memory_space<vmem>> -> memref<16xi32, #tpu.memory_space<vmem>>
    %dma_wait3A_243 = tpu.memref_slice %arg2[%add3A_25] : memref<81920xi32, #tpu.memory_space<hbm>> -> memref<16xi32, #tpu.memory_space<hbm>>
    %dma_wait3A_244 = arith.constant 0 : i32
    %dma_wait3A_245 = tpu.memref_slice %arg5[%dma_wait3A_239, %dma_wait3A_244] : memref<20x16xi32, #tpu.memory_space<vmem>> -> memref<1x16xi32, #tpu.memory_space<vmem>>
    %dma_wait3A_246 = tpu.memref_squeeze %dma_wait3A_245 : memref<1x16xi32, #tpu.memory_space<vmem>> -> memref<16xi32, #tpu.memory_space<vmem>>
    %dma_wait3A_247 = tpu.memref_slice %arg2[%add3A_25] : memref<81920xi32, #tpu.memory_space<hbm>> -> memref<16xi32, #tpu.memory_space<hbm>>
    tpu.wait_dma2 semaphore(%arg7 : memref<!tpu.dma_semaphore, #tpu.memory_space<semaphore_mem>>) src(%dma_wait3A_247 : memref<16xi32, #tpu.memory_space<hbm>>) dst(%dma_wait3A_246 : memref<16xi32, #tpu.memory_space<vmem>>)
    %dma_wait3A_248 = arith.constant 3 : i32
    %dma_wait3A_249 = arith.constant 0 : i32
    %dma_wait3A_250 = tpu.memref_slice %arg5[%dma_wait3A_248, %dma_wait3A_249] : memref<20x16xi32, #tpu.memory_space<vmem>> -> memref<1x16xi32, #tpu.memory_space<vmem>>
    %dma_wait3A_251 = tpu.memref_squeeze %dma_wait3A_250 : memref<1x16xi32, #tpu.memory_space<vmem>> -> memref<16xi32, #tpu.memory_space<vmem>>
    %dma_wait3A_252 = tpu.memref_slice %arg2[%add3A_36] : memref<81920xi32, #tpu.memory_space<hbm>> -> memref<16xi32, #tpu.memory_space<hbm>>
    %dma_wait3A_253 = arith.constant 0 : i32
    %dma_wait3A_254 = tpu.memref_slice %arg5[%dma_wait3A_248, %dma_wait3A_253] : memref<20x16xi32, #tpu.memory_space<vmem>> -> memref<1x16xi32, #tpu.memory_space<vmem>>
    %dma_wait3A_255 = tpu.memref_squeeze %dma_wait3A_254 : memref<1x16xi32, #tpu.memory_space<vmem>> -> memref<16xi32, #tpu.memory_space<vmem>>
    %dma_wait3A_256 = tpu.memref_slice %arg2[%add3A_36] : memref<81920xi32, #tpu.memory_space<hbm>> -> memref<16xi32, #tpu.memory_space<hbm>>
    tpu.wait_dma2 semaphore(%arg7 : memref<!tpu.dma_semaphore, #tpu.memory_space<semaphore_mem>>) src(%dma_wait3A_256 : memref<16xi32, #tpu.memory_space<hbm>>) dst(%dma_wait3A_255 : memref<16xi32, #tpu.memory_space<vmem>>)
    %dma_wait3A_257 = arith.constant 4 : i32
    %dma_wait3A_258 = arith.constant 0 : i32
    %dma_wait3A_259 = tpu.memref_slice %arg5[%dma_wait3A_257, %dma_wait3A_258] : memref<20x16xi32, #tpu.memory_space<vmem>> -> memref<1x16xi32, #tpu.memory_space<vmem>>
    %dma_wait3A_260 = tpu.memref_squeeze %dma_wait3A_259 : memref<1x16xi32, #tpu.memory_space<vmem>> -> memref<16xi32, #tpu.memory_space<vmem>>
    %dma_wait3A_261 = tpu.memref_slice %arg2[%add3A_47] : memref<81920xi32, #tpu.memory_space<hbm>> -> memref<16xi32, #tpu.memory_space<hbm>>
    %dma_wait3A_262 = arith.constant 0 : i32
    %dma_wait3A_263 = tpu.memref_slice %arg5[%dma_wait3A_257, %dma_wait3A_262] : memref<20x16xi32, #tpu.memory_space<vmem>> -> memref<1x16xi32, #tpu.memory_space<vmem>>
    %dma_wait3A_264 = tpu.memref_squeeze %dma_wait3A_263 : memref<1x16xi32, #tpu.memory_space<vmem>> -> memref<16xi32, #tpu.memory_space<vmem>>
    %dma_wait3A_265 = tpu.memref_slice %arg2[%add3A_47] : memref<81920xi32, #tpu.memory_space<hbm>> -> memref<16xi32, #tpu.memory_space<hbm>>
    tpu.wait_dma2 semaphore(%arg7 : memref<!tpu.dma_semaphore, #tpu.memory_space<semaphore_mem>>) src(%dma_wait3A_265 : memref<16xi32, #tpu.memory_space<hbm>>) dst(%dma_wait3A_264 : memref<16xi32, #tpu.memory_space<vmem>>)
    %dma_wait3A_266 = arith.constant 5 : i32
    %dma_wait3A_267 = arith.constant 0 : i32
    %dma_wait3A_268 = tpu.memref_slice %arg5[%dma_wait3A_266, %dma_wait3A_267] : memref<20x16xi32, #tpu.memory_space<vmem>> -> memref<1x16xi32, #tpu.memory_space<vmem>>
    %dma_wait3A_269 = tpu.memref_squeeze %dma_wait3A_268 : memref<1x16xi32, #tpu.memory_space<vmem>> -> memref<16xi32, #tpu.memory_space<vmem>>
    %dma_wait3A_270 = tpu.memref_slice %arg2[%add3A_58] : memref<81920xi32, #tpu.memory_space<hbm>> -> memref<16xi32, #tpu.memory_space<hbm>>
    %dma_wait3A_271 = arith.constant 0 : i32
    %dma_wait3A_272 = tpu.memref_slice %arg5[%dma_wait3A_266, %dma_wait3A_271] : memref<20x16xi32, #tpu.memory_space<vmem>> -> memref<1x16xi32, #tpu.memory_space<vmem>>
    %dma_wait3A_273 = tpu.memref_squeeze %dma_wait3A_272 : memref<1x16xi32, #tpu.memory_space<vmem>> -> memref<16xi32, #tpu.memory_space<vmem>>
    %dma_wait3A_274 = tpu.memref_slice %arg2[%add3A_58] : memref<81920xi32, #tpu.memory_space<hbm>> -> memref<16xi32, #tpu.memory_space<hbm>>
    tpu.wait_dma2 semaphore(%arg7 : memref<!tpu.dma_semaphore, #tpu.memory_space<semaphore_mem>>) src(%dma_wait3A_274 : memref<16xi32, #tpu.memory_space<hbm>>) dst(%dma_wait3A_273 : memref<16xi32, #tpu.memory_space<vmem>>)
    %dma_wait3A_275 = arith.constant 6 : i32
    %dma_wait3A_276 = arith.constant 0 : i32
    %dma_wait3A_277 = tpu.memref_slice %arg5[%dma_wait3A_275, %dma_wait3A_276] : memref<20x16xi32, #tpu.memory_space<vmem>> -> memref<1x16xi32, #tpu.memory_space<vmem>>
    %dma_wait3A_278 = tpu.memref_squeeze %dma_wait3A_277 : memref<1x16xi32, #tpu.memory_space<vmem>> -> memref<16xi32, #tpu.memory_space<vmem>>
    %dma_wait3A_279 = tpu.memref_slice %arg2[%add3A_69] : memref<81920xi32, #tpu.memory_space<hbm>> -> memref<16xi32, #tpu.memory_space<hbm>>
    %dma_wait3A_280 = arith.constant 0 : i32
    %dma_wait3A_281 = tpu.memref_slice %arg5[%dma_wait3A_275, %dma_wait3A_280] : memref<20x16xi32, #tpu.memory_space<vmem>> -> memref<1x16xi32, #tpu.memory_space<vmem>>
    %dma_wait3A_282 = tpu.memref_squeeze %dma_wait3A_281 : memref<1x16xi32, #tpu.memory_space<vmem>> -> memref<16xi32, #tpu.memory_space<vmem>>
    %dma_wait3A_283 = tpu.memref_slice %arg2[%add3A_69] : memref<81920xi32, #tpu.memory_space<hbm>> -> memref<16xi32, #tpu.memory_space<hbm>>
    tpu.wait_dma2 semaphore(%arg7 : memref<!tpu.dma_semaphore, #tpu.memory_space<semaphore_mem>>) src(%dma_wait3A_283 : memref<16xi32, #tpu.memory_space<hbm>>) dst(%dma_wait3A_282 : memref<16xi32, #tpu.memory_space<vmem>>)
    %dma_wait3A_284 = arith.constant 7 : i32
    %dma_wait3A_285 = arith.constant 0 : i32
    %dma_wait3A_286 = tpu.memref_slice %arg5[%dma_wait3A_284, %dma_wait3A_285] : memref<20x16xi32, #tpu.memory_space<vmem>> -> memref<1x16xi32, #tpu.memory_space<vmem>>
    %dma_wait3A_287 = tpu.memref_squeeze %dma_wait3A_286 : memref<1x16xi32, #tpu.memory_space<vmem>> -> memref<16xi32, #tpu.memory_space<vmem>>
    %dma_wait3A_288 = tpu.memref_slice %arg2[%add3A_80] : memref<81920xi32, #tpu.memory_space<hbm>> -> memref<16xi32, #tpu.memory_space<hbm>>
    %dma_wait3A_289 = arith.constant 0 : i32
    %dma_wait3A_290 = tpu.memref_slice %arg5[%dma_wait3A_284, %dma_wait3A_289] : memref<20x16xi32, #tpu.memory_space<vmem>> -> memref<1x16xi32, #tpu.memory_space<vmem>>
    %dma_wait3A_291 = tpu.memref_squeeze %dma_wait3A_290 : memref<1x16xi32, #tpu.memory_space<vmem>> -> memref<16xi32, #tpu.memory_space<vmem>>
    %dma_wait3A_292 = tpu.memref_slice %arg2[%add3A_80] : memref<81920xi32, #tpu.memory_space<hbm>> -> memref<16xi32, #tpu.memory_space<hbm>>
    tpu.wait_dma2 semaphore(%arg7 : memref<!tpu.dma_semaphore, #tpu.memory_space<semaphore_mem>>) src(%dma_wait3A_292 : memref<16xi32, #tpu.memory_space<hbm>>) dst(%dma_wait3A_291 : memref<16xi32, #tpu.memory_space<vmem>>)
    %dma_wait3A_293 = arith.constant 8 : i32
    %dma_wait3A_294 = arith.constant 0 : i32
    %dma_wait3A_295 = tpu.memref_slice %arg5[%dma_wait3A_293, %dma_wait3A_294] : memref<20x16xi32, #tpu.memory_space<vmem>> -> memref<1x16xi32, #tpu.memory_space<vmem>>
    %dma_wait3A_296 = tpu.memref_squeeze %dma_wait3A_295 : memref<1x16xi32, #tpu.memory_space<vmem>> -> memref<16xi32, #tpu.memory_space<vmem>>
    %dma_wait3A_297 = tpu.memref_slice %arg2[%add3A_91] : memref<81920xi32, #tpu.memory_space<hbm>> -> memref<16xi32, #tpu.memory_space<hbm>>
    %dma_wait3A_298 = arith.constant 0 : i32
    %dma_wait3A_299 = tpu.memref_slice %arg5[%dma_wait3A_293, %dma_wait3A_298] : memref<20x16xi32, #tpu.memory_space<vmem>> -> memref<1x16xi32, #tpu.memory_space<vmem>>
    %dma_wait3A_300 = tpu.memref_squeeze %dma_wait3A_299 : memref<1x16xi32, #tpu.memory_space<vmem>> -> memref<16xi32, #tpu.memory_space<vmem>>
    %dma_wait3A_301 = tpu.memref_slice %arg2[%add3A_91] : memref<81920xi32, #tpu.memory_space<hbm>> -> memref<16xi32, #tpu.memory_space<hbm>>
    tpu.wait_dma2 semaphore(%arg7 : memref<!tpu.dma_semaphore, #tpu.memory_space<semaphore_mem>>) src(%dma_wait3A_301 : memref<16xi32, #tpu.memory_space<hbm>>) dst(%dma_wait3A_300 : memref<16xi32, #tpu.memory_space<vmem>>)
    %dma_wait3A_302 = arith.constant 9 : i32
    %dma_wait3A_303 = arith.constant 0 : i32
    %dma_wait3A_304 = tpu.memref_slice %arg5[%dma_wait3A_302, %dma_wait3A_303] : memref<20x16xi32, #tpu.memory_space<vmem>> -> memref<1x16xi32, #tpu.memory_space<vmem>>
    %dma_wait3A_305 = tpu.memref_squeeze %dma_wait3A_304 : memref<1x16xi32, #tpu.memory_space<vmem>> -> memref<16xi32, #tpu.memory_space<vmem>>
    %dma_wait3A_306 = tpu.memref_slice %arg2[%add3A_102] : memref<81920xi32, #tpu.memory_space<hbm>> -> memref<16xi32, #tpu.memory_space<hbm>>
    %dma_wait3A_307 = arith.constant 0 : i32
    %dma_wait3A_308 = tpu.memref_slice %arg5[%dma_wait3A_302, %dma_wait3A_307] : memref<20x16xi32, #tpu.memory_space<vmem>> -> memref<1x16xi32, #tpu.memory_space<vmem>>
    %dma_wait3A_309 = tpu.memref_squeeze %dma_wait3A_308 : memref<1x16xi32, #tpu.memory_space<vmem>> -> memref<16xi32, #tpu.memory_space<vmem>>
    %dma_wait3A_310 = tpu.memref_slice %arg2[%add3A_102] : memref<81920xi32, #tpu.memory_space<hbm>> -> memref<16xi32, #tpu.memory_space<hbm>>
    tpu.wait_dma2 semaphore(%arg7 : memref<!tpu.dma_semaphore, #tpu.memory_space<semaphore_mem>>) src(%dma_wait3A_310 : memref<16xi32, #tpu.memory_space<hbm>>) dst(%dma_wait3A_309 : memref<16xi32, #tpu.memory_space<vmem>>)
    %dma_wait3A_311 = arith.constant 10 : i32
    %dma_wait3A_312 = arith.constant 0 : i32
    %dma_wait3A_313 = tpu.memref_slice %arg5[%dma_wait3A_311, %dma_wait3A_312] : memref<20x16xi32, #tpu.memory_space<vmem>> -> memref<1x16xi32, #tpu.memory_space<vmem>>
    %dma_wait3A_314 = tpu.memref_squeeze %dma_wait3A_313 : memref<1x16xi32, #tpu.memory_space<vmem>> -> memref<16xi32, #tpu.memory_space<vmem>>
    %dma_wait3A_315 = tpu.memref_slice %arg2[%add3A_113] : memref<81920xi32, #tpu.memory_space<hbm>> -> memref<16xi32, #tpu.memory_space<hbm>>
    %dma_wait3A_316 = arith.constant 0 : i32
    %dma_wait3A_317 = tpu.memref_slice %arg5[%dma_wait3A_311, %dma_wait3A_316] : memref<20x16xi32, #tpu.memory_space<vmem>> -> memref<1x16xi32, #tpu.memory_space<vmem>>
    %dma_wait3A_318 = tpu.memref_squeeze %dma_wait3A_317 : memref<1x16xi32, #tpu.memory_space<vmem>> -> memref<16xi32, #tpu.memory_space<vmem>>
    %dma_wait3A_319 = tpu.memref_slice %arg2[%add3A_113] : memref<81920xi32, #tpu.memory_space<hbm>> -> memref<16xi32, #tpu.memory_space<hbm>>
    tpu.wait_dma2 semaphore(%arg7 : memref<!tpu.dma_semaphore, #tpu.memory_space<semaphore_mem>>) src(%dma_wait3A_319 : memref<16xi32, #tpu.memory_space<hbm>>) dst(%dma_wait3A_318 : memref<16xi32, #tpu.memory_space<vmem>>)
    %dma_wait3A_320 = arith.constant 11 : i32
    %dma_wait3A_321 = arith.constant 0 : i32
    %dma_wait3A_322 = tpu.memref_slice %arg5[%dma_wait3A_320, %dma_wait3A_321] : memref<20x16xi32, #tpu.memory_space<vmem>> -> memref<1x16xi32, #tpu.memory_space<vmem>>
    %dma_wait3A_323 = tpu.memref_squeeze %dma_wait3A_322 : memref<1x16xi32, #tpu.memory_space<vmem>> -> memref<16xi32, #tpu.memory_space<vmem>>
    %dma_wait3A_324 = tpu.memref_slice %arg2[%add3A_124] : memref<81920xi32, #tpu.memory_space<hbm>> -> memref<16xi32, #tpu.memory_space<hbm>>
    %dma_wait3A_325 = arith.constant 0 : i32
    %dma_wait3A_326 = tpu.memref_slice %arg5[%dma_wait3A_320, %dma_wait3A_325] : memref<20x16xi32, #tpu.memory_space<vmem>> -> memref<1x16xi32, #tpu.memory_space<vmem>>
    %dma_wait3A_327 = tpu.memref_squeeze %dma_wait3A_326 : memref<1x16xi32, #tpu.memory_space<vmem>> -> memref<16xi32, #tpu.memory_space<vmem>>
    %dma_wait3A_328 = tpu.memref_slice %arg2[%add3A_124] : memref<81920xi32, #tpu.memory_space<hbm>> -> memref<16xi32, #tpu.memory_space<hbm>>
    tpu.wait_dma2 semaphore(%arg7 : memref<!tpu.dma_semaphore, #tpu.memory_space<semaphore_mem>>) src(%dma_wait3A_328 : memref<16xi32, #tpu.memory_space<hbm>>) dst(%dma_wait3A_327 : memref<16xi32, #tpu.memory_space<vmem>>)
    %dma_wait3A_329 = arith.constant 12 : i32
    %dma_wait3A_330 = arith.constant 0 : i32
    %dma_wait3A_331 = tpu.memref_slice %arg5[%dma_wait3A_329, %dma_wait3A_330] : memref<20x16xi32, #tpu.memory_space<vmem>> -> memref<1x16xi32, #tpu.memory_space<vmem>>
    %dma_wait3A_332 = tpu.memref_squeeze %dma_wait3A_331 : memref<1x16xi32, #tpu.memory_space<vmem>> -> memref<16xi32, #tpu.memory_space<vmem>>
    %dma_wait3A_333 = tpu.memref_slice %arg2[%add3A_135] : memref<81920xi32, #tpu.memory_space<hbm>> -> memref<16xi32, #tpu.memory_space<hbm>>
    %dma_wait3A_334 = arith.constant 0 : i32
    %dma_wait3A_335 = tpu.memref_slice %arg5[%dma_wait3A_329, %dma_wait3A_334] : memref<20x16xi32, #tpu.memory_space<vmem>> -> memref<1x16xi32, #tpu.memory_space<vmem>>
    %dma_wait3A_336 = tpu.memref_squeeze %dma_wait3A_335 : memref<1x16xi32, #tpu.memory_space<vmem>> -> memref<16xi32, #tpu.memory_space<vmem>>
    %dma_wait3A_337 = tpu.memref_slice %arg2[%add3A_135] : memref<81920xi32, #tpu.memory_space<hbm>> -> memref<16xi32, #tpu.memory_space<hbm>>
    tpu.wait_dma2 semaphore(%arg7 : memref<!tpu.dma_semaphore, #tpu.memory_space<semaphore_mem>>) src(%dma_wait3A_337 : memref<16xi32, #tpu.memory_space<hbm>>) dst(%dma_wait3A_336 : memref<16xi32, #tpu.memory_space<vmem>>)
    %dma_wait3A_338 = arith.constant 13 : i32
    %dma_wait3A_339 = arith.constant 0 : i32
    %dma_wait3A_340 = tpu.memref_slice %arg5[%dma_wait3A_338, %dma_wait3A_339] : memref<20x16xi32, #tpu.memory_space<vmem>> -> memref<1x16xi32, #tpu.memory_space<vmem>>
    %dma_wait3A_341 = tpu.memref_squeeze %dma_wait3A_340 : memref<1x16xi32, #tpu.memory_space<vmem>> -> memref<16xi32, #tpu.memory_space<vmem>>
    %dma_wait3A_342 = tpu.memref_slice %arg2[%add3A_146] : memref<81920xi32, #tpu.memory_space<hbm>> -> memref<16xi32, #tpu.memory_space<hbm>>
    %dma_wait3A_343 = arith.constant 0 : i32
    %dma_wait3A_344 = tpu.memref_slice %arg5[%dma_wait3A_338, %dma_wait3A_343] : memref<20x16xi32, #tpu.memory_space<vmem>> -> memref<1x16xi32, #tpu.memory_space<vmem>>
    %dma_wait3A_345 = tpu.memref_squeeze %dma_wait3A_344 : memref<1x16xi32, #tpu.memory_space<vmem>> -> memref<16xi32, #tpu.memory_space<vmem>>
    %dma_wait3A_346 = tpu.memref_slice %arg2[%add3A_146] : memref<81920xi32, #tpu.memory_space<hbm>> -> memref<16xi32, #tpu.memory_space<hbm>>
    tpu.wait_dma2 semaphore(%arg7 : memref<!tpu.dma_semaphore, #tpu.memory_space<semaphore_mem>>) src(%dma_wait3A_346 : memref<16xi32, #tpu.memory_space<hbm>>) dst(%dma_wait3A_345 : memref<16xi32, #tpu.memory_space<vmem>>)
    %dma_wait3A_347 = arith.constant 14 : i32
    %dma_wait3A_348 = arith.constant 0 : i32
    %dma_wait3A_349 = tpu.memref_slice %arg5[%dma_wait3A_347, %dma_wait3A_348] : memref<20x16xi32, #tpu.memory_space<vmem>> -> memref<1x16xi32, #tpu.memory_space<vmem>>
    %dma_wait3A_350 = tpu.memref_squeeze %dma_wait3A_349 : memref<1x16xi32, #tpu.memory_space<vmem>> -> memref<16xi32, #tpu.memory_space<vmem>>
    %dma_wait3A_351 = tpu.memref_slice %arg2[%add3A_157] : memref<81920xi32, #tpu.memory_space<hbm>> -> memref<16xi32, #tpu.memory_space<hbm>>
    %dma_wait3A_352 = arith.constant 0 : i32
    %dma_wait3A_353 = tpu.memref_slice %arg5[%dma_wait3A_347, %dma_wait3A_352] : memref<20x16xi32, #tpu.memory_space<vmem>> -> memref<1x16xi32, #tpu.memory_space<vmem>>
    %dma_wait3A_354 = tpu.memref_squeeze %dma_wait3A_353 : memref<1x16xi32, #tpu.memory_space<vmem>> -> memref<16xi32, #tpu.memory_space<vmem>>
    %dma_wait3A_355 = tpu.memref_slice %arg2[%add3A_157] : memref<81920xi32, #tpu.memory_space<hbm>> -> memref<16xi32, #tpu.memory_space<hbm>>
    tpu.wait_dma2 semaphore(%arg7 : memref<!tpu.dma_semaphore, #tpu.memory_space<semaphore_mem>>) src(%dma_wait3A_355 : memref<16xi32, #tpu.memory_space<hbm>>) dst(%dma_wait3A_354 : memref<16xi32, #tpu.memory_space<vmem>>)
    %dma_wait3A_356 = arith.constant 15 : i32
    %dma_wait3A_357 = arith.constant 0 : i32
    %dma_wait3A_358 = tpu.memref_slice %arg5[%dma_wait3A_356, %dma_wait3A_357] : memref<20x16xi32, #tpu.memory_space<vmem>> -> memref<1x16xi32, #tpu.memory_space<vmem>>
    %dma_wait3A_359 = tpu.memref_squeeze %dma_wait3A_358 : memref<1x16xi32, #tpu.memory_space<vmem>> -> memref<16xi32, #tpu.memory_space<vmem>>
    %dma_wait3A_360 = tpu.memref_slice %arg2[%add3A_168] : memref<81920xi32, #tpu.memory_space<hbm>> -> memref<16xi32, #tpu.memory_space<hbm>>
    %dma_wait3A_361 = arith.constant 0 : i32
    %dma_wait3A_362 = tpu.memref_slice %arg5[%dma_wait3A_356, %dma_wait3A_361] : memref<20x16xi32, #tpu.memory_space<vmem>> -> memref<1x16xi32, #tpu.memory_space<vmem>>
    %dma_wait3A_363 = tpu.memref_squeeze %dma_wait3A_362 : memref<1x16xi32, #tpu.memory_space<vmem>> -> memref<16xi32, #tpu.memory_space<vmem>>
    %dma_wait3A_364 = tpu.memref_slice %arg2[%add3A_168] : memref<81920xi32, #tpu.memory_space<hbm>> -> memref<16xi32, #tpu.memory_space<hbm>>
    tpu.wait_dma2 semaphore(%arg7 : memref<!tpu.dma_semaphore, #tpu.memory_space<semaphore_mem>>) src(%dma_wait3A_364 : memref<16xi32, #tpu.memory_space<hbm>>) dst(%dma_wait3A_363 : memref<16xi32, #tpu.memory_space<vmem>>)
    %dma_wait3A_365 = arith.constant 16 : i32
    %dma_wait3A_366 = arith.constant 0 : i32
    %dma_wait3A_367 = tpu.memref_slice %arg5[%dma_wait3A_365, %dma_wait3A_366] : memref<20x16xi32, #tpu.memory_space<vmem>> -> memref<1x16xi32, #tpu.memory_space<vmem>>
    %dma_wait3A_368 = tpu.memref_squeeze %dma_wait3A_367 : memref<1x16xi32, #tpu.memory_space<vmem>> -> memref<16xi32, #tpu.memory_space<vmem>>
    %dma_wait3A_369 = tpu.memref_slice %arg2[%add3A_179] : memref<81920xi32, #tpu.memory_space<hbm>> -> memref<16xi32, #tpu.memory_space<hbm>>
    %dma_wait3A_370 = arith.constant 0 : i32
    %dma_wait3A_371 = tpu.memref_slice %arg5[%dma_wait3A_365, %dma_wait3A_370] : memref<20x16xi32, #tpu.memory_space<vmem>> -> memref<1x16xi32, #tpu.memory_space<vmem>>
    %dma_wait3A_372 = tpu.memref_squeeze %dma_wait3A_371 : memref<1x16xi32, #tpu.memory_space<vmem>> -> memref<16xi32, #tpu.memory_space<vmem>>
    %dma_wait3A_373 = tpu.memref_slice %arg2[%add3A_179] : memref<81920xi32, #tpu.memory_space<hbm>> -> memref<16xi32, #tpu.memory_space<hbm>>
    tpu.wait_dma2 semaphore(%arg7 : memref<!tpu.dma_semaphore, #tpu.memory_space<semaphore_mem>>) src(%dma_wait3A_373 : memref<16xi32, #tpu.memory_space<hbm>>) dst(%dma_wait3A_372 : memref<16xi32, #tpu.memory_space<vmem>>)
    %dma_wait3A_374 = arith.constant 17 : i32
    %dma_wait3A_375 = arith.constant 0 : i32
    %dma_wait3A_376 = tpu.memref_slice %arg5[%dma_wait3A_374, %dma_wait3A_375] : memref<20x16xi32, #tpu.memory_space<vmem>> -> memref<1x16xi32, #tpu.memory_space<vmem>>
    %dma_wait3A_377 = tpu.memref_squeeze %dma_wait3A_376 : memref<1x16xi32, #tpu.memory_space<vmem>> -> memref<16xi32, #tpu.memory_space<vmem>>
    %dma_wait3A_378 = tpu.memref_slice %arg2[%add3A_190] : memref<81920xi32, #tpu.memory_space<hbm>> -> memref<16xi32, #tpu.memory_space<hbm>>
    %dma_wait3A_379 = arith.constant 0 : i32
    %dma_wait3A_380 = tpu.memref_slice %arg5[%dma_wait3A_374, %dma_wait3A_379] : memref<20x16xi32, #tpu.memory_space<vmem>> -> memref<1x16xi32, #tpu.memory_space<vmem>>
    %dma_wait3A_381 = tpu.memref_squeeze %dma_wait3A_380 : memref<1x16xi32, #tpu.memory_space<vmem>> -> memref<16xi32, #tpu.memory_space<vmem>>
    %dma_wait3A_382 = tpu.memref_slice %arg2[%add3A_190] : memref<81920xi32, #tpu.memory_space<hbm>> -> memref<16xi32, #tpu.memory_space<hbm>>
    tpu.wait_dma2 semaphore(%arg7 : memref<!tpu.dma_semaphore, #tpu.memory_space<semaphore_mem>>) src(%dma_wait3A_382 : memref<16xi32, #tpu.memory_space<hbm>>) dst(%dma_wait3A_381 : memref<16xi32, #tpu.memory_space<vmem>>)
    %dma_wait3A_383 = arith.constant 18 : i32
    %dma_wait3A_384 = arith.constant 0 : i32
    %dma_wait3A_385 = tpu.memref_slice %arg5[%dma_wait3A_383, %dma_wait3A_384] : memref<20x16xi32, #tpu.memory_space<vmem>> -> memref<1x16xi32, #tpu.memory_space<vmem>>
    %dma_wait3A_386 = tpu.memref_squeeze %dma_wait3A_385 : memref<1x16xi32, #tpu.memory_space<vmem>> -> memref<16xi32, #tpu.memory_space<vmem>>
    %dma_wait3A_387 = tpu.memref_slice %arg2[%add3A_201] : memref<81920xi32, #tpu.memory_space<hbm>> -> memref<16xi32, #tpu.memory_space<hbm>>
    %dma_wait3A_388 = arith.constant 0 : i32
    %dma_wait3A_389 = tpu.memref_slice %arg5[%dma_wait3A_383, %dma_wait3A_388] : memref<20x16xi32, #tpu.memory_space<vmem>> -> memref<1x16xi32, #tpu.memory_space<vmem>>
    %dma_wait3A_390 = tpu.memref_squeeze %dma_wait3A_389 : memref<1x16xi32, #tpu.memory_space<vmem>> -> memref<16xi32, #tpu.memory_space<vmem>>
    %dma_wait3A_391 = tpu.memref_slice %arg2[%add3A_201] : memref<81920xi32, #tpu.memory_space<hbm>> -> memref<16xi32, #tpu.memory_space<hbm>>
    tpu.wait_dma2 semaphore(%arg7 : memref<!tpu.dma_semaphore, #tpu.memory_space<semaphore_mem>>) src(%dma_wait3A_391 : memref<16xi32, #tpu.memory_space<hbm>>) dst(%dma_wait3A_390 : memref<16xi32, #tpu.memory_space<vmem>>)
    %dma_wait3A_392 = arith.constant 19 : i32
    %dma_wait3A_393 = arith.constant 0 : i32
    %dma_wait3A_394 = tpu.memref_slice %arg5[%dma_wait3A_392, %dma_wait3A_393] : memref<20x16xi32, #tpu.memory_space<vmem>> -> memref<1x16xi32, #tpu.memory_space<vmem>>
    %dma_wait3A_395 = tpu.memref_squeeze %dma_wait3A_394 : memref<1x16xi32, #tpu.memory_space<vmem>> -> memref<16xi32, #tpu.memory_space<vmem>>
    %dma_wait3A_396 = tpu.memref_slice %arg2[%add3A_212] : memref<81920xi32, #tpu.memory_space<hbm>> -> memref<16xi32, #tpu.memory_space<hbm>>
    %dma_wait3A_397 = arith.constant 0 : i32
    %dma_wait3A_398 = tpu.memref_slice %arg5[%dma_wait3A_392, %dma_wait3A_397] : memref<20x16xi32, #tpu.memory_space<vmem>> -> memref<1x16xi32, #tpu.memory_space<vmem>>
    %dma_wait3A_399 = tpu.memref_squeeze %dma_wait3A_398 : memref<1x16xi32, #tpu.memory_space<vmem>> -> memref<16xi32, #tpu.memory_space<vmem>>
    %dma_wait3A_400 = tpu.memref_slice %arg2[%add3A_212] : memref<81920xi32, #tpu.memory_space<hbm>> -> memref<16xi32, #tpu.memory_space<hbm>>
    tpu.wait_dma2 semaphore(%arg7 : memref<!tpu.dma_semaphore, #tpu.memory_space<semaphore_mem>>) src(%dma_wait3A_400 : memref<16xi32, #tpu.memory_space<hbm>>) dst(%dma_wait3A_399 : memref<16xi32, #tpu.memory_space<vmem>>)
    %dma_start3A_401 = arith.constant 0 : i32
    %dma_start3A_402 = arith.constant 0 : i32
    %dma_start3A_403 = tpu.memref_slice %arg5[%dma_start3A_401, %dma_start3A_402] : memref<20x16xi32, #tpu.memory_space<vmem>> -> memref<1x16xi32, #tpu.memory_space<vmem>>
    %dma_start3A_404 = tpu.memref_squeeze %dma_start3A_403 : memref<1x16xi32, #tpu.memory_space<vmem>> -> memref<16xi32, #tpu.memory_space<vmem>>
    %dma_start3A_405 = arith.constant 0 : i32
    %dma_start3A_406 = arith.constant 0 : i32
    %dma_start3A_407 = tpu.memref_slice %arg3[%dma_start3A_405, %dma_start3A_406] : memref<100000x128xf32, #tpu.memory_space<hbm>> -> memref<100000x128xf32, #tpu.memory_space<hbm>>
    tpu.enqueue_indirect_dma source(%dma_start3A_407 : memref<100000x128xf32, #tpu.memory_space<hbm>>) target(%arg6 : memref<16x128xf32, #tpu.memory_space<vmem>>) offsets(%dma_start3A_404 : memref<16xi32, #tpu.memory_space<vmem>>) semaphore(%arg7 : memref<!tpu.dma_semaphore, #tpu.memory_space<semaphore_mem>>)
    %dma_wait3A_408 = arith.constant 0 : i32
    %dma_wait3A_409 = arith.constant 0 : i32
    %dma_wait3A_410 = tpu.memref_slice %arg5[%dma_wait3A_408, %dma_wait3A_409] : memref<20x16xi32, #tpu.memory_space<vmem>> -> memref<1x16xi32, #tpu.memory_space<vmem>>
    %dma_wait3A_411 = tpu.memref_squeeze %dma_wait3A_410 : memref<1x16xi32, #tpu.memory_space<vmem>> -> memref<16xi32, #tpu.memory_space<vmem>>
    %dma_wait3A_412 = arith.constant 0 : i32
    %dma_wait3A_413 = arith.constant 0 : i32
    %dma_wait3A_414 = tpu.memref_slice %arg3[%dma_wait3A_412, %dma_wait3A_413] : memref<100000x128xf32, #tpu.memory_space<hbm>> -> memref<100000x128xf32, #tpu.memory_space<hbm>>
    tpu.wait_indirect_dma semaphore(%arg7 : memref<!tpu.dma_semaphore, #tpu.memory_space<semaphore_mem>>) src(%dma_wait3A_414 : memref<100000x128xf32, #tpu.memory_space<hbm>>) dst(%arg6 : memref<16x128xf32, #tpu.memory_space<vmem>>)
    %dma_start3A_415 = arith.constant 1 : i32
    %dma_start3A_416 = arith.constant 0 : i32
    %dma_start3A_417 = tpu.memref_slice %arg5[%dma_start3A_415, %dma_start3A_416] : memref<20x16xi32, #tpu.memory_space<vmem>> -> memref<1x16xi32, #tpu.memory_space<vmem>>
    %dma_start3A_418 = tpu.memref_squeeze %dma_start3A_417 : memref<1x16xi32, #tpu.memory_space<vmem>> -> memref<16xi32, #tpu.memory_space<vmem>>
    %dma_start3A_419 = arith.constant 0 : i32
    %dma_start3A_420 = arith.constant 0 : i32
    %dma_start3A_421 = tpu.memref_slice %arg3[%dma_start3A_419, %dma_start3A_420] : memref<100000x128xf32, #tpu.memory_space<hbm>> -> memref<100000x128xf32, #tpu.memory_space<hbm>>
    tpu.enqueue_indirect_dma source(%dma_start3A_421 : memref<100000x128xf32, #tpu.memory_space<hbm>>) target(%arg6 : memref<16x128xf32, #tpu.memory_space<vmem>>) offsets(%dma_start3A_418 : memref<16xi32, #tpu.memory_space<vmem>>) semaphore(%arg7 : memref<!tpu.dma_semaphore, #tpu.memory_space<semaphore_mem>>) {add = true}
    %dma_start3A_422 = arith.constant 2 : i32
    %dma_start3A_423 = arith.constant 0 : i32
    %dma_start3A_424 = tpu.memref_slice %arg5[%dma_start3A_422, %dma_start3A_423] : memref<20x16xi32, #tpu.memory_space<vmem>> -> memref<1x16xi32, #tpu.memory_space<vmem>>
    %dma_start3A_425 = tpu.memref_squeeze %dma_start3A_424 : memref<1x16xi32, #tpu.memory_space<vmem>> -> memref<16xi32, #tpu.memory_space<vmem>>
    %dma_start3A_426 = arith.constant 0 : i32
    %dma_start3A_427 = arith.constant 0 : i32
    %dma_start3A_428 = tpu.memref_slice %arg3[%dma_start3A_426, %dma_start3A_427] : memref<100000x128xf32, #tpu.memory_space<hbm>> -> memref<100000x128xf32, #tpu.memory_space<hbm>>
    tpu.enqueue_indirect_dma source(%dma_start3A_428 : memref<100000x128xf32, #tpu.memory_space<hbm>>) target(%arg6 : memref<16x128xf32, #tpu.memory_space<vmem>>) offsets(%dma_start3A_425 : memref<16xi32, #tpu.memory_space<vmem>>) semaphore(%arg7 : memref<!tpu.dma_semaphore, #tpu.memory_space<semaphore_mem>>) {add = true}
    %dma_start3A_429 = arith.constant 3 : i32
    %dma_start3A_430 = arith.constant 0 : i32
    %dma_start3A_431 = tpu.memref_slice %arg5[%dma_start3A_429, %dma_start3A_430] : memref<20x16xi32, #tpu.memory_space<vmem>> -> memref<1x16xi32, #tpu.memory_space<vmem>>
    %dma_start3A_432 = tpu.memref_squeeze %dma_start3A_431 : memref<1x16xi32, #tpu.memory_space<vmem>> -> memref<16xi32, #tpu.memory_space<vmem>>
    %dma_start3A_433 = arith.constant 0 : i32
    %dma_start3A_434 = arith.constant 0 : i32
    %dma_start3A_435 = tpu.memref_slice %arg3[%dma_start3A_433, %dma_start3A_434] : memref<100000x128xf32, #tpu.memory_space<hbm>> -> memref<100000x128xf32, #tpu.memory_space<hbm>>
    tpu.enqueue_indirect_dma source(%dma_start3A_435 : memref<100000x128xf32, #tpu.memory_space<hbm>>) target(%arg6 : memref<16x128xf32, #tpu.memory_space<vmem>>) offsets(%dma_start3A_432 : memref<16xi32, #tpu.memory_space<vmem>>) semaphore(%arg7 : memref<!tpu.dma_semaphore, #tpu.memory_space<semaphore_mem>>) {add = true}
    %dma_start3A_436 = arith.constant 4 : i32
    %dma_start3A_437 = arith.constant 0 : i32
    %dma_start3A_438 = tpu.memref_slice %arg5[%dma_start3A_436, %dma_start3A_437] : memref<20x16xi32, #tpu.memory_space<vmem>> -> memref<1x16xi32, #tpu.memory_space<vmem>>
    %dma_start3A_439 = tpu.memref_squeeze %dma_start3A_438 : memref<1x16xi32, #tpu.memory_space<vmem>> -> memref<16xi32, #tpu.memory_space<vmem>>
    %dma_start3A_440 = arith.constant 0 : i32
    %dma_start3A_441 = arith.constant 0 : i32
    %dma_start3A_442 = tpu.memref_slice %arg3[%dma_start3A_440, %dma_start3A_441] : memref<100000x128xf32, #tpu.memory_space<hbm>> -> memref<100000x128xf32, #tpu.memory_space<hbm>>
    tpu.enqueue_indirect_dma source(%dma_start3A_442 : memref<100000x128xf32, #tpu.memory_space<hbm>>) target(%arg6 : memref<16x128xf32, #tpu.memory_space<vmem>>) offsets(%dma_start3A_439 : memref<16xi32, #tpu.memory_space<vmem>>) semaphore(%arg7 : memref<!tpu.dma_semaphore, #tpu.memory_space<semaphore_mem>>) {add = true}
    %dma_start3A_443 = arith.constant 5 : i32
    %dma_start3A_444 = arith.constant 0 : i32
    %dma_start3A_445 = tpu.memref_slice %arg5[%dma_start3A_443, %dma_start3A_444] : memref<20x16xi32, #tpu.memory_space<vmem>> -> memref<1x16xi32, #tpu.memory_space<vmem>>
    %dma_start3A_446 = tpu.memref_squeeze %dma_start3A_445 : memref<1x16xi32, #tpu.memory_space<vmem>> -> memref<16xi32, #tpu.memory_space<vmem>>
    %dma_start3A_447 = arith.constant 0 : i32
    %dma_start3A_448 = arith.constant 0 : i32
    %dma_start3A_449 = tpu.memref_slice %arg3[%dma_start3A_447, %dma_start3A_448] : memref<100000x128xf32, #tpu.memory_space<hbm>> -> memref<100000x128xf32, #tpu.memory_space<hbm>>
    tpu.enqueue_indirect_dma source(%dma_start3A_449 : memref<100000x128xf32, #tpu.memory_space<hbm>>) target(%arg6 : memref<16x128xf32, #tpu.memory_space<vmem>>) offsets(%dma_start3A_446 : memref<16xi32, #tpu.memory_space<vmem>>) semaphore(%arg7 : memref<!tpu.dma_semaphore, #tpu.memory_space<semaphore_mem>>) {add = true}
    %dma_start3A_450 = arith.constant 6 : i32
    %dma_start3A_451 = arith.constant 0 : i32
    %dma_start3A_452 = tpu.memref_slice %arg5[%dma_start3A_450, %dma_start3A_451] : memref<20x16xi32, #tpu.memory_space<vmem>> -> memref<1x16xi32, #tpu.memory_space<vmem>>
    %dma_start3A_453 = tpu.memref_squeeze %dma_start3A_452 : memref<1x16xi32, #tpu.memory_space<vmem>> -> memref<16xi32, #tpu.memory_space<vmem>>
    %dma_start3A_454 = arith.constant 0 : i32
    %dma_start3A_455 = arith.constant 0 : i32
    %dma_start3A_456 = tpu.memref_slice %arg3[%dma_start3A_454, %dma_start3A_455] : memref<100000x128xf32, #tpu.memory_space<hbm>> -> memref<100000x128xf32, #tpu.memory_space<hbm>>
    tpu.enqueue_indirect_dma source(%dma_start3A_456 : memref<100000x128xf32, #tpu.memory_space<hbm>>) target(%arg6 : memref<16x128xf32, #tpu.memory_space<vmem>>) offsets(%dma_start3A_453 : memref<16xi32, #tpu.memory_space<vmem>>) semaphore(%arg7 : memref<!tpu.dma_semaphore, #tpu.memory_space<semaphore_mem>>) {add = true}
    %dma_start3A_457 = arith.constant 7 : i32
    %dma_start3A_458 = arith.constant 0 : i32
    %dma_start3A_459 = tpu.memref_slice %arg5[%dma_start3A_457, %dma_start3A_458] : memref<20x16xi32, #tpu.memory_space<vmem>> -> memref<1x16xi32, #tpu.memory_space<vmem>>
    %dma_start3A_460 = tpu.memref_squeeze %dma_start3A_459 : memref<1x16xi32, #tpu.memory_space<vmem>> -> memref<16xi32, #tpu.memory_space<vmem>>
    %dma_start3A_461 = arith.constant 0 : i32
    %dma_start3A_462 = arith.constant 0 : i32
    %dma_start3A_463 = tpu.memref_slice %arg3[%dma_start3A_461, %dma_start3A_462] : memref<100000x128xf32, #tpu.memory_space<hbm>> -> memref<100000x128xf32, #tpu.memory_space<hbm>>
    tpu.enqueue_indirect_dma source(%dma_start3A_463 : memref<100000x128xf32, #tpu.memory_space<hbm>>) target(%arg6 : memref<16x128xf32, #tpu.memory_space<vmem>>) offsets(%dma_start3A_460 : memref<16xi32, #tpu.memory_space<vmem>>) semaphore(%arg7 : memref<!tpu.dma_semaphore, #tpu.memory_space<semaphore_mem>>) {add = true}
    %dma_start3A_464 = arith.constant 8 : i32
    %dma_start3A_465 = arith.constant 0 : i32
    %dma_start3A_466 = tpu.memref_slice %arg5[%dma_start3A_464, %dma_start3A_465] : memref<20x16xi32, #tpu.memory_space<vmem>> -> memref<1x16xi32, #tpu.memory_space<vmem>>
    %dma_start3A_467 = tpu.memref_squeeze %dma_start3A_466 : memref<1x16xi32, #tpu.memory_space<vmem>> -> memref<16xi32, #tpu.memory_space<vmem>>
    %dma_start3A_468 = arith.constant 0 : i32
    %dma_start3A_469 = arith.constant 0 : i32
    %dma_start3A_470 = tpu.memref_slice %arg3[%dma_start3A_468, %dma_start3A_469] : memref<100000x128xf32, #tpu.memory_space<hbm>> -> memref<100000x128xf32, #tpu.memory_space<hbm>>
    tpu.enqueue_indirect_dma source(%dma_start3A_470 : memref<100000x128xf32, #tpu.memory_space<hbm>>) target(%arg6 : memref<16x128xf32, #tpu.memory_space<vmem>>) offsets(%dma_start3A_467 : memref<16xi32, #tpu.memory_space<vmem>>) semaphore(%arg7 : memref<!tpu.dma_semaphore, #tpu.memory_space<semaphore_mem>>) {add = true}
    %dma_start3A_471 = arith.constant 9 : i32
    %dma_start3A_472 = arith.constant 0 : i32
    %dma_start3A_473 = tpu.memref_slice %arg5[%dma_start3A_471, %dma_start3A_472] : memref<20x16xi32, #tpu.memory_space<vmem>> -> memref<1x16xi32, #tpu.memory_space<vmem>>
    %dma_start3A_474 = tpu.memref_squeeze %dma_start3A_473 : memref<1x16xi32, #tpu.memory_space<vmem>> -> memref<16xi32, #tpu.memory_space<vmem>>
    %dma_start3A_475 = arith.constant 0 : i32
    %dma_start3A_476 = arith.constant 0 : i32
    %dma_start3A_477 = tpu.memref_slice %arg3[%dma_start3A_475, %dma_start3A_476] : memref<100000x128xf32, #tpu.memory_space<hbm>> -> memref<100000x128xf32, #tpu.memory_space<hbm>>
    tpu.enqueue_indirect_dma source(%dma_start3A_477 : memref<100000x128xf32, #tpu.memory_space<hbm>>) target(%arg6 : memref<16x128xf32, #tpu.memory_space<vmem>>) offsets(%dma_start3A_474 : memref<16xi32, #tpu.memory_space<vmem>>) semaphore(%arg7 : memref<!tpu.dma_semaphore, #tpu.memory_space<semaphore_mem>>) {add = true}
    %dma_start3A_478 = arith.constant 10 : i32
    %dma_start3A_479 = arith.constant 0 : i32
    %dma_start3A_480 = tpu.memref_slice %arg5[%dma_start3A_478, %dma_start3A_479] : memref<20x16xi32, #tpu.memory_space<vmem>> -> memref<1x16xi32, #tpu.memory_space<vmem>>
    %dma_start3A_481 = tpu.memref_squeeze %dma_start3A_480 : memref<1x16xi32, #tpu.memory_space<vmem>> -> memref<16xi32, #tpu.memory_space<vmem>>
    %dma_start3A_482 = arith.constant 0 : i32
    %dma_start3A_483 = arith.constant 0 : i32
    %dma_start3A_484 = tpu.memref_slice %arg3[%dma_start3A_482, %dma_start3A_483] : memref<100000x128xf32, #tpu.memory_space<hbm>> -> memref<100000x128xf32, #tpu.memory_space<hbm>>
    tpu.enqueue_indirect_dma source(%dma_start3A_484 : memref<100000x128xf32, #tpu.memory_space<hbm>>) target(%arg6 : memref<16x128xf32, #tpu.memory_space<vmem>>) offsets(%dma_start3A_481 : memref<16xi32, #tpu.memory_space<vmem>>) semaphore(%arg7 : memref<!tpu.dma_semaphore, #tpu.memory_space<semaphore_mem>>) {add = true}
    %dma_start3A_485 = arith.constant 11 : i32
    %dma_start3A_486 = arith.constant 0 : i32
    %dma_start3A_487 = tpu.memref_slice %arg5[%dma_start3A_485, %dma_start3A_486] : memref<20x16xi32, #tpu.memory_space<vmem>> -> memref<1x16xi32, #tpu.memory_space<vmem>>
    %dma_start3A_488 = tpu.memref_squeeze %dma_start3A_487 : memref<1x16xi32, #tpu.memory_space<vmem>> -> memref<16xi32, #tpu.memory_space<vmem>>
    %dma_start3A_489 = arith.constant 0 : i32
    %dma_start3A_490 = arith.constant 0 : i32
    %dma_start3A_491 = tpu.memref_slice %arg3[%dma_start3A_489, %dma_start3A_490] : memref<100000x128xf32, #tpu.memory_space<hbm>> -> memref<100000x128xf32, #tpu.memory_space<hbm>>
    tpu.enqueue_indirect_dma source(%dma_start3A_491 : memref<100000x128xf32, #tpu.memory_space<hbm>>) target(%arg6 : memref<16x128xf32, #tpu.memory_space<vmem>>) offsets(%dma_start3A_488 : memref<16xi32, #tpu.memory_space<vmem>>) semaphore(%arg7 : memref<!tpu.dma_semaphore, #tpu.memory_space<semaphore_mem>>) {add = true}
    %dma_start3A_492 = arith.constant 12 : i32
    %dma_start3A_493 = arith.constant 0 : i32
    %dma_start3A_494 = tpu.memref_slice %arg5[%dma_start3A_492, %dma_start3A_493] : memref<20x16xi32, #tpu.memory_space<vmem>> -> memref<1x16xi32, #tpu.memory_space<vmem>>
    %dma_start3A_495 = tpu.memref_squeeze %dma_start3A_494 : memref<1x16xi32, #tpu.memory_space<vmem>> -> memref<16xi32, #tpu.memory_space<vmem>>
    %dma_start3A_496 = arith.constant 0 : i32
    %dma_start3A_497 = arith.constant 0 : i32
    %dma_start3A_498 = tpu.memref_slice %arg3[%dma_start3A_496, %dma_start3A_497] : memref<100000x128xf32, #tpu.memory_space<hbm>> -> memref<100000x128xf32, #tpu.memory_space<hbm>>
    tpu.enqueue_indirect_dma source(%dma_start3A_498 : memref<100000x128xf32, #tpu.memory_space<hbm>>) target(%arg6 : memref<16x128xf32, #tpu.memory_space<vmem>>) offsets(%dma_start3A_495 : memref<16xi32, #tpu.memory_space<vmem>>) semaphore(%arg7 : memref<!tpu.dma_semaphore, #tpu.memory_space<semaphore_mem>>) {add = true}
    %dma_start3A_499 = arith.constant 13 : i32
    %dma_start3A_500 = arith.constant 0 : i32
    %dma_start3A_501 = tpu.memref_slice %arg5[%dma_start3A_499, %dma_start3A_500] : memref<20x16xi32, #tpu.memory_space<vmem>> -> memref<1x16xi32, #tpu.memory_space<vmem>>
    %dma_start3A_502 = tpu.memref_squeeze %dma_start3A_501 : memref<1x16xi32, #tpu.memory_space<vmem>> -> memref<16xi32, #tpu.memory_space<vmem>>
    %dma_start3A_503 = arith.constant 0 : i32
    %dma_start3A_504 = arith.constant 0 : i32
    %dma_start3A_505 = tpu.memref_slice %arg3[%dma_start3A_503, %dma_start3A_504] : memref<100000x128xf32, #tpu.memory_space<hbm>> -> memref<100000x128xf32, #tpu.memory_space<hbm>>
    tpu.enqueue_indirect_dma source(%dma_start3A_505 : memref<100000x128xf32, #tpu.memory_space<hbm>>) target(%arg6 : memref<16x128xf32, #tpu.memory_space<vmem>>) offsets(%dma_start3A_502 : memref<16xi32, #tpu.memory_space<vmem>>) semaphore(%arg7 : memref<!tpu.dma_semaphore, #tpu.memory_space<semaphore_mem>>) {add = true}
    %dma_start3A_506 = arith.constant 14 : i32
    %dma_start3A_507 = arith.constant 0 : i32
    %dma_start3A_508 = tpu.memref_slice %arg5[%dma_start3A_506, %dma_start3A_507] : memref<20x16xi32, #tpu.memory_space<vmem>> -> memref<1x16xi32, #tpu.memory_space<vmem>>
    %dma_start3A_509 = tpu.memref_squeeze %dma_start3A_508 : memref<1x16xi32, #tpu.memory_space<vmem>> -> memref<16xi32, #tpu.memory_space<vmem>>
    %dma_start3A_510 = arith.constant 0 : i32
    %dma_start3A_511 = arith.constant 0 : i32
    %dma_start3A_512 = tpu.memref_slice %arg3[%dma_start3A_510, %dma_start3A_511] : memref<100000x128xf32, #tpu.memory_space<hbm>> -> memref<100000x128xf32, #tpu.memory_space<hbm>>
    tpu.enqueue_indirect_dma source(%dma_start3A_512 : memref<100000x128xf32, #tpu.memory_space<hbm>>) target(%arg6 : memref<16x128xf32, #tpu.memory_space<vmem>>) offsets(%dma_start3A_509 : memref<16xi32, #tpu.memory_space<vmem>>) semaphore(%arg7 : memref<!tpu.dma_semaphore, #tpu.memory_space<semaphore_mem>>) {add = true}
    %dma_start3A_513 = arith.constant 15 : i32
    %dma_start3A_514 = arith.constant 0 : i32
    %dma_start3A_515 = tpu.memref_slice %arg5[%dma_start3A_513, %dma_start3A_514] : memref<20x16xi32, #tpu.memory_space<vmem>> -> memref<1x16xi32, #tpu.memory_space<vmem>>
    %dma_start3A_516 = tpu.memref_squeeze %dma_start3A_515 : memref<1x16xi32, #tpu.memory_space<vmem>> -> memref<16xi32, #tpu.memory_space<vmem>>
    %dma_start3A_517 = arith.constant 0 : i32
    %dma_start3A_518 = arith.constant 0 : i32
    %dma_start3A_519 = tpu.memref_slice %arg3[%dma_start3A_517, %dma_start3A_518] : memref<100000x128xf32, #tpu.memory_space<hbm>> -> memref<100000x128xf32, #tpu.memory_space<hbm>>
    tpu.enqueue_indirect_dma source(%dma_start3A_519 : memref<100000x128xf32, #tpu.memory_space<hbm>>) target(%arg6 : memref<16x128xf32, #tpu.memory_space<vmem>>) offsets(%dma_start3A_516 : memref<16xi32, #tpu.memory_space<vmem>>) semaphore(%arg7 : memref<!tpu.dma_semaphore, #tpu.memory_space<semaphore_mem>>) {add = true}
    %dma_start3A_520 = arith.constant 16 : i32
    %dma_start3A_521 = arith.constant 0 : i32
    %dma_start3A_522 = tpu.memref_slice %arg5[%dma_start3A_520, %dma_start3A_521] : memref<20x16xi32, #tpu.memory_space<vmem>> -> memref<1x16xi32, #tpu.memory_space<vmem>>
    %dma_start3A_523 = tpu.memref_squeeze %dma_start3A_522 : memref<1x16xi32, #tpu.memory_space<vmem>> -> memref<16xi32, #tpu.memory_space<vmem>>
    %dma_start3A_524 = arith.constant 0 : i32
    %dma_start3A_525 = arith.constant 0 : i32
    %dma_start3A_526 = tpu.memref_slice %arg3[%dma_start3A_524, %dma_start3A_525] : memref<100000x128xf32, #tpu.memory_space<hbm>> -> memref<100000x128xf32, #tpu.memory_space<hbm>>
    tpu.enqueue_indirect_dma source(%dma_start3A_526 : memref<100000x128xf32, #tpu.memory_space<hbm>>) target(%arg6 : memref<16x128xf32, #tpu.memory_space<vmem>>) offsets(%dma_start3A_523 : memref<16xi32, #tpu.memory_space<vmem>>) semaphore(%arg7 : memref<!tpu.dma_semaphore, #tpu.memory_space<semaphore_mem>>) {add = true}
    %dma_start3A_527 = arith.constant 17 : i32
    %dma_start3A_528 = arith.constant 0 : i32
    %dma_start3A_529 = tpu.memref_slice %arg5[%dma_start3A_527, %dma_start3A_528] : memref<20x16xi32, #tpu.memory_space<vmem>> -> memref<1x16xi32, #tpu.memory_space<vmem>>
    %dma_start3A_530 = tpu.memref_squeeze %dma_start3A_529 : memref<1x16xi32, #tpu.memory_space<vmem>> -> memref<16xi32, #tpu.memory_space<vmem>>
    %dma_start3A_531 = arith.constant 0 : i32
    %dma_start3A_532 = arith.constant 0 : i32
    %dma_start3A_533 = tpu.memref_slice %arg3[%dma_start3A_531, %dma_start3A_532] : memref<100000x128xf32, #tpu.memory_space<hbm>> -> memref<100000x128xf32, #tpu.memory_space<hbm>>
    tpu.enqueue_indirect_dma source(%dma_start3A_533 : memref<100000x128xf32, #tpu.memory_space<hbm>>) target(%arg6 : memref<16x128xf32, #tpu.memory_space<vmem>>) offsets(%dma_start3A_530 : memref<16xi32, #tpu.memory_space<vmem>>) semaphore(%arg7 : memref<!tpu.dma_semaphore, #tpu.memory_space<semaphore_mem>>) {add = true}
    %dma_start3A_534 = arith.constant 18 : i32
    %dma_start3A_535 = arith.constant 0 : i32
    %dma_start3A_536 = tpu.memref_slice %arg5[%dma_start3A_534, %dma_start3A_535] : memref<20x16xi32, #tpu.memory_space<vmem>> -> memref<1x16xi32, #tpu.memory_space<vmem>>
    %dma_start3A_537 = tpu.memref_squeeze %dma_start3A_536 : memref<1x16xi32, #tpu.memory_space<vmem>> -> memref<16xi32, #tpu.memory_space<vmem>>
    %dma_start3A_538 = arith.constant 0 : i32
    %dma_start3A_539 = arith.constant 0 : i32
    %dma_start3A_540 = tpu.memref_slice %arg3[%dma_start3A_538, %dma_start3A_539] : memref<100000x128xf32, #tpu.memory_space<hbm>> -> memref<100000x128xf32, #tpu.memory_space<hbm>>
    tpu.enqueue_indirect_dma source(%dma_start3A_540 : memref<100000x128xf32, #tpu.memory_space<hbm>>) target(%arg6 : memref<16x128xf32, #tpu.memory_space<vmem>>) offsets(%dma_start3A_537 : memref<16xi32, #tpu.memory_space<vmem>>) semaphore(%arg7 : memref<!tpu.dma_semaphore, #tpu.memory_space<semaphore_mem>>) {add = true}
    %dma_start3A_541 = arith.constant 19 : i32
    %dma_start3A_542 = arith.constant 0 : i32
    %dma_start3A_543 = tpu.memref_slice %arg5[%dma_start3A_541, %dma_start3A_542] : memref<20x16xi32, #tpu.memory_space<vmem>> -> memref<1x16xi32, #tpu.memory_space<vmem>>
    %dma_start3A_544 = tpu.memref_squeeze %dma_start3A_543 : memref<1x16xi32, #tpu.memory_space<vmem>> -> memref<16xi32, #tpu.memory_space<vmem>>
    %dma_start3A_545 = arith.constant 0 : i32
    %dma_start3A_546 = arith.constant 0 : i32
    %dma_start3A_547 = tpu.memref_slice %arg3[%dma_start3A_545, %dma_start3A_546] : memref<100000x128xf32, #tpu.memory_space<hbm>> -> memref<100000x128xf32, #tpu.memory_space<hbm>>
    tpu.enqueue_indirect_dma source(%dma_start3A_547 : memref<100000x128xf32, #tpu.memory_space<hbm>>) target(%arg6 : memref<16x128xf32, #tpu.memory_space<vmem>>) offsets(%dma_start3A_544 : memref<16xi32, #tpu.memory_space<vmem>>) semaphore(%arg7 : memref<!tpu.dma_semaphore, #tpu.memory_space<semaphore_mem>>) {add = true}
    %dma_wait3A_548 = arith.constant 1 : i32
    %dma_wait3A_549 = arith.constant 0 : i32
    %dma_wait3A_550 = tpu.memref_slice %arg5[%dma_wait3A_548, %dma_wait3A_549] : memref<20x16xi32, #tpu.memory_space<vmem>> -> memref<1x16xi32, #tpu.memory_space<vmem>>
    %dma_wait3A_551 = tpu.memref_squeeze %dma_wait3A_550 : memref<1x16xi32, #tpu.memory_space<vmem>> -> memref<16xi32, #tpu.memory_space<vmem>>
    %dma_wait3A_552 = arith.constant 0 : i32
    %dma_wait3A_553 = arith.constant 0 : i32
    %dma_wait3A_554 = tpu.memref_slice %arg3[%dma_wait3A_552, %dma_wait3A_553] : memref<100000x128xf32, #tpu.memory_space<hbm>> -> memref<100000x128xf32, #tpu.memory_space<hbm>>
    tpu.wait_indirect_dma semaphore(%arg7 : memref<!tpu.dma_semaphore, #tpu.memory_space<semaphore_mem>>) src(%dma_wait3A_554 : memref<100000x128xf32, #tpu.memory_space<hbm>>) dst(%arg6 : memref<16x128xf32, #tpu.memory_space<vmem>>)
    %dma_wait3A_555 = arith.constant 2 : i32
    %dma_wait3A_556 = arith.constant 0 : i32
    %dma_wait3A_557 = tpu.memref_slice %arg5[%dma_wait3A_555, %dma_wait3A_556] : memref<20x16xi32, #tpu.memory_space<vmem>> -> memref<1x16xi32, #tpu.memory_space<vmem>>
    %dma_wait3A_558 = tpu.memref_squeeze %dma_wait3A_557 : memref<1x16xi32, #tpu.memory_space<vmem>> -> memref<16xi32, #tpu.memory_space<vmem>>
    %dma_wait3A_559 = arith.constant 0 : i32
    %dma_wait3A_560 = arith.constant 0 : i32
    %dma_wait3A_561 = tpu.memref_slice %arg3[%dma_wait3A_559, %dma_wait3A_560] : memref<100000x128xf32, #tpu.memory_space<hbm>> -> memref<100000x128xf32, #tpu.memory_space<hbm>>
    tpu.wait_indirect_dma semaphore(%arg7 : memref<!tpu.dma_semaphore, #tpu.memory_space<semaphore_mem>>) src(%dma_wait3A_561 : memref<100000x128xf32, #tpu.memory_space<hbm>>) dst(%arg6 : memref<16x128xf32, #tpu.memory_space<vmem>>)
    %dma_wait3A_562 = arith.constant 3 : i32
    %dma_wait3A_563 = arith.constant 0 : i32
    %dma_wait3A_564 = tpu.memref_slice %arg5[%dma_wait3A_562, %dma_wait3A_563] : memref<20x16xi32, #tpu.memory_space<vmem>> -> memref<1x16xi32, #tpu.memory_space<vmem>>
    %dma_wait3A_565 = tpu.memref_squeeze %dma_wait3A_564 : memref<1x16xi32, #tpu.memory_space<vmem>> -> memref<16xi32, #tpu.memory_space<vmem>>
    %dma_wait3A_566 = arith.constant 0 : i32
    %dma_wait3A_567 = arith.constant 0 : i32
    %dma_wait3A_568 = tpu.memref_slice %arg3[%dma_wait3A_566, %dma_wait3A_567] : memref<100000x128xf32, #tpu.memory_space<hbm>> -> memref<100000x128xf32, #tpu.memory_space<hbm>>
    tpu.wait_indirect_dma semaphore(%arg7 : memref<!tpu.dma_semaphore, #tpu.memory_space<semaphore_mem>>) src(%dma_wait3A_568 : memref<100000x128xf32, #tpu.memory_space<hbm>>) dst(%arg6 : memref<16x128xf32, #tpu.memory_space<vmem>>)
    %dma_wait3A_569 = arith.constant 4 : i32
    %dma_wait3A_570 = arith.constant 0 : i32
    %dma_wait3A_571 = tpu.memref_slice %arg5[%dma_wait3A_569, %dma_wait3A_570] : memref<20x16xi32, #tpu.memory_space<vmem>> -> memref<1x16xi32, #tpu.memory_space<vmem>>
    %dma_wait3A_572 = tpu.memref_squeeze %dma_wait3A_571 : memref<1x16xi32, #tpu.memory_space<vmem>> -> memref<16xi32, #tpu.memory_space<vmem>>
    %dma_wait3A_573 = arith.constant 0 : i32
    %dma_wait3A_574 = arith.constant 0 : i32
    %dma_wait3A_575 = tpu.memref_slice %arg3[%dma_wait3A_573, %dma_wait3A_574] : memref<100000x128xf32, #tpu.memory_space<hbm>> -> memref<100000x128xf32, #tpu.memory_space<hbm>>
    tpu.wait_indirect_dma semaphore(%arg7 : memref<!tpu.dma_semaphore, #tpu.memory_space<semaphore_mem>>) src(%dma_wait3A_575 : memref<100000x128xf32, #tpu.memory_space<hbm>>) dst(%arg6 : memref<16x128xf32, #tpu.memory_space<vmem>>)
    %dma_wait3A_576 = arith.constant 5 : i32
    %dma_wait3A_577 = arith.constant 0 : i32
    %dma_wait3A_578 = tpu.memref_slice %arg5[%dma_wait3A_576, %dma_wait3A_577] : memref<20x16xi32, #tpu.memory_space<vmem>> -> memref<1x16xi32, #tpu.memory_space<vmem>>
    %dma_wait3A_579 = tpu.memref_squeeze %dma_wait3A_578 : memref<1x16xi32, #tpu.memory_space<vmem>> -> memref<16xi32, #tpu.memory_space<vmem>>
    %dma_wait3A_580 = arith.constant 0 : i32
    %dma_wait3A_581 = arith.constant 0 : i32
    %dma_wait3A_582 = tpu.memref_slice %arg3[%dma_wait3A_580, %dma_wait3A_581] : memref<100000x128xf32, #tpu.memory_space<hbm>> -> memref<100000x128xf32, #tpu.memory_space<hbm>>
    tpu.wait_indirect_dma semaphore(%arg7 : memref<!tpu.dma_semaphore, #tpu.memory_space<semaphore_mem>>) src(%dma_wait3A_582 : memref<100000x128xf32, #tpu.memory_space<hbm>>) dst(%arg6 : memref<16x128xf32, #tpu.memory_space<vmem>>)
    %dma_wait3A_583 = arith.constant 6 : i32
    %dma_wait3A_584 = arith.constant 0 : i32
    %dma_wait3A_585 = tpu.memref_slice %arg5[%dma_wait3A_583, %dma_wait3A_584] : memref<20x16xi32, #tpu.memory_space<vmem>> -> memref<1x16xi32, #tpu.memory_space<vmem>>
    %dma_wait3A_586 = tpu.memref_squeeze %dma_wait3A_585 : memref<1x16xi32, #tpu.memory_space<vmem>> -> memref<16xi32, #tpu.memory_space<vmem>>
    %dma_wait3A_587 = arith.constant 0 : i32
    %dma_wait3A_588 = arith.constant 0 : i32
    %dma_wait3A_589 = tpu.memref_slice %arg3[%dma_wait3A_587, %dma_wait3A_588] : memref<100000x128xf32, #tpu.memory_space<hbm>> -> memref<100000x128xf32, #tpu.memory_space<hbm>>
    tpu.wait_indirect_dma semaphore(%arg7 : memref<!tpu.dma_semaphore, #tpu.memory_space<semaphore_mem>>) src(%dma_wait3A_589 : memref<100000x128xf32, #tpu.memory_space<hbm>>) dst(%arg6 : memref<16x128xf32, #tpu.memory_space<vmem>>)
    %dma_wait3A_590 = arith.constant 7 : i32
    %dma_wait3A_591 = arith.constant 0 : i32
    %dma_wait3A_592 = tpu.memref_slice %arg5[%dma_wait3A_590, %dma_wait3A_591] : memref<20x16xi32, #tpu.memory_space<vmem>> -> memref<1x16xi32, #tpu.memory_space<vmem>>
    %dma_wait3A_593 = tpu.memref_squeeze %dma_wait3A_592 : memref<1x16xi32, #tpu.memory_space<vmem>> -> memref<16xi32, #tpu.memory_space<vmem>>
    %dma_wait3A_594 = arith.constant 0 : i32
    %dma_wait3A_595 = arith.constant 0 : i32
    %dma_wait3A_596 = tpu.memref_slice %arg3[%dma_wait3A_594, %dma_wait3A_595] : memref<100000x128xf32, #tpu.memory_space<hbm>> -> memref<100000x128xf32, #tpu.memory_space<hbm>>
    tpu.wait_indirect_dma semaphore(%arg7 : memref<!tpu.dma_semaphore, #tpu.memory_space<semaphore_mem>>) src(%dma_wait3A_596 : memref<100000x128xf32, #tpu.memory_space<hbm>>) dst(%arg6 : memref<16x128xf32, #tpu.memory_space<vmem>>)
    %dma_wait3A_597 = arith.constant 8 : i32
    %dma_wait3A_598 = arith.constant 0 : i32
    %dma_wait3A_599 = tpu.memref_slice %arg5[%dma_wait3A_597, %dma_wait3A_598] : memref<20x16xi32, #tpu.memory_space<vmem>> -> memref<1x16xi32, #tpu.memory_space<vmem>>
    %dma_wait3A_600 = tpu.memref_squeeze %dma_wait3A_599 : memref<1x16xi32, #tpu.memory_space<vmem>> -> memref<16xi32, #tpu.memory_space<vmem>>
    %dma_wait3A_601 = arith.constant 0 : i32
    %dma_wait3A_602 = arith.constant 0 : i32
    %dma_wait3A_603 = tpu.memref_slice %arg3[%dma_wait3A_601, %dma_wait3A_602] : memref<100000x128xf32, #tpu.memory_space<hbm>> -> memref<100000x128xf32, #tpu.memory_space<hbm>>
    tpu.wait_indirect_dma semaphore(%arg7 : memref<!tpu.dma_semaphore, #tpu.memory_space<semaphore_mem>>) src(%dma_wait3A_603 : memref<100000x128xf32, #tpu.memory_space<hbm>>) dst(%arg6 : memref<16x128xf32, #tpu.memory_space<vmem>>)
    %dma_wait3A_604 = arith.constant 9 : i32
    %dma_wait3A_605 = arith.constant 0 : i32
    %dma_wait3A_606 = tpu.memref_slice %arg5[%dma_wait3A_604, %dma_wait3A_605] : memref<20x16xi32, #tpu.memory_space<vmem>> -> memref<1x16xi32, #tpu.memory_space<vmem>>
    %dma_wait3A_607 = tpu.memref_squeeze %dma_wait3A_606 : memref<1x16xi32, #tpu.memory_space<vmem>> -> memref<16xi32, #tpu.memory_space<vmem>>
    %dma_wait3A_608 = arith.constant 0 : i32
    %dma_wait3A_609 = arith.constant 0 : i32
    %dma_wait3A_610 = tpu.memref_slice %arg3[%dma_wait3A_608, %dma_wait3A_609] : memref<100000x128xf32, #tpu.memory_space<hbm>> -> memref<100000x128xf32, #tpu.memory_space<hbm>>
    tpu.wait_indirect_dma semaphore(%arg7 : memref<!tpu.dma_semaphore, #tpu.memory_space<semaphore_mem>>) src(%dma_wait3A_610 : memref<100000x128xf32, #tpu.memory_space<hbm>>) dst(%arg6 : memref<16x128xf32, #tpu.memory_space<vmem>>)
    %dma_wait3A_611 = arith.constant 10 : i32
    %dma_wait3A_612 = arith.constant 0 : i32
    %dma_wait3A_613 = tpu.memref_slice %arg5[%dma_wait3A_611, %dma_wait3A_612] : memref<20x16xi32, #tpu.memory_space<vmem>> -> memref<1x16xi32, #tpu.memory_space<vmem>>
    %dma_wait3A_614 = tpu.memref_squeeze %dma_wait3A_613 : memref<1x16xi32, #tpu.memory_space<vmem>> -> memref<16xi32, #tpu.memory_space<vmem>>
    %dma_wait3A_615 = arith.constant 0 : i32
    %dma_wait3A_616 = arith.constant 0 : i32
    %dma_wait3A_617 = tpu.memref_slice %arg3[%dma_wait3A_615, %dma_wait3A_616] : memref<100000x128xf32, #tpu.memory_space<hbm>> -> memref<100000x128xf32, #tpu.memory_space<hbm>>
    tpu.wait_indirect_dma semaphore(%arg7 : memref<!tpu.dma_semaphore, #tpu.memory_space<semaphore_mem>>) src(%dma_wait3A_617 : memref<100000x128xf32, #tpu.memory_space<hbm>>) dst(%arg6 : memref<16x128xf32, #tpu.memory_space<vmem>>)
    %dma_wait3A_618 = arith.constant 11 : i32
    %dma_wait3A_619 = arith.constant 0 : i32
    %dma_wait3A_620 = tpu.memref_slice %arg5[%dma_wait3A_618, %dma_wait3A_619] : memref<20x16xi32, #tpu.memory_space<vmem>> -> memref<1x16xi32, #tpu.memory_space<vmem>>
    %dma_wait3A_621 = tpu.memref_squeeze %dma_wait3A_620 : memref<1x16xi32, #tpu.memory_space<vmem>> -> memref<16xi32, #tpu.memory_space<vmem>>
    %dma_wait3A_622 = arith.constant 0 : i32
    %dma_wait3A_623 = arith.constant 0 : i32
    %dma_wait3A_624 = tpu.memref_slice %arg3[%dma_wait3A_622, %dma_wait3A_623] : memref<100000x128xf32, #tpu.memory_space<hbm>> -> memref<100000x128xf32, #tpu.memory_space<hbm>>
    tpu.wait_indirect_dma semaphore(%arg7 : memref<!tpu.dma_semaphore, #tpu.memory_space<semaphore_mem>>) src(%dma_wait3A_624 : memref<100000x128xf32, #tpu.memory_space<hbm>>) dst(%arg6 : memref<16x128xf32, #tpu.memory_space<vmem>>)
    %dma_wait3A_625 = arith.constant 12 : i32
    %dma_wait3A_626 = arith.constant 0 : i32
    %dma_wait3A_627 = tpu.memref_slice %arg5[%dma_wait3A_625, %dma_wait3A_626] : memref<20x16xi32, #tpu.memory_space<vmem>> -> memref<1x16xi32, #tpu.memory_space<vmem>>
    %dma_wait3A_628 = tpu.memref_squeeze %dma_wait3A_627 : memref<1x16xi32, #tpu.memory_space<vmem>> -> memref<16xi32, #tpu.memory_space<vmem>>
    %dma_wait3A_629 = arith.constant 0 : i32
    %dma_wait3A_630 = arith.constant 0 : i32
    %dma_wait3A_631 = tpu.memref_slice %arg3[%dma_wait3A_629, %dma_wait3A_630] : memref<100000x128xf32, #tpu.memory_space<hbm>> -> memref<100000x128xf32, #tpu.memory_space<hbm>>
    tpu.wait_indirect_dma semaphore(%arg7 : memref<!tpu.dma_semaphore, #tpu.memory_space<semaphore_mem>>) src(%dma_wait3A_631 : memref<100000x128xf32, #tpu.memory_space<hbm>>) dst(%arg6 : memref<16x128xf32, #tpu.memory_space<vmem>>)
    %dma_wait3A_632 = arith.constant 13 : i32
    %dma_wait3A_633 = arith.constant 0 : i32
    %dma_wait3A_634 = tpu.memref_slice %arg5[%dma_wait3A_632, %dma_wait3A_633] : memref<20x16xi32, #tpu.memory_space<vmem>> -> memref<1x16xi32, #tpu.memory_space<vmem>>
    %dma_wait3A_635 = tpu.memref_squeeze %dma_wait3A_634 : memref<1x16xi32, #tpu.memory_space<vmem>> -> memref<16xi32, #tpu.memory_space<vmem>>
    %dma_wait3A_636 = arith.constant 0 : i32
    %dma_wait3A_637 = arith.constant 0 : i32
    %dma_wait3A_638 = tpu.memref_slice %arg3[%dma_wait3A_636, %dma_wait3A_637] : memref<100000x128xf32, #tpu.memory_space<hbm>> -> memref<100000x128xf32, #tpu.memory_space<hbm>>
    tpu.wait_indirect_dma semaphore(%arg7 : memref<!tpu.dma_semaphore, #tpu.memory_space<semaphore_mem>>) src(%dma_wait3A_638 : memref<100000x128xf32, #tpu.memory_space<hbm>>) dst(%arg6 : memref<16x128xf32, #tpu.memory_space<vmem>>)
    %dma_wait3A_639 = arith.constant 14 : i32
    %dma_wait3A_640 = arith.constant 0 : i32
    %dma_wait3A_641 = tpu.memref_slice %arg5[%dma_wait3A_639, %dma_wait3A_640] : memref<20x16xi32, #tpu.memory_space<vmem>> -> memref<1x16xi32, #tpu.memory_space<vmem>>
    %dma_wait3A_642 = tpu.memref_squeeze %dma_wait3A_641 : memref<1x16xi32, #tpu.memory_space<vmem>> -> memref<16xi32, #tpu.memory_space<vmem>>
    %dma_wait3A_643 = arith.constant 0 : i32
    %dma_wait3A_644 = arith.constant 0 : i32
    %dma_wait3A_645 = tpu.memref_slice %arg3[%dma_wait3A_643, %dma_wait3A_644] : memref<100000x128xf32, #tpu.memory_space<hbm>> -> memref<100000x128xf32, #tpu.memory_space<hbm>>
    tpu.wait_indirect_dma semaphore(%arg7 : memref<!tpu.dma_semaphore, #tpu.memory_space<semaphore_mem>>) src(%dma_wait3A_645 : memref<100000x128xf32, #tpu.memory_space<hbm>>) dst(%arg6 : memref<16x128xf32, #tpu.memory_space<vmem>>)
    %dma_wait3A_646 = arith.constant 15 : i32
    %dma_wait3A_647 = arith.constant 0 : i32
    %dma_wait3A_648 = tpu.memref_slice %arg5[%dma_wait3A_646, %dma_wait3A_647] : memref<20x16xi32, #tpu.memory_space<vmem>> -> memref<1x16xi32, #tpu.memory_space<vmem>>
    %dma_wait3A_649 = tpu.memref_squeeze %dma_wait3A_648 : memref<1x16xi32, #tpu.memory_space<vmem>> -> memref<16xi32, #tpu.memory_space<vmem>>
    %dma_wait3A_650 = arith.constant 0 : i32
    %dma_wait3A_651 = arith.constant 0 : i32
    %dma_wait3A_652 = tpu.memref_slice %arg3[%dma_wait3A_650, %dma_wait3A_651] : memref<100000x128xf32, #tpu.memory_space<hbm>> -> memref<100000x128xf32, #tpu.memory_space<hbm>>
    tpu.wait_indirect_dma semaphore(%arg7 : memref<!tpu.dma_semaphore, #tpu.memory_space<semaphore_mem>>) src(%dma_wait3A_652 : memref<100000x128xf32, #tpu.memory_space<hbm>>) dst(%arg6 : memref<16x128xf32, #tpu.memory_space<vmem>>)
    %dma_wait3A_653 = arith.constant 16 : i32
    %dma_wait3A_654 = arith.constant 0 : i32
    %dma_wait3A_655 = tpu.memref_slice %arg5[%dma_wait3A_653, %dma_wait3A_654] : memref<20x16xi32, #tpu.memory_space<vmem>> -> memref<1x16xi32, #tpu.memory_space<vmem>>
    %dma_wait3A_656 = tpu.memref_squeeze %dma_wait3A_655 : memref<1x16xi32, #tpu.memory_space<vmem>> -> memref<16xi32, #tpu.memory_space<vmem>>
    %dma_wait3A_657 = arith.constant 0 : i32
    %dma_wait3A_658 = arith.constant 0 : i32
    %dma_wait3A_659 = tpu.memref_slice %arg3[%dma_wait3A_657, %dma_wait3A_658] : memref<100000x128xf32, #tpu.memory_space<hbm>> -> memref<100000x128xf32, #tpu.memory_space<hbm>>
    tpu.wait_indirect_dma semaphore(%arg7 : memref<!tpu.dma_semaphore, #tpu.memory_space<semaphore_mem>>) src(%dma_wait3A_659 : memref<100000x128xf32, #tpu.memory_space<hbm>>) dst(%arg6 : memref<16x128xf32, #tpu.memory_space<vmem>>)
    %dma_wait3A_660 = arith.constant 17 : i32
    %dma_wait3A_661 = arith.constant 0 : i32
    %dma_wait3A_662 = tpu.memref_slice %arg5[%dma_wait3A_660, %dma_wait3A_661] : memref<20x16xi32, #tpu.memory_space<vmem>> -> memref<1x16xi32, #tpu.memory_space<vmem>>
    %dma_wait3A_663 = tpu.memref_squeeze %dma_wait3A_662 : memref<1x16xi32, #tpu.memory_space<vmem>> -> memref<16xi32, #tpu.memory_space<vmem>>
    %dma_wait3A_664 = arith.constant 0 : i32
    %dma_wait3A_665 = arith.constant 0 : i32
    %dma_wait3A_666 = tpu.memref_slice %arg3[%dma_wait3A_664, %dma_wait3A_665] : memref<100000x128xf32, #tpu.memory_space<hbm>> -> memref<100000x128xf32, #tpu.memory_space<hbm>>
    tpu.wait_indirect_dma semaphore(%arg7 : memref<!tpu.dma_semaphore, #tpu.memory_space<semaphore_mem>>) src(%dma_wait3A_666 : memref<100000x128xf32, #tpu.memory_space<hbm>>) dst(%arg6 : memref<16x128xf32, #tpu.memory_space<vmem>>)
    %dma_wait3A_667 = arith.constant 18 : i32
    %dma_wait3A_668 = arith.constant 0 : i32
    %dma_wait3A_669 = tpu.memref_slice %arg5[%dma_wait3A_667, %dma_wait3A_668] : memref<20x16xi32, #tpu.memory_space<vmem>> -> memref<1x16xi32, #tpu.memory_space<vmem>>
    %dma_wait3A_670 = tpu.memref_squeeze %dma_wait3A_669 : memref<1x16xi32, #tpu.memory_space<vmem>> -> memref<16xi32, #tpu.memory_space<vmem>>
    %dma_wait3A_671 = arith.constant 0 : i32
    %dma_wait3A_672 = arith.constant 0 : i32
    %dma_wait3A_673 = tpu.memref_slice %arg3[%dma_wait3A_671, %dma_wait3A_672] : memref<100000x128xf32, #tpu.memory_space<hbm>> -> memref<100000x128xf32, #tpu.memory_space<hbm>>
    tpu.wait_indirect_dma semaphore(%arg7 : memref<!tpu.dma_semaphore, #tpu.memory_space<semaphore_mem>>) src(%dma_wait3A_673 : memref<100000x128xf32, #tpu.memory_space<hbm>>) dst(%arg6 : memref<16x128xf32, #tpu.memory_space<vmem>>)
    %dma_wait3A_674 = arith.constant 19 : i32
    %dma_wait3A_675 = arith.constant 0 : i32
    %dma_wait3A_676 = tpu.memref_slice %arg5[%dma_wait3A_674, %dma_wait3A_675] : memref<20x16xi32, #tpu.memory_space<vmem>> -> memref<1x16xi32, #tpu.memory_space<vmem>>
    %dma_wait3A_677 = tpu.memref_squeeze %dma_wait3A_676 : memref<1x16xi32, #tpu.memory_space<vmem>> -> memref<16xi32, #tpu.memory_space<vmem>>
    %dma_wait3A_678 = arith.constant 0 : i32
    %dma_wait3A_679 = arith.constant 0 : i32
    %dma_wait3A_680 = tpu.memref_slice %arg3[%dma_wait3A_678, %dma_wait3A_679] : memref<100000x128xf32, #tpu.memory_space<hbm>> -> memref<100000x128xf32, #tpu.memory_space<hbm>>
    tpu.wait_indirect_dma semaphore(%arg7 : memref<!tpu.dma_semaphore, #tpu.memory_space<semaphore_mem>>) src(%dma_wait3A_680 : memref<100000x128xf32, #tpu.memory_space<hbm>>) dst(%arg6 : memref<16x128xf32, #tpu.memory_space<vmem>>)
    "tpu.region"() ({
      %run_scoped3A = tpu.sem_alloc : memref<!tpu.dma_semaphore, #tpu.memory_space<semaphore_mem>>
      %dma_start3A_681 = arith.constant 0 : i32
      %dma_start3A_682 = tpu.memref_slice %arg4[%mul3A_2, %dma_start3A_681] : memref<512x128xf32, #tpu.memory_space<hbm>> -> memref<16x128xf32, #tpu.memory_space<hbm>>
      %dma_start3A_683 = arith.constant 0 : i32
      %dma_start3A_684 = tpu.memref_slice %arg4[%mul3A_2, %dma_start3A_683] : memref<512x128xf32, #tpu.memory_space<hbm>> -> memref<16x128xf32, #tpu.memory_space<hbm>>
      tpu.enqueue_dma source(%arg6 : memref<16x128xf32, #tpu.memory_space<vmem>>) target(%dma_start3A_684 : memref<16x128xf32, #tpu.memory_space<hbm>>) target_semaphore(%run_scoped3A : memref<!tpu.dma_semaphore, #tpu.memory_space<semaphore_mem>>)
      %dma_wait3A_685 = arith.constant 0 : i32
      %dma_wait3A_686 = tpu.memref_slice %arg4[%mul3A_2, %dma_wait3A_685] : memref<512x128xf32, #tpu.memory_space<hbm>> -> memref<16x128xf32, #tpu.memory_space<hbm>>
      %dma_wait3A_687 = arith.constant 0 : i32
      %dma_wait3A_688 = tpu.memref_slice %arg4[%mul3A_2, %dma_wait3A_687] : memref<512x128xf32, #tpu.memory_space<hbm>> -> memref<16x128xf32, #tpu.memory_space<hbm>>
      tpu.wait_dma2 semaphore(%run_scoped3A : memref<!tpu.dma_semaphore, #tpu.memory_space<semaphore_mem>>) src(%arg6 : memref<16x128xf32, #tpu.memory_space<vmem>>) dst(%dma_wait3A_688 : memref<16x128xf32, #tpu.memory_space<hbm>>)
      tpu.yield
    }) : () -> ()
    return
  }
}

module attributes {stable_mosaic.version = 14 : i64} {
  func.func @body(%arg0: i32, %arg1: memref<128x512xbf16, #tpu.memory_space<vmem>>, %arg2: memref<1024x128xf32, #tpu.memory_space<vmem>>, %arg3: memref<1x1024xf32, #tpu.memory_space<vmem>>, %arg4: memref<1024x512xf32, #tpu.memory_space<vmem>>) attributes {dimension_semantics = [#tpu.dimension_semantics<arbitrary>], iteration_bounds = array<i64: 98>, scalar_prefetch = 0 : i64, scratch_operands = 0 : i64, tpu.core_type = #tpu.core_type<tc>, window_params = [{pipeline_mode = #tpu.pipeline_mode<synchronous>, transform_indices = @transform_0, window_bounds = array<i64: 128, 512>}, {transform_indices = @transform_1, window_bounds = array<i64: 1024, 128>}, {transform_indices = @transform_2, window_bounds = array<i64: 1, 1024>}, {transform_indices = @transform_3, window_bounds = array<i64: 1024, 512>}]} {
    %get3A = arith.constant 0 : index
    %get3A_0 = arith.constant 0 : index
    %get3A_1 = vector.load %arg2[%get3A, %get3A_0] : memref<1024x128xf32, #tpu.memory_space<vmem>>, vector<1024x128xf32>
    %mul3A = arith.constant 5.000000e-02 : f32
    %mul3A_2 = vector.broadcast %mul3A : f32 to vector<1024x128xf32>
    %mul3A_3 = arith.mulf %get3A_1, %mul3A_2 : vector<1024x128xf32>
    %convert_element_type3A = arith.truncf %mul3A_3 : vector<1024x128xf32> to vector<1024x128xbf16>
    %get3A_4 = arith.constant 0 : index
    %get3A_5 = arith.constant 0 : index
    %get3A_6 = vector.load %arg1[%get3A_4, %get3A_5] : memref<128x512xbf16, #tpu.memory_space<vmem>>, vector<128x512xbf16>
    %dot_general3A = arith.constant dense<0.000000e+00> : vector<1024x512xf32>
    %dot_general3A_7 = tpu.matmul %convert_element_type3A, %get3A_6, %dot_general3A {dimension_numbers = #tpu.dot_dimension_numbers<[1], [0], [0], [1], [0, 0, 1, 1], [], []>, transpose_lhs_hint = false} : vector<1024x128xbf16>, vector<128x512xbf16>, vector<1024x512xf32> -> vector<1024x512xf32>
    %get3A_8 = arith.constant 0 : index
    %get3A_9 = arith.constant 0 : index
    %get3A_10 = vector.load %arg3[%get3A_8, %get3A_9] : memref<1x1024xf32, #tpu.memory_space<vmem>>, vector<1x1024xf32>
    %transpose3A = tpu.transpose %get3A_10, [1, 0] : vector<1x1024xf32> -> vector<1024x1xf32>
    %add3A = vector.broadcast %transpose3A : vector<1024x1xf32> to vector<1024x512xf32>
    %add3A_11 = arith.addf %dot_general3A_7, %add3A : vector<1024x512xf32>
    %swap3A = arith.constant 0 : index
    %swap3A_12 = arith.constant 0 : index
    %swap3A_13 = vector.load %arg4[%swap3A, %swap3A_12] : memref<1024x512xf32, #tpu.memory_space<vmem>>, vector<1024x512xf32>
    tpu.vector_store %arg4[%swap3A, %swap3A_12], %add3A_11 {strides = array<i32>} : memref<1024x512xf32, #tpu.memory_space<vmem>>, vector<1024x512xf32>,
    return
  }
  func.func @transform_0(%arg0: i32) -> (i32, i32) {
    %c0_i32 = arith.constant 0 : i32
    %c0_i32_0 = arith.constant 0 : i32
    %c0_i32_1 = arith.constant 0 : i32
    return %c0_i32, %c0_i32_0 : i32, i32
  }
  func.func @transform_1(%arg0: i32) -> (i32, i32) {
    %c0_i32 = arith.constant 0 : i32
    %c0_i32_0 = arith.constant 0 : i32
    return %arg0, %c0_i32 : i32, i32
  }
  func.func @transform_2(%arg0: i32) -> (i32, i32) {
    %c0_i32 = arith.constant 0 : i32
    %c0_i32_0 = arith.constant 0 : i32
    return %c0_i32, %arg0 : i32, i32
  }
  func.func @transform_3(%arg0: i32) -> (i32, i32) {
    %c7_i32 = arith.constant 7 : i32
    %c0_i32 = arith.constant 0 : i32
    return %arg0, %c7_i32 : i32, i32
  }
}

module attributes {stable_mosaic.version = 14 : i64} {
  func.func @body(%arg0: i32, %arg1: memref<100000x4096xf32, #tpu.memory_space<hbm>>, %arg2: memref<128x3584xbf16, #tpu.memory_space<vmem>>, %arg3: memref<1024x128xf32, #tpu.memory_space<vmem>>, %arg4: memref<1x1024xf32, #tpu.memory_space<vmem>>, %arg5: memref<1024x3584xf32, #tpu.memory_space<vmem>>) attributes {dimension_semantics = [#tpu.dimension_semantics<arbitrary>], iteration_bounds = array<i64: 98>, scalar_prefetch = 0 : i64, scratch_operands = 0 : i64, tpu.core_type = #tpu.core_type<tc>, window_params = [{}, {pipeline_mode = #tpu.pipeline_mode<synchronous>, transform_indices = @transform_1, window_bounds = array<i64: 128, 3584>}, {transform_indices = @transform_2, window_bounds = array<i64: 1024, 128>}, {transform_indices = @transform_3, window_bounds = array<i64: 1, 1024>}, {transform_indices = @transform_4, window_bounds = array<i64: 1024, 3584>}]} {
    %get3A = arith.constant 0 : index
    %get3A_0 = arith.constant 0 : index
    %get3A_1 = vector.load %arg3[%get3A, %get3A_0] : memref<1024x128xf32, #tpu.memory_space<vmem>>, vector<1024x128xf32>
    %mul3A = arith.constant 5.000000e-02 : f32
    %mul3A_2 = vector.broadcast %mul3A : f32 to vector<1024x128xf32>
    %mul3A_3 = arith.mulf %get3A_1, %mul3A_2 : vector<1024x128xf32>
    %convert_element_type3A = arith.truncf %mul3A_3 : vector<1024x128xf32> to vector<1024x128xbf16>
    %get3A_4 = arith.constant 0 : index
    %get3A_5 = arith.constant 0 : index
    %get3A_6 = vector.load %arg2[%get3A_4, %get3A_5] : memref<128x3584xbf16, #tpu.memory_space<vmem>>, vector<128x3584xbf16>
    %dot_general3A = arith.constant dense<0.000000e+00> : vector<1024x3584xf32>
    %dot_general3A_7 = tpu.matmul %convert_element_type3A, %get3A_6, %dot_general3A {dimension_numbers = #tpu.dot_dimension_numbers<[1], [0], [0], [1], [0, 0, 1, 1], [], []>, transpose_lhs_hint = false} : vector<1024x128xbf16>, vector<128x3584xbf16>, vector<1024x3584xf32> -> vector<1024x3584xf32>
    %get3A_8 = arith.constant 0 : index
    %get3A_9 = arith.constant 0 : index
    %get3A_10 = vector.load %arg4[%get3A_8, %get3A_9] : memref<1x1024xf32, #tpu.memory_space<vmem>>, vector<1x1024xf32>
    %transpose3A = tpu.transpose %get3A_10, [1, 0] : vector<1x1024xf32> -> vector<1024x1xf32>
    %add3A = vector.broadcast %transpose3A : vector<1024x1xf32> to vector<1024x3584xf32>
    %add3A_11 = arith.addf %dot_general3A_7, %add3A : vector<1024x3584xf32>
    %swap3A = arith.constant 0 : index
    %swap3A_12 = arith.constant 0 : index
    %swap3A_13 = vector.load %arg5[%swap3A, %swap3A_12] : memref<1024x3584xf32, #tpu.memory_space<vmem>>, vector<1024x3584xf32>
    tpu.vector_store %arg5[%swap3A, %swap3A_12], %add3A_11 {strides = array<i32>} : memref<1024x3584xf32, #tpu.memory_space<vmem>>, vector<1024x3584xf32>,
    return
  }
  func.func @transform_1(%arg0: i32) -> (i32, i32) {
    %c0_i32 = arith.constant 0 : i32
    %c0_i32_0 = arith.constant 0 : i32
    %c0_i32_1 = arith.constant 0 : i32
    return %c0_i32, %c0_i32_0 : i32, i32
  }
  func.func @transform_2(%arg0: i32) -> (i32, i32) {
    %c0_i32 = arith.constant 0 : i32
    %c0_i32_0 = arith.constant 0 : i32
    return %arg0, %c0_i32 : i32, i32
  }
  func.func @transform_3(%arg0: i32) -> (i32, i32) {
    %c0_i32 = arith.constant 0 : i32
    %c0_i32_0 = arith.constant 0 : i32
    return %c0_i32, %arg0 : i32, i32
  }
  func.func @transform_4(%arg0: i32) -> (i32, i32) {
    %c0_i32 = arith.constant 0 : i32
    %c0_i32_0 = arith.constant 0 : i32
    return %arg0, %c0_i32 : i32, i32
  }
}

</mosaic_0001>

<sc_bundles>
// kernel: kernel.6.cloned.1.call-start
scs
__scs_entry_jumppad:
0x0: {  	(pc) =	sbr.rel $0x88, $3  }
0x1: {  	(tag) =	ssettag $0x0;
	lr =	simm.s32 $0x1  }
0x2: {  	[smem:$0x3F9D] =	sst lr;
	_ =	strace $0xD0000000  }
0x3: {  	_ = 	snop  }
0x4: {  	_ = 	snop  }
0x5: {  	_ = 	snop  }
0x6: {  	_ = 	snop  }
0x7: {  	_ = 	snop  }
__scs_overlays_trampoline_lowered:
0x8: {  	[smem:$0x3FAC] =	sst s0  }
0x9: {  	[smem:$0x3FAD] =	sst s1  }
0xa: {  	[smem:$0x3FAE] =	sst s2  }
0xb: {  	[smem:$0x3FAF] =	sst s3  }
0xc: {  	[smem:$0x3FB0] =	sst s4  }
0xd: {  	[smem:$0x3FB1] =	sst s5  }
0xe: {  	[smem:$0x3FB2] =	sst s6  }
0xf: {  	[smem:$0x3FB3] =	sst s7  }
0x10: {  	[smem:$0x3FB4] =	sst s8  }
0x11: {  	[smem:$0x3FB5] =	sst s9;
	s0 =	simm.s32 @!p0 $0x0  }
0x12: {  	s1 =	sld [smem:$0x3F9B];
	s0 =	simm.s32 @p0 $0x1  }
0x13: {  	[smem:$0x3FB6] =	sst s0;
	s0 =	simm.s32 @!p1 $0x0  }
0x14: {  	s2 =	sld [smem:$0x3F9A];
	s0 =	simm.s32 @p1 $0x1  }
0x15: {  	[smem:$0x3FB7] =	sst s0;
	s0 =	simm.s32 @!p2 $0x0  }
0x16: {  	s3 =	sld [smem:$0x3FDB];
	s0 =	simm.s32 @p2 $0x1  }
0x17: {  	s4 =	simm.s32 $0x1BF5;
	[smem:$0x3FB9] =	sst s0  }
0x18: {  	s0 =	sld [smem:$0x3F9C];
	_ =	swait.ge [sflag:s4], $0x0  }
0x19: {  	s7 =	sld [smem:$0x3F9D]  }
0x1a: {  	s8 =	sadd.s32 $0xFFFFE003, lr  }
0x1b: {  	s9 =	sadd.s32 $0xFFFFFEF7, lr;
	s5 =	simm.s32 $0xFFFFFFFF;
	p2 =	slt.u32 s8, $0xFFFFF086  }
0x1c: {  	p1 =	slt.u32 s9, $0xF7A;
	s5 =	simm.s32 @!p2 $0x0  }
0x1d: {  	s5 =	simm.s32 @p1 $0x1;
	p0 =	seq.s32 s7, s2  }
0x1e: {  	s7 =	smul.u32 @!p0 $0xF7A, s2;
	p2 =	seq.s32 @!p0 s5, $0x0  }
0x1f: {  	s9 =	smul.u32 $0xF7A, s1;
	s8 =	simm.s32 @!p0 $0x1BF5;
	p2 =	por !p2, p0  }
0x20: {  	[sflag:s8] =	ssyncset.s32 @!p0 $0xFFFFF086;
	s6 =	sadd.s32 @!p0 s3, s7;
	s7 =	simm.s32 @!p0 $0x108  }
0x21: {  	s3 =	sadd.s32 s3, s9;
	s6 =	sadd.s32 @!p0 $0x88, s6;
	s7 =	simm.s32 @p2 $0x1082  }
0x22: {  	[simem:s7], [sflag:s8] =	dma.local @!p0 [hbm:s6], $0xF7A  }
0x23: {  	s9 =	sor.u32 $0xD0000000, s2;
	s6 =	simm.s32 $0x108;
	_ =	swait.ge @!p0 [sflag:s8], $0x0  }
0x24: {  	s3 =	sadd.s32 $0x88, s3;
	s6 =	simm.s32 @!p1 $0x1082;
	[sflag:s4] =	ssyncset.s32 $0xFFFFF086  }
0x25: {  	[simem:s6], [sflag:s4] =	dma.local [hbm:s3], $0xF7A  }
0x26: {  	[smem:$0x3F9D] =	sst s1;
	(tag) =	ssettag s2;
	_ =	strace s9  }
0x27: {  	s1 =	sld [smem:$0x3FAD]  }
0x28: {  	s2 =	sld [smem:$0x3FAE]  }
0x29: {  	s4 =	sld [smem:$0x3FB0]  }
0x2a: {  	p0 =	seq.s32 s5, $0x0;
	s5 =	sld [smem:$0x3FB1]  }
0x2b: {  	s6 =	sld [smem:$0x3FB2]  }
0x2c: {  	s7 =	sld [smem:$0x3FB3]  }
0x2d: {  	s3 =	simm.s32 $0x108;
	s8 =	sld [smem:$0x3FB4]  }
0x2e: {  	s3 =	simm.s32 @!p0 $0x1082;
	s9 =	sld [smem:$0x3FB5]  }
0x2f: {  	lr =	sadd.s32 s0, s3;
	s0 =	sld [smem:$0x3FAC]  }
0x30: {  	s3 =	sld [smem:$0x3FAF]  }
0x31: {  	[smem:$0x3FB8] =	sst s10  }
0x32: {  	s10 =	sld [smem:$0x3FB6];
	_ =	sdelay $0x3  }
0x33: {  	p0 =	seq.s32 s10, $0x1;
	s10 =	sld [smem:$0x3FB8];
	_ =	sdelay $0x3  }
0x34: {  	[smem:$0x3FB8] =	sst s10  }
0x35: {  	s10 =	sld [smem:$0x3FB7];
	_ =	sdelay $0x3  }
0x36: {  	p1 =	seq.s32 s10, $0x1;
	s10 =	sld [smem:$0x3FB8];
	_ =	sdelay $0x3  }
0x37: {  	[smem:$0x3FB8] =	sst s10  }
0x38: {  	s10 =	sld [smem:$0x3FB9]  }
0x39: {  	_ = 	snop;
	(pc) =	sbr.ind lr, $3  }
0x3a: {  	_ = 	snop  }
0x3b: {  	_ = 	snop  }
0x3c: {  	p2 =	seq.s32 s10, $0x1;
	s10 =	sld [smem:$0x3FB8]  }
0x3d: {  	_ =	shalt  }
0x3e: {  	_ =	shalt  }
0x3f: {  	_ =	shalt  }
0x40: {  	_ =	shalt  }
0x41: {  	_ =	shalt  }
0x42: {  	_ =	shalt  }
0x43: {  	_ =	shalt  }
0x44: {  	_ =	shalt  }
0x45: {  	_ =	shalt  }
0x46: {  	_ =	shalt  }
0x47: {  	_ =	shalt  }
0x48: {  	_ =	shalt  }
0x49: {  	_ =	shalt  }
0x4a: {  	_ =	shalt  }
0x4b: {  	_ =	shalt  }
0x4c: {  	_ =	shalt  }
0x4d: {  	_ =	shalt  }
0x4e: {  	_ =	shalt  }
0x4f: {  	_ =	shalt  }
0x50: {  	_ =	shalt  }
0x51: {  	_ =	shalt  }
0x52: {  	_ =	shalt  }
0x53: {  	_ =	shalt  }
0x54: {  	_ =	shalt  }
0x55: {  	_ =	shalt  }
0x56: {  	_ =	shalt  }
0x57: {  	_ =	shalt  }
0x58: {  	_ =	shalt  }
0x59: {  	_ =	shalt  }
0x5a: {  	_ =	shalt  }
0x5b: {  	_ =	shalt  }
0x5c: {  	_ =	shalt  }
0x5d: {  	_ =	shalt  }
0x5e: {  	_ =	shalt  }
0x5f: {  	_ =	shalt  }
0x60: {  	_ =	shalt  }
0x61: {  	_ =	shalt  }
0x62: {  	_ =	shalt  }
0x63: {  	_ =	shalt  }
0x64: {  	_ =	shalt  }
0x65: {  	_ =	shalt  }
0x66: {  	_ =	shalt  }
0x67: {  	_ =	shalt  }
0x68: {  	_ =	shalt  }
0x69: {  	_ =	shalt  }
0x6a: {  	_ =	shalt  }
0x6b: {  	_ =	shalt  }
0x6c: {  	_ =	shalt  }
0x6d: {  	_ =	shalt  }
0x6e: {  	_ =	shalt  }
0x6f: {  	_ =	shalt  }
0x70: {  	_ =	shalt  }
0x71: {  	_ =	shalt  }
0x72: {  	_ =	shalt  }
0x73: {  	_ =	shalt  }
0x74: {  	_ =	shalt  }
0x75: {  	_ =	shalt  }
0x76: {  	_ =	shalt  }
0x77: {  	_ =	shalt  }
0x78: {  	_ =	shalt  }
0x79: {  	_ =	shalt  }
0x7a: {  	_ =	shalt  }
0x7b: {  	_ =	shalt  }
0x7c: {  	_ =	shalt  }
0x7d: {  	_ =	shalt  }
0x7e: {  	_ =	shalt  }
0x7f: {  	_ =	shalt  }
0x80: {  	_ =	shalt  }
0x81: {  	_ =	shalt  }
0x82: {  	_ =	shalt  }
0x83: {  	_ =	shalt  }
0x84: {  	_ =	shalt  }
0x85: {  	_ =	shalt  }
0x86: {  	_ =	shalt  }
0x87: {  	_ =	shalt  }
.Lfunc_end0:
.L_simem_size_0:
called_computation_lowered:
.L_overlay_start_0:
0x88: {  	s2 =	sld [smem:$0x3FD9]  }
0x89: {  	s3 =	sld [smem:$0x3FFE];
	_ =	sdelay $0x1  }
0x8a: {  	s1 =	srdreg.scid  }
0x8b: {  	s0 =	sand.u32 $0x1, s1  }
0x8c: {  	s17 =	sshll.u32 s0, $0xA;
	s2 =	sadd.s32 s3, s2  }
0x8d: {  	s2 =	sadd.s32 s2, s17  }
0x8e: {  	[smem:$0x3FC4] =	sst s2  }
0x8f: {  	_ = 	snop  }
0x90: {  	s2 =	sld [smem:$0x3FC8]  }
0x91: {  	s18 =	sld [smem:$0x3FD0];
	(tm) =	ssettm $0x1  }
0x92: {  	s4 =	sld [smem:$0x3FFB];
	_ =	sdelay $0x3  }
0x93: {  	_ =	strace s4  }
0x94: {  	s4 =	sld [smem:$0x3FFC];
	_ =	sdelay $0x3  }
0x95: {  	_ =	strace s4  }
0x96: {  	s4 =	sld [smem:$0x3FFD];
	_ =	sdelay $0x3  }
0x97: {  	_ =	strace s4  }
0x98: {  	_ =	strace $0x8FFFFFFF  }
0x99: {  	s19 =	sld [smem:$0x3FDB];
	_ =	sdelay $0x1  }
0x9a: {  	s5 =	simm.s32 $_scs_section_size  }
0x9b: {  	s6 =	simm.s32 $_size__tile_overlayer_lowered;
	s7 =	simm.s32 $_tile_overlayer_lowered  }
0x9c: {  	s22 =	simm.s32 $0x1BFF;
	s21 =	sshll.u32 s7, $0x1;
	s4 =	sadd.s32 s5, s19  }
0x9d: {  	s8 =	simm.s32 $0x0;
	s20 =	sshll.u32 s6, $0x1;
	s6 =	sadd.s32 s21, s4  }
0x9e: {  	[timem:s8], [sflag:s22] =	dma.local [hbm:s6], s20  }
0x9f: {  	_ =	swait.ge [sflag:s22], s20  }
0xa0: {  	s5 =	ssub.s32 $0x0, s20;
	[sflag:s22] =	ssyncset.done $0x0  }
0xa1: {  	[sflag:s22] =	ssyncadd.s32 s5;
	_ =	sdelay $0x1  }
0xa2: {  	s23 =	simm.s32 $0x1B8B  }
0xa3: {  	_ =	swait.ge [sflag:s23], $0x1  }
0xa4: {  	[sflag:s23] =	ssyncset.done $0x0  }
0xa5: {  	s25 =	simm.s32 $0x1B8E;
	s24 =	sld [smem:$0x3FFE];
	[sflag:s23] =	ssyncadd.s32 $0xFFFFFFFF  }
0xa6: {  	s26 =	simm.s32 $execute0_lowered;
	[smem:$0x3FD2] =	sst s25  }
0xa7: {  	s6 =	sshll.u32 s26, $0x1;
	_ =	strace $0x80000046;
	[dreg:$0x1] =	wrdreg $0xFFFFFFFF  }
0xa8: {  	s28 =	simm.s32 $_size_execute0_lowered;
	s4 =	sadd.s32 s4, s6;
	[dreg:$0x0] =	wrdreg $0x0  }
0xa9: {  	s6 =	sshll.u32 s28, $0x1;
	[dreg:$0x2] =	wrdreg s4  }
0xaa: {  	[dreg:$0x3] =	wrdreg s6  }
0xab: {  	[dreg:$0x4] =	wrdreg $0xC0  }
0xac: {  	_ =	task [dreg:s8], $0x5FFFF  }
0xad: {  	[dreg:$0x1] =	wrdreg $0xFFFFFFFF  }
0xae: {  	[dreg:$0x0] =	wrdreg $0x60  }
0xaf: {  	[dreg:$0x2] =	wrdreg s24  }
0xb0: {  	[dreg:$0x3] =	wrdreg s2  }
0xb1: {  	[dreg:$0x4] =	wrdreg s18  }
0xb2: {  	[dreg:$0x5] =	wrdreg $0x9  }
0xb3: {  	_ =	task.clear_ibuf [dreg:s8], $0x6FFFF;
	_ =	strace $0x90000046  }
0xb4: {  	s29 =	simm.s32 $0x9;
	_ =	strace $0x80000048  }
0xb5: {  	_ =	swait.ge [sflag:s29], $0x1  }
0xb6: {  	[sflag:s29] =	ssyncadd.s32 $0xFFFFFFFF  }
0xb7: {  	_ =	strace $0x90000048  }
0xb8: {  	_ =	sfence  }
0xb9: {  	s30 =	sld [smem:$0x0];
	_ =	sdelay $0x2  }
0xba: {  	s31 =	sshll.u32 s1, $0xD;
	s1 =	sshrl.u32 s1, $0x2  }
0xbb: {  	s3 =	sand.u32 $0x4000, s31;
	s1 =	sadd.s32 s1, s30  }
0xbc: {  	s0 =	sor.u32 s3, s0;
	s1 =	sshll.u32 s1, $0x11  }
0xbd: {  	s0 =	sor.u32 s1, s0  }
0xbe: {  	s0 =	sadd.s32 $0x8F2B, s0  }
0xbf: {  	[sflag:s0] =	ssyncadd.remote.s32 $0x1  }
0xc0: {  	_ =	sfence.sel $0xFFFF  }
0xc1: {  	[dreg:$0x0] =	wrdreg $0xFFFFFFFF;
	(pc) =	sbr.abs _section_cstart, $3  }
0xc2: {  	[dreg:$0x1] =	wrdreg $0xFFFFFFFF  }
0xc3: {  	_ =	task.clear_ibuf [dreg:s8], $0x2FFFF;
	_ =	strace $0x9FFFFFFF  }
0xc4: {  	(tm) =	ssettm $0x7FFFFFFF  }
0xc5: {  	_ =	shalt  }
tec
execute0_lowered:
.L_overlay_start_1:
0x0: {  	(tag) =	ssettag $0x1  }
0x1: {  	s0 =	srdreg.scid  }
0x2: {  	s2 =	stileid.u32;
	s0 =	sand.u32 $0x1, s0  }
0x3: {  	s1 =	rddreg [dreg:$0x0];
	s2 =	sshll.u32 s2, $0x5;
	s3 =	sshll.u32 s0, $0x4  }
0x4: {  	s4 =	rddreg [dreg:$0x1];
	s3 =	sor.u32 s3, s2  }
0x5: {  	s5 =	rddreg [dreg:$0x2];
	s6 =	sshrl.u32 s3, $0x3  }
0x6: {  	s8 =	simm.s32 $0x80;
	s2 =	simm.s32 $0x0;
	s1 =	sadd.s32 s6, s1  }
0x7: {  	s9 =	simm.s32 $0x100;
	[smem:$0x7FF] =	sst s2;
	s6 =	sadd.s32 $0xBC0, s1  }
0x8: {  	_ =	strace $0x80000047;
	s11 =	sadd.s32 $0xDC0, s1;
	[dreg:$0x4] =	wrdreg s6  }
0x9: {  	s10 =	simm.s32 $0x180;
	s12 =	sadd.s32 $0xFC0, s1;
	[dreg:$0x5] =	wrdreg s11  }
0xa: {  	p0 =	por $0x0, $0x0;
	s13 =	sadd.s32 $0x11C0, s1;
	[dreg:$0x6] =	wrdreg s12  }
0xb: {  	s28 =	simm.s32 $0x10;
	s14 =	sadd.s32 $0x13C0, s1;
	[dreg:$0x7] =	wrdreg s13  }
0xc: {  	s0 =	ssub.s32 $0x2, s0;
	s15 =	sadd.s32 $0x15C0, s1;
	[dreg:$0x8] =	wrdreg s14  }
0xd: {  	s7 =	sshrl.u32 s0, $0x1;
	s16 =	sadd.s32 $0x17C0, s1;
	[dreg:$0x9] =	wrdreg s15  }
0xe: {  	s0 =	ssub.s32 s0, s7;
	s17 =	sadd.s32 $0x19C0, s1;
	[dreg:$0xa] =	wrdreg s16  }
0xf: {  	s3 =	sshll.u32 s3, $0x4;
	s18 =	sadd.s32 $0x1BC0, s1;
	[dreg:$0xb] =	wrdreg s17  }
0x10: {  	s7 =	simm.s32 $0xC00;
	s19 =	sadd.s32 $0x1DC0, s1;
	[dreg:$0xc] =	wrdreg s18  }
0x11: {  	s3 =	sadd.s32 s5, s3;
	s20 =	sadd.s32 $0x1FC0, s1;
	[dreg:$0xd] =	wrdreg s19  }
0x12: {  	s0 =	smax.u32 s0, $0x1;
	s21 =	sadd.s32 $0x21C0, s1;
	[dreg:$0xe] =	wrdreg s20  }
0x13: {  	s5 =	simm.s32 $0x2;
	s22 =	sadd.s32 $0x23C0, s1;
	[dreg:$0xf] =	wrdreg s21  }
0x14: {  	s23 =	sadd.s32 $0x25C0, s1;
	s24 =	sadd.s32 $0x27C0, s1;
	[dreg:$0x10] =	wrdreg s22  }
0x15: {  	s25 =	sadd.s32 $0x29C0, s1;
	s26 =	sadd.s32 $0x2BC0, s1;
	[dreg:$0x11] =	wrdreg s23  }
0x16: {  	s29 =	sadd.s32 $0x2DC0, s1;
	s30 =	sadd.s32 $0x2FC0, s1;
	[dreg:$0x12] =	wrdreg s24  }
0x17: {  	s31 =	sadd.s32 $0x31C0, s1;
	p1 =	sne.s32 s0, $0x1;
	[dreg:$0x13] =	wrdreg s25  }
0x18: {  	s1 =	sadd.s32 $0xFFFFFFFF, s0;
	[dreg:$0x14] =	wrdreg s26;
	s11 =	simm.s32 $0x200  }
0x19: {  	s12 =	simm.s32 $0x280;
	s13 =	simm.s32 $0x300;
	s14 =	simm.s32 $0x380  }
.Ltmp0:
0x1a: {  	s15 =	simm.s32 $0x400;
	s16 =	simm.s32 $0x480;
	(pc) =	sbr.rel @!p1 .LBB2_3-.Ltmp0, $4  }
0x1b: {  	s17 =	simm.s32 $0x500;
	s18 =	simm.s32 $0x580;
	s19 =	simm.s32 $0x600  }
0x1c: {  	s20 =	simm.s32 $0x680;
	s21 =	simm.s32 $0x700;
	s22 =	simm.s32 $0x780  }
0x1d: {  	s23 =	simm.s32 $0x800;
	s24 =	simm.s32 $0x880;
	s25 =	simm.s32 $0x900  }
0x1e: {  	s26 =	simm.s32 $0x980;
	s6 =	simm.s32 $0x1;
	s0 =	rddreg [dreg:$0x4]  }
0x1f: {  	[dreg:$0x15] =	wrdreg s1  }
0x20: {  	[tilespmem:s2], [sflag:$0x1] =	stream.linear.gather [hbm4b:s0+s2], $0x10, $0x38;
	[tilespmem:$0x1400] =	vst v63  }
0x21: {  	s1 =	rddreg [dreg:$0x5]  }
0x22: {  	[tilespmem:s8], [sflag:$0x1] =	stream.linear.gather [hbm4b:s1+s2], $0x10, $0x38;
	[tilespmem:$0x1400] =	vst v63  }
0x23: {  	s0 =	rddreg [dreg:$0x6]  }
0x24: {  	[tilespmem:s9], [sflag:$0x1] =	stream.linear.gather [hbm4b:s0+s2], $0x10, $0x38;
	[tilespmem:$0x1400] =	vst v63  }
0x25: {  	s1 =	rddreg [dreg:$0x7]  }
0x26: {  	[tilespmem:s10], [sflag:$0x1] =	stream.linear.gather [hbm4b:s1+s2], $0x10, $0x38;
	[tilespmem:$0x1400] =	vst v63  }
0x27: {  	s0 =	rddreg [dreg:$0x8]  }
0x28: {  	[tilespmem:s11], [sflag:$0x1] =	stream.linear.gather [hbm4b:s0+s2], $0x10, $0x38;
	[tilespmem:$0x1400] =	vst v63  }
0x29: {  	s1 =	rddreg [dreg:$0x9]  }
0x2a: {  	[tilespmem:s12], [sflag:$0x1] =	stream.linear.gather [hbm4b:s1+s2], $0x10, $0x38;
	[tilespmem:$0x1400] =	vst v63  }
0x2b: {  	s0 =	rddreg [dreg:$0xa]  }
0x2c: {  	[tilespmem:s13], [sflag:$0x1] =	stream.linear.gather [hbm4b:s0+s2], $0x10, $0x38;
	[tilespmem:$0x1400] =	vst v63  }
0x2d: {  	s1 =	rddreg [dreg:$0xb]  }
0x2e: {  	[tilespmem:s14], [sflag:$0x1] =	stream.linear.gather [hbm4b:s1+s2], $0x10, $0x38;
	[tilespmem:$0x1400] =	vst v63  }
0x2f: {  	s0 =	rddreg [dreg:$0xc]  }
0x30: {  	[tilespmem:s15], [sflag:$0x1] =	stream.linear.gather [hbm4b:s0+s2], $0x10, $0x38;
	[tilespmem:$0x1400] =	vst v63  }
0x31: {  	s1 =	rddreg [dreg:$0xd]  }
0x32: {  	[tilespmem:s16], [sflag:$0x1] =	stream.linear.gather [hbm4b:s1+s2], $0x10, $0x38;
	[tilespmem:$0x1400] =	vst v63  }
0x33: {  	s0 =	rddreg [dreg:$0xe]  }
0x34: {  	[tilespmem:s17], [sflag:$0x1] =	stream.linear.gather [hbm4b:s0+s2], $0x10, $0x38;
	[tilespmem:$0x1400] =	vst v63  }
0x35: {  	s1 =	rddreg [dreg:$0xf]  }
0x36: {  	[tilespmem:s18], [sflag:$0x1] =	stream.linear.gather [hbm4b:s1+s2], $0x10, $0x38;
	[tilespmem:$0x1400] =	vst v63  }
0x37: {  	s0 =	rddreg [dreg:$0x10]  }
0x38: {  	[tilespmem:s19], [sflag:$0x1] =	stream.linear.gather [hbm4b:s0+s2], $0x10, $0x38;
	[tilespmem:$0x1400] =	vst v63  }
0x39: {  	s1 =	rddreg [dreg:$0x11]  }
0x3a: {  	[tilespmem:s20], [sflag:$0x1] =	stream.linear.gather [hbm4b:s1+s2], $0x10, $0x38;
	[tilespmem:$0x1400] =	vst v63  }
0x3b: {  	s0 =	rddreg [dreg:$0x12]  }
0x3c: {  	[tilespmem:s21], [sflag:$0x1] =	stream.linear.gather [hbm4b:s0+s2], $0x10, $0x38;
	[tilespmem:$0x1400] =	vst v63  }
0x3d: {  	s1 =	rddreg [dreg:$0x13]  }
0x3e: {  	[tilespmem:s22], [sflag:$0x1] =	stream.linear.gather [hbm4b:s1+s2], $0x10, $0x38;
	[tilespmem:$0x1400] =	vst v63  }
0x3f: {  	s0 =	rddreg [dreg:$0x14]  }
0x40: {  	[tilespmem:s23], [sflag:$0x1] =	stream.linear.gather [hbm4b:s0+s2], $0x10, $0x38;
	[tilespmem:$0x1400] =	vst v63  }
0x41: {  	_ = 	snop  }
0x42: {  	[tilespmem:s24], [sflag:$0x1] =	stream.linear.gather [hbm4b:s29+s2], $0x10, $0x38;
	[tilespmem:$0x1400] =	vst v63  }
0x43: {  	_ = 	snop  }
0x44: {  	[tilespmem:s25], [sflag:$0x1] =	stream.linear.gather [hbm4b:s30+s2], $0x10, $0x38;
	[tilespmem:$0x1400] =	vst v63  }
0x45: {  	_ = 	snop  }
0x46: {  	[tilespmem:s26], [sflag:$0x1] =	stream.linear.gather [hbm4b:s31+s2], $0x10, $0x38;
	[tilespmem:$0x1400] =	vst v63  }
0x47: {  	_ =	swait.ge [sflag:s6], $0x10  }
0x48: {  	[sflag:s6] =	ssyncset.done $0x0  }
0x49: {  	[sflag:s6] =	ssyncadd.s32 $0xFFFFFFF0  }
0x4a: {  	_ =	swait.ge [sflag:s6], $0x10  }
0x4b: {  	[sflag:s6] =	ssyncset.done $0x0  }
0x4c: {  	[sflag:s6] =	ssyncadd.s32 $0xFFFFFFF0  }
0x4d: {  	_ =	swait.ge [sflag:s6], $0x10  }
0x4e: {  	[sflag:s6] =	ssyncset.done $0x0  }
0x4f: {  	[sflag:s6] =	ssyncadd.s32 $0xFFFFFFF0  }
0x50: {  	_ =	swait.ge [sflag:s6], $0x10  }
0x51: {  	[sflag:s6] =	ssyncset.done $0x0  }
0x52: {  	[sflag:s6] =	ssyncadd.s32 $0xFFFFFFF0  }
0x53: {  	_ =	swait.ge [sflag:s6], $0x10  }
0x54: {  	[sflag:s6] =	ssyncset.done $0x0  }
0x55: {  	[sflag:s6] =	ssyncadd.s32 $0xFFFFFFF0  }
0x56: {  	_ =	swait.ge [sflag:s6], $0x10  }
0x57: {  	[sflag:s6] =	ssyncset.done $0x0  }
0x58: {  	[sflag:s6] =	ssyncadd.s32 $0xFFFFFFF0  }
0x59: {  	_ =	swait.ge [sflag:s6], $0x10  }
0x5a: {  	[sflag:s6] =	ssyncset.done $0x0  }
0x5b: {  	[sflag:s6] =	ssyncadd.s32 $0xFFFFFFF0  }
0x5c: {  	_ =	swait.ge [sflag:s6], $0x10  }
0x5d: {  	[sflag:s6] =	ssyncset.done $0x0  }
0x5e: {  	[sflag:s6] =	ssyncadd.s32 $0xFFFFFFF0  }
0x5f: {  	_ =	swait.ge [sflag:s6], $0x10  }
0x60: {  	[sflag:s6] =	ssyncset.done $0x0  }
0x61: {  	[sflag:s6] =	ssyncadd.s32 $0xFFFFFFF0  }
0x62: {  	_ =	swait.ge [sflag:s6], $0x10  }
0x63: {  	[sflag:s6] =	ssyncset.done $0x0  }
0x64: {  	[sflag:s6] =	ssyncadd.s32 $0xFFFFFFF0  }
0x65: {  	_ =	swait.ge [sflag:s6], $0x10  }
0x66: {  	[sflag:s6] =	ssyncset.done $0x0  }
0x67: {  	[sflag:s6] =	ssyncadd.s32 $0xFFFFFFF0  }
0x68: {  	_ =	swait.ge [sflag:s6], $0x10  }
0x69: {  	[sflag:s6] =	ssyncset.done $0x0  }
0x6a: {  	[sflag:s6] =	ssyncadd.s32 $0xFFFFFFF0  }
0x6b: {  	_ =	swait.ge [sflag:s6], $0x10  }
0x6c: {  	[sflag:s6] =	ssyncset.done $0x0  }
0x6d: {  	[sflag:s6] =	ssyncadd.s32 $0xFFFFFFF0  }
0x6e: {  	_ =	swait.ge [sflag:s6], $0x10  }
0x6f: {  	[sflag:s6] =	ssyncset.done $0x0  }
0x70: {  	[sflag:s6] =	ssyncadd.s32 $0xFFFFFFF0  }
0x71: {  	_ =	swait.ge [sflag:s6], $0x10  }
0x72: {  	[sflag:s6] =	ssyncset.done $0x0  }
0x73: {  	[sflag:s6] =	ssyncadd.s32 $0xFFFFFFF0  }
0x74: {  	_ =	swait.ge [sflag:s6], $0x10  }
0x75: {  	[sflag:s6] =	ssyncset.done $0x0  }
0x76: {  	[sflag:s6] =	ssyncadd.s32 $0xFFFFFFF0  }
0x77: {  	_ =	swait.ge [sflag:s6], $0x10  }
0x78: {  	[sflag:s6] =	ssyncset.done $0x0  }
0x79: {  	[sflag:s6] =	ssyncadd.s32 $0xFFFFFFF0  }
0x7a: {  	_ =	swait.ge [sflag:s6], $0x10  }
0x7b: {  	[sflag:s6] =	ssyncset.done $0x0  }
0x7c: {  	[sflag:s6] =	ssyncadd.s32 $0xFFFFFFF0  }
0x7d: {  	_ =	swait.ge [sflag:s6], $0x10  }
0x7e: {  	[sflag:s6] =	ssyncset.done $0x0  }
0x7f: {  	[sflag:s6] =	ssyncadd.s32 $0xFFFFFFF0  }
0x80: {  	_ =	swait.ge [sflag:s6], $0x10  }
0x81: {  	[sflag:s6] =	ssyncset.done $0x0  }
0x82: {  	[sflag:s6] =	ssyncadd.s32 $0xFFFFFFF0  }
0x83: {  	[tilespmem:s7], [sflag:$0x1] =	stream.indirect.gather [hbm4b:s4+s28], $0x80, s2, s28, $0xb8;
	[tilespmem:$0x1400] =	vst v63  }
0x84: {  	_ =	swait.ge [sflag:s6], $0x800  }
0x85: {  	[sflag:s6] =	ssyncset.done $0x0  }
0x86: {  	[sflag:s6] =	ssyncadd.s32 $0xFFFFF800  }
0x87: {  	[tilespmem:s7], [sflag:$0x1] =	stream.indirect.gather.add.f32 [hbm:s4], $0x80, s8, s28, $0xb8;
	[tilespmem:$0x1400] =	vst v63  }
0x88: {  	_ = 	snop  }
0x89: {  	[tilespmem:s7], [sflag:$0x1] =	stream.indirect.gather.add.f32 [hbm:s4], $0x80, s9, s28, $0xb8;
	[tilespmem:$0x1400] =	vst v63  }
0x8a: {  	_ = 	snop  }
0x8b: {  	[tilespmem:s7], [sflag:$0x1] =	stream.indirect.gather.add.f32 [hbm:s4], $0x80, s10, s28, $0xb8;
	[tilespmem:$0x1400] =	vst v63  }
0x8c: {  	_ = 	snop  }
0x8d: {  	[tilespmem:s7], [sflag:$0x1] =	stream.indirect.gather.add.f32 [hbm:s4], $0x80, s11, s28, $0xb8;
	[tilespmem:$0x1400] =	vst v63  }
0x8e: {  	_ = 	snop  }
0x8f: {  	[tilespmem:s7], [sflag:$0x1] =	stream.indirect.gather.add.f32 [hbm:s4], $0x80, s12, s28, $0xb8;
	[tilespmem:$0x1400] =	vst v63  }
0x90: {  	_ = 	snop  }
0x91: {  	[tilespmem:s7], [sflag:$0x1] =	stream.indirect.gather.add.f32 [hbm:s4], $0x80, s13, s28, $0xb8;
	[tilespmem:$0x1400] =	vst v63  }
0x92: {  	_ = 	snop  }
0x93: {  	[tilespmem:s7], [sflag:$0x1] =	stream.indirect.gather.add.f32 [hbm:s4], $0x80, s14, s28, $0xb8;
	[tilespmem:$0x1400] =	vst v63  }
0x94: {  	_ = 	snop  }
0x95: {  	[tilespmem:s7], [sflag:$0x1] =	stream.indirect.gather.add.f32 [hbm:s4], $0x80, s15, s28, $0xb8;
	[tilespmem:$0x1400] =	vst v63  }
0x96: {  	_ = 	snop  }
0x97: {  	[tilespmem:s7], [sflag:$0x1] =	stream.indirect.gather.add.f32 [hbm:s4], $0x80, s16, s28, $0xb8;
	[tilespmem:$0x1400] =	vst v63  }
0x98: {  	_ = 	snop  }
0x99: {  	[tilespmem:s7], [sflag:$0x1] =	stream.indirect.gather.add.f32 [hbm:s4], $0x80, s17, s28, $0xb8;
	[tilespmem:$0x1400] =	vst v63  }
0x9a: {  	_ = 	snop  }
0x9b: {  	[tilespmem:s7], [sflag:$0x1] =	stream.indirect.gather.add.f32 [hbm:s4], $0x80, s18, s28, $0xb8;
	[tilespmem:$0x1400] =	vst v63  }
0x9c: {  	_ = 	snop  }
0x9d: {  	[tilespmem:s7], [sflag:$0x1] =	stream.indirect.gather.add.f32 [hbm:s4], $0x80, s19, s28, $0xb8;
	[tilespmem:$0x1400] =	vst v63  }
0x9e: {  	_ = 	snop  }
0x9f: {  	[tilespmem:s7], [sflag:$0x1] =	stream.indirect.gather.add.f32 [hbm:s4], $0x80, s20, s28, $0xb8;
	[tilespmem:$0x1400] =	vst v63  }
0xa0: {  	_ = 	snop  }
0xa1: {  	[tilespmem:s7], [sflag:$0x1] =	stream.indirect.gather.add.f32 [hbm:s4], $0x80, s21, s28, $0xb8;
	[tilespmem:$0x1400] =	vst v63  }
0xa2: {  	_ = 	snop  }
0xa3: {  	[tilespmem:s7], [sflag:$0x1] =	stream.indirect.gather.add.f32 [hbm:s4], $0x80, s22, s28, $0xb8;
	[tilespmem:$0x1400] =	vst v63  }
0xa4: {  	_ = 	snop  }
0xa5: {  	[tilespmem:s7], [sflag:$0x1] =	stream.indirect.gather.add.f32 [hbm:s4], $0x80, s23, s28, $0xb8;
	[tilespmem:$0x1400] =	vst v63  }
0xa6: {  	_ = 	snop  }
0xa7: {  	[tilespmem:s7], [sflag:$0x1] =	stream.indirect.gather.add.f32 [hbm:s4], $0x80, s24, s28, $0xb8;
	[tilespmem:$0x1400] =	vst v63  }
0xa8: {  	_ = 	snop  }
0xa9: {  	[tilespmem:s7], [sflag:$0x1] =	stream.indirect.gather.add.f32 [hbm:s4], $0x80, s25, s28, $0xb8;
	[tilespmem:$0x1400] =	vst v63  }
0xaa: {  	_ = 	snop  }
0xab: {  	[tilespmem:s7], [sflag:$0x1] =	stream.indirect.gather.add.f32 [hbm:s4], $0x80, s26, s28, $0xb8;
	[tilespmem:$0x1400] =	vst v63  }
0xac: {  	_ =	swait.ge [sflag:s6], $0x800  }
0xad: {  	[sflag:s6] =	ssyncset.done $0x0  }
0xae: {  	[sflag:s6] =	ssyncadd.s32 $0xFFFFF800  }
0xaf: {  	_ =	swait.ge [sflag:s6], $0x800  }
0xb0: {  	[sflag:s6] =	ssyncset.done $0x0  }
0xb1: {  	[sflag:s6] =	ssyncadd.s32 $0xFFFFF800  }
0xb2: {  	_ =	swait.ge [sflag:s6], $0x800  }
0xb3: {  	[sflag:s6] =	ssyncset.done $0x0  }
0xb4: {  	[sflag:s6] =	ssyncadd.s32 $0xFFFFF800  }
0xb5: {  	_ =	swait.ge [sflag:s6], $0x800  }
0xb6: {  	[sflag:s6] =	ssyncset.done $0x0  }
0xb7: {  	[sflag:s6] =	ssyncadd.s32 $0xFFFFF800  }
0xb8: {  	_ =	swait.ge [sflag:s6], $0x800  }
0xb9: {  	[sflag:s6] =	ssyncset.done $0x0  }
0xba: {  	[sflag:s6] =	ssyncadd.s32 $0xFFFFF800  }
0xbb: {  	_ =	swait.ge [sflag:s6], $0x800  }
0xbc: {  	[sflag:s6] =	ssyncset.done $0x0  }
0xbd: {  	[sflag:s6] =	ssyncadd.s32 $0xFFFFF800  }
0xbe: {  	_ =	swait.ge [sflag:s6], $0x800  }
0xbf: {  	[sflag:s6] =	ssyncset.done $0x0  }
0xc0: {  	[sflag:s6] =	ssyncadd.s32 $0xFFFFF800  }
0xc1: {  	_ =	swait.ge [sflag:s6], $0x800  }
0xc2: {  	[sflag:s6] =	ssyncset.done $0x0  }
0xc3: {  	[sflag:s6] =	ssyncadd.s32 $0xFFFFF800  }
0xc4: {  	_ =	swait.ge [sflag:s6], $0x800  }
0xc5: {  	[sflag:s6] =	ssyncset.done $0x0  }
0xc6: {  	[sflag:s6] =	ssyncadd.s32 $0xFFFFF800  }
0xc7: {  	_ =	swait.ge [sflag:s6], $0x800  }
0xc8: {  	[sflag:s6] =	ssyncset.done $0x0  }
0xc9: {  	[sflag:s6] =	ssyncadd.s32 $0xFFFFF800  }
0xca: {  	_ =	swait.ge [sflag:s6], $0x800  }
0xcb: {  	[sflag:s6] =	ssyncset.done $0x0  }
0xcc: {  	[sflag:s6] =	ssyncadd.s32 $0xFFFFF800  }
0xcd: {  	_ =	swait.ge [sflag:s6], $0x800  }
0xce: {  	[sflag:s6] =	ssyncset.done $0x0  }
0xcf: {  	[sflag:s6] =	ssyncadd.s32 $0xFFFFF800  }
0xd0: {  	_ =	swait.ge [sflag:s6], $0x800  }
0xd1: {  	[sflag:s6] =	ssyncset.done $0x0  }
0xd2: {  	[sflag:s6] =	ssyncadd.s32 $0xFFFFF800  }
0xd3: {  	_ =	swait.ge [sflag:s6], $0x800  }
0xd4: {  	[sflag:s6] =	ssyncset.done $0x0  }
0xd5: {  	[sflag:s6] =	ssyncadd.s32 $0xFFFFF800  }
0xd6: {  	_ =	swait.ge [sflag:s6], $0x800  }
0xd7: {  	[sflag:s6] =	ssyncset.done $0x0  }
0xd8: {  	[sflag:s6] =	ssyncadd.s32 $0xFFFFF800  }
0xd9: {  	_ =	swait.ge [sflag:s6], $0x800  }
0xda: {  	[sflag:s6] =	ssyncset.done $0x0  }
0xdb: {  	[sflag:s6] =	ssyncadd.s32 $0xFFFFF800  }
0xdc: {  	_ =	swait.ge [sflag:s6], $0x800  }
0xdd: {  	[sflag:s6] =	ssyncset.done $0x0  }
0xde: {  	[sflag:s6] =	ssyncadd.s32 $0xFFFFF800  }
0xdf: {  	_ =	swait.ge [sflag:s6], $0x800  }
0xe0: {  	[sflag:s6] =	ssyncset.done $0x0  }
0xe1: {  	[sflag:s6] =	ssyncadd.s32 $0xFFFFF800  }
0xe2: {  	_ =	swait.ge [sflag:s6], $0x800  }
0xe3: {  	s1 =	rddreg [dreg:$0x15]  }
0xe4: {  	p1 =	sne.s32 s1, $0x1  }
.Ltmp1:
0xe5: {  	[sflag:s6] =	ssyncset.done $0x0;
	(pc) =	sbr.rel @!p1 .LBB2_3-.Ltmp1, $4  }
0xe6: {  	[sflag:s6] =	ssyncadd.s32 $0xFFFFF800  }
0xe7: {  	[hbm4b:s3+s2] =	stream.linear.scatter [tilespmem:s7], [sflag:$0x2], $0x800, $0x38;
	[tilespmem:$0x1400] =	vst v63  }
0xe8: {  	p0 =	por $0x1, $0x1;
	_ =	swait.ge [sflag:s5], $0x800  }
0xe9: {  	s1 =	sadd.s32 $0xFFFFFFFF, s1;
	s0 =	rddreg [dreg:$0x4];
	[sflag:s5] =	ssyncset.done $0x0  }
.LBB2_2:
0xea: {  	[sflag:s5] =	ssyncadd.s32 $0xFFFFF800  }
0xeb: {  	[tilespmem:s2], [sflag:$0x1] =	stream.linear.gather [hbm4b:s0+s2], $0x10, $0x38;
	[tilespmem:$0x1400] =	vst v63  }
0xec: {  	s9 =	simm.s32 $0x80;
	s8 =	smov.u32 s3;
	s3 =	rddreg [dreg:$0x5]  }
0xed: {  	[tilespmem:s9], [sflag:$0x1] =	stream.linear.gather [hbm4b:s3+s2], $0x10, $0x38;
	[tilespmem:$0x1400] =	vst v63  }
0xee: {  	s0 =	rddreg [dreg:$0x6];
	s9 =	simm.s32 $0x100  }
0xef: {  	[tilespmem:s9], [sflag:$0x1] =	stream.linear.gather [hbm4b:s0+s2], $0x10, $0x38;
	[tilespmem:$0x1400] =	vst v63  }
0xf0: {  	s3 =	rddreg [dreg:$0x7]  }
0xf1: {  	[tilespmem:s10], [sflag:$0x1] =	stream.linear.gather [hbm4b:s3+s2], $0x10, $0x38;
	[tilespmem:$0x1400] =	vst v63  }
0xf2: {  	s0 =	rddreg [dreg:$0x8]  }
0xf3: {  	[tilespmem:s11], [sflag:$0x1] =	stream.linear.gather [hbm4b:s0+s2], $0x10, $0x38;
	[tilespmem:$0x1400] =	vst v63  }
0xf4: {  	s3 =	rddreg [dreg:$0x9]  }
0xf5: {  	[tilespmem:s12], [sflag:$0x1] =	stream.linear.gather [hbm4b:s3+s2], $0x10, $0x38;
	[tilespmem:$0x1400] =	vst v63  }
0xf6: {  	s0 =	rddreg [dreg:$0xa]  }
0xf7: {  	[tilespmem:s13], [sflag:$0x1] =	stream.linear.gather [hbm4b:s0+s2], $0x10, $0x38;
	[tilespmem:$0x1400] =	vst v63  }
0xf8: {  	s3 =	rddreg [dreg:$0xb]  }
0xf9: {  	[tilespmem:s14], [sflag:$0x1] =	stream.linear.gather [hbm4b:s3+s2], $0x10, $0x38;
	[tilespmem:$0x1400] =	vst v63  }
0xfa: {  	s0 =	rddreg [dreg:$0xc]  }
0xfb: {  	[tilespmem:s15], [sflag:$0x1] =	stream.linear.gather [hbm4b:s0+s2], $0x10, $0x38;
	[tilespmem:$0x1400] =	vst v63  }
0xfc: {  	s3 =	rddreg [dreg:$0xd]  }
0xfd: {  	[tilespmem:s16], [sflag:$0x1] =	stream.linear.gather [hbm4b:s3+s2], $0x10, $0x38;
	[tilespmem:$0x1400] =	vst v63  }
0xfe: {  	s0 =	rddreg [dreg:$0xe]  }
0xff: {  	[tilespmem:s17], [sflag:$0x1] =	stream.linear.gather [hbm4b:s0+s2], $0x10, $0x38;
	[tilespmem:$0x1400] =	vst v63  }
0x100: {  	s3 =	rddreg [dreg:$0xf]  }
0x101: {  	[tilespmem:s18], [sflag:$0x1] =	stream.linear.gather [hbm4b:s3+s2], $0x10, $0x38;
	[tilespmem:$0x1400] =	vst v63  }
0x102: {  	s0 =	rddreg [dreg:$0x10]  }
0x103: {  	[tilespmem:s19], [sflag:$0x1] =	stream.linear.gather [hbm4b:s0+s2], $0x10, $0x38;
	[tilespmem:$0x1400] =	vst v63  }
0x104: {  	s3 =	rddreg [dreg:$0x11]  }
0x105: {  	[tilespmem:s20], [sflag:$0x1] =	stream.linear.gather [hbm4b:s3+s2], $0x10, $0x38;
	[tilespmem:$0x1400] =	vst v63  }
0x106: {  	s0 =	rddreg [dreg:$0x12]  }
0x107: {  	[tilespmem:s21], [sflag:$0x1] =	stream.linear.gather [hbm4b:s0+s2], $0x10, $0x38;
	[tilespmem:$0x1400] =	vst v63  }
0x108: {  	s3 =	rddreg [dreg:$0x13]  }
0x109: {  	[tilespmem:s22], [sflag:$0x1] =	stream.linear.gather [hbm4b:s3+s2], $0x10, $0x38;
	[tilespmem:$0x1400] =	vst v63  }
0x10a: {  	s0 =	rddreg [dreg:$0x14]  }
0x10b: {  	[tilespmem:s23], [sflag:$0x1] =	stream.linear.gather [hbm4b:s0+s2], $0x10, $0x38;
	[tilespmem:$0x1400] =	vst v63  }
0x10c: {  	_ = 	snop  }
0x10d: {  	[tilespmem:s24], [sflag:$0x1] =	stream.linear.gather [hbm4b:s29+s2], $0x10, $0x38;
	[tilespmem:$0x1400] =	vst v63  }
0x10e: {  	_ = 	snop  }
0x10f: {  	[tilespmem:s25], [sflag:$0x1] =	stream.linear.gather [hbm4b:s30+s2], $0x10, $0x38;
	[tilespmem:$0x1400] =	vst v63  }
0x110: {  	_ = 	snop  }
0x111: {  	[tilespmem:s26], [sflag:$0x1] =	stream.linear.gather [hbm4b:s31+s2], $0x10, $0x38;
	[tilespmem:$0x1400] =	vst v63  }
0x112: {  	_ =	swait.ge [sflag:s6], $0x10  }
0x113: {  	[sflag:s6] =	ssyncset.done $0x0  }
0x114: {  	[sflag:s6] =	ssyncadd.s32 $0xFFFFFFF0  }
0x115: {  	_ =	swait.ge [sflag:s6], $0x10  }
0x116: {  	[sflag:s6] =	ssyncset.done $0x0  }
0x117: {  	[sflag:s6] =	ssyncadd.s32 $0xFFFFFFF0  }
0x118: {  	_ =	swait.ge [sflag:s6], $0x10  }
0x119: {  	[sflag:s6] =	ssyncset.done $0x0  }
0x11a: {  	[sflag:s6] =	ssyncadd.s32 $0xFFFFFFF0  }
0x11b: {  	_ =	swait.ge [sflag:s6], $0x10  }
0x11c: {  	[sflag:s6] =	ssyncset.done $0x0  }
0x11d: {  	[sflag:s6] =	ssyncadd.s32 $0xFFFFFFF0  }
0x11e: {  	_ =	swait.ge [sflag:s6], $0x10  }
0x11f: {  	[sflag:s6] =	ssyncset.done $0x0  }
0x120: {  	[sflag:s6] =	ssyncadd.s32 $0xFFFFFFF0  }
0x121: {  	_ =	swait.ge [sflag:s6], $0x10  }
0x122: {  	[sflag:s6] =	ssyncset.done $0x0  }
0x123: {  	[sflag:s6] =	ssyncadd.s32 $0xFFFFFFF0  }
0x124: {  	_ =	swait.ge [sflag:s6], $0x10  }
0x125: {  	[sflag:s6] =	ssyncset.done $0x0  }
0x126: {  	[sflag:s6] =	ssyncadd.s32 $0xFFFFFFF0  }
0x127: {  	_ =	swait.ge [sflag:s6], $0x10  }
0x128: {  	[sflag:s6] =	ssyncset.done $0x0  }
0x129: {  	[sflag:s6] =	ssyncadd.s32 $0xFFFFFFF0  }
0x12a: {  	_ =	swait.ge [sflag:s6], $0x10  }
0x12b: {  	[sflag:s6] =	ssyncset.done $0x0  }
0x12c: {  	[sflag:s6] =	ssyncadd.s32 $0xFFFFFFF0  }
0x12d: {  	_ =	swait.ge [sflag:s6], $0x10  }
0x12e: {  	[sflag:s6] =	ssyncset.done $0x0  }
0x12f: {  	[sflag:s6] =	ssyncadd.s32 $0xFFFFFFF0  }
0x130: {  	_ =	swait.ge [sflag:s6], $0x10  }
0x131: {  	[sflag:s6] =	ssyncset.done $0x0  }
0x132: {  	[sflag:s6] =	ssyncadd.s32 $0xFFFFFFF0  }
0x133: {  	_ =	swait.ge [sflag:s6], $0x10  }
0x134: {  	[sflag:s6] =	ssyncset.done $0x0  }
0x135: {  	[sflag:s6] =	ssyncadd.s32 $0xFFFFFFF0  }
0x136: {  	_ =	swait.ge [sflag:s6], $0x10  }
0x137: {  	[sflag:s6] =	ssyncset.done $0x0  }
0x138: {  	[sflag:s6] =	ssyncadd.s32 $0xFFFFFFF0  }
0x139: {  	_ =	swait.ge [sflag:s6], $0x10  }
0x13a: {  	[sflag:s6] =	ssyncset.done $0x0  }
0x13b: {  	[sflag:s6] =	ssyncadd.s32 $0xFFFFFFF0  }
0x13c: {  	_ =	swait.ge [sflag:s6], $0x10  }
0x13d: {  	[sflag:s6] =	ssyncset.done $0x0  }
0x13e: {  	[sflag:s6] =	ssyncadd.s32 $0xFFFFFFF0  }
0x13f: {  	_ =	swait.ge [sflag:s6], $0x10  }
0x140: {  	[sflag:s6] =	ssyncset.done $0x0  }
0x141: {  	[sflag:s6] =	ssyncadd.s32 $0xFFFFFFF0  }
0x142: {  	_ =	swait.ge [sflag:s6], $0x10  }
0x143: {  	[sflag:s6] =	ssyncset.done $0x0  }
0x144: {  	[sflag:s6] =	ssyncadd.s32 $0xFFFFFFF0  }
0x145: {  	_ =	swait.ge [sflag:s6], $0x10  }
0x146: {  	[sflag:s6] =	ssyncset.done $0x0  }
0x147: {  	[sflag:s6] =	ssyncadd.s32 $0xFFFFFFF0  }
0x148: {  	_ =	swait.ge [sflag:s6], $0x10  }
0x149: {  	[sflag:s6] =	ssyncset.done $0x0  }
0x14a: {  	[sflag:s6] =	ssyncadd.s32 $0xFFFFFFF0  }
0x14b: {  	_ =	swait.ge [sflag:s6], $0x10  }
0x14c: {  	[sflag:s6] =	ssyncset.done $0x0  }
0x14d: {  	[sflag:s6] =	ssyncadd.s32 $0xFFFFFFF0  }
0x14e: {  	[tilespmem:s7], [sflag:$0x1] =	stream.indirect.gather [hbm4b:s4+s28], $0x80, s2, s28, $0xb8;
	[tilespmem:$0x1400] =	vst v63  }
0x14f: {  	_ =	swait.ge [sflag:s6], $0x800  }
0x150: {  	[sflag:s6] =	ssyncset.done $0x0  }
0x151: {  	s3 =	smov.u32 s8;
	s8 =	simm.s32 $0x80;
	[sflag:s6] =	ssyncadd.s32 $0xFFFFF800  }
0x152: {  	[tilespmem:s7], [sflag:$0x1] =	stream.indirect.gather.add.f32 [hbm:s4], $0x80, s8, s28, $0xb8;
	[tilespmem:$0x1400] =	vst v63  }
0x153: {  	_ = 	snop  }
0x154: {  	[tilespmem:s7], [sflag:$0x1] =	stream.indirect.gather.add.f32 [hbm:s4], $0x80, s9, s28, $0xb8;
	[tilespmem:$0x1400] =	vst v63  }
0x155: {  	_ = 	snop  }
0x156: {  	[tilespmem:s7], [sflag:$0x1] =	stream.indirect.gather.add.f32 [hbm:s4], $0x80, s10, s28, $0xb8;
	[tilespmem:$0x1400] =	vst v63  }
0x157: {  	_ = 	snop  }
0x158: {  	[tilespmem:s7], [sflag:$0x1] =	stream.indirect.gather.add.f32 [hbm:s4], $0x80, s11, s28, $0xb8;
	[tilespmem:$0x1400] =	vst v63  }
0x159: {  	_ = 	snop  }
0x15a: {  	[tilespmem:s7], [sflag:$0x1] =	stream.indirect.gather.add.f32 [hbm:s4], $0x80, s12, s28, $0xb8;
	[tilespmem:$0x1400] =	vst v63  }
0x15b: {  	_ = 	snop  }
0x15c: {  	[tilespmem:s7], [sflag:$0x1] =	stream.indirect.gather.add.f32 [hbm:s4], $0x80, s13, s28, $0xb8;
	[tilespmem:$0x1400] =	vst v63  }
0x15d: {  	_ = 	snop  }
0x15e: {  	[tilespmem:s7], [sflag:$0x1] =	stream.indirect.gather.add.f32 [hbm:s4], $0x80, s14, s28, $0xb8;
	[tilespmem:$0x1400] =	vst v63  }
0x15f: {  	_ = 	snop  }
0x160: {  	[tilespmem:s7], [sflag:$0x1] =	stream.indirect.gather.add.f32 [hbm:s4], $0x80, s15, s28, $0xb8;
	[tilespmem:$0x1400] =	vst v63  }
0x161: {  	_ = 	snop  }
0x162: {  	[tilespmem:s7], [sflag:$0x1] =	stream.indirect.gather.add.f32 [hbm:s4], $0x80, s16, s28, $0xb8;
	[tilespmem:$0x1400] =	vst v63  }
0x163: {  	_ = 	snop  }
0x164: {  	[tilespmem:s7], [sflag:$0x1] =	stream.indirect.gather.add.f32 [hbm:s4], $0x80, s17, s28, $0xb8;
	[tilespmem:$0x1400] =	vst v63  }
0x165: {  	_ = 	snop  }
0x166: {  	[tilespmem:s7], [sflag:$0x1] =	stream.indirect.gather.add.f32 [hbm:s4], $0x80, s18, s28, $0xb8;
	[tilespmem:$0x1400] =	vst v63  }
0x167: {  	_ = 	snop  }
0x168: {  	[tilespmem:s7], [sflag:$0x1] =	stream.indirect.gather.add.f32 [hbm:s4], $0x80, s19, s28, $0xb8;
	[tilespmem:$0x1400] =	vst v63  }
0x169: {  	_ = 	snop  }
0x16a: {  	[tilespmem:s7], [sflag:$0x1] =	stream.indirect.gather.add.f32 [hbm:s4], $0x80, s20, s28, $0xb8;
	[tilespmem:$0x1400] =	vst v63  }
0x16b: {  	_ = 	snop  }
0x16c: {  	[tilespmem:s7], [sflag:$0x1] =	stream.indirect.gather.add.f32 [hbm:s4], $0x80, s21, s28, $0xb8;
	[tilespmem:$0x1400] =	vst v63  }
0x16d: {  	_ = 	snop  }
0x16e: {  	[tilespmem:s7], [sflag:$0x1] =	stream.indirect.gather.add.f32 [hbm:s4], $0x80, s22, s28, $0xb8;
	[tilespmem:$0x1400] =	vst v63  }
0x16f: {  	_ = 	snop  }
0x170: {  	[tilespmem:s7], [sflag:$0x1] =	stream.indirect.gather.add.f32 [hbm:s4], $0x80, s23, s28, $0xb8;
	[tilespmem:$0x1400] =	vst v63  }
0x171: {  	_ = 	snop  }
0x172: {  	[tilespmem:s7], [sflag:$0x1] =	stream.indirect.gather.add.f32 [hbm:s4], $0x80, s24, s28, $0xb8;
	[tilespmem:$0x1400] =	vst v63  }
0x173: {  	_ = 	snop  }
0x174: {  	[tilespmem:s7], [sflag:$0x1] =	stream.indirect.gather.add.f32 [hbm:s4], $0x80, s25, s28, $0xb8;
	[tilespmem:$0x1400] =	vst v63  }
0x175: {  	_ = 	snop  }
0x176: {  	[tilespmem:s7], [sflag:$0x1] =	stream.indirect.gather.add.f32 [hbm:s4], $0x80, s26, s28, $0xb8;
	[tilespmem:$0x1400] =	vst v63  }
0x177: {  	_ =	swait.ge [sflag:s6], $0x800  }
0x178: {  	[sflag:s6] =	ssyncset.done $0x0  }
0x179: {  	[sflag:s6] =	ssyncadd.s32 $0xFFFFF800  }
0x17a: {  	_ =	swait.ge [sflag:s6], $0x800  }
0x17b: {  	[sflag:s6] =	ssyncset.done $0x0  }
0x17c: {  	[sflag:s6] =	ssyncadd.s32 $0xFFFFF800  }
0x17d: {  	_ =	swait.ge [sflag:s6], $0x800  }
0x17e: {  	[sflag:s6] =	ssyncset.done $0x0  }
0x17f: {  	[sflag:s6] =	ssyncadd.s32 $0xFFFFF800  }
0x180: {  	_ =	swait.ge [sflag:s6], $0x800  }
0x181: {  	[sflag:s6] =	ssyncset.done $0x0  }
0x182: {  	[sflag:s6] =	ssyncadd.s32 $0xFFFFF800  }
0x183: {  	_ =	swait.ge [sflag:s6], $0x800  }
0x184: {  	[sflag:s6] =	ssyncset.done $0x0  }
0x185: {  	[sflag:s6] =	ssyncadd.s32 $0xFFFFF800  }
0x186: {  	_ =	swait.ge [sflag:s6], $0x800  }
0x187: {  	[sflag:s6] =	ssyncset.done $0x0  }
0x188: {  	[sflag:s6] =	ssyncadd.s32 $0xFFFFF800  }
0x189: {  	_ =	swait.ge [sflag:s6], $0x800  }
0x18a: {  	[sflag:s6] =	ssyncset.done $0x0  }
0x18b: {  	[sflag:s6] =	ssyncadd.s32 $0xFFFFF800  }
0x18c: {  	_ =	swait.ge [sflag:s6], $0x800  }
0x18d: {  	[sflag:s6] =	ssyncset.done $0x0  }
0x18e: {  	[sflag:s6] =	ssyncadd.s32 $0xFFFFF800  }
0x18f: {  	_ =	swait.ge [sflag:s6], $0x800  }
0x190: {  	[sflag:s6] =	ssyncset.done $0x0  }
0x191: {  	[sflag:s6] =	ssyncadd.s32 $0xFFFFF800  }
0x192: {  	_ =	swait.ge [sflag:s6], $0x800  }
0x193: {  	[sflag:s6] =	ssyncset.done $0x0  }
0x194: {  	[sflag:s6] =	ssyncadd.s32 $0xFFFFF800  }
0x195: {  	_ =	swait.ge [sflag:s6], $0x800  }
0x196: {  	[sflag:s6] =	ssyncset.done $0x0  }
0x197: {  	[sflag:s6] =	ssyncadd.s32 $0xFFFFF800  }
0x198: {  	_ =	swait.ge [sflag:s6], $0x800  }
0x199: {  	[sflag:s6] =	ssyncset.done $0x0  }
0x19a: {  	[sflag:s6] =	ssyncadd.s32 $0xFFFFF800  }
0x19b: {  	_ =	swait.ge [sflag:s6], $0x800  }
0x19c: {  	[sflag:s6] =	ssyncset.done $0x0  }
0x19d: {  	[sflag:s6] =	ssyncadd.s32 $0xFFFFF800  }
0x19e: {  	_ =	swait.ge [sflag:s6], $0x800  }
0x19f: {  	[sflag:s6] =	ssyncset.done $0x0  }
0x1a0: {  	[sflag:s6] =	ssyncadd.s32 $0xFFFFF800  }
0x1a1: {  	_ =	swait.ge [sflag:s6], $0x800  }
0x1a2: {  	[sflag:s6] =	ssyncset.done $0x0  }
0x1a3: {  	[sflag:s6] =	ssyncadd.s32 $0xFFFFF800  }
0x1a4: {  	_ =	swait.ge [sflag:s6], $0x800  }
0x1a5: {  	[sflag:s6] =	ssyncset.done $0x0  }
0x1a6: {  	[sflag:s6] =	ssyncadd.s32 $0xFFFFF800  }
0x1a7: {  	_ =	swait.ge [sflag:s6], $0x800  }
0x1a8: {  	[sflag:s6] =	ssyncset.done $0x0  }
0x1a9: {  	[sflag:s6] =	ssyncadd.s32 $0xFFFFF800  }
0x1aa: {  	_ =	swait.ge [sflag:s6], $0x800  }
0x1ab: {  	[sflag:s6] =	ssyncset.done $0x0  }
0x1ac: {  	[sflag:s6] =	ssyncadd.s32 $0xFFFFF800  }
0x1ad: {  	p1 =	sne.s32 s1, $0x1;
	_ =	swait.ge [sflag:s6], $0x800  }
.Ltmp2:
0x1ae: {  	[sflag:s6] =	ssyncset.done $0x0;
	(pc) =	sbr.rel @p1 .LBB2_2-.Ltmp2, $4  }
0x1af: {  	[sflag:s6] =	ssyncadd.s32 $0xFFFFF800  }
0x1b0: {  	[hbm4b:s3+s2] =	stream.linear.scatter [tilespmem:s7], [sflag:$0x2], $0x800, $0x38;
	[tilespmem:$0x1400] =	vst v63  }
0x1b1: {  	_ =	swait.ge [sflag:s5], $0x800  }
0x1b2: {  	s1 =	sadd.s32 $0xFFFFFFFF, s1;
	s0 =	rddreg [dreg:$0x4];
	[sflag:s5] =	ssyncset.done $0x0  }
.LBB2_3:
0x1b3: {  	[sflag:s5] =	ssyncadd.s32 @p0 $0xFFFFF800  }
0x1b4: {  	[tilespmem:s2], [sflag:$0x1] =	stream.linear.gather [hbm4b:s0+s2], $0x10, $0x38;
	[tilespmem:$0x1400] =	vst v63  }
0x1b5: {  	s1 =	rddreg [dreg:$0x5]  }
0x1b6: {  	[tilespmem:s8], [sflag:$0x1] =	stream.linear.gather [hbm4b:s1+s2], $0x10, $0x38;
	[tilespmem:$0x1400] =	vst v63  }
0x1b7: {  	s0 =	rddreg [dreg:$0x6]  }
0x1b8: {  	[tilespmem:s9], [sflag:$0x1] =	stream.linear.gather [hbm4b:s0+s2], $0x10, $0x38;
	[tilespmem:$0x1400] =	vst v63  }
0x1b9: {  	s1 =	rddreg [dreg:$0x7]  }
0x1ba: {  	[tilespmem:s10], [sflag:$0x1] =	stream.linear.gather [hbm4b:s1+s2], $0x10, $0x38;
	[tilespmem:$0x1400] =	vst v63  }
0x1bb: {  	s0 =	rddreg [dreg:$0x8]  }
0x1bc: {  	[tilespmem:s11], [sflag:$0x1] =	stream.linear.gather [hbm4b:s0+s2], $0x10, $0x38;
	[tilespmem:$0x1400] =	vst v63  }
0x1bd: {  	s1 =	rddreg [dreg:$0x9]  }
0x1be: {  	[tilespmem:s12], [sflag:$0x1] =	stream.linear.gather [hbm4b:s1+s2], $0x10, $0x38;
	[tilespmem:$0x1400] =	vst v63  }
0x1bf: {  	s0 =	rddreg [dreg:$0xa]  }
0x1c0: {  	[tilespmem:s13], [sflag:$0x1] =	stream.linear.gather [hbm4b:s0+s2], $0x10, $0x38;
	[tilespmem:$0x1400] =	vst v63  }
0x1c1: {  	s1 =	rddreg [dreg:$0xb]  }
0x1c2: {  	[tilespmem:s14], [sflag:$0x1] =	stream.linear.gather [hbm4b:s1+s2], $0x10, $0x38;
	[tilespmem:$0x1400] =	vst v63  }
0x1c3: {  	s0 =	rddreg [dreg:$0xc]  }
0x1c4: {  	[tilespmem:s15], [sflag:$0x1] =	stream.linear.gather [hbm4b:s0+s2], $0x10, $0x38;
	[tilespmem:$0x1400] =	vst v63  }
0x1c5: {  	s1 =	rddreg [dreg:$0xd]  }
0x1c6: {  	[tilespmem:s16], [sflag:$0x1] =	stream.linear.gather [hbm4b:s1+s2], $0x10, $0x38;
	[tilespmem:$0x1400] =	vst v63  }
0x1c7: {  	s0 =	rddreg [dreg:$0xe]  }
0x1c8: {  	[tilespmem:s17], [sflag:$0x1] =	stream.linear.gather [hbm4b:s0+s2], $0x10, $0x38;
	[tilespmem:$0x1400] =	vst v63  }
0x1c9: {  	s1 =	rddreg [dreg:$0xf]  }
0x1ca: {  	[tilespmem:s18], [sflag:$0x1] =	stream.linear.gather [hbm4b:s1+s2], $0x10, $0x38;
	[tilespmem:$0x1400] =	vst v63  }
0x1cb: {  	s0 =	rddreg [dreg:$0x10]  }
0x1cc: {  	[tilespmem:s19], [sflag:$0x1] =	stream.linear.gather [hbm4b:s0+s2], $0x10, $0x38;
	[tilespmem:$0x1400] =	vst v63  }
0x1cd: {  	s1 =	rddreg [dreg:$0x11]  }
0x1ce: {  	[tilespmem:s20], [sflag:$0x1] =	stream.linear.gather [hbm4b:s1+s2], $0x10, $0x38;
	[tilespmem:$0x1400] =	vst v63  }
0x1cf: {  	s0 =	rddreg [dreg:$0x12]  }
0x1d0: {  	[tilespmem:s21], [sflag:$0x1] =	stream.linear.gather [hbm4b:s0+s2], $0x10, $0x38;
	[tilespmem:$0x1400] =	vst v63  }
0x1d1: {  	s1 =	rddreg [dreg:$0x13]  }
0x1d2: {  	[tilespmem:s22], [sflag:$0x1] =	stream.linear.gather [hbm4b:s1+s2], $0x10, $0x38;
	[tilespmem:$0x1400] =	vst v63  }
0x1d3: {  	s0 =	rddreg [dreg:$0x14]  }
0x1d4: {  	[tilespmem:s23], [sflag:$0x1] =	stream.linear.gather [hbm4b:s0+s2], $0x10, $0x38;
	[tilespmem:$0x1400] =	vst v63  }
0x1d5: {  	_ = 	snop  }
0x1d6: {  	[tilespmem:s24], [sflag:$0x1] =	stream.linear.gather [hbm4b:s29+s2], $0x10, $0x38;
	[tilespmem:$0x1400] =	vst v63  }
0x1d7: {  	_ = 	snop  }
0x1d8: {  	[tilespmem:s25], [sflag:$0x1] =	stream.linear.gather [hbm4b:s30+s2], $0x10, $0x38;
	[tilespmem:$0x1400] =	vst v63  }
0x1d9: {  	_ = 	snop  }
0x1da: {  	[tilespmem:s26], [sflag:$0x1] =	stream.linear.gather [hbm4b:s31+s2], $0x10, $0x38;
	[tilespmem:$0x1400] =	vst v63  }
0x1db: {  	_ =	swait.ge [sflag:s6], $0x10  }
0x1dc: {  	[sflag:s6] =	ssyncset.done $0x0  }
0x1dd: {  	[sflag:s6] =	ssyncadd.s32 $0xFFFFFFF0  }
0x1de: {  	_ =	swait.ge [sflag:s6], $0x10  }
0x1df: {  	[sflag:s6] =	ssyncset.done $0x0  }
0x1e0: {  	[sflag:s6] =	ssyncadd.s32 $0xFFFFFFF0  }
0x1e1: {  	_ =	swait.ge [sflag:s6], $0x10  }
0x1e2: {  	[sflag:s6] =	ssyncset.done $0x0  }
0x1e3: {  	[sflag:s6] =	ssyncadd.s32 $0xFFFFFFF0  }
0x1e4: {  	_ =	swait.ge [sflag:s6], $0x10  }
0x1e5: {  	[sflag:s6] =	ssyncset.done $0x0  }
0x1e6: {  	[sflag:s6] =	ssyncadd.s32 $0xFFFFFFF0  }
0x1e7: {  	_ =	swait.ge [sflag:s6], $0x10  }
0x1e8: {  	[sflag:s6] =	ssyncset.done $0x0  }
0x1e9: {  	[sflag:s6] =	ssyncadd.s32 $0xFFFFFFF0  }
0x1ea: {  	_ =	swait.ge [sflag:s6], $0x10  }
0x1eb: {  	[sflag:s6] =	ssyncset.done $0x0  }
0x1ec: {  	[sflag:s6] =	ssyncadd.s32 $0xFFFFFFF0  }
0x1ed: {  	_ =	swait.ge [sflag:s6], $0x10  }
0x1ee: {  	[sflag:s6] =	ssyncset.done $0x0  }
0x1ef: {  	[sflag:s6] =	ssyncadd.s32 $0xFFFFFFF0  }
0x1f0: {  	_ =	swait.ge [sflag:s6], $0x10  }
0x1f1: {  	[sflag:s6] =	ssyncset.done $0x0  }
0x1f2: {  	[sflag:s6] =	ssyncadd.s32 $0xFFFFFFF0  }
0x1f3: {  	_ =	swait.ge [sflag:s6], $0x10  }
0x1f4: {  	[sflag:s6] =	ssyncset.done $0x0  }
0x1f5: {  	[sflag:s6] =	ssyncadd.s32 $0xFFFFFFF0  }
0x1f6: {  	_ =	swait.ge [sflag:s6], $0x10  }
0x1f7: {  	[sflag:s6] =	ssyncset.done $0x0  }
0x1f8: {  	[sflag:s6] =	ssyncadd.s32 $0xFFFFFFF0  }
0x1f9: {  	_ =	swait.ge [sflag:s6], $0x10  }
0x1fa: {  	[sflag:s6] =	ssyncset.done $0x0  }
0x1fb: {  	[sflag:s6] =	ssyncadd.s32 $0xFFFFFFF0  }
0x1fc: {  	_ =	swait.ge [sflag:s6], $0x10  }
0x1fd: {  	[sflag:s6] =	ssyncset.done $0x0  }
0x1fe: {  	[sflag:s6] =	ssyncadd.s32 $0xFFFFFFF0  }
0x1ff: {  	_ =	swait.ge [sflag:s6], $0x10  }
0x200: {  	[sflag:s6] =	ssyncset.done $0x0  }
0x201: {  	[sflag:s6] =	ssyncadd.s32 $0xFFFFFFF0  }
0x202: {  	_ =	swait.ge [sflag:s6], $0x10  }
0x203: {  	[sflag:s6] =	ssyncset.done $0x0  }
0x204: {  	[sflag:s6] =	ssyncadd.s32 $0xFFFFFFF0  }
0x205: {  	_ =	swait.ge [sflag:s6], $0x10  }
0x206: {  	[sflag:s6] =	ssyncset.done $0x0  }
0x207: {  	[sflag:s6] =	ssyncadd.s32 $0xFFFFFFF0  }
0x208: {  	_ =	swait.ge [sflag:s6], $0x10  }
0x209: {  	[sflag:s6] =	ssyncset.done $0x0  }
0x20a: {  	[sflag:s6] =	ssyncadd.s32 $0xFFFFFFF0  }
0x20b: {  	_ =	swait.ge [sflag:s6], $0x10  }
0x20c: {  	[sflag:s6] =	ssyncset.done $0x0  }
0x20d: {  	[sflag:s6] =	ssyncadd.s32 $0xFFFFFFF0  }
0x20e: {  	_ =	swait.ge [sflag:s6], $0x10  }
0x20f: {  	[sflag:s6] =	ssyncset.done $0x0  }
0x210: {  	[sflag:s6] =	ssyncadd.s32 $0xFFFFFFF0  }
0x211: {  	_ =	swait.ge [sflag:s6], $0x10  }
0x212: {  	[sflag:s6] =	ssyncset.done $0x0  }
0x213: {  	[sflag:s6] =	ssyncadd.s32 $0xFFFFFFF0  }
0x214: {  	_ =	swait.ge [sflag:s6], $0x10  }
0x215: {  	[sflag:s6] =	ssyncset.done $0x0  }
0x216: {  	[sflag:s6] =	ssyncadd.s32 $0xFFFFFFF0  }
0x217: {  	[tilespmem:s7], [sflag:$0x1] =	stream.indirect.gather [hbm4b:s4+s28], $0x80, s2, s28, $0xb8;
	[tilespmem:$0x1400] =	vst v63  }
0x218: {  	_ =	swait.ge [sflag:s6], $0x800  }
0x219: {  	[sflag:s6] =	ssyncset.done $0x0  }
0x21a: {  	[sflag:s6] =	ssyncadd.s32 $0xFFFFF800  }
0x21b: {  	[tilespmem:s7], [sflag:$0x1] =	stream.indirect.gather.add.f32 [hbm:s4], $0x80, s8, s28, $0xb8;
	[tilespmem:$0x1400] =	vst v63  }
0x21c: {  	_ = 	snop  }
0x21d: {  	[tilespmem:s7], [sflag:$0x1] =	stream.indirect.gather.add.f32 [hbm:s4], $0x80, s9, s28, $0xb8;
	[tilespmem:$0x1400] =	vst v63  }
0x21e: {  	_ = 	snop  }
0x21f: {  	[tilespmem:s7], [sflag:$0x1] =	stream.indirect.gather.add.f32 [hbm:s4], $0x80, s10, s28, $0xb8;
	[tilespmem:$0x1400] =	vst v63  }
0x220: {  	_ = 	snop  }
0x221: {  	[tilespmem:s7], [sflag:$0x1] =	stream.indirect.gather.add.f32 [hbm:s4], $0x80, s11, s28, $0xb8;
	[tilespmem:$0x1400] =	vst v63  }
0x222: {  	_ = 	snop  }
0x223: {  	[tilespmem:s7], [sflag:$0x1] =	stream.indirect.gather.add.f32 [hbm:s4], $0x80, s12, s28, $0xb8;
	[tilespmem:$0x1400] =	vst v63  }
0x224: {  	_ = 	snop  }
0x225: {  	[tilespmem:s7], [sflag:$0x1] =	stream.indirect.gather.add.f32 [hbm:s4], $0x80, s13, s28, $0xb8;
	[tilespmem:$0x1400] =	vst v63  }
0x226: {  	_ = 	snop  }
0x227: {  	[tilespmem:s7], [sflag:$0x1] =	stream.indirect.gather.add.f32 [hbm:s4], $0x80, s14, s28, $0xb8;
	[tilespmem:$0x1400] =	vst v63  }
0x228: {  	_ = 	snop  }
0x229: {  	[tilespmem:s7], [sflag:$0x1] =	stream.indirect.gather.add.f32 [hbm:s4], $0x80, s15, s28, $0xb8;
	[tilespmem:$0x1400] =	vst v63  }
0x22a: {  	_ = 	snop  }
0x22b: {  	[tilespmem:s7], [sflag:$0x1] =	stream.indirect.gather.add.f32 [hbm:s4], $0x80, s16, s28, $0xb8;
	[tilespmem:$0x1400] =	vst v63  }
0x22c: {  	_ = 	snop  }
0x22d: {  	[tilespmem:s7], [sflag:$0x1] =	stream.indirect.gather.add.f32 [hbm:s4], $0x80, s17, s28, $0xb8;
	[tilespmem:$0x1400] =	vst v63  }
0x22e: {  	_ = 	snop  }
0x22f: {  	[tilespmem:s7], [sflag:$0x1] =	stream.indirect.gather.add.f32 [hbm:s4], $0x80, s18, s28, $0xb8;
	[tilespmem:$0x1400] =	vst v63  }
0x230: {  	_ = 	snop  }
0x231: {  	[tilespmem:s7], [sflag:$0x1] =	stream.indirect.gather.add.f32 [hbm:s4], $0x80, s19, s28, $0xb8;
	[tilespmem:$0x1400] =	vst v63  }
0x232: {  	_ = 	snop  }
0x233: {  	[tilespmem:s7], [sflag:$0x1] =	stream.indirect.gather.add.f32 [hbm:s4], $0x80, s20, s28, $0xb8;
	[tilespmem:$0x1400] =	vst v63  }
0x234: {  	_ = 	snop  }
0x235: {  	[tilespmem:s7], [sflag:$0x1] =	stream.indirect.gather.add.f32 [hbm:s4], $0x80, s21, s28, $0xb8;
	[tilespmem:$0x1400] =	vst v63  }
0x236: {  	_ = 	snop  }
0x237: {  	[tilespmem:s7], [sflag:$0x1] =	stream.indirect.gather.add.f32 [hbm:s4], $0x80, s22, s28, $0xb8;
	[tilespmem:$0x1400] =	vst v63  }
0x238: {  	_ = 	snop  }
0x239: {  	[tilespmem:s7], [sflag:$0x1] =	stream.indirect.gather.add.f32 [hbm:s4], $0x80, s23, s28, $0xb8;
	[tilespmem:$0x1400] =	vst v63  }
0x23a: {  	_ = 	snop  }
0x23b: {  	[tilespmem:s7], [sflag:$0x1] =	stream.indirect.gather.add.f32 [hbm:s4], $0x80, s24, s28, $0xb8;
	[tilespmem:$0x1400] =	vst v63  }
0x23c: {  	_ = 	snop  }
0x23d: {  	[tilespmem:s7], [sflag:$0x1] =	stream.indirect.gather.add.f32 [hbm:s4], $0x80, s25, s28, $0xb8;
	[tilespmem:$0x1400] =	vst v63  }
0x23e: {  	_ = 	snop  }
0x23f: {  	[tilespmem:s7], [sflag:$0x1] =	stream.indirect.gather.add.f32 [hbm:s4], $0x80, s26, s28, $0xb8;
	[tilespmem:$0x1400] =	vst v63  }
0x240: {  	_ =	swait.ge [sflag:s6], $0x800  }
0x241: {  	[sflag:s6] =	ssyncset.done $0x0  }
0x242: {  	[sflag:s6] =	ssyncadd.s32 $0xFFFFF800  }
0x243: {  	_ =	swait.ge [sflag:s6], $0x800  }
0x244: {  	[sflag:s6] =	ssyncset.done $0x0  }
0x245: {  	[sflag:s6] =	ssyncadd.s32 $0xFFFFF800  }
0x246: {  	_ =	swait.ge [sflag:s6], $0x800  }
0x247: {  	[sflag:s6] =	ssyncset.done $0x0  }
0x248: {  	[sflag:s6] =	ssyncadd.s32 $0xFFFFF800  }
0x249: {  	_ =	swait.ge [sflag:s6], $0x800  }
0x24a: {  	[sflag:s6] =	ssyncset.done $0x0  }
0x24b: {  	[sflag:s6] =	ssyncadd.s32 $0xFFFFF800  }
0x24c: {  	_ =	swait.ge [sflag:s6], $0x800  }
0x24d: {  	[sflag:s6] =	ssyncset.done $0x0  }
0x24e: {  	[sflag:s6] =	ssyncadd.s32 $0xFFFFF800  }
0x24f: {  	_ =	swait.ge [sflag:s6], $0x800  }
0x250: {  	[sflag:s6] =	ssyncset.done $0x0  }
0x251: {  	[sflag:s6] =	ssyncadd.s32 $0xFFFFF800  }
0x252: {  	_ =	swait.ge [sflag:s6], $0x800  }
0x253: {  	[sflag:s6] =	ssyncset.done $0x0  }
0x254: {  	[sflag:s6] =	ssyncadd.s32 $0xFFFFF800  }
0x255: {  	_ =	swait.ge [sflag:s6], $0x800  }
0x256: {  	[sflag:s6] =	ssyncset.done $0x0  }
0x257: {  	[sflag:s6] =	ssyncadd.s32 $0xFFFFF800  }
0x258: {  	_ =	swait.ge [sflag:s6], $0x800  }
0x259: {  	[sflag:s6] =	ssyncset.done $0x0  }
0x25a: {  	[sflag:s6] =	ssyncadd.s32 $0xFFFFF800  }
0x25b: {  	_ =	swait.ge [sflag:s6], $0x800  }
0x25c: {  	[sflag:s6] =	ssyncset.done $0x0  }
0x25d: {  	[sflag:s6] =	ssyncadd.s32 $0xFFFFF800  }
0x25e: {  	_ =	swait.ge [sflag:s6], $0x800  }
0x25f: {  	[sflag:s6] =	ssyncset.done $0x0  }
0x260: {  	[sflag:s6] =	ssyncadd.s32 $0xFFFFF800  }
0x261: {  	_ =	swait.ge [sflag:s6], $0x800  }
0x262: {  	[sflag:s6] =	ssyncset.done $0x0  }
0x263: {  	[sflag:s6] =	ssyncadd.s32 $0xFFFFF800  }
0x264: {  	_ =	swait.ge [sflag:s6], $0x800  }
0x265: {  	[sflag:s6] =	ssyncset.done $0x0  }
0x266: {  	[sflag:s6] =	ssyncadd.s32 $0xFFFFF800  }
0x267: {  	_ =	swait.ge [sflag:s6], $0x800  }
0x268: {  	[sflag:s6] =	ssyncset.done $0x0  }
0x269: {  	[sflag:s6] =	ssyncadd.s32 $0xFFFFF800  }
0x26a: {  	_ =	swait.ge [sflag:s6], $0x800  }
0x26b: {  	[sflag:s6] =	ssyncset.done $0x0  }
0x26c: {  	[sflag:s6] =	ssyncadd.s32 $0xFFFFF800  }
0x26d: {  	_ =	swait.ge [sflag:s6], $0x800  }
0x26e: {  	[sflag:s6] =	ssyncset.done $0x0  }
0x26f: {  	[sflag:s6] =	ssyncadd.s32 $0xFFFFF800  }
0x270: {  	_ =	swait.ge [sflag:s6], $0x800  }
0x271: {  	[sflag:s6] =	ssyncset.done $0x0  }
0x272: {  	[sflag:s6] =	ssyncadd.s32 $0xFFFFF800  }
0x273: {  	_ =	swait.ge [sflag:s6], $0x800  }
0x274: {  	[sflag:s6] =	ssyncset.done $0x0  }
0x275: {  	[sflag:s6] =	ssyncadd.s32 $0xFFFFF800  }
0x276: {  	_ =	swait.ge [sflag:s6], $0x800  }
0x277: {  	[sflag:s6] =	ssyncset.done $0x0  }
0x278: {  	[sflag:s6] =	ssyncadd.s32 $0xFFFFF800  }
0x279: {  	[hbm4b:s3+s2] =	stream.linear.scatter [tilespmem:s7], [sflag:$0x2], $0x800, $0x38;
	[tilespmem:$0x1400] =	vst v63  }
0x27a: {  	_ =	swait.ge [sflag:s5], $0x800  }
0x27b: {  	[sflag:s5] =	ssyncset.done $0x0  }
0x27c: {  	[sflag:s5] =	ssyncadd.s32 $0xFFFFF800  }
0x27d: {  	_ =	sfence.sel $0x180000  }
0x27e: {  	[bflag:$0x0] =	sbarrier.arrive $0xFFFF  }
0x27f: {  	_ =	strace $0x90000047  }
0x280: {  	s31 =	stileid.u32;
	[bflag:$0x2] =	sbarrier.arrive $0xFFFF  }
0x281: {  	p0 =	sne.s32 s31, $0x0;
	s0 =	rddreg [dreg:$0x3]  }
0x282: {  	s0 =	sadd.s32 @!p0 $0x100000, s0  }
0x283: {  	[sflag:s0] =	ssyncadd.tile.s32 @!p0 $0x1;
	_ =	shalt  }
.Lfunc_end2:
_tile_overlayer_lowered:
.L_overlay_start_2:
0x284: {  	(tag) =	ssettag $0x2  }
0x285: {  	s0 =	rddreg [dreg:$0x0];
	s2 =	stileid.u32  }
0x286: {  	s1 =	rddreg [dreg:$0x1];
	p0 =	sne.s32 s2, $0x0  }
0x287: {  	s3 =	rddreg [dreg:$0x2];
	[bflag:$0x3] =	sbarrier.arrive $0xFFFF;
	s2 =	simm.s32 @!p0 $0x1C02  }
0x288: {  	[timem:s3], [sflag:s2] =	dma.local @!p0 [hbm:s0], s1  }
0x289: {  	s0 =	simm.s32 @!p0 $0x2  }
0x28a: {  	_ =	swait.ge @!p0 [sflag:s0], s1  }
0x28b: {  	s1 =	ssub.s32 @!p0 $0x0, s1;
	[sflag:s0] =	ssyncset.done @!p0 $0x0  }
0x28c: {  	[sflag:s0] =	ssyncadd.s32 @!p0 s1  }
0x28d: {  	[bflag:$0x3] =	sbarrier.arrive $0xFFFF  }
0x28e: {  	_ =	shalt  }

// kernel: kernel.9.cloned.1.call-start
scs
__scs_entry_jumppad:
0x0: {  	(pc) =	sbr.rel $0x88, $3  }
0x1: {  	(tag) =	ssettag $0x0;
	lr =	simm.s32 $0x1  }
0x2: {  	[smem:$0x3F9D] =	sst lr;
	_ =	strace $0xD0000000  }
0x3: {  	_ = 	snop  }
0x4: {  	_ = 	snop  }
0x5: {  	_ = 	snop  }
0x6: {  	_ = 	snop  }
0x7: {  	_ = 	snop  }
__scs_overlays_trampoline_lowered:
0x8: {  	[smem:$0x3FAC] =	sst s0  }
0x9: {  	[smem:$0x3FAD] =	sst s1  }
0xa: {  	[smem:$0x3FAE] =	sst s2  }
0xb: {  	[smem:$0x3FAF] =	sst s3  }
0xc: {  	[smem:$0x3FB0] =	sst s4  }
0xd: {  	[smem:$0x3FB1] =	sst s5  }
0xe: {  	[smem:$0x3FB2] =	sst s6  }
0xf: {  	[smem:$0x3FB3] =	sst s7  }
0x10: {  	[smem:$0x3FB4] =	sst s8  }
0x11: {  	[smem:$0x3FB5] =	sst s9;
	s0 =	simm.s32 @!p0 $0x0  }
0x12: {  	s1 =	sld [smem:$0x3F9B];
	s0 =	simm.s32 @p0 $0x1  }
0x13: {  	[smem:$0x3FB6] =	sst s0;
	s0 =	simm.s32 @!p1 $0x0  }
0x14: {  	s2 =	sld [smem:$0x3F9A];
	s0 =	simm.s32 @p1 $0x1  }
0x15: {  	[smem:$0x3FB7] =	sst s0;
	s0 =	simm.s32 @!p2 $0x0  }
0x16: {  	s3 =	sld [smem:$0x3FDB];
	s0 =	simm.s32 @p2 $0x1  }
0x17: {  	s4 =	simm.s32 $0x1BF5;
	[smem:$0x3FB9] =	sst s0  }
0x18: {  	s0 =	sld [smem:$0x3F9C];
	_ =	swait.ge [sflag:s4], $0x0  }
0x19: {  	s7 =	sld [smem:$0x3F9D]  }
0x1a: {  	s8 =	sadd.s32 $0xFFFFE003, lr  }
0x1b: {  	s9 =	sadd.s32 $0xFFFFFEF7, lr;
	s5 =	simm.s32 $0xFFFFFFFF;
	p2 =	slt.u32 s8, $0xFFFFF086  }
0x1c: {  	p1 =	slt.u32 s9, $0xF7A;
	s5 =	simm.s32 @!p2 $0x0  }
0x1d: {  	s5 =	simm.s32 @p1 $0x1;
	p0 =	seq.s32 s7, s2  }
0x1e: {  	s7 =	smul.u32 @!p0 $0xF7A, s2;
	p2 =	seq.s32 @!p0 s5, $0x0  }
0x1f: {  	s9 =	smul.u32 $0xF7A, s1;
	s8 =	simm.s32 @!p0 $0x1BF5;
	p2 =	por !p2, p0  }
0x20: {  	[sflag:s8] =	ssyncset.s32 @!p0 $0xFFFFF086;
	s6 =	sadd.s32 @!p0 s3, s7;
	s7 =	simm.s32 @!p0 $0x108  }
0x21: {  	s3 =	sadd.s32 s3, s9;
	s6 =	sadd.s32 @!p0 $0x88, s6;
	s7 =	simm.s32 @p2 $0x1082  }
0x22: {  	[simem:s7], [sflag:s8] =	dma.local @!p0 [hbm:s6], $0xF7A  }
0x23: {  	s9 =	sor.u32 $0xD0000000, s2;
	s6 =	simm.s32 $0x108;
	_ =	swait.ge @!p0 [sflag:s8], $0x0  }
0x24: {  	s3 =	sadd.s32 $0x88, s3;
	s6 =	simm.s32 @!p1 $0x1082;
	[sflag:s4] =	ssyncset.s32 $0xFFFFF086  }
0x25: {  	[simem:s6], [sflag:s4] =	dma.local [hbm:s3], $0xF7A  }
0x26: {  	[smem:$0x3F9D] =	sst s1;
	(tag) =	ssettag s2;
	_ =	strace s9  }
0x27: {  	s1 =	sld [smem:$0x3FAD]  }
0x28: {  	s2 =	sld [smem:$0x3FAE]  }
0x29: {  	s4 =	sld [smem:$0x3FB0]  }
0x2a: {  	p0 =	seq.s32 s5, $0x0;
	s5 =	sld [smem:$0x3FB1]  }
0x2b: {  	s6 =	sld [smem:$0x3FB2]  }
0x2c: {  	s7 =	sld [smem:$0x3FB3]  }
0x2d: {  	s3 =	simm.s32 $0x108;
	s8 =	sld [smem:$0x3FB4]  }
0x2e: {  	s3 =	simm.s32 @!p0 $0x1082;
	s9 =	sld [smem:$0x3FB5]  }
0x2f: {  	lr =	sadd.s32 s0, s3;
	s0 =	sld [smem:$0x3FAC]  }
0x30: {  	s3 =	sld [smem:$0x3FAF]  }
0x31: {  	[smem:$0x3FB8] =	sst s10  }
0x32: {  	s10 =	sld [smem:$0x3FB6];
	_ =	sdelay $0x3  }
0x33: {  	p0 =	seq.s32 s10, $0x1;
	s10 =	sld [smem:$0x3FB8];
	_ =	sdelay $0x3  }
0x34: {  	[smem:$0x3FB8] =	sst s10  }
0x35: {  	s10 =	sld [smem:$0x3FB7];
	_ =	sdelay $0x3  }
0x36: {  	p1 =	seq.s32 s10, $0x1;
	s10 =	sld [smem:$0x3FB8];
	_ =	sdelay $0x3  }
0x37: {  	[smem:$0x3FB8] =	sst s10  }
0x38: {  	s10 =	sld [smem:$0x3FB9]  }
0x39: {  	_ = 	snop;
	(pc) =	sbr.ind lr, $3  }
0x3a: {  	_ = 	snop  }
0x3b: {  	_ = 	snop  }
0x3c: {  	p2 =	seq.s32 s10, $0x1;
	s10 =	sld [smem:$0x3FB8]  }
0x3d: {  	_ =	shalt  }
0x3e: {  	_ =	shalt  }
0x3f: {  	_ =	shalt  }
0x40: {  	_ =	shalt  }
0x41: {  	_ =	shalt  }
0x42: {  	_ =	shalt  }
0x43: {  	_ =	shalt  }
0x44: {  	_ =	shalt  }
0x45: {  	_ =	shalt  }
0x46: {  	_ =	shalt  }
0x47: {  	_ =	shalt  }
0x48: {  	_ =	shalt  }
0x49: {  	_ =	shalt  }
0x4a: {  	_ =	shalt  }
0x4b: {  	_ =	shalt  }
0x4c: {  	_ =	shalt  }
0x4d: {  	_ =	shalt  }
0x4e: {  	_ =	shalt  }
0x4f: {  	_ =	shalt  }
0x50: {  	_ =	shalt  }
0x51: {  	_ =	shalt  }
0x52: {  	_ =	shalt  }
0x53: {  	_ =	shalt  }
0x54: {  	_ =	shalt  }
0x55: {  	_ =	shalt  }
0x56: {  	_ =	shalt  }
0x57: {  	_ =	shalt  }
0x58: {  	_ =	shalt  }
0x59: {  	_ =	shalt  }
0x5a: {  	_ =	shalt  }
0x5b: {  	_ =	shalt  }
0x5c: {  	_ =	shalt  }
0x5d: {  	_ =	shalt  }
0x5e: {  	_ =	shalt  }
0x5f: {  	_ =	shalt  }
0x60: {  	_ =	shalt  }
0x61: {  	_ =	shalt  }
0x62: {  	_ =	shalt  }
0x63: {  	_ =	shalt  }
0x64: {  	_ =	shalt  }
0x65: {  	_ =	shalt  }
0x66: {  	_ =	shalt  }
0x67: {  	_ =	shalt  }
0x68: {  	_ =	shalt  }
0x69: {  	_ =	shalt  }
0x6a: {  	_ =	shalt  }
0x6b: {  	_ =	shalt  }
0x6c: {  	_ =	shalt  }
0x6d: {  	_ =	shalt  }
0x6e: {  	_ =	shalt  }
0x6f: {  	_ =	shalt  }
0x70: {  	_ =	shalt  }
0x71: {  	_ =	shalt  }
0x72: {  	_ =	shalt  }
0x73: {  	_ =	shalt  }
0x74: {  	_ =	shalt  }
0x75: {  	_ =	shalt  }
0x76: {  	_ =	shalt  }
0x77: {  	_ =	shalt  }
0x78: {  	_ =	shalt  }
0x79: {  	_ =	shalt  }
0x7a: {  	_ =	shalt  }
0x7b: {  	_ =	shalt  }
0x7c: {  	_ =	shalt  }
0x7d: {  	_ =	shalt  }
0x7e: {  	_ =	shalt  }
0x7f: {  	_ =	shalt  }
0x80: {  	_ =	shalt  }
0x81: {  	_ =	shalt  }
0x82: {  	_ =	shalt  }
0x83: {  	_ =	shalt  }
0x84: {  	_ =	shalt  }
0x85: {  	_ =	shalt  }
0x86: {  	_ =	shalt  }
0x87: {  	_ =	shalt  }
.Lfunc_end0:
.L_simem_size_0:
called_computation.1_lowered:
.L_overlay_start_0:
0x88: {  	s2 =	sld [smem:$0x3FD9]  }
0x89: {  	s3 =	sld [smem:$0x3FFE];
	_ =	sdelay $0x1  }
0x8a: {  	s1 =	srdreg.scid  }
0x8b: {  	s0 =	sand.u32 $0x1, s1  }
0x8c: {  	s17 =	sshll.u32 s0, $0xA;
	s2 =	sadd.s32 s3, s2  }
0x8d: {  	s2 =	sadd.s32 s2, s17  }
0x8e: {  	[smem:$0x3FC4] =	sst s2  }
0x8f: {  	_ = 	snop  }
0x90: {  	s18 =	sld [smem:$0x3FC8];
	(tm) =	ssettm $0x1  }
0x91: {  	s19 =	sld [smem:$0x3FFB];
	_ =	sdelay $0x3  }
0x92: {  	_ =	strace s19  }
0x93: {  	s2 =	sld [smem:$0x3FFC];
	_ =	sdelay $0x3  }
0x94: {  	_ =	strace s2  }
0x95: {  	s2 =	sld [smem:$0x3FFD];
	_ =	sdelay $0x3  }
0x96: {  	_ =	strace s2  }
0x97: {  	_ =	strace $0x8FFFFFFF  }
0x98: {  	s20 =	sld [smem:$0x3FDB];
	_ =	sdelay $0x1  }
0x99: {  	s4 =	simm.s32 $_scs_section_size  }
0x9a: {  	s5 =	simm.s32 $_size__tile_overlayer_lowered;
	s6 =	simm.s32 $_tile_overlayer_lowered  }
0x9b: {  	s7 =	simm.s32 $0x1BFF;
	s21 =	sshll.u32 s6, $0x1;
	s4 =	sadd.s32 s4, s20  }
0x9c: {  	s22 =	simm.s32 $0x0;
	s5 =	sshll.u32 s5, $0x1;
	s6 =	sadd.s32 s21, s4  }
0x9d: {  	[timem:s22], [sflag:s7] =	dma.local [hbm:s6], s5  }
0x9e: {  	_ =	swait.ge [sflag:s7], s5  }
0x9f: {  	s5 =	ssub.s32 $0x0, s5;
	[sflag:s7] =	ssyncset.done $0x0  }
0xa0: {  	[sflag:s7] =	ssyncadd.s32 s5;
	_ =	sdelay $0x1  }
0xa1: {  	s23 =	simm.s32 $0x1B8B  }
0xa2: {  	_ =	swait.ge [sflag:s23], $0x1  }
0xa3: {  	[sflag:s23] =	ssyncset.done $0x0  }
0xa4: {  	[sflag:s23] =	ssyncadd.s32 $0xFFFFFFFF  }
0xa5: {  	s5 =	sld [smem:$0x0]  }
0xa6: {  	s6 =	sand.u32 $0xFFFFFFFE, s1  }
0xa7: {  	p0 =	sne.s32 s1, s6  }
0xa8: {  	s6 =	sshll.u32 @p0 s6, $0xE  }
0xa9: {  	s6 =	sadd.s32 @p0 $0x11B8D, s6;
	s7 =	sshll.u32 @p0 s5, $0x11  }
0xaa: {  	s6 =	sor.u32 @p0 s7, s6  }
0xab: {  	[sflag:s6] =	ssyncadd.remote.s32 @p0 $0x1;
	_ =	sdelay $0x1  }
0xac: {  	s6 =	simm.s32 @p0 $0x1B8D  }
0xad: {  	_ =	swait.eq @p0 [sflag:s6], $0x1  }
0xae: {  	[sflag:s6] =	ssyncadd.s32 @p0 $0xFFFFFFFF  }
0xaf: {  	s7 =	sshll.u32 @!p0 s1, $0xE  }
0xb0: {  	s7 =	sor.u32 @!p0 $0x4000, s7;
	s6 =	simm.s32 @!p0 $0x1B8D  }
0xb1: {  	s5 =	sshll.u32 @!p0 s5, $0x11;
	s7 =	sadd.s32 @!p0 $0x11B8D, s7;
	_ =	swait.eq @!p0 [sflag:s6], $0x1  }
0xb2: {  	s5 =	sor.u32 @!p0 s5, s7;
	[sflag:s6] =	ssyncadd.s32 @!p0 $0xFFFFFFFF  }
0xb3: {  	s25 =	simm.s32 $0x1B8E;
	s24 =	sld [smem:$0x3FFE];
	[sflag:s5] =	ssyncadd.remote.s32 @!p0 $0x1  }
0xb4: {  	s26 =	simm.s32 $execute0_lowered;
	[smem:$0x3FD2] =	sst s25  }
0xb5: {  	s6 =	sshll.u32 s26, $0x1;
	_ =	strace $0x80000049;
	[dreg:$0x1] =	wrdreg $0xFFFFFFFF  }
0xb6: {  	s28 =	simm.s32 $_size_execute0_lowered;
	s4 =	sadd.s32 s4, s6;
	[dreg:$0x0] =	wrdreg $0x0  }
0xb7: {  	s6 =	sshll.u32 s28, $0x1;
	[dreg:$0x2] =	wrdreg s4  }
0xb8: {  	[dreg:$0x3] =	wrdreg s6  }
0xb9: {  	[dreg:$0x4] =	wrdreg $0xC0  }
0xba: {  	_ =	task [dreg:s22], $0x5FFFF  }
0xbb: {  	[dreg:$0x1] =	wrdreg $0xFFFFFFFF  }
0xbc: {  	[dreg:$0x0] =	wrdreg $0x60  }
0xbd: {  	[dreg:$0x2] =	wrdreg s24  }
0xbe: {  	[dreg:$0x3] =	wrdreg s18  }
0xbf: {  	[dreg:$0x4] =	wrdreg $0xA  }
0xc0: {  	_ =	task.clear_ibuf [dreg:s22], $0x5FFFF;
	_ =	strace $0x90000049  }
0xc1: {  	s29 =	simm.s32 $0xA;
	_ =	strace $0x8000004B  }
0xc2: {  	_ =	swait.ge [sflag:s29], $0x1  }
0xc3: {  	[sflag:s29] =	ssyncadd.s32 $0xFFFFFFFF  }
0xc4: {  	_ =	strace $0x9000004B  }
0xc5: {  	_ =	sfence  }
0xc6: {  	s30 =	sld [smem:$0x0];
	_ =	sdelay $0x2  }
0xc7: {  	s31 =	sshll.u32 s1, $0xD;
	s1 =	sshrl.u32 s1, $0x2  }
0xc8: {  	s4 =	sand.u32 $0x4000, s31;
	s1 =	sadd.s32 s1, s30  }
0xc9: {  	s0 =	sor.u32 s4, s0;
	s1 =	sshll.u32 s1, $0x11  }
0xca: {  	s0 =	sor.u32 s1, s0  }
0xcb: {  	s0 =	sadd.s32 $0x8F2B, s0  }
0xcc: {  	[sflag:s0] =	ssyncadd.remote.s32 $0x1  }
0xcd: {  	_ =	sfence.sel $0xFFFF  }
0xce: {  	[dreg:$0x0] =	wrdreg $0xFFFFFFFF;
	(pc) =	sbr.abs _section_cstart, $3  }
0xcf: {  	[dreg:$0x1] =	wrdreg $0xFFFFFFFF  }
0xd0: {  	_ =	task.clear_ibuf [dreg:s22], $0x2FFFF;
	_ =	strace $0x9FFFFFFF  }
0xd1: {  	(tm) =	ssettm $0x7FFFFFFF  }
tec
execute0_lowered:
.L_overlay_start_1:
0x0: {  	(tag) =	ssettag $0x1  }
0x1: {  	s0 =	srdreg.scid;
	s1 =	stileid.u32  }
0x2: {  	s0 =	sand.u32 $0x1, s0;
	s1 =	sshll.u32 s1, $0x1  }
0x3: {  	s1 =	sor.u32 s0, s1  }
0x4: {  	s3 =	rddreg [dreg:$0x0];
	s5 =	smul.u32 $0xE, s1  }
0x5: {  	s4 =	rddreg [dreg:$0x1];
	s2 =	simm.s32 $0x0  }
0x6: {  	s8 =	simm.s32 $0x80;
	s9 =	simm.s32 $0x100;
	s5 =	sadd.s32 s5, s3  }
0x7: {  	p0 =	por $0x0, $0x0;
	[smem:$0x7FF] =	sst s2;
	s6 =	sadd.s32 $0xA00, s5  }
0x8: {  	_ =	strace $0x8000004A;
	s10 =	sadd.s32 $0xC00, s5;
	[dreg:$0x3] =	wrdreg s6  }
0x9: {  	s28 =	simm.s32 $0x70;
	s11 =	sadd.s32 $0xE00, s5;
	[dreg:$0x4] =	wrdreg s10  }
0xa: {  	s7 =	simm.s32 $0xC00;
	s12 =	sadd.s32 $0x1000, s5;
	[dreg:$0x5] =	wrdreg s11  }
0xb: {  	s0 =	ssub.s32 $0x2, s0;
	s13 =	sadd.s32 $0x1200, s5;
	[dreg:$0x6] =	wrdreg s12  }
0xc: {  	s1 =	smul.u32 $0x700, s1;
	s14 =	sadd.s32 $0x1400, s5;
	[dreg:$0x7] =	wrdreg s13  }
0xd: {  	s24 =	sshrl.u32 s0, $0x1;
	s15 =	sadd.s32 $0x1600, s5;
	[dreg:$0x8] =	wrdreg s14  }
0xe: {  	s0 =	ssub.s32 s0, s24;
	s16 =	sadd.s32 $0x1800, s5;
	[dreg:$0x9] =	wrdreg s15  }
0xf: {  	s24 =	simm.s32 $0x880;
	s17 =	sadd.s32 $0x1A00, s5;
	[dreg:$0xa] =	wrdreg s16  }
0x10: {  	s1 =	sadd.s32 s1, s3;
	s18 =	sadd.s32 $0x1C00, s5;
	[dreg:$0xb] =	wrdreg s17  }
0x11: {  	s0 =	smax.u32 s0, $0x1;
	s19 =	sadd.s32 $0x1E00, s5;
	[dreg:$0xc] =	wrdreg s18  }
0x12: {  	s20 =	sadd.s32 $0x2000, s5;
	s21 =	sadd.s32 $0x2200, s5;
	[dreg:$0xd] =	wrdreg s19  }
0x13: {  	s22 =	sadd.s32 $0x2400, s5;
	s23 =	sadd.s32 $0x2600, s5;
	[dreg:$0xe] =	wrdreg s20  }
0x14: {  	s25 =	sadd.s32 $0x2800, s5;
	s26 =	sadd.s32 $0x2A00, s5;
	[dreg:$0xf] =	wrdreg s21  }
0x15: {  	s29 =	sadd.s32 $0x2C00, s5;
	s30 =	sadd.s32 $0x2E00, s5;
	[dreg:$0x10] =	wrdreg s22  }
0x16: {  	s31 =	sadd.s32 $0x3000, s5;
	s3 =	sadd.s32 $0x3200, s1;
	[dreg:$0x11] =	wrdreg s23  }
0x17: {  	p1 =	sne.s32 s0, $0x1;
	s1 =	sadd.s32 $0xFFFFFFFF, s0;
	[dreg:$0x12] =	wrdreg s25  }
0x18: {  	s5 =	simm.s32 $0x2;
	[dreg:$0x13] =	wrdreg s26;
	s10 =	simm.s32 $0x180  }
0x19: {  	s11 =	simm.s32 $0x200;
	s12 =	simm.s32 $0x280;
	s13 =	simm.s32 $0x300  }
.Ltmp0:
0x1a: {  	s14 =	simm.s32 $0x380;
	s15 =	simm.s32 $0x400;
	(pc) =	sbr.rel @!p1 .LBB2_3-.Ltmp0, $4  }
0x1b: {  	s16 =	simm.s32 $0x480;
	s17 =	simm.s32 $0x500;
	s18 =	simm.s32 $0x580  }
0x1c: {  	s19 =	simm.s32 $0x600;
	s20 =	simm.s32 $0x680;
	s21 =	simm.s32 $0x700  }
0x1d: {  	s22 =	simm.s32 $0x780;
	s23 =	simm.s32 $0x800;
	s25 =	simm.s32 $0x900  }
0x1e: {  	s26 =	simm.s32 $0x980;
	s6 =	simm.s32 $0x1;
	s0 =	rddreg [dreg:$0x3]  }
0x1f: {  	[dreg:$0x14] =	wrdreg s1  }
0x20: {  	[tilespmem:s2], [sflag:$0x1] =	stream.linear.gather [hbm4b:s0+s2], $0x70, $0x38;
	[tilespmem:$0x4400] =	vst v63  }
0x21: {  	s1 =	rddreg [dreg:$0x4]  }
0x22: {  	[tilespmem:s8], [sflag:$0x1] =	stream.linear.gather [hbm4b:s1+s2], $0x70, $0x38;
	[tilespmem:$0x4400] =	vst v63  }
0x23: {  	s0 =	rddreg [dreg:$0x5]  }
0x24: {  	[tilespmem:s9], [sflag:$0x1] =	stream.linear.gather [hbm4b:s0+s2], $0x70, $0x38;
	[tilespmem:$0x4400] =	vst v63  }
0x25: {  	s1 =	rddreg [dreg:$0x6]  }
0x26: {  	[tilespmem:s10], [sflag:$0x1] =	stream.linear.gather [hbm4b:s1+s2], $0x70, $0x38;
	[tilespmem:$0x4400] =	vst v63  }
0x27: {  	s0 =	rddreg [dreg:$0x7]  }
0x28: {  	[tilespmem:s11], [sflag:$0x1] =	stream.linear.gather [hbm4b:s0+s2], $0x70, $0x38;
	[tilespmem:$0x4400] =	vst v63  }
0x29: {  	s1 =	rddreg [dreg:$0x8]  }
0x2a: {  	[tilespmem:s12], [sflag:$0x1] =	stream.linear.gather [hbm4b:s1+s2], $0x70, $0x38;
	[tilespmem:$0x4400] =	vst v63  }
0x2b: {  	s0 =	rddreg [dreg:$0x9]  }
0x2c: {  	[tilespmem:s13], [sflag:$0x1] =	stream.linear.gather [hbm4b:s0+s2], $0x70, $0x38;
	[tilespmem:$0x4400] =	vst v63  }
0x2d: {  	s1 =	rddreg [dreg:$0xa]  }
0x2e: {  	[tilespmem:s14], [sflag:$0x1] =	stream.linear.gather [hbm4b:s1+s2], $0x70, $0x38;
	[tilespmem:$0x4400] =	vst v63  }
0x2f: {  	s0 =	rddreg [dreg:$0xb]  }
0x30: {  	[tilespmem:s15], [sflag:$0x1] =	stream.linear.gather [hbm4b:s0+s2], $0x70, $0x38;
	[tilespmem:$0x4400] =	vst v63  }
0x31: {  	s1 =	rddreg [dreg:$0xc]  }
0x32: {  	[tilespmem:s16], [sflag:$0x1] =	stream.linear.gather [hbm4b:s1+s2], $0x70, $0x38;
	[tilespmem:$0x4400] =	vst v63  }
0x33: {  	s0 =	rddreg [dreg:$0xd]  }
0x34: {  	[tilespmem:s17], [sflag:$0x1] =	stream.linear.gather [hbm4b:s0+s2], $0x70, $0x38;
	[tilespmem:$0x4400] =	vst v63  }
0x35: {  	s1 =	rddreg [dreg:$0xe]  }
0x36: {  	[tilespmem:s18], [sflag:$0x1] =	stream.linear.gather [hbm4b:s1+s2], $0x70, $0x38;
	[tilespmem:$0x4400] =	vst v63  }
0x37: {  	s0 =	rddreg [dreg:$0xf]  }
0x38: {  	[tilespmem:s19], [sflag:$0x1] =	stream.linear.gather [hbm4b:s0+s2], $0x70, $0x38;
	[tilespmem:$0x4400] =	vst v63  }
0x39: {  	s1 =	rddreg [dreg:$0x10]  }
0x3a: {  	[tilespmem:s20], [sflag:$0x1] =	stream.linear.gather [hbm4b:s1+s2], $0x70, $0x38;
	[tilespmem:$0x4400] =	vst v63  }
0x3b: {  	s0 =	rddreg [dreg:$0x11]  }
0x3c: {  	[tilespmem:s21], [sflag:$0x1] =	stream.linear.gather [hbm4b:s0+s2], $0x70, $0x38;
	[tilespmem:$0x4400] =	vst v63  }
0x3d: {  	s1 =	rddreg [dreg:$0x12]  }
0x3e: {  	[tilespmem:s22], [sflag:$0x1] =	stream.linear.gather [hbm4b:s1+s2], $0x70, $0x38;
	[tilespmem:$0x4400] =	vst v63  }
0x3f: {  	s0 =	rddreg [dreg:$0x13]  }
0x40: {  	[tilespmem:s23], [sflag:$0x1] =	stream.linear.gather [hbm4b:s0+s2], $0x70, $0x38;
	[tilespmem:$0x4400] =	vst v63  }
0x41: {  	_ = 	snop  }
0x42: {  	[tilespmem:s24], [sflag:$0x1] =	stream.linear.gather [hbm4b:s29+s2], $0x70, $0x38;
	[tilespmem:$0x4400] =	vst v63  }
0x43: {  	_ = 	snop  }
0x44: {  	[tilespmem:s25], [sflag:$0x1] =	stream.linear.gather [hbm4b:s30+s2], $0x70, $0x38;
	[tilespmem:$0x4400] =	vst v63  }
0x45: {  	_ = 	snop  }
0x46: {  	[tilespmem:s26], [sflag:$0x1] =	stream.linear.gather [hbm4b:s31+s2], $0x70, $0x38;
	[tilespmem:$0x4400] =	vst v63  }
0x47: {  	_ =	swait.ge [sflag:s6], $0x70  }
0x48: {  	[sflag:s6] =	ssyncset.done $0x0  }
0x49: {  	[sflag:s6] =	ssyncadd.s32 $0xFFFFFF90  }
0x4a: {  	_ =	swait.ge [sflag:s6], $0x70  }
0x4b: {  	[sflag:s6] =	ssyncset.done $0x0  }
0x4c: {  	[sflag:s6] =	ssyncadd.s32 $0xFFFFFF90  }
0x4d: {  	_ =	swait.ge [sflag:s6], $0x70  }
0x4e: {  	[sflag:s6] =	ssyncset.done $0x0  }
0x4f: {  	[sflag:s6] =	ssyncadd.s32 $0xFFFFFF90  }
0x50: {  	_ =	swait.ge [sflag:s6], $0x70  }
0x51: {  	[sflag:s6] =	ssyncset.done $0x0  }
0x52: {  	[sflag:s6] =	ssyncadd.s32 $0xFFFFFF90  }
0x53: {  	_ =	swait.ge [sflag:s6], $0x70  }
0x54: {  	[sflag:s6] =	ssyncset.done $0x0  }
0x55: {  	[sflag:s6] =	ssyncadd.s32 $0xFFFFFF90  }
0x56: {  	_ =	swait.ge [sflag:s6], $0x70  }
0x57: {  	[sflag:s6] =	ssyncset.done $0x0  }
0x58: {  	[sflag:s6] =	ssyncadd.s32 $0xFFFFFF90  }
0x59: {  	_ =	swait.ge [sflag:s6], $0x70  }
0x5a: {  	[sflag:s6] =	ssyncset.done $0x0  }
0x5b: {  	[sflag:s6] =	ssyncadd.s32 $0xFFFFFF90  }
0x5c: {  	_ =	swait.ge [sflag:s6], $0x70  }
0x5d: {  	[sflag:s6] =	ssyncset.done $0x0  }
0x5e: {  	[sflag:s6] =	ssyncadd.s32 $0xFFFFFF90  }
0x5f: {  	_ =	swait.ge [sflag:s6], $0x70  }
0x60: {  	[sflag:s6] =	ssyncset.done $0x0  }
0x61: {  	[sflag:s6] =	ssyncadd.s32 $0xFFFFFF90  }
0x62: {  	_ =	swait.ge [sflag:s6], $0x70  }
0x63: {  	[sflag:s6] =	ssyncset.done $0x0  }
0x64: {  	[sflag:s6] =	ssyncadd.s32 $0xFFFFFF90  }
0x65: {  	_ =	swait.ge [sflag:s6], $0x70  }
0x66: {  	[sflag:s6] =	ssyncset.done $0x0  }
0x67: {  	[sflag:s6] =	ssyncadd.s32 $0xFFFFFF90  }
0x68: {  	_ =	swait.ge [sflag:s6], $0x70  }
0x69: {  	[sflag:s6] =	ssyncset.done $0x0  }
0x6a: {  	[sflag:s6] =	ssyncadd.s32 $0xFFFFFF90  }
0x6b: {  	_ =	swait.ge [sflag:s6], $0x70  }
0x6c: {  	[sflag:s6] =	ssyncset.done $0x0  }
0x6d: {  	[sflag:s6] =	ssyncadd.s32 $0xFFFFFF90  }
0x6e: {  	_ =	swait.ge [sflag:s6], $0x70  }
0x6f: {  	[sflag:s6] =	ssyncset.done $0x0  }
0x70: {  	[sflag:s6] =	ssyncadd.s32 $0xFFFFFF90  }
0x71: {  	_ =	swait.ge [sflag:s6], $0x70  }
0x72: {  	[sflag:s6] =	ssyncset.done $0x0  }
0x73: {  	[sflag:s6] =	ssyncadd.s32 $0xFFFFFF90  }
0x74: {  	_ =	swait.ge [sflag:s6], $0x70  }
0x75: {  	[sflag:s6] =	ssyncset.done $0x0  }
0x76: {  	[sflag:s6] =	ssyncadd.s32 $0xFFFFFF90  }
0x77: {  	_ =	swait.ge [sflag:s6], $0x70  }
0x78: {  	[sflag:s6] =	ssyncset.done $0x0  }
0x79: {  	[sflag:s6] =	ssyncadd.s32 $0xFFFFFF90  }
0x7a: {  	_ =	swait.ge [sflag:s6], $0x70  }
0x7b: {  	[sflag:s6] =	ssyncset.done $0x0  }
0x7c: {  	[sflag:s6] =	ssyncadd.s32 $0xFFFFFF90  }
0x7d: {  	_ =	swait.ge [sflag:s6], $0x70  }
0x7e: {  	[sflag:s6] =	ssyncset.done $0x0  }
0x7f: {  	[sflag:s6] =	ssyncadd.s32 $0xFFFFFF90  }
0x80: {  	_ =	swait.ge [sflag:s6], $0x70  }
0x81: {  	[sflag:s6] =	ssyncset.done $0x0  }
0x82: {  	[sflag:s6] =	ssyncadd.s32 $0xFFFFFF90  }
0x83: {  	[tilespmem:s7], [sflag:$0x1] =	stream.indirect.gather [hbm4b:s4+s28], $0x80, s2, s28, $0xb8;
	[tilespmem:$0x4400] =	vst v63  }
0x84: {  	_ =	swait.ge [sflag:s6], $0x3800  }
0x85: {  	[sflag:s6] =	ssyncset.done $0x0  }
0x86: {  	[sflag:s6] =	ssyncadd.s32 $0xFFFFC800  }
0x87: {  	[tilespmem:s7], [sflag:$0x1] =	stream.indirect.gather.add.f32 [hbm:s4], $0x80, s8, s28, $0xb8;
	[tilespmem:$0x4400] =	vst v63  }
0x88: {  	_ = 	snop  }
0x89: {  	[tilespmem:s7], [sflag:$0x1] =	stream.indirect.gather.add.f32 [hbm:s4], $0x80, s9, s28, $0xb8;
	[tilespmem:$0x4400] =	vst v63  }
0x8a: {  	_ = 	snop  }
0x8b: {  	[tilespmem:s7], [sflag:$0x1] =	stream.indirect.gather.add.f32 [hbm:s4], $0x80, s10, s28, $0xb8;
	[tilespmem:$0x4400] =	vst v63  }
0x8c: {  	_ = 	snop  }
0x8d: {  	[tilespmem:s7], [sflag:$0x1] =	stream.indirect.gather.add.f32 [hbm:s4], $0x80, s11, s28, $0xb8;
	[tilespmem:$0x4400] =	vst v63  }
0x8e: {  	_ = 	snop  }
0x8f: {  	[tilespmem:s7], [sflag:$0x1] =	stream.indirect.gather.add.f32 [hbm:s4], $0x80, s12, s28, $0xb8;
	[tilespmem:$0x4400] =	vst v63  }
0x90: {  	_ = 	snop  }
0x91: {  	[tilespmem:s7], [sflag:$0x1] =	stream.indirect.gather.add.f32 [hbm:s4], $0x80, s13, s28, $0xb8;
	[tilespmem:$0x4400] =	vst v63  }
0x92: {  	_ = 	snop  }
0x93: {  	[tilespmem:s7], [sflag:$0x1] =	stream.indirect.gather.add.f32 [hbm:s4], $0x80, s14, s28, $0xb8;
	[tilespmem:$0x4400] =	vst v63  }
0x94: {  	_ = 	snop  }
0x95: {  	[tilespmem:s7], [sflag:$0x1] =	stream.indirect.gather.add.f32 [hbm:s4], $0x80, s15, s28, $0xb8;
	[tilespmem:$0x4400] =	vst v63  }
0x96: {  	_ = 	snop  }
0x97: {  	[tilespmem:s7], [sflag:$0x1] =	stream.indirect.gather.add.f32 [hbm:s4], $0x80, s16, s28, $0xb8;
	[tilespmem:$0x4400] =	vst v63  }
0x98: {  	_ = 	snop  }
0x99: {  	[tilespmem:s7], [sflag:$0x1] =	stream.indirect.gather.add.f32 [hbm:s4], $0x80, s17, s28, $0xb8;
	[tilespmem:$0x4400] =	vst v63  }
0x9a: {  	_ = 	snop  }
0x9b: {  	[tilespmem:s7], [sflag:$0x1] =	stream.indirect.gather.add.f32 [hbm:s4], $0x80, s18, s28, $0xb8;
	[tilespmem:$0x4400] =	vst v63  }
0x9c: {  	_ = 	snop  }
0x9d: {  	[tilespmem:s7], [sflag:$0x1] =	stream.indirect.gather.add.f32 [hbm:s4], $0x80, s19, s28, $0xb8;
	[tilespmem:$0x4400] =	vst v63  }
0x9e: {  	_ = 	snop  }
0x9f: {  	[tilespmem:s7], [sflag:$0x1] =	stream.indirect.gather.add.f32 [hbm:s4], $0x80, s20, s28, $0xb8;
	[tilespmem:$0x4400] =	vst v63  }
0xa0: {  	_ = 	snop  }
0xa1: {  	[tilespmem:s7], [sflag:$0x1] =	stream.indirect.gather.add.f32 [hbm:s4], $0x80, s21, s28, $0xb8;
	[tilespmem:$0x4400] =	vst v63  }
0xa2: {  	_ = 	snop  }
0xa3: {  	[tilespmem:s7], [sflag:$0x1] =	stream.indirect.gather.add.f32 [hbm:s4], $0x80, s22, s28, $0xb8;
	[tilespmem:$0x4400] =	vst v63  }
0xa4: {  	_ = 	snop  }
0xa5: {  	[tilespmem:s7], [sflag:$0x1] =	stream.indirect.gather.add.f32 [hbm:s4], $0x80, s23, s28, $0xb8;
	[tilespmem:$0x4400] =	vst v63  }
0xa6: {  	_ = 	snop  }
0xa7: {  	[tilespmem:s7], [sflag:$0x1] =	stream.indirect.gather.add.f32 [hbm:s4], $0x80, s24, s28, $0xb8;
	[tilespmem:$0x4400] =	vst v63  }
0xa8: {  	_ = 	snop  }
0xa9: {  	[tilespmem:s7], [sflag:$0x1] =	stream.indirect.gather.add.f32 [hbm:s4], $0x80, s25, s28, $0xb8;
	[tilespmem:$0x4400] =	vst v63  }
0xaa: {  	_ = 	snop  }
0xab: {  	[tilespmem:s7], [sflag:$0x1] =	stream.indirect.gather.add.f32 [hbm:s4], $0x80, s26, s28, $0xb8;
	[tilespmem:$0x4400] =	vst v63  }
0xac: {  	_ =	swait.ge [sflag:s6], $0x3800  }
0xad: {  	[sflag:s6] =	ssyncset.done $0x0  }
0xae: {  	[sflag:s6] =	ssyncadd.s32 $0xFFFFC800  }
0xaf: {  	_ =	swait.ge [sflag:s6], $0x3800  }
0xb0: {  	[sflag:s6] =	ssyncset.done $0x0  }
0xb1: {  	[sflag:s6] =	ssyncadd.s32 $0xFFFFC800  }
0xb2: {  	_ =	swait.ge [sflag:s6], $0x3800  }
0xb3: {  	[sflag:s6] =	ssyncset.done $0x0  }
0xb4: {  	[sflag:s6] =	ssyncadd.s32 $0xFFFFC800  }
0xb5: {  	_ =	swait.ge [sflag:s6], $0x3800  }
0xb6: {  	[sflag:s6] =	ssyncset.done $0x0  }
0xb7: {  	[sflag:s6] =	ssyncadd.s32 $0xFFFFC800  }
0xb8: {  	_ =	swait.ge [sflag:s6], $0x3800  }
0xb9: {  	[sflag:s6] =	ssyncset.done $0x0  }
0xba: {  	[sflag:s6] =	ssyncadd.s32 $0xFFFFC800  }
0xbb: {  	_ =	swait.ge [sflag:s6], $0x3800  }
0xbc: {  	[sflag:s6] =	ssyncset.done $0x0  }
0xbd: {  	[sflag:s6] =	ssyncadd.s32 $0xFFFFC800  }
0xbe: {  	_ =	swait.ge [sflag:s6], $0x3800  }
0xbf: {  	[sflag:s6] =	ssyncset.done $0x0  }
0xc0: {  	[sflag:s6] =	ssyncadd.s32 $0xFFFFC800  }
0xc1: {  	_ =	swait.ge [sflag:s6], $0x3800  }
0xc2: {  	[sflag:s6] =	ssyncset.done $0x0  }
0xc3: {  	[sflag:s6] =	ssyncadd.s32 $0xFFFFC800  }
0xc4: {  	_ =	swait.ge [sflag:s6], $0x3800  }
0xc5: {  	[sflag:s6] =	ssyncset.done $0x0  }
0xc6: {  	[sflag:s6] =	ssyncadd.s32 $0xFFFFC800  }
0xc7: {  	_ =	swait.ge [sflag:s6], $0x3800  }
0xc8: {  	[sflag:s6] =	ssyncset.done $0x0  }
0xc9: {  	[sflag:s6] =	ssyncadd.s32 $0xFFFFC800  }
0xca: {  	_ =	swait.ge [sflag:s6], $0x3800  }
0xcb: {  	[sflag:s6] =	ssyncset.done $0x0  }
0xcc: {  	[sflag:s6] =	ssyncadd.s32 $0xFFFFC800  }
0xcd: {  	_ =	swait.ge [sflag:s6], $0x3800  }
0xce: {  	[sflag:s6] =	ssyncset.done $0x0  }
0xcf: {  	[sflag:s6] =	ssyncadd.s32 $0xFFFFC800  }
0xd0: {  	_ =	swait.ge [sflag:s6], $0x3800  }
0xd1: {  	[sflag:s6] =	ssyncset.done $0x0  }
0xd2: {  	[sflag:s6] =	ssyncadd.s32 $0xFFFFC800  }
0xd3: {  	_ =	swait.ge [sflag:s6], $0x3800  }
0xd4: {  	[sflag:s6] =	ssyncset.done $0x0  }
0xd5: {  	[sflag:s6] =	ssyncadd.s32 $0xFFFFC800  }
0xd6: {  	_ =	swait.ge [sflag:s6], $0x3800  }
0xd7: {  	[sflag:s6] =	ssyncset.done $0x0  }
0xd8: {  	[sflag:s6] =	ssyncadd.s32 $0xFFFFC800  }
0xd9: {  	_ =	swait.ge [sflag:s6], $0x3800  }
0xda: {  	[sflag:s6] =	ssyncset.done $0x0  }
0xdb: {  	[sflag:s6] =	ssyncadd.s32 $0xFFFFC800  }
0xdc: {  	_ =	swait.ge [sflag:s6], $0x3800  }
0xdd: {  	[sflag:s6] =	ssyncset.done $0x0  }
0xde: {  	[sflag:s6] =	ssyncadd.s32 $0xFFFFC800  }
0xdf: {  	_ =	swait.ge [sflag:s6], $0x3800  }
0xe0: {  	[sflag:s6] =	ssyncset.done $0x0  }
0xe1: {  	[sflag:s6] =	ssyncadd.s32 $0xFFFFC800  }
0xe2: {  	_ =	swait.ge [sflag:s6], $0x3800  }
0xe3: {  	s1 =	rddreg [dreg:$0x14]  }
0xe4: {  	p1 =	sne.s32 s1, $0x1  }
.Ltmp1:
0xe5: {  	[sflag:s6] =	ssyncset.done $0x0;
	(pc) =	sbr.rel @!p1 .LBB2_3-.Ltmp1, $4  }
0xe6: {  	[sflag:s6] =	ssyncadd.s32 $0xFFFFC800  }
0xe7: {  	[hbm4b:s3+s2] =	stream.linear.scatter [tilespmem:s7], [sflag:$0x2], $0x3800, $0x38;
	[tilespmem:$0x4400] =	vst v63  }
0xe8: {  	p0 =	por $0x1, $0x1;
	_ =	swait.ge [sflag:s5], $0x3800  }
0xe9: {  	s1 =	sadd.s32 $0xFFFFFFFF, s1;
	s0 =	rddreg [dreg:$0x3];
	[sflag:s5] =	ssyncset.done $0x0  }
.LBB2_2:
0xea: {  	[sflag:s5] =	ssyncadd.s32 $0xFFFFC800  }
0xeb: {  	[tilespmem:s2], [sflag:$0x1] =	stream.linear.gather [hbm4b:s0+s2], $0x70, $0x38;
	[tilespmem:$0x4400] =	vst v63  }
0xec: {  	s9 =	simm.s32 $0x80;
	s8 =	smov.u32 s3;
	s3 =	rddreg [dreg:$0x4]  }
0xed: {  	[tilespmem:s9], [sflag:$0x1] =	stream.linear.gather [hbm4b:s3+s2], $0x70, $0x38;
	[tilespmem:$0x4400] =	vst v63  }
0xee: {  	s0 =	rddreg [dreg:$0x5];
	s9 =	simm.s32 $0x100  }
0xef: {  	[tilespmem:s9], [sflag:$0x1] =	stream.linear.gather [hbm4b:s0+s2], $0x70, $0x38;
	[tilespmem:$0x4400] =	vst v63  }
0xf0: {  	s3 =	rddreg [dreg:$0x6]  }
0xf1: {  	[tilespmem:s10], [sflag:$0x1] =	stream.linear.gather [hbm4b:s3+s2], $0x70, $0x38;
	[tilespmem:$0x4400] =	vst v63  }
0xf2: {  	s0 =	rddreg [dreg:$0x7]  }
0xf3: {  	[tilespmem:s11], [sflag:$0x1] =	stream.linear.gather [hbm4b:s0+s2], $0x70, $0x38;
	[tilespmem:$0x4400] =	vst v63  }
0xf4: {  	s3 =	rddreg [dreg:$0x8]  }
0xf5: {  	[tilespmem:s12], [sflag:$0x1] =	stream.linear.gather [hbm4b:s3+s2], $0x70, $0x38;
	[tilespmem:$0x4400] =	vst v63  }
0xf6: {  	s0 =	rddreg [dreg:$0x9]  }
0xf7: {  	[tilespmem:s13], [sflag:$0x1] =	stream.linear.gather [hbm4b:s0+s2], $0x70, $0x38;
	[tilespmem:$0x4400] =	vst v63  }
0xf8: {  	s3 =	rddreg [dreg:$0xa]  }
0xf9: {  	[tilespmem:s14], [sflag:$0x1] =	stream.linear.gather [hbm4b:s3+s2], $0x70, $0x38;
	[tilespmem:$0x4400] =	vst v63  }
0xfa: {  	s0 =	rddreg [dreg:$0xb]  }
0xfb: {  	[tilespmem:s15], [sflag:$0x1] =	stream.linear.gather [hbm4b:s0+s2], $0x70, $0x38;
	[tilespmem:$0x4400] =	vst v63  }
0xfc: {  	s3 =	rddreg [dreg:$0xc]  }
0xfd: {  	[tilespmem:s16], [sflag:$0x1] =	stream.linear.gather [hbm4b:s3+s2], $0x70, $0x38;
	[tilespmem:$0x4400] =	vst v63  }
0xfe: {  	s0 =	rddreg [dreg:$0xd]  }
0xff: {  	[tilespmem:s17], [sflag:$0x1] =	stream.linear.gather [hbm4b:s0+s2], $0x70, $0x38;
	[tilespmem:$0x4400] =	vst v63  }
0x100: {  	s3 =	rddreg [dreg:$0xe]  }
0x101: {  	[tilespmem:s18], [sflag:$0x1] =	stream.linear.gather [hbm4b:s3+s2], $0x70, $0x38;
	[tilespmem:$0x4400] =	vst v63  }
0x102: {  	s0 =	rddreg [dreg:$0xf]  }
0x103: {  	[tilespmem:s19], [sflag:$0x1] =	stream.linear.gather [hbm4b:s0+s2], $0x70, $0x38;
	[tilespmem:$0x4400] =	vst v63  }
0x104: {  	s3 =	rddreg [dreg:$0x10]  }
0x105: {  	[tilespmem:s20], [sflag:$0x1] =	stream.linear.gather [hbm4b:s3+s2], $0x70, $0x38;
	[tilespmem:$0x4400] =	vst v63  }
0x106: {  	s0 =	rddreg [dreg:$0x11]  }
0x107: {  	[tilespmem:s21], [sflag:$0x1] =	stream.linear.gather [hbm4b:s0+s2], $0x70, $0x38;
	[tilespmem:$0x4400] =	vst v63  }
0x108: {  	s3 =	rddreg [dreg:$0x12]  }
0x109: {  	[tilespmem:s22], [sflag:$0x1] =	stream.linear.gather [hbm4b:s3+s2], $0x70, $0x38;
	[tilespmem:$0x4400] =	vst v63  }
0x10a: {  	s0 =	rddreg [dreg:$0x13]  }
0x10b: {  	[tilespmem:s23], [sflag:$0x1] =	stream.linear.gather [hbm4b:s0+s2], $0x70, $0x38;
	[tilespmem:$0x4400] =	vst v63  }
0x10c: {  	_ = 	snop  }
0x10d: {  	[tilespmem:s24], [sflag:$0x1] =	stream.linear.gather [hbm4b:s29+s2], $0x70, $0x38;
	[tilespmem:$0x4400] =	vst v63  }
0x10e: {  	_ = 	snop  }
0x10f: {  	[tilespmem:s25], [sflag:$0x1] =	stream.linear.gather [hbm4b:s30+s2], $0x70, $0x38;
	[tilespmem:$0x4400] =	vst v63  }
0x110: {  	_ = 	snop  }
0x111: {  	[tilespmem:s26], [sflag:$0x1] =	stream.linear.gather [hbm4b:s31+s2], $0x70, $0x38;
	[tilespmem:$0x4400] =	vst v63  }
0x112: {  	_ =	swait.ge [sflag:s6], $0x70  }
0x113: {  	[sflag:s6] =	ssyncset.done $0x0  }
0x114: {  	[sflag:s6] =	ssyncadd.s32 $0xFFFFFF90  }
0x115: {  	_ =	swait.ge [sflag:s6], $0x70  }
0x116: {  	[sflag:s6] =	ssyncset.done $0x0  }
0x117: {  	[sflag:s6] =	ssyncadd.s32 $0xFFFFFF90  }
0x118: {  	_ =	swait.ge [sflag:s6], $0x70  }
0x119: {  	[sflag:s6] =	ssyncset.done $0x0  }
0x11a: {  	[sflag:s6] =	ssyncadd.s32 $0xFFFFFF90  }
0x11b: {  	_ =	swait.ge [sflag:s6], $0x70  }
0x11c: {  	[sflag:s6] =	ssyncset.done $0x0  }
0x11d: {  	[sflag:s6] =	ssyncadd.s32 $0xFFFFFF90  }
0x11e: {  	_ =	swait.ge [sflag:s6], $0x70  }
0x11f: {  	[sflag:s6] =	ssyncset.done $0x0  }
0x120: {  	[sflag:s6] =	ssyncadd.s32 $0xFFFFFF90  }
0x121: {  	_ =	swait.ge [sflag:s6], $0x70  }
0x122: {  	[sflag:s6] =	ssyncset.done $0x0  }
0x123: {  	[sflag:s6] =	ssyncadd.s32 $0xFFFFFF90  }
0x124: {  	_ =	swait.ge [sflag:s6], $0x70  }
0x125: {  	[sflag:s6] =	ssyncset.done $0x0  }
0x126: {  	[sflag:s6] =	ssyncadd.s32 $0xFFFFFF90  }
0x127: {  	_ =	swait.ge [sflag:s6], $0x70  }
0x128: {  	[sflag:s6] =	ssyncset.done $0x0  }
0x129: {  	[sflag:s6] =	ssyncadd.s32 $0xFFFFFF90  }
0x12a: {  	_ =	swait.ge [sflag:s6], $0x70  }
0x12b: {  	[sflag:s6] =	ssyncset.done $0x0  }
0x12c: {  	[sflag:s6] =	ssyncadd.s32 $0xFFFFFF90  }
0x12d: {  	_ =	swait.ge [sflag:s6], $0x70  }
0x12e: {  	[sflag:s6] =	ssyncset.done $0x0  }
0x12f: {  	[sflag:s6] =	ssyncadd.s32 $0xFFFFFF90  }
0x130: {  	_ =	swait.ge [sflag:s6], $0x70  }
0x131: {  	[sflag:s6] =	ssyncset.done $0x0  }
0x132: {  	[sflag:s6] =	ssyncadd.s32 $0xFFFFFF90  }
0x133: {  	_ =	swait.ge [sflag:s6], $0x70  }
0x134: {  	[sflag:s6] =	ssyncset.done $0x0  }
0x135: {  	[sflag:s6] =	ssyncadd.s32 $0xFFFFFF90  }
0x136: {  	_ =	swait.ge [sflag:s6], $0x70  }
0x137: {  	[sflag:s6] =	ssyncset.done $0x0  }
0x138: {  	[sflag:s6] =	ssyncadd.s32 $0xFFFFFF90  }
0x139: {  	_ =	swait.ge [sflag:s6], $0x70  }
0x13a: {  	[sflag:s6] =	ssyncset.done $0x0  }
0x13b: {  	[sflag:s6] =	ssyncadd.s32 $0xFFFFFF90  }
0x13c: {  	_ =	swait.ge [sflag:s6], $0x70  }
0x13d: {  	[sflag:s6] =	ssyncset.done $0x0  }
0x13e: {  	[sflag:s6] =	ssyncadd.s32 $0xFFFFFF90  }
0x13f: {  	_ =	swait.ge [sflag:s6], $0x70  }
0x140: {  	[sflag:s6] =	ssyncset.done $0x0  }
0x141: {  	[sflag:s6] =	ssyncadd.s32 $0xFFFFFF90  }
0x142: {  	_ =	swait.ge [sflag:s6], $0x70  }
0x143: {  	[sflag:s6] =	ssyncset.done $0x0  }
0x144: {  	[sflag:s6] =	ssyncadd.s32 $0xFFFFFF90  }
0x145: {  	_ =	swait.ge [sflag:s6], $0x70  }
0x146: {  	[sflag:s6] =	ssyncset.done $0x0  }
0x147: {  	[sflag:s6] =	ssyncadd.s32 $0xFFFFFF90  }
0x148: {  	_ =	swait.ge [sflag:s6], $0x70  }
0x149: {  	[sflag:s6] =	ssyncset.done $0x0  }
0x14a: {  	[sflag:s6] =	ssyncadd.s32 $0xFFFFFF90  }
0x14b: {  	_ =	swait.ge [sflag:s6], $0x70  }
0x14c: {  	[sflag:s6] =	ssyncset.done $0x0  }
0x14d: {  	[sflag:s6] =	ssyncadd.s32 $0xFFFFFF90  }
0x14e: {  	[tilespmem:s7], [sflag:$0x1] =	stream.indirect.gather [hbm4b:s4+s28], $0x80, s2, s28, $0xb8;
	[tilespmem:$0x4400] =	vst v63  }
0x14f: {  	_ =	swait.ge [sflag:s6], $0x3800  }
0x150: {  	[sflag:s6] =	ssyncset.done $0x0  }
0x151: {  	s3 =	smov.u32 s8;
	s8 =	simm.s32 $0x80;
	[sflag:s6] =	ssyncadd.s32 $0xFFFFC800  }
0x152: {  	[tilespmem:s7], [sflag:$0x1] =	stream.indirect.gather.add.f32 [hbm:s4], $0x80, s8, s28, $0xb8;
	[tilespmem:$0x4400] =	vst v63  }
0x153: {  	_ = 	snop  }
0x154: {  	[tilespmem:s7], [sflag:$0x1] =	stream.indirect.gather.add.f32 [hbm:s4], $0x80, s9, s28, $0xb8;
	[tilespmem:$0x4400] =	vst v63  }
0x155: {  	_ = 	snop  }
0x156: {  	[tilespmem:s7], [sflag:$0x1] =	stream.indirect.gather.add.f32 [hbm:s4], $0x80, s10, s28, $0xb8;
	[tilespmem:$0x4400] =	vst v63  }
0x157: {  	_ = 	snop  }
0x158: {  	[tilespmem:s7], [sflag:$0x1] =	stream.indirect.gather.add.f32 [hbm:s4], $0x80, s11, s28, $0xb8;
	[tilespmem:$0x4400] =	vst v63  }
0x159: {  	_ = 	snop  }
0x15a: {  	[tilespmem:s7], [sflag:$0x1] =	stream.indirect.gather.add.f32 [hbm:s4], $0x80, s12, s28, $0xb8;
	[tilespmem:$0x4400] =	vst v63  }
0x15b: {  	_ = 	snop  }
0x15c: {  	[tilespmem:s7], [sflag:$0x1] =	stream.indirect.gather.add.f32 [hbm:s4], $0x80, s13, s28, $0xb8;
	[tilespmem:$0x4400] =	vst v63  }
0x15d: {  	_ = 	snop  }
0x15e: {  	[tilespmem:s7], [sflag:$0x1] =	stream.indirect.gather.add.f32 [hbm:s4], $0x80, s14, s28, $0xb8;
	[tilespmem:$0x4400] =	vst v63  }
0x15f: {  	_ = 	snop  }
0x160: {  	[tilespmem:s7], [sflag:$0x1] =	stream.indirect.gather.add.f32 [hbm:s4], $0x80, s15, s28, $0xb8;
	[tilespmem:$0x4400] =	vst v63  }
0x161: {  	_ = 	snop  }
0x162: {  	[tilespmem:s7], [sflag:$0x1] =	stream.indirect.gather.add.f32 [hbm:s4], $0x80, s16, s28, $0xb8;
	[tilespmem:$0x4400] =	vst v63  }
0x163: {  	_ = 	snop  }
0x164: {  	[tilespmem:s7], [sflag:$0x1] =	stream.indirect.gather.add.f32 [hbm:s4], $0x80, s17, s28, $0xb8;
	[tilespmem:$0x4400] =	vst v63  }
0x165: {  	_ = 	snop  }
0x166: {  	[tilespmem:s7], [sflag:$0x1] =	stream.indirect.gather.add.f32 [hbm:s4], $0x80, s18, s28, $0xb8;
	[tilespmem:$0x4400] =	vst v63  }
0x167: {  	_ = 	snop  }
0x168: {  	[tilespmem:s7], [sflag:$0x1] =	stream.indirect.gather.add.f32 [hbm:s4], $0x80, s19, s28, $0xb8;
	[tilespmem:$0x4400] =	vst v63  }
0x169: {  	_ = 	snop  }
0x16a: {  	[tilespmem:s7], [sflag:$0x1] =	stream.indirect.gather.add.f32 [hbm:s4], $0x80, s20, s28, $0xb8;
	[tilespmem:$0x4400] =	vst v63  }
0x16b: {  	_ = 	snop  }
0x16c: {  	[tilespmem:s7], [sflag:$0x1] =	stream.indirect.gather.add.f32 [hbm:s4], $0x80, s21, s28, $0xb8;
	[tilespmem:$0x4400] =	vst v63  }
0x16d: {  	_ = 	snop  }
0x16e: {  	[tilespmem:s7], [sflag:$0x1] =	stream.indirect.gather.add.f32 [hbm:s4], $0x80, s22, s28, $0xb8;
	[tilespmem:$0x4400] =	vst v63  }
0x16f: {  	_ = 	snop  }
0x170: {  	[tilespmem:s7], [sflag:$0x1] =	stream.indirect.gather.add.f32 [hbm:s4], $0x80, s23, s28, $0xb8;
	[tilespmem:$0x4400] =	vst v63  }
0x171: {  	_ = 	snop  }
0x172: {  	[tilespmem:s7], [sflag:$0x1] =	stream.indirect.gather.add.f32 [hbm:s4], $0x80, s24, s28, $0xb8;
	[tilespmem:$0x4400] =	vst v63  }
0x173: {  	_ = 	snop  }
0x174: {  	[tilespmem:s7], [sflag:$0x1] =	stream.indirect.gather.add.f32 [hbm:s4], $0x80, s25, s28, $0xb8;
	[tilespmem:$0x4400] =	vst v63  }
0x175: {  	_ = 	snop  }
0x176: {  	[tilespmem:s7], [sflag:$0x1] =	stream.indirect.gather.add.f32 [hbm:s4], $0x80, s26, s28, $0xb8;
	[tilespmem:$0x4400] =	vst v63  }
0x177: {  	_ =	swait.ge [sflag:s6], $0x3800  }
0x178: {  	[sflag:s6] =	ssyncset.done $0x0  }
0x179: {  	[sflag:s6] =	ssyncadd.s32 $0xFFFFC800  }
0x17a: {  	_ =	swait.ge [sflag:s6], $0x3800  }
0x17b: {  	[sflag:s6] =	ssyncset.done $0x0  }
0x17c: {  	[sflag:s6] =	ssyncadd.s32 $0xFFFFC800  }
0x17d: {  	_ =	swait.ge [sflag:s6], $0x3800  }
0x17e: {  	[sflag:s6] =	ssyncset.done $0x0  }
0x17f: {  	[sflag:s6] =	ssyncadd.s32 $0xFFFFC800  }
0x180: {  	_ =	swait.ge [sflag:s6], $0x3800  }
0x181: {  	[sflag:s6] =	ssyncset.done $0x0  }
0x182: {  	[sflag:s6] =	ssyncadd.s32 $0xFFFFC800  }
0x183: {  	_ =	swait.ge [sflag:s6], $0x3800  }
0x184: {  	[sflag:s6] =	ssyncset.done $0x0  }
0x185: {  	[sflag:s6] =	ssyncadd.s32 $0xFFFFC800  }
0x186: {  	_ =	swait.ge [sflag:s6], $0x3800  }
0x187: {  	[sflag:s6] =	ssyncset.done $0x0  }
0x188: {  	[sflag:s6] =	ssyncadd.s32 $0xFFFFC800  }
0x189: {  	_ =	swait.ge [sflag:s6], $0x3800  }
0x18a: {  	[sflag:s6] =	ssyncset.done $0x0  }
0x18b: {  	[sflag:s6] =	ssyncadd.s32 $0xFFFFC800  }
0x18c: {  	_ =	swait.ge [sflag:s6], $0x3800  }
0x18d: {  	[sflag:s6] =	ssyncset.done $0x0  }
0x18e: {  	[sflag:s6] =	ssyncadd.s32 $0xFFFFC800  }
0x18f: {  	_ =	swait.ge [sflag:s6], $0x3800  }
0x190: {  	[sflag:s6] =	ssyncset.done $0x0  }
0x191: {  	[sflag:s6] =	ssyncadd.s32 $0xFFFFC800  }
0x192: {  	_ =	swait.ge [sflag:s6], $0x3800  }
0x193: {  	[sflag:s6] =	ssyncset.done $0x0  }
0x194: {  	[sflag:s6] =	ssyncadd.s32 $0xFFFFC800  }
0x195: {  	_ =	swait.ge [sflag:s6], $0x3800  }
0x196: {  	[sflag:s6] =	ssyncset.done $0x0  }
0x197: {  	[sflag:s6] =	ssyncadd.s32 $0xFFFFC800  }
0x198: {  	_ =	swait.ge [sflag:s6], $0x3800  }
0x199: {  	[sflag:s6] =	ssyncset.done $0x0  }
0x19a: {  	[sflag:s6] =	ssyncadd.s32 $0xFFFFC800  }
0x19b: {  	_ =	swait.ge [sflag:s6], $0x3800  }
0x19c: {  	[sflag:s6] =	ssyncset.done $0x0  }
0x19d: {  	[sflag:s6] =	ssyncadd.s32 $0xFFFFC800  }
0x19e: {  	_ =	swait.ge [sflag:s6], $0x3800  }
0x19f: {  	[sflag:s6] =	ssyncset.done $0x0  }
0x1a0: {  	[sflag:s6] =	ssyncadd.s32 $0xFFFFC800  }
0x1a1: {  	_ =	swait.ge [sflag:s6], $0x3800  }
0x1a2: {  	[sflag:s6] =	ssyncset.done $0x0  }
0x1a3: {  	[sflag:s6] =	ssyncadd.s32 $0xFFFFC800  }
0x1a4: {  	_ =	swait.ge [sflag:s6], $0x3800  }
0x1a5: {  	[sflag:s6] =	ssyncset.done $0x0  }
0x1a6: {  	[sflag:s6] =	ssyncadd.s32 $0xFFFFC800  }
0x1a7: {  	_ =	swait.ge [sflag:s6], $0x3800  }
0x1a8: {  	[sflag:s6] =	ssyncset.done $0x0  }
0x1a9: {  	[sflag:s6] =	ssyncadd.s32 $0xFFFFC800  }
0x1aa: {  	_ =	swait.ge [sflag:s6], $0x3800  }
0x1ab: {  	[sflag:s6] =	ssyncset.done $0x0  }
0x1ac: {  	[sflag:s6] =	ssyncadd.s32 $0xFFFFC800  }
0x1ad: {  	p1 =	sne.s32 s1, $0x1;
	_ =	swait.ge [sflag:s6], $0x3800  }
.Ltmp2:
0x1ae: {  	[sflag:s6] =	ssyncset.done $0x0;
	(pc) =	sbr.rel @p1 .LBB2_2-.Ltmp2, $4  }
0x1af: {  	[sflag:s6] =	ssyncadd.s32 $0xFFFFC800  }
0x1b0: {  	[hbm4b:s3+s2] =	stream.linear.scatter [tilespmem:s7], [sflag:$0x2], $0x3800, $0x38;
	[tilespmem:$0x4400] =	vst v63  }
0x1b1: {  	_ =	swait.ge [sflag:s5], $0x3800  }
0x1b2: {  	s1 =	sadd.s32 $0xFFFFFFFF, s1;
	s0 =	rddreg [dreg:$0x3];
	[sflag:s5] =	ssyncset.done $0x0  }
.LBB2_3:
0x1b3: {  	[sflag:s5] =	ssyncadd.s32 @p0 $0xFFFFC800  }
0x1b4: {  	[tilespmem:s2], [sflag:$0x1] =	stream.linear.gather [hbm4b:s0+s2], $0x70, $0x38;
	[tilespmem:$0x4400] =	vst v63  }
0x1b5: {  	s1 =	rddreg [dreg:$0x4]  }
0x1b6: {  	[tilespmem:s8], [sflag:$0x1] =	stream.linear.gather [hbm4b:s1+s2], $0x70, $0x38;
	[tilespmem:$0x4400] =	vst v63  }
0x1b7: {  	s0 =	rddreg [dreg:$0x5]  }
0x1b8: {  	[tilespmem:s9], [sflag:$0x1] =	stream.linear.gather [hbm4b:s0+s2], $0x70, $0x38;
	[tilespmem:$0x4400] =	vst v63  }
0x1b9: {  	s1 =	rddreg [dreg:$0x6]  }
0x1ba: {  	[tilespmem:s10], [sflag:$0x1] =	stream.linear.gather [hbm4b:s1+s2], $0x70, $0x38;
	[tilespmem:$0x4400] =	vst v63  }
0x1bb: {  	s0 =	rddreg [dreg:$0x7]  }
0x1bc: {  	[tilespmem:s11], [sflag:$0x1] =	stream.linear.gather [hbm4b:s0+s2], $0x70, $0x38;
	[tilespmem:$0x4400] =	vst v63  }
0x1bd: {  	s1 =	rddreg [dreg:$0x8]  }
0x1be: {  	[tilespmem:s12], [sflag:$0x1] =	stream.linear.gather [hbm4b:s1+s2], $0x70, $0x38;
	[tilespmem:$0x4400] =	vst v63  }
0x1bf: {  	s0 =	rddreg [dreg:$0x9]  }
0x1c0: {  	[tilespmem:s13], [sflag:$0x1] =	stream.linear.gather [hbm4b:s0+s2], $0x70, $0x38;
	[tilespmem:$0x4400] =	vst v63  }
0x1c1: {  	s1 =	rddreg [dreg:$0xa]  }
0x1c2: {  	[tilespmem:s14], [sflag:$0x1] =	stream.linear.gather [hbm4b:s1+s2], $0x70, $0x38;
	[tilespmem:$0x4400] =	vst v63  }
0x1c3: {  	s0 =	rddreg [dreg:$0xb]  }
0x1c4: {  	[tilespmem:s15], [sflag:$0x1] =	stream.linear.gather [hbm4b:s0+s2], $0x70, $0x38;
	[tilespmem:$0x4400] =	vst v63  }
0x1c5: {  	s1 =	rddreg [dreg:$0xc]  }
0x1c6: {  	[tilespmem:s16], [sflag:$0x1] =	stream.linear.gather [hbm4b:s1+s2], $0x70, $0x38;
	[tilespmem:$0x4400] =	vst v63  }
0x1c7: {  	s0 =	rddreg [dreg:$0xd]  }
0x1c8: {  	[tilespmem:s17], [sflag:$0x1] =	stream.linear.gather [hbm4b:s0+s2], $0x70, $0x38;
	[tilespmem:$0x4400] =	vst v63  }
0x1c9: {  	s1 =	rddreg [dreg:$0xe]  }
0x1ca: {  	[tilespmem:s18], [sflag:$0x1] =	stream.linear.gather [hbm4b:s1+s2], $0x70, $0x38;
	[tilespmem:$0x4400] =	vst v63  }
0x1cb: {  	s0 =	rddreg [dreg:$0xf]  }
0x1cc: {  	[tilespmem:s19], [sflag:$0x1] =	stream.linear.gather [hbm4b:s0+s2], $0x70, $0x38;
	[tilespmem:$0x4400] =	vst v63  }
0x1cd: {  	s1 =	rddreg [dreg:$0x10]  }
0x1ce: {  	[tilespmem:s20], [sflag:$0x1] =	stream.linear.gather [hbm4b:s1+s2], $0x70, $0x38;
	[tilespmem:$0x4400] =	vst v63  }
0x1cf: {  	s0 =	rddreg [dreg:$0x11]  }
0x1d0: {  	[tilespmem:s21], [sflag:$0x1] =	stream.linear.gather [hbm4b:s0+s2], $0x70, $0x38;
	[tilespmem:$0x4400] =	vst v63  }
0x1d1: {  	s1 =	rddreg [dreg:$0x12]  }
0x1d2: {  	[tilespmem:s22], [sflag:$0x1] =	stream.linear.gather [hbm4b:s1+s2], $0x70, $0x38;
	[tilespmem:$0x4400] =	vst v63  }
0x1d3: {  	s0 =	rddreg [dreg:$0x13]  }
0x1d4: {  	[tilespmem:s23], [sflag:$0x1] =	stream.linear.gather [hbm4b:s0+s2], $0x70, $0x38;
	[tilespmem:$0x4400] =	vst v63  }
0x1d5: {  	_ = 	snop  }
0x1d6: {  	[tilespmem:s24], [sflag:$0x1] =	stream.linear.gather [hbm4b:s29+s2], $0x70, $0x38;
	[tilespmem:$0x4400] =	vst v63  }
0x1d7: {  	_ = 	snop  }
0x1d8: {  	[tilespmem:s25], [sflag:$0x1] =	stream.linear.gather [hbm4b:s30+s2], $0x70, $0x38;
	[tilespmem:$0x4400] =	vst v63  }
0x1d9: {  	_ = 	snop  }
0x1da: {  	[tilespmem:s26], [sflag:$0x1] =	stream.linear.gather [hbm4b:s31+s2], $0x70, $0x38;
	[tilespmem:$0x4400] =	vst v63  }
0x1db: {  	_ =	swait.ge [sflag:s6], $0x70  }
0x1dc: {  	[sflag:s6] =	ssyncset.done $0x0  }
0x1dd: {  	[sflag:s6] =	ssyncadd.s32 $0xFFFFFF90  }
0x1de: {  	_ =	swait.ge [sflag:s6], $0x70  }
0x1df: {  	[sflag:s6] =	ssyncset.done $0x0  }
0x1e0: {  	[sflag:s6] =	ssyncadd.s32 $0xFFFFFF90  }
0x1e1: {  	_ =	swait.ge [sflag:s6], $0x70  }
0x1e2: {  	[sflag:s6] =	ssyncset.done $0x0  }
0x1e3: {  	[sflag:s6] =	ssyncadd.s32 $0xFFFFFF90  }
0x1e4: {  	_ =	swait.ge [sflag:s6], $0x70  }
0x1e5: {  	[sflag:s6] =	ssyncset.done $0x0  }
0x1e6: {  	[sflag:s6] =	ssyncadd.s32 $0xFFFFFF90  }
0x1e7: {  	_ =	swait.ge [sflag:s6], $0x70  }
0x1e8: {  	[sflag:s6] =	ssyncset.done $0x0  }
0x1e9: {  	[sflag:s6] =	ssyncadd.s32 $0xFFFFFF90  }
0x1ea: {  	_ =	swait.ge [sflag:s6], $0x70  }
0x1eb: {  	[sflag:s6] =	ssyncset.done $0x0  }
0x1ec: {  	[sflag:s6] =	ssyncadd.s32 $0xFFFFFF90  }
0x1ed: {  	_ =	swait.ge [sflag:s6], $0x70  }
0x1ee: {  	[sflag:s6] =	ssyncset.done $0x0  }
0x1ef: {  	[sflag:s6] =	ssyncadd.s32 $0xFFFFFF90  }
0x1f0: {  	_ =	swait.ge [sflag:s6], $0x70  }
0x1f1: {  	[sflag:s6] =	ssyncset.done $0x0  }
0x1f2: {  	[sflag:s6] =	ssyncadd.s32 $0xFFFFFF90  }
0x1f3: {  	_ =	swait.ge [sflag:s6], $0x70  }
0x1f4: {  	[sflag:s6] =	ssyncset.done $0x0  }
0x1f5: {  	[sflag:s6] =	ssyncadd.s32 $0xFFFFFF90  }
0x1f6: {  	_ =	swait.ge [sflag:s6], $0x70  }
0x1f7: {  	[sflag:s6] =	ssyncset.done $0x0  }
0x1f8: {  	[sflag:s6] =	ssyncadd.s32 $0xFFFFFF90  }
0x1f9: {  	_ =	swait.ge [sflag:s6], $0x70  }
0x1fa: {  	[sflag:s6] =	ssyncset.done $0x0  }
0x1fb: {  	[sflag:s6] =	ssyncadd.s32 $0xFFFFFF90  }
0x1fc: {  	_ =	swait.ge [sflag:s6], $0x70  }
0x1fd: {  	[sflag:s6] =	ssyncset.done $0x0  }
0x1fe: {  	[sflag:s6] =	ssyncadd.s32 $0xFFFFFF90  }
0x1ff: {  	_ =	swait.ge [sflag:s6], $0x70  }
0x200: {  	[sflag:s6] =	ssyncset.done $0x0  }
0x201: {  	[sflag:s6] =	ssyncadd.s32 $0xFFFFFF90  }
0x202: {  	_ =	swait.ge [sflag:s6], $0x70  }
0x203: {  	[sflag:s6] =	ssyncset.done $0x0  }
0x204: {  	[sflag:s6] =	ssyncadd.s32 $0xFFFFFF90  }
0x205: {  	_ =	swait.ge [sflag:s6], $0x70  }
0x206: {  	[sflag:s6] =	ssyncset.done $0x0  }
0x207: {  	[sflag:s6] =	ssyncadd.s32 $0xFFFFFF90  }
0x208: {  	_ =	swait.ge [sflag:s6], $0x70  }
0x209: {  	[sflag:s6] =	ssyncset.done $0x0  }
0x20a: {  	[sflag:s6] =	ssyncadd.s32 $0xFFFFFF90  }
0x20b: {  	_ =	swait.ge [sflag:s6], $0x70  }
0x20c: {  	[sflag:s6] =	ssyncset.done $0x0  }
0x20d: {  	[sflag:s6] =	ssyncadd.s32 $0xFFFFFF90  }
0x20e: {  	_ =	swait.ge [sflag:s6], $0x70  }
0x20f: {  	[sflag:s6] =	ssyncset.done $0x0  }
0x210: {  	[sflag:s6] =	ssyncadd.s32 $0xFFFFFF90  }
0x211: {  	_ =	swait.ge [sflag:s6], $0x70  }
0x212: {  	[sflag:s6] =	ssyncset.done $0x0  }
0x213: {  	[sflag:s6] =	ssyncadd.s32 $0xFFFFFF90  }
0x214: {  	_ =	swait.ge [sflag:s6], $0x70  }
0x215: {  	[sflag:s6] =	ssyncset.done $0x0  }
0x216: {  	[sflag:s6] =	ssyncadd.s32 $0xFFFFFF90  }
0x217: {  	[tilespmem:s7], [sflag:$0x1] =	stream.indirect.gather [hbm4b:s4+s28], $0x80, s2, s28, $0xb8;
	[tilespmem:$0x4400] =	vst v63  }
0x218: {  	_ =	swait.ge [sflag:s6], $0x3800  }
0x219: {  	[sflag:s6] =	ssyncset.done $0x0  }
0x21a: {  	[sflag:s6] =	ssyncadd.s32 $0xFFFFC800  }
0x21b: {  	[tilespmem:s7], [sflag:$0x1] =	stream.indirect.gather.add.f32 [hbm:s4], $0x80, s8, s28, $0xb8;
	[tilespmem:$0x4400] =	vst v63  }
0x21c: {  	_ = 	snop  }
0x21d: {  	[tilespmem:s7], [sflag:$0x1] =	stream.indirect.gather.add.f32 [hbm:s4], $0x80, s9, s28, $0xb8;
	[tilespmem:$0x4400] =	vst v63  }
0x21e: {  	_ = 	snop  }
0x21f: {  	[tilespmem:s7], [sflag:$0x1] =	stream.indirect.gather.add.f32 [hbm:s4], $0x80, s10, s28, $0xb8;
	[tilespmem:$0x4400] =	vst v63  }
0x220: {  	_ = 	snop  }
0x221: {  	[tilespmem:s7], [sflag:$0x1] =	stream.indirect.gather.add.f32 [hbm:s4], $0x80, s11, s28, $0xb8;
	[tilespmem:$0x4400] =	vst v63  }
0x222: {  	_ = 	snop  }
0x223: {  	[tilespmem:s7], [sflag:$0x1] =	stream.indirect.gather.add.f32 [hbm:s4], $0x80, s12, s28, $0xb8;
	[tilespmem:$0x4400] =	vst v63  }
0x224: {  	_ = 	snop  }
0x225: {  	[tilespmem:s7], [sflag:$0x1] =	stream.indirect.gather.add.f32 [hbm:s4], $0x80, s13, s28, $0xb8;
	[tilespmem:$0x4400] =	vst v63  }
0x226: {  	_ = 	snop  }
0x227: {  	[tilespmem:s7], [sflag:$0x1] =	stream.indirect.gather.add.f32 [hbm:s4], $0x80, s14, s28, $0xb8;
	[tilespmem:$0x4400] =	vst v63  }
0x228: {  	_ = 	snop  }
0x229: {  	[tilespmem:s7], [sflag:$0x1] =	stream.indirect.gather.add.f32 [hbm:s4], $0x80, s15, s28, $0xb8;
	[tilespmem:$0x4400] =	vst v63  }
0x22a: {  	_ = 	snop  }
0x22b: {  	[tilespmem:s7], [sflag:$0x1] =	stream.indirect.gather.add.f32 [hbm:s4], $0x80, s16, s28, $0xb8;
	[tilespmem:$0x4400] =	vst v63  }
0x22c: {  	_ = 	snop  }
0x22d: {  	[tilespmem:s7], [sflag:$0x1] =	stream.indirect.gather.add.f32 [hbm:s4], $0x80, s17, s28, $0xb8;
	[tilespmem:$0x4400] =	vst v63  }
0x22e: {  	_ = 	snop  }
0x22f: {  	[tilespmem:s7], [sflag:$0x1] =	stream.indirect.gather.add.f32 [hbm:s4], $0x80, s18, s28, $0xb8;
	[tilespmem:$0x4400] =	vst v63  }
0x230: {  	_ = 	snop  }
0x231: {  	[tilespmem:s7], [sflag:$0x1] =	stream.indirect.gather.add.f32 [hbm:s4], $0x80, s19, s28, $0xb8;
	[tilespmem:$0x4400] =	vst v63  }
0x232: {  	_ = 	snop  }
0x233: {  	[tilespmem:s7], [sflag:$0x1] =	stream.indirect.gather.add.f32 [hbm:s4], $0x80, s20, s28, $0xb8;
	[tilespmem:$0x4400] =	vst v63  }
0x234: {  	_ = 	snop  }
0x235: {  	[tilespmem:s7], [sflag:$0x1] =	stream.indirect.gather.add.f32 [hbm:s4], $0x80, s21, s28, $0xb8;
	[tilespmem:$0x4400] =	vst v63  }
0x236: {  	_ = 	snop  }
0x237: {  	[tilespmem:s7], [sflag:$0x1] =	stream.indirect.gather.add.f32 [hbm:s4], $0x80, s22, s28, $0xb8;
	[tilespmem:$0x4400] =	vst v63  }
0x238: {  	_ = 	snop  }
0x239: {  	[tilespmem:s7], [sflag:$0x1] =	stream.indirect.gather.add.f32 [hbm:s4], $0x80, s23, s28, $0xb8;
	[tilespmem:$0x4400] =	vst v63  }
0x23a: {  	_ = 	snop  }
0x23b: {  	[tilespmem:s7], [sflag:$0x1] =	stream.indirect.gather.add.f32 [hbm:s4], $0x80, s24, s28, $0xb8;
	[tilespmem:$0x4400] =	vst v63  }
0x23c: {  	_ = 	snop  }
0x23d: {  	[tilespmem:s7], [sflag:$0x1] =	stream.indirect.gather.add.f32 [hbm:s4], $0x80, s25, s28, $0xb8;
	[tilespmem:$0x4400] =	vst v63  }
0x23e: {  	_ = 	snop  }
0x23f: {  	[tilespmem:s7], [sflag:$0x1] =	stream.indirect.gather.add.f32 [hbm:s4], $0x80, s26, s28, $0xb8;
	[tilespmem:$0x4400] =	vst v63  }
0x240: {  	_ =	swait.ge [sflag:s6], $0x3800  }
0x241: {  	[sflag:s6] =	ssyncset.done $0x0  }
0x242: {  	[sflag:s6] =	ssyncadd.s32 $0xFFFFC800  }
0x243: {  	_ =	swait.ge [sflag:s6], $0x3800  }
0x244: {  	[sflag:s6] =	ssyncset.done $0x0  }
0x245: {  	[sflag:s6] =	ssyncadd.s32 $0xFFFFC800  }
0x246: {  	_ =	swait.ge [sflag:s6], $0x3800  }
0x247: {  	[sflag:s6] =	ssyncset.done $0x0  }
0x248: {  	[sflag:s6] =	ssyncadd.s32 $0xFFFFC800  }
0x249: {  	_ =	swait.ge [sflag:s6], $0x3800  }
0x24a: {  	[sflag:s6] =	ssyncset.done $0x0  }
0x24b: {  	[sflag:s6] =	ssyncadd.s32 $0xFFFFC800  }
0x24c: {  	_ =	swait.ge [sflag:s6], $0x3800  }
0x24d: {  	[sflag:s6] =	ssyncset.done $0x0  }
0x24e: {  	[sflag:s6] =	ssyncadd.s32 $0xFFFFC800  }
0x24f: {  	_ =	swait.ge [sflag:s6], $0x3800  }
0x250: {  	[sflag:s6] =	ssyncset.done $0x0  }
0x251: {  	[sflag:s6] =	ssyncadd.s32 $0xFFFFC800  }
0x252: {  	_ =	swait.ge [sflag:s6], $0x3800  }
0x253: {  	[sflag:s6] =	ssyncset.done $0x0  }
0x254: {  	[sflag:s6] =	ssyncadd.s32 $0xFFFFC800  }
0x255: {  	_ =	swait.ge [sflag:s6], $0x3800  }
0x256: {  	[sflag:s6] =	ssyncset.done $0x0  }
0x257: {  	[sflag:s6] =	ssyncadd.s32 $0xFFFFC800  }
0x258: {  	_ =	swait.ge [sflag:s6], $0x3800  }
0x259: {  	[sflag:s6] =	ssyncset.done $0x0  }
0x25a: {  	[sflag:s6] =	ssyncadd.s32 $0xFFFFC800  }
0x25b: {  	_ =	swait.ge [sflag:s6], $0x3800  }
0x25c: {  	[sflag:s6] =	ssyncset.done $0x0  }
0x25d: {  	[sflag:s6] =	ssyncadd.s32 $0xFFFFC800  }
0x25e: {  	_ =	swait.ge [sflag:s6], $0x3800  }
0x25f: {  	[sflag:s6] =	ssyncset.done $0x0  }
0x260: {  	[sflag:s6] =	ssyncadd.s32 $0xFFFFC800  }
0x261: {  	_ =	swait.ge [sflag:s6], $0x3800  }
0x262: {  	[sflag:s6] =	ssyncset.done $0x0  }
0x263: {  	[sflag:s6] =	ssyncadd.s32 $0xFFFFC800  }
0x264: {  	_ =	swait.ge [sflag:s6], $0x3800  }
0x265: {  	[sflag:s6] =	ssyncset.done $0x0  }
0x266: {  	[sflag:s6] =	ssyncadd.s32 $0xFFFFC800  }
0x267: {  	_ =	swait.ge [sflag:s6], $0x3800  }
0x268: {  	[sflag:s6] =	ssyncset.done $0x0  }
0x269: {  	[sflag:s6] =	ssyncadd.s32 $0xFFFFC800  }
0x26a: {  	_ =	swait.ge [sflag:s6], $0x3800  }
0x26b: {  	[sflag:s6] =	ssyncset.done $0x0  }
0x26c: {  	[sflag:s6] =	ssyncadd.s32 $0xFFFFC800  }
0x26d: {  	_ =	swait.ge [sflag:s6], $0x3800  }
0x26e: {  	[sflag:s6] =	ssyncset.done $0x0  }
0x26f: {  	[sflag:s6] =	ssyncadd.s32 $0xFFFFC800  }
0x270: {  	_ =	swait.ge [sflag:s6], $0x3800  }
0x271: {  	[sflag:s6] =	ssyncset.done $0x0  }
0x272: {  	[sflag:s6] =	ssyncadd.s32 $0xFFFFC800  }
0x273: {  	_ =	swait.ge [sflag:s6], $0x3800  }
0x274: {  	[sflag:s6] =	ssyncset.done $0x0  }
0x275: {  	[sflag:s6] =	ssyncadd.s32 $0xFFFFC800  }
0x276: {  	_ =	swait.ge [sflag:s6], $0x3800  }
0x277: {  	[sflag:s6] =	ssyncset.done $0x0  }
0x278: {  	[sflag:s6] =	ssyncadd.s32 $0xFFFFC800  }
0x279: {  	[hbm4b:s3+s2] =	stream.linear.scatter [tilespmem:s7], [sflag:$0x2], $0x3800, $0x38;
	[tilespmem:$0x4400] =	vst v63  }
0x27a: {  	_ =	swait.ge [sflag:s5], $0x3800  }
0x27b: {  	[sflag:s5] =	ssyncset.done $0x0  }
0x27c: {  	[sflag:s5] =	ssyncadd.s32 $0xFFFFC800  }
0x27d: {  	_ =	sfence.sel $0x180000  }
0x27e: {  	[bflag:$0x0] =	sbarrier.arrive $0xFFFF  }
0x27f: {  	_ =	strace $0x9000004A  }
0x280: {  	s31 =	stileid.u32;
	[bflag:$0x2] =	sbarrier.arrive $0xFFFF  }
0x281: {  	p0 =	sne.s32 s31, $0x0;
	s0 =	rddreg [dreg:$0x2]  }
0x282: {  	s0 =	sadd.s32 @!p0 $0x100000, s0  }
0x283: {  	[sflag:s0] =	ssyncadd.tile.s32 @!p0 $0x1;
	_ =	shalt  }
.Lfunc_end2:
_tile_overlayer_lowered:
.L_overlay_start_2:
0x284: {  	(tag) =	ssettag $0x2  }
0x285: {  	s0 =	rddreg [dreg:$0x0];
	s2 =	stileid.u32  }
0x286: {  	s1 =	rddreg [dreg:$0x1];
	p0 =	sne.s32 s2, $0x0  }
0x287: {  	s3 =	rddreg [dreg:$0x2];
	[bflag:$0x3] =	sbarrier.arrive $0xFFFF;
	s2 =	simm.s32 @!p0 $0x1C02  }
0x288: {  	[timem:s3], [sflag:s2] =	dma.local @!p0 [hbm:s0], s1  }
0x289: {  	s0 =	simm.s32 @!p0 $0x2  }
0x28a: {  	_ =	swait.ge @!p0 [sflag:s0], s1  }
0x28b: {  	s1 =	ssub.s32 @!p0 $0x0, s1;
	[sflag:s0] =	ssyncset.done @!p0 $0x0  }
0x28c: {  	[sflag:s0] =	ssyncadd.s32 @!p0 s1  }
0x28d: {  	[bflag:$0x3] =	sbarrier.arrive $0xFFFF  }
0x28e: {  	_ =	shalt  }

</sc_bundles>
